<compile_context>
chip_gen: v7x
topology: tpu7x:2x2x1
jax: 0.10.2.dev20260603
libtpu: 0.0.44.dev20260713+nightly
codegen_flags: <defaults>
</compile_context>

<pallas_src>
import functools

import jax
import jax.numpy as jnp
from jax import lax
from jax.experimental import pallas as pl
from jax.experimental.pallas import tpu as pltpu
from jax.experimental.pallas import tpu_sc as plsc

B = 64
N = 1_000_000
K = 100
KPAD = 112
ACTW = 16
CT = 6
WC = 128 * CT
NFULL = (N // 128) // CT
NWIN_PAIRS = NFULL // 2
TAILC = N - NFULL * WC
CAP = 4096
FCAP = 128
NEG_INF = float("-inf")


def _lanes():
    return lax.iota(jnp.int32, 16)


def _splat_f32(x):
    return jnp.full((16,), x, dtype=jnp.float32)


def _splat_i32(x):
    return jnp.full((16,), x, dtype=jnp.int32)


def _mono_u32(x):
    b = plsc.bitcast(x, jnp.uint32)
    neg = b >= jnp.uint32(0x80000000)
    flip = jnp.where(neg, jnp.uint32(0xFFFFFFFF), jnp.uint32(0x80000000))
    return b ^ flip


def _sc_topk_sample(logits2d, tail_flat, gumbel_flat):
    mesh = plsc.VectorSubcoreMesh(core_axis_name="c", subcore_axis_name="s")

    @functools.partial(
        pl.kernel,
        out_type=(
            jax.ShapeDtypeStruct((B * KPAD,), jnp.float32),
            jax.ShapeDtypeStruct((B * ACTW,), jnp.int32),
        ),
        mesh=mesh,
        compiler_params=pltpu.CompilerParams(
            needs_layout_passes=False, use_tc_tiling_on_sc=True),
        scratch_types=[
            pltpu.VMEM((8, WC), jnp.float32),
            pltpu.VMEM((8, WC), jnp.float32),
            pltpu.VMEM((TAILC,), jnp.float32),
            pltpu.VMEM((CAP + 16,), jnp.float32),
            pltpu.VMEM((CAP + 16,), jnp.int32),
            pltpu.VMEM((CAP + 16,), jnp.float32),
            pltpu.VMEM((CAP + 16,), jnp.int32),
            pltpu.VMEM((FCAP,), jnp.float32),
            pltpu.VMEM((FCAP,), jnp.int32),
            pltpu.VMEM((KPAD,), jnp.float32),
            pltpu.VMEM((KPAD,), jnp.int32),
            pltpu.VMEM((KPAD,), jnp.float32),
            pltpu.VMEM((ACTW,), jnp.int32),
            pltpu.SemaphoreType.DMA,
            pltpu.SemaphoreType.DMA,
        ],
    )
    def k(logits_hbm, tail_hbm, gumbel_hbm, vals_hbm, act_hbm,
          win0, win1, wtail, cv0, ci0, cv1, ci1, fv, fi, ov, oi, gb, actb,
          sem0, sem1):
        lanes = _lanes()
        wid = lax.axis_index("s") * 2 + lax.axis_index("c")
        row0 = wid * 2
        g8 = pl.multiple_of((wid >> 2) * 8, 8)
        sub0 = (row0 % 8)
        cvs = (cv0, cv1)
        cis = (ci0, ci1)

        def count_above(src_v, mid_u, cnt_v, nj):
            def cbody(j, acc):
                x = src_v[pl.ds(j * 16, 16)]
                u = _mono_u32(x)
                valid = (j * 16 + lanes) < cnt_v
                m = jnp.logical_and(u > mid_u, valid)
                return acc + plsc.all_reduce_population_count(m)
            return lax.fori_loop(0, nj, cbody, _splat_i32(0))

        def find_threshold(src_v, cnt_v, hi_target):
            nj = (jnp.max(cnt_v) + 15) >> 4
            c0 = jnp.max(cnt_v)

            def cond(s):
                lo, hi, c = s
                return jnp.logical_and(hi - lo > jnp.uint32(1),
                                       jnp.logical_or(c < K, c > hi_target))

            def body(s):
                lo, hi, c = s
                mid = lo + ((hi - lo) >> jnp.uint32(1))
                cm = jnp.max(count_above(src_v,
                                         jnp.full((16,), mid, jnp.uint32),
                                         cnt_v, nj))
                ok = cm >= K
                return (jnp.where(ok, mid, lo), jnp.where(ok, hi, mid),
                        jnp.where(ok, cm, c))

            lo, _, _ = lax.while_loop(
                cond, body, (jnp.uint32(0), jnp.uint32(0xFFFFFFFF), c0))
            return jnp.full((16,), lo, jnp.uint32)

        def compress_into(src_v, src_i, dst_v, dst_i, dcap, t_u, cnt_v):
            nj = (jnp.max(cnt_v) + 15) >> 4

            def cpbody(j, newcnt):
                x = src_v[pl.ds(j * 16, 16)]
                col = src_i[pl.ds(j * 16, 16)]
                valid = (j * 16 + lanes) < cnt_v
                m = jnp.logical_and(_mono_u32(x) > t_u, valid)
                ones = jnp.where(m, 1, 0).astype(jnp.int32)
                incl = plsc.cumsum(ones)
                pos = jnp.minimum(newcnt + incl - 1, dcap - 1)
                plsc.store_scatter(dst_v, [pos], x, mask=m)
                plsc.store_scatter(dst_i, [pos], col, mask=m)
                return jnp.minimum(
                    newcnt + plsc.all_reduce_population_count(m),
                    _splat_i32(dcap))
            return lax.fori_loop(0, nj, cpbody, _splat_i32(0))

        def make_compact(r):
            def compact(cnt_v, tvec):
                t_u = find_threshold(cvs[r], cnt_v, 128)
                newcnt = compress_into(cvs[r], cis[r], cvs[r], cis[r],
                                       CAP, t_u, cnt_v)
                bv = t_u ^ jnp.where(t_u >= jnp.uint32(0x80000000),
                                     jnp.uint32(0x80000000),
                                     jnp.uint32(0xFFFFFFFF))
                return newcnt, plsc.bitcast(bv, jnp.float32)
            return compact

        compact_fns = (make_compact(0), make_compact(1))

        def scan_chunk(win, r, sub, cw, col_v, nv, st):
            cnt_v, tvec = st
            anym = win[sub, pl.ds(cw, 16)] > tvec
            for i in range(1, nv):
                anym = jnp.logical_or(
                    anym, win[sub, pl.ds(cw + i * 16, 16)] > tvec)

            def slow(cnt_v):
                for i in range(nv):
                    x = win[sub, pl.ds(cw + i * 16, 16)]
                    m = x > tvec
                    ones = jnp.where(m, 1, 0).astype(jnp.int32)
                    incl = plsc.cumsum(ones)
                    pos = jnp.minimum(cnt_v + incl - 1, _splat_i32(CAP + 15))
                    plsc.store_scatter(cvs[r], [pos], x, mask=m)
                    plsc.store_scatter(cis[r], [pos], col_v + i * 16, mask=m)
                    cnt_v = jnp.minimum(
                        cnt_v + plsc.all_reduce_population_count(m),
                        _splat_i32(CAP))
                return cnt_v

            cnt_v = lax.cond(jnp.any(anym), slow, lambda c: c, cnt_v)
            cnt_v, tvec = lax.cond(
                cnt_v[0] >= CAP - 16 * nv, compact_fns[r],
                lambda c, t: (c, t), cnt_v, tvec)
            return cnt_v, tvec

        def scan_tail(buf, r, col_v, st):
            cnt_v, tvec = st
            anym = buf[pl.ds(0, 16)] > tvec
            for i in range(1, TAILC // 16):
                anym = jnp.logical_or(anym, buf[pl.ds(i * 16, 16)] > tvec)

            def slow(cnt_v):
                for i in range(TAILC // 16):
                    x = buf[pl.ds(i * 16, 16)]
                    m = x > tvec
                    ones = jnp.where(m, 1, 0).astype(jnp.int32)
                    incl = plsc.cumsum(ones)
                    pos = jnp.minimum(cnt_v + incl - 1, _splat_i32(CAP + 15))
                    plsc.store_scatter(cvs[r], [pos], x, mask=m)
                    plsc.store_scatter(cis[r], [pos], col_v + i * 16, mask=m)
                    cnt_v = jnp.minimum(
                        cnt_v + plsc.all_reduce_population_count(m),
                        _splat_i32(CAP))
                return cnt_v

            cnt_v = lax.cond(jnp.any(anym), slow, lambda c: c, cnt_v)
            cnt_v, tvec = lax.cond(
                cnt_v[0] >= CAP - TAILC, compact_fns[r],
                lambda c, t: (c, t), cnt_v, tvec)
            return cnt_v, tvec

        def scan_window(win, c0, st0, st1):
            def tbody(t, carry):
                st0, st1 = carry
                col_v = c0 + t * 128 + lanes
                st0 = scan_chunk(win, 0, sub0, t * 128, col_v, 8, st0)
                st1 = scan_chunk(win, 1, sub0 + 1, t * 128, col_v, 8, st1)
                return st0, st1
            return lax.fori_loop(0, CT, tbody, (st0, st1))

        def src_at(w):
            c0 = pl.multiple_of(w * WC, 128)
            return logits_hbm.at[pl.ds(g8, 8), pl.ds(c0, WC)]

        pltpu.make_async_copy(src_at(0), win0, sem0).start()

        def wbody(i, carry):
            st0, st1 = carry
            w0 = 2 * i
            pltpu.make_async_copy(src_at(w0 + 1), win1, sem1).start()
            pltpu.make_async_copy(src_at(w0), win0, sem0).wait()
            st0, st1 = scan_window(win0, w0 * WC, st0, st1)

            @pl.when(i < NWIN_PAIRS - 1)
            def _():
                pltpu.make_async_copy(src_at(w0 + 2), win0, sem0).start()

            pltpu.make_async_copy(src_at(w0 + 1), win1, sem1).wait()
            st0, st1 = scan_window(win1, (w0 + 1) * WC, st0, st1)
            return st0, st1

        init = ((_splat_i32(0), _splat_f32(NEG_INF)),
                (_splat_i32(0), _splat_f32(NEG_INF)))
        (st0, st1) = lax.fori_loop(0, NWIN_PAIRS, wbody, init)

        tcol = NFULL * WC + lanes
        pltpu.sync_copy(tail_hbm.at[pl.ds(row0 * TAILC, TAILC)], wtail)
        st0 = scan_tail(wtail, 0, tcol, st0)
        pltpu.sync_copy(tail_hbm.at[pl.ds((row0 + 1) * TAILC, TAILC)], wtail)
        st1 = scan_tail(wtail, 1, tcol, st1)

        for r in range(2):
            row = row0 + r
            cnt_v = (st0, st1)[r][0]
            t_u = find_threshold(cvs[r], cnt_v, FCAP - 8)
            for i in range(FCAP // 16):
                fv[pl.ds(i * 16, 16)] = _splat_f32(NEG_INF)
                fi[pl.ds(i * 16, 16)] = _splat_i32(0)
            compress_into(cvs[r], cis[r], fv, fi, FCAP, t_u, cnt_v)
            for i in range(KPAD // 16):
                ov[pl.ds(i * 16, 16)] = _splat_f32(NEG_INF)
                oi[pl.ds(i * 16, 16)] = _splat_i32(0)

            def ebody(j, _):
                mvec = fv[pl.ds(0, 16)]
                for i in range(1, FCAP // 16):
                    mvec = jnp.maximum(mvec, fv[pl.ds(i * 16, 16)])
                msp = _splat_f32(1.0) * jnp.max(mvec)
                pos_v = _splat_i32(FCAP)
                for i in range(FCAP // 16):
                    eq = fv[pl.ds(i * 16, 16)] == msp
                    pos_v = jnp.minimum(
                        pos_v, jnp.where(eq, i * 16 + lanes, FCAP))
                pos = _splat_i32(1) * jnp.min(pos_v)
                pos = jnp.minimum(pos, _splat_i32(FCAP - 1))
                idv = plsc.load_gather(fi, [pos])
                jsp = _splat_i32(1) * j
                lane0 = lanes == 0
                plsc.store_scatter(ov, [jsp], msp, mask=lane0)
                plsc.store_scatter(oi, [jsp], idv, mask=lane0)
                plsc.store_scatter(fv, [pos], _splat_f32(NEG_INF),
                                   mask=lane0)
                return 0
            lax.fori_loop(0, K, ebody, 0)

            pltpu.sync_copy(gumbel_hbm.at[pl.ds(row * KPAD, KPAD)], gb)
            zbest = _splat_f32(NEG_INF)
            zs = []
            for i in range(KPAD // 16):
                z = ov[pl.ds(i * 16, 16)] + gb[pl.ds(i * 16, 16)]
                zs.append(z)
                zbest = jnp.maximum(zbest, z)
            msp = _splat_f32(1.0) * jnp.max(zbest)
            pos_v = _splat_i32(KPAD)
            for i in range(KPAD // 16):
                eq = zs[i] == msp
                pos_v = jnp.minimum(pos_v,
                                    jnp.where(eq, i * 16 + lanes, KPAD))
            pos = _splat_i32(1) * jnp.min(pos_v)
            pos = jnp.minimum(pos, _splat_i32(KPAD - 1))
            actb[...] = plsc.load_gather(oi, [pos])

            pltpu.sync_copy(ov, vals_hbm.at[pl.ds(row * KPAD, KPAD)])
            pltpu.sync_copy(actb, act_hbm.at[pl.ds(row * ACTW, ACTW)])

    return k(logits2d, tail_flat, gumbel_flat)


def kernel(logits):
    gkey = jax.random.key(42)
    u = jax.random.uniform(gkey, (B, K), minval=1e-20, maxval=1.0)
    gumbel = -jnp.log(-jnp.log(u))
    gpad = jnp.full((B, KPAD), NEG_INF, dtype=jnp.float32)
    gpad = gpad.at[:, :K].set(gumbel)

    tail_flat = logits[:, NFULL * WC:].reshape(-1)
    vals_flat, act_flat = _sc_topk_sample(logits, tail_flat,
                                          gpad.reshape(-1))
    vals = vals_flat.reshape(B, KPAD)[:, :K]
    act = act_flat.reshape(B, ACTW)[:, 0]
    return act, vals

# --- scband reference (transcript-rebuilt; emitter-appended) ---
"""Pipeline reference for scband-mypipeline-55722905699242 (READ-ONLY COPY).

The authoritative reference and input builder live on the scoring server;
editing this copy changes nothing except your own understanding.
"""

import jax, jax.numpy as jnp
import numpy as np

K = 100

def setup_inputs(seed: int = 0) -> dict:
    key = jax.random.key(seed)
    logits = jax.random.normal(key, (64, 1000000), dtype=jnp.float32)
    return {"logits": logits}

def reference(logits):
    # Faithful translation of one decoding step of mypipeline.forward:
    #   val, id = torch.topk(out[-1], k=self.k)
    #   m = Categorical(logits=val); act = id[m.sample()]
    # Batched over B independent rows of last-position logits.
    vals, ids = jax.lax.top_k(logits, K)  # [B, K], [B, K]
    # Categorical(logits=vals).sample() via Gumbel-max trick (equivalent distribution)
    gkey = jax.random.key(42)
    u = jax.random.uniform(gkey, vals.shape, minval=1e-20, maxval=1.0)
    gumbel = -jnp.log(-jnp.log(u))
    sample = jnp.argmax(vals + gumbel, axis=-1)  # [B] index into top-k
    act = jnp.take_along_axis(ids, sample[:, None], axis=-1)[:, 0]  # [B] sampled token ids
    return act, vals

if __name__ == "__main__":
    import jax
    _d = setup_inputs()
    print(jax.jit(kernel)(*tuple(_d.values())))

</pallas_src>

<mosaic_0001>
#map = affine_map<(d0, d1) -> (0, 0)>
#map1 = affine_map<(d0, d1) -> (0)>
module attributes {stable_mosaic.version = 14 : i64} {
  func.func @k(%arg0: i32, %arg1: i32, %arg2: memref<64x1000000xf32, #tpu.memory_space<hbm>>, %arg3: memref<4096xf32, #tpu.memory_space<hbm>>, %arg4: memref<7168xf32, #tpu.memory_space<hbm>>, %arg5: memref<7168xf32, #tpu.memory_space<hbm>>, %arg6: memref<1024xi32, #tpu.memory_space<hbm>>, %arg7: memref<8x768xf32, #tpu.memory_space<vmem>>, %arg8: memref<8x768xf32, #tpu.memory_space<vmem>>, %arg9: memref<64xf32, #tpu.memory_space<vmem>>, %arg10: memref<4112xf32, #tpu.memory_space<vmem>>, %arg11: memref<4112xi32, #tpu.memory_space<vmem>>, %arg12: memref<4112xf32, #tpu.memory_space<vmem>>, %arg13: memref<4112xi32, #tpu.memory_space<vmem>>, %arg14: memref<128xf32, #tpu.memory_space<vmem>>, %arg15: memref<128xi32, #tpu.memory_space<vmem>>, %arg16: memref<112xf32, #tpu.memory_space<vmem>>, %arg17: memref<112xi32, #tpu.memory_space<vmem>>, %arg18: memref<112xf32, #tpu.memory_space<vmem>>, %arg19: memref<16xi32, #tpu.memory_space<vmem>>, %arg20: memref<!tpu.dma_semaphore, #tpu.memory_space<semaphore_mem>>, %arg21: memref<!tpu.dma_semaphore, #tpu.memory_space<semaphore_mem>>) attributes {dimension_semantics = [#tpu.dimension_semantics<core_parallel>, #tpu.dimension_semantics<subcore_parallel>], iteration_bounds = array<i64: 2, 16>, scalar_prefetch = 0 : i64, scratch_operands = 15 : i64, tpu.core_type = #tpu.core_type<sc_vector_subcore>, window_params = [{transform_indices = #map}, {transform_indices = #map1}, {transform_indices = #map1}, {transform_indices = #map1}, {transform_indices = #map1}]} {
    %iota3A = tpu.iota {dimensions = array<i32: 0>} : vector<16xi32>
    %mul3A = arith.constant 2 : i32
    %mul3A_0 = arith.muli %arg1, %mul3A : i32
    %add3A = arith.addi %mul3A_0, %arg0 : i32
    %mul3A_1 = arith.constant 2 : i32
    %mul3A_2 = arith.muli %add3A, %mul3A_1 : i32
    %shift_right_arithmetic3A = arith.constant 2 : i32
    %shift_right_arithmetic3A_3 = arith.shrsi %add3A, %shift_right_arithmetic3A : i32
    %mul3A_4 = arith.constant 8 : i32
    %mul3A_5 = arith.muli %shift_right_arithmetic3A_3, %mul3A_4 : i32
    %multiple_of3A = tpu.assume_multiple %mul3A_5, 8 : i32
    %jit3A = arith.constant 8 : i32
    %eq3A = arith.constant 0 : i32
    %eq3A_6 = arith.cmpi eq, %jit3A, %eq3A : i32
    %jit3A_7 = arith.constant 1 : i32
    %select_n3A = arith.select %eq3A_6, %jit3A_7, %jit3A : i32
    %rem3A = arith.remsi %mul3A_2, %select_n3A : i32
    %ne3A = arith.constant 0 : i32
    %ne3A_8 = arith.cmpi ne, %rem3A, %ne3A : i32
    %lt3A = arith.constant 0 : i32
    %lt3A_9 = arith.cmpi slt, %rem3A, %lt3A : i32
    %lt3A_10 = arith.constant 0 : i32
    %lt3A_11 = arith.cmpi slt, %select_n3A, %lt3A_10 : i32
    %ne3A_12 = arith.xori %lt3A_9, %lt3A_11 : i1
    %and3A = arith.andi %ne3A_12, %ne3A_8 : i1
    %add3A_13 = arith.addi %rem3A, %select_n3A : i32
    %select_n3A_14 = arith.select %and3A, %add3A_13, %rem3A : i32
    %multiple_of3A_15 = arith.constant 0 : i32
    %multiple_of3A_16 = tpu.assume_multiple %multiple_of3A_15, 128 : i32
    %dma_start3A = tpu.memref_slice %arg2[%multiple_of3A, %multiple_of3A_16] : memref<64x1000000xf32, #tpu.memory_space<hbm>> -> memref<8x768xf32, #tpu.memory_space<hbm>>
    %dma_start3A_17 = tpu.memref_slice %arg2[%multiple_of3A, %multiple_of3A_16] : memref<64x1000000xf32, #tpu.memory_space<hbm>> -> memref<8x768xf32, #tpu.memory_space<hbm>>
    tpu.enqueue_dma source(%dma_start3A_17 : memref<8x768xf32, #tpu.memory_space<hbm>>) target(%arg7 : memref<8x768xf32, #tpu.memory_space<vmem>>) target_semaphore(%arg20 : memref<!tpu.dma_semaphore, #tpu.memory_space<semaphore_mem>>)
    %broadcast_in_dim3A = arith.constant 0 : i32
    %broadcast_in_dim3A_18 = vector.broadcast %broadcast_in_dim3A : i32 to vector<16xi32>
    %broadcast_in_dim3A_19 = arith.constant 0xFF800000 : f32
    %broadcast_in_dim3A_20 = vector.broadcast %broadcast_in_dim3A_19 : f32 to vector<16xf32>
    %broadcast_in_dim3A_21 = arith.constant 0 : i32
    %broadcast_in_dim3A_22 = vector.broadcast %broadcast_in_dim3A_21 : i32 to vector<16xi32>
    %broadcast_in_dim3A_23 = arith.constant 0xFF800000 : f32
    %broadcast_in_dim3A_24 = vector.broadcast %broadcast_in_dim3A_23 : f32 to vector<16xf32>
    %scan3A = arith.constant 0 : i32
    %scan3A_25 = arith.constant 651 : i32
    %scan3A_26 = arith.addi %scan3A, %scan3A_25 : i32
    %scan3A_27 = arith.constant 1 : i32
    %scan3A_28:4 = scf.for %scan3A_723 = %scan3A to %scan3A_26 step %scan3A_27 iter_args(%scan3A_724 = %broadcast_in_dim3A_18, %scan3A_725 = %broadcast_in_dim3A_20, %scan3A_726 = %broadcast_in_dim3A_22, %scan3A_727 = %broadcast_in_dim3A_24) -> (vector<16xi32>, vector<16xf32>, vector<16xi32>, vector<16xf32>)  : i32 {
      %mul3A_728 = arith.constant 2 : i32
      %mul3A_729 = arith.muli %mul3A_728, %scan3A_723 : i32
      %add3A_730 = arith.constant 1 : i32
      %add3A_731 = arith.addi %mul3A_729, %add3A_730 : i32
      %mul3A_732 = arith.constant 768 : i32
      %mul3A_733 = arith.muli %add3A_731, %mul3A_732 : i32
      %multiple_of3A_734 = tpu.assume_multiple %mul3A_733, 128 : i32
      %dma_start3A_735 = tpu.memref_slice %arg2[%multiple_of3A, %multiple_of3A_734] : memref<64x1000000xf32, #tpu.memory_space<hbm>> -> memref<8x768xf32, #tpu.memory_space<hbm>>
      %dma_start3A_736 = tpu.memref_slice %arg2[%multiple_of3A, %multiple_of3A_734] : memref<64x1000000xf32, #tpu.memory_space<hbm>> -> memref<8x768xf32, #tpu.memory_space<hbm>>
      tpu.enqueue_dma source(%dma_start3A_736 : memref<8x768xf32, #tpu.memory_space<hbm>>) target(%arg8 : memref<8x768xf32, #tpu.memory_space<vmem>>) target_semaphore(%arg21 : memref<!tpu.dma_semaphore, #tpu.memory_space<semaphore_mem>>)
      %mul3A_737 = arith.constant 768 : i32
      %mul3A_738 = arith.muli %mul3A_729, %mul3A_737 : i32
      %multiple_of3A_739 = tpu.assume_multiple %mul3A_738, 128 : i32
      %dma_wait3A = tpu.memref_slice %arg2[%multiple_of3A, %multiple_of3A_739] : memref<64x1000000xf32, #tpu.memory_space<hbm>> -> memref<8x768xf32, #tpu.memory_space<hbm>>
      %dma_wait3A_740 = tpu.memref_slice %arg2[%multiple_of3A, %multiple_of3A_739] : memref<64x1000000xf32, #tpu.memory_space<hbm>> -> memref<8x768xf32, #tpu.memory_space<hbm>>
      tpu.wait_dma2 semaphore(%arg20 : memref<!tpu.dma_semaphore, #tpu.memory_space<semaphore_mem>>) src(%dma_wait3A_740 : memref<8x768xf32, #tpu.memory_space<hbm>>) dst(%arg7 : memref<8x768xf32, #tpu.memory_space<vmem>>)
      %mul3A_741 = arith.constant 768 : i32
      %mul3A_742 = arith.muli %mul3A_729, %mul3A_741 : i32
      %scan3A_743 = arith.constant 0 : i32
      %scan3A_744 = arith.constant 6 : i32
      %scan3A_745 = arith.addi %scan3A_743, %scan3A_744 : i32
      %scan3A_746 = arith.constant 1 : i32
      %scan3A_747:4 = scf.for %scan3A_771 = %scan3A_743 to %scan3A_745 step %scan3A_746 iter_args(%scan3A_772 = %scan3A_724, %scan3A_773 = %scan3A_725, %scan3A_774 = %scan3A_726, %scan3A_775 = %scan3A_727) -> (vector<16xi32>, vector<16xf32>, vector<16xi32>, vector<16xf32>)  : i32 {
        %mul3A_776 = arith.constant 128 : i32
        %mul3A_777 = arith.muli %scan3A_771, %mul3A_776 : i32
        %add3A_778 = arith.addi %mul3A_742, %mul3A_777 : i32
        %add3A_779 = vector.broadcast %add3A_778 : i32 to vector<16xi32>
        %add3A_780 = arith.addi %add3A_779, %iota3A : vector<16xi32>
        %mul3A_781 = arith.constant 128 : i32
        %mul3A_782 = arith.muli %scan3A_771, %mul3A_781 : i32
        %get3A_783 = arith.index_cast %select_n3A_14 : i32 to index
        %get3A_784 = arith.index_cast %mul3A_782 : i32 to index
        %get3A_785 = tpu.vector_load %arg7[%get3A_783, %get3A_784] {strides = array<i32>} : memref<8x768xf32, #tpu.memory_space<vmem>>, vector<16xf32>,
        %gt3A_786 = arith.cmpf ogt, %get3A_785, %scan3A_773 : vector<16xf32>
        %add3A_787 = arith.constant 16 : i32
        %add3A_788 = arith.addi %mul3A_782, %add3A_787 : i32
        %get3A_789 = arith.index_cast %select_n3A_14 : i32 to index
        %get3A_790 = arith.index_cast %add3A_788 : i32 to index
        %get3A_791 = tpu.vector_load %arg7[%get3A_789, %get3A_790] {strides = array<i32>} : memref<8x768xf32, #tpu.memory_space<vmem>>, vector<16xf32>,
        %gt3A_792 = arith.cmpf ogt, %get3A_791, %scan3A_773 : vector<16xf32>
        %or3A_793 = arith.ori %gt3A_786, %gt3A_792 : vector<16xi1>
        %add3A_794 = arith.constant 32 : i32
        %add3A_795 = arith.addi %mul3A_782, %add3A_794 : i32
        %get3A_796 = arith.index_cast %select_n3A_14 : i32 to index
        %get3A_797 = arith.index_cast %add3A_795 : i32 to index
        %get3A_798 = tpu.vector_load %arg7[%get3A_796, %get3A_797] {strides = array<i32>} : memref<8x768xf32, #tpu.memory_space<vmem>>, vector<16xf32>,
        %gt3A_799 = arith.cmpf ogt, %get3A_798, %scan3A_773 : vector<16xf32>
        %or3A_800 = arith.ori %or3A_793, %gt3A_799 : vector<16xi1>
        %add3A_801 = arith.constant 48 : i32
        %add3A_802 = arith.addi %mul3A_782, %add3A_801 : i32
        %get3A_803 = arith.index_cast %select_n3A_14 : i32 to index
        %get3A_804 = arith.index_cast %add3A_802 : i32 to index
        %get3A_805 = tpu.vector_load %arg7[%get3A_803, %get3A_804] {strides = array<i32>} : memref<8x768xf32, #tpu.memory_space<vmem>>, vector<16xf32>,
        %gt3A_806 = arith.cmpf ogt, %get3A_805, %scan3A_773 : vector<16xf32>
        %or3A_807 = arith.ori %or3A_800, %gt3A_806 : vector<16xi1>
        %add3A_808 = arith.constant 64 : i32
        %add3A_809 = arith.addi %mul3A_782, %add3A_808 : i32
        %get3A_810 = arith.index_cast %select_n3A_14 : i32 to index
        %get3A_811 = arith.index_cast %add3A_809 : i32 to index
        %get3A_812 = tpu.vector_load %arg7[%get3A_810, %get3A_811] {strides = array<i32>} : memref<8x768xf32, #tpu.memory_space<vmem>>, vector<16xf32>,
        %gt3A_813 = arith.cmpf ogt, %get3A_812, %scan3A_773 : vector<16xf32>
        %or3A_814 = arith.ori %or3A_807, %gt3A_813 : vector<16xi1>
        %add3A_815 = arith.constant 80 : i32
        %add3A_816 = arith.addi %mul3A_782, %add3A_815 : i32
        %get3A_817 = arith.index_cast %select_n3A_14 : i32 to index
        %get3A_818 = arith.index_cast %add3A_816 : i32 to index
        %get3A_819 = tpu.vector_load %arg7[%get3A_817, %get3A_818] {strides = array<i32>} : memref<8x768xf32, #tpu.memory_space<vmem>>, vector<16xf32>,
        %gt3A_820 = arith.cmpf ogt, %get3A_819, %scan3A_773 : vector<16xf32>
        %or3A_821 = arith.ori %or3A_814, %gt3A_820 : vector<16xi1>
        %add3A_822 = arith.constant 96 : i32
        %add3A_823 = arith.addi %mul3A_782, %add3A_822 : i32
        %get3A_824 = arith.index_cast %select_n3A_14 : i32 to index
        %get3A_825 = arith.index_cast %add3A_823 : i32 to index
        %get3A_826 = tpu.vector_load %arg7[%get3A_824, %get3A_825] {strides = array<i32>} : memref<8x768xf32, #tpu.memory_space<vmem>>, vector<16xf32>,
        %gt3A_827 = arith.cmpf ogt, %get3A_826, %scan3A_773 : vector<16xf32>
        %or3A_828 = arith.ori %or3A_821, %gt3A_827 : vector<16xi1>
        %add3A_829 = arith.constant 112 : i32
        %add3A_830 = arith.addi %mul3A_782, %add3A_829 : i32
        %get3A_831 = arith.index_cast %select_n3A_14 : i32 to index
        %get3A_832 = arith.index_cast %add3A_830 : i32 to index
        %get3A_833 = tpu.vector_load %arg7[%get3A_831, %get3A_832] {strides = array<i32>} : memref<8x768xf32, #tpu.memory_space<vmem>>, vector<16xf32>,
        %gt3A_834 = arith.cmpf ogt, %get3A_833, %scan3A_773 : vector<16xf32>
        %or3A_835 = arith.ori %or3A_828, %gt3A_834 : vector<16xi1>
        %reduce_or3A_836 = arith.constant 1.000000e+00 : f32
        %reduce_or3A_837 = arith.constant 0.000000e+00 : f32
        %reduce_or3A_838 = vector.broadcast %reduce_or3A_836 : f32 to vector<16xf32>
        %reduce_or3A_839 = vector.broadcast %reduce_or3A_837 : f32 to vector<16xf32>
        %reduce_or3A_840 = arith.select %or3A_835, %reduce_or3A_838, %reduce_or3A_839 : vector<16xi1>, vector<16xf32>
        %reduce_or3A_841 = arith.constant true
        %reduce_or3A_842 = vector.broadcast %reduce_or3A_841 : i1 to vector<16xi1>
        %reduce_or3A_843 = tpu.scan <max>, %reduce_or3A_840 masked %reduce_or3A_842 : vector<16xf32>, vector<16xi1> -> vector<16xf32>
        %reduce_or3A_844 = vector.extract %reduce_or3A_843[15] : f32 from vector<16xf32>
        %reduce_or3A_845 = arith.constant 0.000000e+00 : f32
        %reduce_or3A_846 = arith.cmpf ogt, %reduce_or3A_844, %reduce_or3A_845 : f32
        %convert_element_type3A_847 = arith.extui %reduce_or3A_846 : i1 to i32
        %cond3A_848 = arith.constant 0 : i32
        %cond3A_849 = arith.cmpi ne, %convert_element_type3A_847, %cond3A_848 : i32
        %cond3A_850 = scf.if %cond3A_849 -> (vector<16xi32>) {
          %add3A_939 = arith.constant 0 : i32
          %add3A_940 = arith.addi %mul3A_782, %add3A_939 : i32
          %get3A_941 = arith.index_cast %select_n3A_14 : i32 to index
          %get3A_942 = arith.index_cast %add3A_940 : i32 to index
          %get3A_943 = tpu.vector_load %arg7[%get3A_941, %get3A_942] {strides = array<i32>} : memref<8x768xf32, #tpu.memory_space<vmem>>, vector<16xf32>,
          %gt3A_944 = arith.cmpf ogt, %get3A_943, %scan3A_773 : vector<16xf32>
          %jit3A_945 = arith.constant 1 : i32
          %jit3A_946 = arith.constant 0 : i32
          %broadcast_in_dim3A_947 = vector.broadcast %jit3A_945 : i32 to vector<16xi32>
          %broadcast_in_dim3A_948 = vector.broadcast %jit3A_946 : i32 to vector<16xi32>
          %select_n3A_949 = arith.select %gt3A_944, %broadcast_in_dim3A_947, %broadcast_in_dim3A_948 : vector<16xi1>, vector<16xi32>
          %broadcast_in_dim3A_950 = arith.constant true
          %broadcast_in_dim3A_951 = vector.broadcast %broadcast_in_dim3A_950 : i1 to vector<16xi1>
          %masked_cumsum3A = tpu.scan <sum>, %select_n3A_949 masked %broadcast_in_dim3A_951 : vector<16xi32>, vector<16xi1> -> vector<16xi32>
          %add3A_952 = arith.addi %scan3A_772, %masked_cumsum3A : vector<16xi32>
          %sub3A = arith.constant 1 : i32
          %sub3A_953 = vector.broadcast %sub3A : i32 to vector<16xi32>
          %sub3A_954 = arith.subi %add3A_952, %sub3A_953 : vector<16xi32>
          %broadcast_in_dim3A_955 = arith.constant 4111 : i32
          %broadcast_in_dim3A_956 = vector.broadcast %broadcast_in_dim3A_955 : i32 to vector<16xi32>
          %min3A_957 = arith.minsi %sub3A_954, %broadcast_in_dim3A_956 : vector<16xi32>
          tpu.vector_store_idx %arg10[%min3A_957], %get3A_943 masked %gt3A_944 : memref<4112xf32, #tpu.memory_space<vmem>>[vector<16xi32>], vector<16xf32>, vector<16xi1>
          %add3A_958 = arith.constant 0 : i32
          %add3A_959 = vector.broadcast %add3A_958 : i32 to vector<16xi32>
          %add3A_960 = arith.addi %add3A_780, %add3A_959 : vector<16xi32>
          tpu.vector_store_idx %arg11[%min3A_957], %add3A_960 masked %gt3A_944 : memref<4112xi32, #tpu.memory_space<vmem>>[vector<16xi32>], vector<16xi32>, vector<16xi1>
          %all_reduce_population_count3A = tpu.all_reduce %gt3A_944 {dim = 0 : i64, kind = #tpu.reduction_kind<sum>} : vector<16xi1> -> vector<16xi32>
          %add3A_961 = arith.addi %scan3A_772, %all_reduce_population_count3A : vector<16xi32>
          %broadcast_in_dim3A_962 = arith.constant 4096 : i32
          %broadcast_in_dim3A_963 = vector.broadcast %broadcast_in_dim3A_962 : i32 to vector<16xi32>
          %min3A_964 = arith.minsi %add3A_961, %broadcast_in_dim3A_963 : vector<16xi32>
          %add3A_965 = arith.constant 16 : i32
          %add3A_966 = arith.addi %mul3A_782, %add3A_965 : i32
          %get3A_967 = arith.index_cast %select_n3A_14 : i32 to index
          %get3A_968 = arith.index_cast %add3A_966 : i32 to index
          %get3A_969 = tpu.vector_load %arg7[%get3A_967, %get3A_968] {strides = array<i32>} : memref<8x768xf32, #tpu.memory_space<vmem>>, vector<16xf32>,
          %gt3A_970 = arith.cmpf ogt, %get3A_969, %scan3A_773 : vector<16xf32>
          %jit3A_971 = arith.constant 1 : i32
          %jit3A_972 = arith.constant 0 : i32
          %broadcast_in_dim3A_973 = vector.broadcast %jit3A_971 : i32 to vector<16xi32>
          %broadcast_in_dim3A_974 = vector.broadcast %jit3A_972 : i32 to vector<16xi32>
          %select_n3A_975 = arith.select %gt3A_970, %broadcast_in_dim3A_973, %broadcast_in_dim3A_974 : vector<16xi1>, vector<16xi32>
          %broadcast_in_dim3A_976 = arith.constant true
          %broadcast_in_dim3A_977 = vector.broadcast %broadcast_in_dim3A_976 : i1 to vector<16xi1>
          %masked_cumsum3A_978 = tpu.scan <sum>, %select_n3A_975 masked %broadcast_in_dim3A_977 : vector<16xi32>, vector<16xi1> -> vector<16xi32>
          %add3A_979 = arith.addi %min3A_964, %masked_cumsum3A_978 : vector<16xi32>
          %sub3A_980 = arith.constant 1 : i32
          %sub3A_981 = vector.broadcast %sub3A_980 : i32 to vector<16xi32>
          %sub3A_982 = arith.subi %add3A_979, %sub3A_981 : vector<16xi32>
          %broadcast_in_dim3A_983 = arith.constant 4111 : i32
          %broadcast_in_dim3A_984 = vector.broadcast %broadcast_in_dim3A_983 : i32 to vector<16xi32>
          %min3A_985 = arith.minsi %sub3A_982, %broadcast_in_dim3A_984 : vector<16xi32>
          tpu.vector_store_idx %arg10[%min3A_985], %get3A_969 masked %gt3A_970 : memref<4112xf32, #tpu.memory_space<vmem>>[vector<16xi32>], vector<16xf32>, vector<16xi1>
          %add3A_986 = arith.constant 16 : i32
          %add3A_987 = vector.broadcast %add3A_986 : i32 to vector<16xi32>
          %add3A_988 = arith.addi %add3A_780, %add3A_987 : vector<16xi32>
          tpu.vector_store_idx %arg11[%min3A_985], %add3A_988 masked %gt3A_970 : memref<4112xi32, #tpu.memory_space<vmem>>[vector<16xi32>], vector<16xi32>, vector<16xi1>
          %all_reduce_population_count3A_989 = tpu.all_reduce %gt3A_970 {dim = 0 : i64, kind = #tpu.reduction_kind<sum>} : vector<16xi1> -> vector<16xi32>
          %add3A_990 = arith.addi %min3A_964, %all_reduce_population_count3A_989 : vector<16xi32>
          %broadcast_in_dim3A_991 = arith.constant 4096 : i32
          %broadcast_in_dim3A_992 = vector.broadcast %broadcast_in_dim3A_991 : i32 to vector<16xi32>
          %min3A_993 = arith.minsi %add3A_990, %broadcast_in_dim3A_992 : vector<16xi32>
          %add3A_994 = arith.constant 32 : i32
          %add3A_995 = arith.addi %mul3A_782, %add3A_994 : i32
          %get3A_996 = arith.index_cast %select_n3A_14 : i32 to index
          %get3A_997 = arith.index_cast %add3A_995 : i32 to index
          %get3A_998 = tpu.vector_load %arg7[%get3A_996, %get3A_997] {strides = array<i32>} : memref<8x768xf32, #tpu.memory_space<vmem>>, vector<16xf32>,
          %gt3A_999 = arith.cmpf ogt, %get3A_998, %scan3A_773 : vector<16xf32>
          %jit3A_1000 = arith.constant 1 : i32
          %jit3A_1001 = arith.constant 0 : i32
          %broadcast_in_dim3A_1002 = vector.broadcast %jit3A_1000 : i32 to vector<16xi32>
          %broadcast_in_dim3A_1003 = vector.broadcast %jit3A_1001 : i32 to vector<16xi32>
          %select_n3A_1004 = arith.select %gt3A_999, %broadcast_in_dim3A_1002, %broadcast_in_dim3A_1003 : vector<16xi1>, vector<16xi32>
          %broadcast_in_dim3A_1005 = arith.constant true
          %broadcast_in_dim3A_1006 = vector.broadcast %broadcast_in_dim3A_1005 : i1 to vector<16xi1>
          %masked_cumsum3A_1007 = tpu.scan <sum>, %select_n3A_1004 masked %broadcast_in_dim3A_1006 : vector<16xi32>, vector<16xi1> -> vector<16xi32>
          %add3A_1008 = arith.addi %min3A_993, %masked_cumsum3A_1007 : vector<16xi32>
          %sub3A_1009 = arith.constant 1 : i32
          %sub3A_1010 = vector.broadcast %sub3A_1009 : i32 to vector<16xi32>
          %sub3A_1011 = arith.subi %add3A_1008, %sub3A_1010 : vector<16xi32>
          %broadcast_in_dim3A_1012 = arith.constant 4111 : i32
          %broadcast_in_dim3A_1013 = vector.broadcast %broadcast_in_dim3A_1012 : i32 to vector<16xi32>
          %min3A_1014 = arith.minsi %sub3A_1011, %broadcast_in_dim3A_1013 : vector<16xi32>
          tpu.vector_store_idx %arg10[%min3A_1014], %get3A_998 masked %gt3A_999 : memref<4112xf32, #tpu.memory_space<vmem>>[vector<16xi32>], vector<16xf32>, vector<16xi1>
          %add3A_1015 = arith.constant 32 : i32
          %add3A_1016 = vector.broadcast %add3A_1015 : i32 to vector<16xi32>
          %add3A_1017 = arith.addi %add3A_780, %add3A_1016 : vector<16xi32>
          tpu.vector_store_idx %arg11[%min3A_1014], %add3A_1017 masked %gt3A_999 : memref<4112xi32, #tpu.memory_space<vmem>>[vector<16xi32>], vector<16xi32>, vector<16xi1>
          %all_reduce_population_count3A_1018 = tpu.all_reduce %gt3A_999 {dim = 0 : i64, kind = #tpu.reduction_kind<sum>} : vector<16xi1> -> vector<16xi32>
          %add3A_1019 = arith.addi %min3A_993, %all_reduce_population_count3A_1018 : vector<16xi32>
          %broadcast_in_dim3A_1020 = arith.constant 4096 : i32
          %broadcast_in_dim3A_1021 = vector.broadcast %broadcast_in_dim3A_1020 : i32 to vector<16xi32>
          %min3A_1022 = arith.minsi %add3A_1019, %broadcast_in_dim3A_1021 : vector<16xi32>
          %add3A_1023 = arith.constant 48 : i32
          %add3A_1024 = arith.addi %mul3A_782, %add3A_1023 : i32
          %get3A_1025 = arith.index_cast %select_n3A_14 : i32 to index
          %get3A_1026 = arith.index_cast %add3A_1024 : i32 to index
          %get3A_1027 = tpu.vector_load %arg7[%get3A_1025, %get3A_1026] {strides = array<i32>} : memref<8x768xf32, #tpu.memory_space<vmem>>, vector<16xf32>,
          %gt3A_1028 = arith.cmpf ogt, %get3A_1027, %scan3A_773 : vector<16xf32>
          %jit3A_1029 = arith.constant 1 : i32
          %jit3A_1030 = arith.constant 0 : i32
          %broadcast_in_dim3A_1031 = vector.broadcast %jit3A_1029 : i32 to vector<16xi32>
          %broadcast_in_dim3A_1032 = vector.broadcast %jit3A_1030 : i32 to vector<16xi32>
          %select_n3A_1033 = arith.select %gt3A_1028, %broadcast_in_dim3A_1031, %broadcast_in_dim3A_1032 : vector<16xi1>, vector<16xi32>
          %broadcast_in_dim3A_1034 = arith.constant true
          %broadcast_in_dim3A_1035 = vector.broadcast %broadcast_in_dim3A_1034 : i1 to vector<16xi1>
          %masked_cumsum3A_1036 = tpu.scan <sum>, %select_n3A_1033 masked %broadcast_in_dim3A_1035 : vector<16xi32>, vector<16xi1> -> vector<16xi32>
          %add3A_1037 = arith.addi %min3A_1022, %masked_cumsum3A_1036 : vector<16xi32>
          %sub3A_1038 = arith.constant 1 : i32
          %sub3A_1039 = vector.broadcast %sub3A_1038 : i32 to vector<16xi32>
          %sub3A_1040 = arith.subi %add3A_1037, %sub3A_1039 : vector<16xi32>
          %broadcast_in_dim3A_1041 = arith.constant 4111 : i32
          %broadcast_in_dim3A_1042 = vector.broadcast %broadcast_in_dim3A_1041 : i32 to vector<16xi32>
          %min3A_1043 = arith.minsi %sub3A_1040, %broadcast_in_dim3A_1042 : vector<16xi32>
          tpu.vector_store_idx %arg10[%min3A_1043], %get3A_1027 masked %gt3A_1028 : memref<4112xf32, #tpu.memory_space<vmem>>[vector<16xi32>], vector<16xf32>, vector<16xi1>
          %add3A_1044 = arith.constant 48 : i32
          %add3A_1045 = vector.broadcast %add3A_1044 : i32 to vector<16xi32>
          %add3A_1046 = arith.addi %add3A_780, %add3A_1045 : vector<16xi32>
          tpu.vector_store_idx %arg11[%min3A_1043], %add3A_1046 masked %gt3A_1028 : memref<4112xi32, #tpu.memory_space<vmem>>[vector<16xi32>], vector<16xi32>, vector<16xi1>
          %all_reduce_population_count3A_1047 = tpu.all_reduce %gt3A_1028 {dim = 0 : i64, kind = #tpu.reduction_kind<sum>} : vector<16xi1> -> vector<16xi32>
          %add3A_1048 = arith.addi %min3A_1022, %all_reduce_population_count3A_1047 : vector<16xi32>
          %broadcast_in_dim3A_1049 = arith.constant 4096 : i32
          %broadcast_in_dim3A_1050 = vector.broadcast %broadcast_in_dim3A_1049 : i32 to vector<16xi32>
          %min3A_1051 = arith.minsi %add3A_1048, %broadcast_in_dim3A_1050 : vector<16xi32>
          %add3A_1052 = arith.constant 64 : i32
          %add3A_1053 = arith.addi %mul3A_782, %add3A_1052 : i32
          %get3A_1054 = arith.index_cast %select_n3A_14 : i32 to index
          %get3A_1055 = arith.index_cast %add3A_1053 : i32 to index
          %get3A_1056 = tpu.vector_load %arg7[%get3A_1054, %get3A_1055] {strides = array<i32>} : memref<8x768xf32, #tpu.memory_space<vmem>>, vector<16xf32>,
          %gt3A_1057 = arith.cmpf ogt, %get3A_1056, %scan3A_773 : vector<16xf32>
          %jit3A_1058 = arith.constant 1 : i32
          %jit3A_1059 = arith.constant 0 : i32
          %broadcast_in_dim3A_1060 = vector.broadcast %jit3A_1058 : i32 to vector<16xi32>
          %broadcast_in_dim3A_1061 = vector.broadcast %jit3A_1059 : i32 to vector<16xi32>
          %select_n3A_1062 = arith.select %gt3A_1057, %broadcast_in_dim3A_1060, %broadcast_in_dim3A_1061 : vector<16xi1>, vector<16xi32>
          %broadcast_in_dim3A_1063 = arith.constant true
          %broadcast_in_dim3A_1064 = vector.broadcast %broadcast_in_dim3A_1063 : i1 to vector<16xi1>
          %masked_cumsum3A_1065 = tpu.scan <sum>, %select_n3A_1062 masked %broadcast_in_dim3A_1064 : vector<16xi32>, vector<16xi1> -> vector<16xi32>
          %add3A_1066 = arith.addi %min3A_1051, %masked_cumsum3A_1065 : vector<16xi32>
          %sub3A_1067 = arith.constant 1 : i32
          %sub3A_1068 = vector.broadcast %sub3A_1067 : i32 to vector<16xi32>
          %sub3A_1069 = arith.subi %add3A_1066, %sub3A_1068 : vector<16xi32>
          %broadcast_in_dim3A_1070 = arith.constant 4111 : i32
          %broadcast_in_dim3A_1071 = vector.broadcast %broadcast_in_dim3A_1070 : i32 to vector<16xi32>
          %min3A_1072 = arith.minsi %sub3A_1069, %broadcast_in_dim3A_1071 : vector<16xi32>
          tpu.vector_store_idx %arg10[%min3A_1072], %get3A_1056 masked %gt3A_1057 : memref<4112xf32, #tpu.memory_space<vmem>>[vector<16xi32>], vector<16xf32>, vector<16xi1>
          %add3A_1073 = arith.constant 64 : i32
          %add3A_1074 = vector.broadcast %add3A_1073 : i32 to vector<16xi32>
          %add3A_1075 = arith.addi %add3A_780, %add3A_1074 : vector<16xi32>
          tpu.vector_store_idx %arg11[%min3A_1072], %add3A_1075 masked %gt3A_1057 : memref<4112xi32, #tpu.memory_space<vmem>>[vector<16xi32>], vector<16xi32>, vector<16xi1>
          %all_reduce_population_count3A_1076 = tpu.all_reduce %gt3A_1057 {dim = 0 : i64, kind = #tpu.reduction_kind<sum>} : vector<16xi1> -> vector<16xi32>
          %add3A_1077 = arith.addi %min3A_1051, %all_reduce_population_count3A_1076 : vector<16xi32>
          %broadcast_in_dim3A_1078 = arith.constant 4096 : i32
          %broadcast_in_dim3A_1079 = vector.broadcast %broadcast_in_dim3A_1078 : i32 to vector<16xi32>
          %min3A_1080 = arith.minsi %add3A_1077, %broadcast_in_dim3A_1079 : vector<16xi32>
          %add3A_1081 = arith.constant 80 : i32
          %add3A_1082 = arith.addi %mul3A_782, %add3A_1081 : i32
          %get3A_1083 = arith.index_cast %select_n3A_14 : i32 to index
          %get3A_1084 = arith.index_cast %add3A_1082 : i32 to index
          %get3A_1085 = tpu.vector_load %arg7[%get3A_1083, %get3A_1084] {strides = array<i32>} : memref<8x768xf32, #tpu.memory_space<vmem>>, vector<16xf32>,
          %gt3A_1086 = arith.cmpf ogt, %get3A_1085, %scan3A_773 : vector<16xf32>
          %jit3A_1087 = arith.constant 1 : i32
          %jit3A_1088 = arith.constant 0 : i32
          %broadcast_in_dim3A_1089 = vector.broadcast %jit3A_1087 : i32 to vector<16xi32>
          %broadcast_in_dim3A_1090 = vector.broadcast %jit3A_1088 : i32 to vector<16xi32>
          %select_n3A_1091 = arith.select %gt3A_1086, %broadcast_in_dim3A_1089, %broadcast_in_dim3A_1090 : vector<16xi1>, vector<16xi32>
          %broadcast_in_dim3A_1092 = arith.constant true
          %broadcast_in_dim3A_1093 = vector.broadcast %broadcast_in_dim3A_1092 : i1 to vector<16xi1>
          %masked_cumsum3A_1094 = tpu.scan <sum>, %select_n3A_1091 masked %broadcast_in_dim3A_1093 : vector<16xi32>, vector<16xi1> -> vector<16xi32>
          %add3A_1095 = arith.addi %min3A_1080, %masked_cumsum3A_1094 : vector<16xi32>
          %sub3A_1096 = arith.constant 1 : i32
          %sub3A_1097 = vector.broadcast %sub3A_1096 : i32 to vector<16xi32>
          %sub3A_1098 = arith.subi %add3A_1095, %sub3A_1097 : vector<16xi32>
          %broadcast_in_dim3A_1099 = arith.constant 4111 : i32
          %broadcast_in_dim3A_1100 = vector.broadcast %broadcast_in_dim3A_1099 : i32 to vector<16xi32>
          %min3A_1101 = arith.minsi %sub3A_1098, %broadcast_in_dim3A_1100 : vector<16xi32>
          tpu.vector_store_idx %arg10[%min3A_1101], %get3A_1085 masked %gt3A_1086 : memref<4112xf32, #tpu.memory_space<vmem>>[vector<16xi32>], vector<16xf32>, vector<16xi1>
          %add3A_1102 = arith.constant 80 : i32
          %add3A_1103 = vector.broadcast %add3A_1102 : i32 to vector<16xi32>
          %add3A_1104 = arith.addi %add3A_780, %add3A_1103 : vector<16xi32>
          tpu.vector_store_idx %arg11[%min3A_1101], %add3A_1104 masked %gt3A_1086 : memref<4112xi32, #tpu.memory_space<vmem>>[vector<16xi32>], vector<16xi32>, vector<16xi1>
          %all_reduce_population_count3A_1105 = tpu.all_reduce %gt3A_1086 {dim = 0 : i64, kind = #tpu.reduction_kind<sum>} : vector<16xi1> -> vector<16xi32>
          %add3A_1106 = arith.addi %min3A_1080, %all_reduce_population_count3A_1105 : vector<16xi32>
          %broadcast_in_dim3A_1107 = arith.constant 4096 : i32
          %broadcast_in_dim3A_1108 = vector.broadcast %broadcast_in_dim3A_1107 : i32 to vector<16xi32>
          %min3A_1109 = arith.minsi %add3A_1106, %broadcast_in_dim3A_1108 : vector<16xi32>
          %add3A_1110 = arith.constant 96 : i32
          %add3A_1111 = arith.addi %mul3A_782, %add3A_1110 : i32
          %get3A_1112 = arith.index_cast %select_n3A_14 : i32 to index
          %get3A_1113 = arith.index_cast %add3A_1111 : i32 to index
          %get3A_1114 = tpu.vector_load %arg7[%get3A_1112, %get3A_1113] {strides = array<i32>} : memref<8x768xf32, #tpu.memory_space<vmem>>, vector<16xf32>,
          %gt3A_1115 = arith.cmpf ogt, %get3A_1114, %scan3A_773 : vector<16xf32>
          %jit3A_1116 = arith.constant 1 : i32
          %jit3A_1117 = arith.constant 0 : i32
          %broadcast_in_dim3A_1118 = vector.broadcast %jit3A_1116 : i32 to vector<16xi32>
          %broadcast_in_dim3A_1119 = vector.broadcast %jit3A_1117 : i32 to vector<16xi32>
          %select_n3A_1120 = arith.select %gt3A_1115, %broadcast_in_dim3A_1118, %broadcast_in_dim3A_1119 : vector<16xi1>, vector<16xi32>
          %broadcast_in_dim3A_1121 = arith.constant true
          %broadcast_in_dim3A_1122 = vector.broadcast %broadcast_in_dim3A_1121 : i1 to vector<16xi1>
          %masked_cumsum3A_1123 = tpu.scan <sum>, %select_n3A_1120 masked %broadcast_in_dim3A_1122 : vector<16xi32>, vector<16xi1> -> vector<16xi32>
          %add3A_1124 = arith.addi %min3A_1109, %masked_cumsum3A_1123 : vector<16xi32>
          %sub3A_1125 = arith.constant 1 : i32
          %sub3A_1126 = vector.broadcast %sub3A_1125 : i32 to vector<16xi32>
          %sub3A_1127 = arith.subi %add3A_1124, %sub3A_1126 : vector<16xi32>
          %broadcast_in_dim3A_1128 = arith.constant 4111 : i32
          %broadcast_in_dim3A_1129 = vector.broadcast %broadcast_in_dim3A_1128 : i32 to vector<16xi32>
          %min3A_1130 = arith.minsi %sub3A_1127, %broadcast_in_dim3A_1129 : vector<16xi32>
          tpu.vector_store_idx %arg10[%min3A_1130], %get3A_1114 masked %gt3A_1115 : memref<4112xf32, #tpu.memory_space<vmem>>[vector<16xi32>], vector<16xf32>, vector<16xi1>
          %add3A_1131 = arith.constant 96 : i32
          %add3A_1132 = vector.broadcast %add3A_1131 : i32 to vector<16xi32>
          %add3A_1133 = arith.addi %add3A_780, %add3A_1132 : vector<16xi32>
          tpu.vector_store_idx %arg11[%min3A_1130], %add3A_1133 masked %gt3A_1115 : memref<4112xi32, #tpu.memory_space<vmem>>[vector<16xi32>], vector<16xi32>, vector<16xi1>
          %all_reduce_population_count3A_1134 = tpu.all_reduce %gt3A_1115 {dim = 0 : i64, kind = #tpu.reduction_kind<sum>} : vector<16xi1> -> vector<16xi32>
          %add3A_1135 = arith.addi %min3A_1109, %all_reduce_population_count3A_1134 : vector<16xi32>
          %broadcast_in_dim3A_1136 = arith.constant 4096 : i32
          %broadcast_in_dim3A_1137 = vector.broadcast %broadcast_in_dim3A_1136 : i32 to vector<16xi32>
          %min3A_1138 = arith.minsi %add3A_1135, %broadcast_in_dim3A_1137 : vector<16xi32>
          %add3A_1139 = arith.constant 112 : i32
          %add3A_1140 = arith.addi %mul3A_782, %add3A_1139 : i32
          %get3A_1141 = arith.index_cast %select_n3A_14 : i32 to index
          %get3A_1142 = arith.index_cast %add3A_1140 : i32 to index
          %get3A_1143 = tpu.vector_load %arg7[%get3A_1141, %get3A_1142] {strides = array<i32>} : memref<8x768xf32, #tpu.memory_space<vmem>>, vector<16xf32>,
          %gt3A_1144 = arith.cmpf ogt, %get3A_1143, %scan3A_773 : vector<16xf32>
          %jit3A_1145 = arith.constant 1 : i32
          %jit3A_1146 = arith.constant 0 : i32
          %broadcast_in_dim3A_1147 = vector.broadcast %jit3A_1145 : i32 to vector<16xi32>
          %broadcast_in_dim3A_1148 = vector.broadcast %jit3A_1146 : i32 to vector<16xi32>
          %select_n3A_1149 = arith.select %gt3A_1144, %broadcast_in_dim3A_1147, %broadcast_in_dim3A_1148 : vector<16xi1>, vector<16xi32>
          %broadcast_in_dim3A_1150 = arith.constant true
          %broadcast_in_dim3A_1151 = vector.broadcast %broadcast_in_dim3A_1150 : i1 to vector<16xi1>
          %masked_cumsum3A_1152 = tpu.scan <sum>, %select_n3A_1149 masked %broadcast_in_dim3A_1151 : vector<16xi32>, vector<16xi1> -> vector<16xi32>
          %add3A_1153 = arith.addi %min3A_1138, %masked_cumsum3A_1152 : vector<16xi32>
          %sub3A_1154 = arith.constant 1 : i32
          %sub3A_1155 = vector.broadcast %sub3A_1154 : i32 to vector<16xi32>
          %sub3A_1156 = arith.subi %add3A_1153, %sub3A_1155 : vector<16xi32>
          %broadcast_in_dim3A_1157 = arith.constant 4111 : i32
          %broadcast_in_dim3A_1158 = vector.broadcast %broadcast_in_dim3A_1157 : i32 to vector<16xi32>
          %min3A_1159 = arith.minsi %sub3A_1156, %broadcast_in_dim3A_1158 : vector<16xi32>
          tpu.vector_store_idx %arg10[%min3A_1159], %get3A_1143 masked %gt3A_1144 : memref<4112xf32, #tpu.memory_space<vmem>>[vector<16xi32>], vector<16xf32>, vector<16xi1>
          %add3A_1160 = arith.constant 112 : i32
          %add3A_1161 = vector.broadcast %add3A_1160 : i32 to vector<16xi32>
          %add3A_1162 = arith.addi %add3A_780, %add3A_1161 : vector<16xi32>
          tpu.vector_store_idx %arg11[%min3A_1159], %add3A_1162 masked %gt3A_1144 : memref<4112xi32, #tpu.memory_space<vmem>>[vector<16xi32>], vector<16xi32>, vector<16xi1>
          %all_reduce_population_count3A_1163 = tpu.all_reduce %gt3A_1144 {dim = 0 : i64, kind = #tpu.reduction_kind<sum>} : vector<16xi1> -> vector<16xi32>
          %add3A_1164 = arith.addi %min3A_1138, %all_reduce_population_count3A_1163 : vector<16xi32>
          %broadcast_in_dim3A_1165 = arith.constant 4096 : i32
          %broadcast_in_dim3A_1166 = vector.broadcast %broadcast_in_dim3A_1165 : i32 to vector<16xi32>
          %min3A_1167 = arith.minsi %add3A_1164, %broadcast_in_dim3A_1166 : vector<16xi32>
          scf.yield %min3A_1167 : vector<16xi32>
        } else {
          scf.yield %scan3A_772 : vector<16xi32>
        }
        %slice3A_851 = vector.extract_strided_slice %cond3A_850 {offsets = [0], sizes = [1], strides = [1]} : vector<16xi32> to vector<1xi32>
        %squeeze3A_852 = vector.extract %slice3A_851[0] : i32 from vector<1xi32>
        %ge3A_853 = arith.constant 3968 : i32
        %ge3A_854 = arith.cmpi sge, %squeeze3A_852, %ge3A_853 : i32
        %convert_element_type3A_855 = arith.extui %ge3A_854 : i1 to i32
        %cond3A_856 = arith.constant 0 : i32
        %cond3A_857 = arith.cmpi ne, %convert_element_type3A_855, %cond3A_856 : i32
        %cond3A_858:2 = scf.if %cond3A_857 -> (vector<16xi32>, vector<16xf32>) {
          %reduce_max3A_939 = arith.constant true
          %reduce_max3A_940 = vector.broadcast %reduce_max3A_939 : i1 to vector<16xi1>
          %reduce_max3A_941 = arith.constant -2147483648 : i32
          %reduce_max3A_942 = vector.broadcast %reduce_max3A_941 : i32 to vector<16xi32>
          %reduce_max3A_943 = arith.xori %cond3A_850, %reduce_max3A_942 : vector<16xi32>
          %reduce_max3A_944 = tpu.scan <max>, %reduce_max3A_943 masked %reduce_max3A_940 : vector<16xi32>, vector<16xi1> -> vector<16xi32>
          %reduce_max3A_945 = arith.xori %reduce_max3A_944, %reduce_max3A_942 : vector<16xi32>
          %reduce_max3A_946 = vector.extract %reduce_max3A_945[15] : i32 from vector<16xi32>
          %add3A_947 = arith.constant 15 : i32
          %add3A_948 = arith.addi %reduce_max3A_946, %add3A_947 : i32
          %shift_right_arithmetic3A_949 = arith.constant 4 : i32
          %shift_right_arithmetic3A_950 = arith.shrsi %add3A_948, %shift_right_arithmetic3A_949 : i32
          %reduce_max3A_951 = arith.constant true
          %reduce_max3A_952 = vector.broadcast %reduce_max3A_951 : i1 to vector<16xi1>
          %reduce_max3A_953 = arith.constant -2147483648 : i32
          %reduce_max3A_954 = vector.broadcast %reduce_max3A_953 : i32 to vector<16xi32>
          %reduce_max3A_955 = arith.xori %cond3A_850, %reduce_max3A_954 : vector<16xi32>
          %reduce_max3A_956 = tpu.scan <max>, %reduce_max3A_955 masked %reduce_max3A_952 : vector<16xi32>, vector<16xi1> -> vector<16xi32>
          %reduce_max3A_957 = arith.xori %reduce_max3A_956, %reduce_max3A_954 : vector<16xi32>
          %reduce_max3A_958 = vector.extract %reduce_max3A_957[15] : i32 from vector<16xi32>
          %while3A_959 = arith.constant 0 : i32
          %while3A_960 = arith.constant -1 : i32
          %while3A_961:3 = scf.while (%while3A_996 = %while3A_959, %while3A_997 = %while3A_960, %while3A_998 = %reduce_max3A_958) : (i32, i32, i32) -> (i32, i32, i32) {
            %sub3A = arith.subi %while3A_997, %while3A_996 : i32
            %gt3A_999 = arith.constant 1 : i32
            %gt3A_1000 = arith.cmpi ugt, %sub3A, %gt3A_999 : i32
            %lt3A_1001 = arith.constant 100 : i32
            %lt3A_1002 = arith.cmpi slt, %while3A_998, %lt3A_1001 : i32
            %gt3A_1003 = arith.constant 128 : i32
            %gt3A_1004 = arith.cmpi sgt, %while3A_998, %gt3A_1003 : i32
            %or3A_1005 = arith.ori %lt3A_1002, %gt3A_1004 : i1
            %and3A_1006 = arith.andi %gt3A_1000, %or3A_1005 : i1
            scf.condition(%and3A_1006) %while3A_996, %while3A_997, %while3A_998 : i32, i32, i32
          } do {
          ^bb0(%while3A_996: i32, %while3A_997: i32, %while3A_998: i32):
            %sub3A = arith.subi %while3A_997, %while3A_996 : i32
            %shift_right_logical3A = arith.constant 1 : i32
            %shift_right_logical3A_999 = arith.shrui %sub3A, %shift_right_logical3A : i32
            %add3A_1000 = arith.addi %while3A_996, %shift_right_logical3A_999 : i32
            %broadcast_in_dim3A_1001 = vector.broadcast %add3A_1000 : i32 to vector<16xi32>
            %broadcast_in_dim3A_1002 = arith.constant 0 : i32
            %broadcast_in_dim3A_1003 = vector.broadcast %broadcast_in_dim3A_1002 : i32 to vector<16xi32>
            %while3A_1004 = arith.constant 0 : i32
            %while3A_1005 = arith.subi %shift_right_arithmetic3A_950, %while3A_1004 : i32
            %while3A_1006 = arith.addi %while3A_1004, %while3A_1005 : i32
            %while3A_1007 = arith.constant 1 : i32
            %while3A_1008 = arith.divsi %while3A_1005, %while3A_1007 : i32
            %while3A_1009 = arith.muli %while3A_1008, %while3A_1007 : i32
            %while3A_1010 = arith.addi %while3A_1004, %while3A_1009 : i32
            %while3A_1011 = arith.constant 1 : i32
            %while3A_1012 = scf.for %while3A_1028 = %while3A_1004 to %while3A_1010 step %while3A_1011 iter_args(%while3A_1029 = %broadcast_in_dim3A_1003) -> (vector<16xi32>)  : i32 {
              %mul3A_1030 = arith.constant 16 : i32
              %mul3A_1031 = arith.muli %while3A_1028, %mul3A_1030 : i32
              %get3A_1032 = arith.index_cast %mul3A_1031 : i32 to index
              %get3A_1033 = tpu.vector_load %arg10[%get3A_1032] {strides = array<i32>} : memref<4112xf32, #tpu.memory_space<vmem>>, vector<16xf32>,
              %bitcast3A_1034 = vector.bitcast %get3A_1033 : vector<16xf32> to vector<16xi32>
              %ge3A_1035 = arith.constant -2147483648 : i32
              %ge3A_1036 = vector.broadcast %ge3A_1035 : i32 to vector<16xi32>
              %ge3A_1037 = arith.cmpi uge, %bitcast3A_1034, %ge3A_1036 : vector<16xi32>
              %jit3A_1038 = arith.constant -1 : i32
              %jit3A_1039 = arith.constant -2147483648 : i32
              %broadcast_in_dim3A_1040 = vector.broadcast %jit3A_1038 : i32 to vector<16xi32>
              %broadcast_in_dim3A_1041 = vector.broadcast %jit3A_1039 : i32 to vector<16xi32>
              %select_n3A_1042 = arith.select %ge3A_1037, %broadcast_in_dim3A_1040, %broadcast_in_dim3A_1041 : vector<16xi1>, vector<16xi32>
              %xor3A_1043 = arith.xori %bitcast3A_1034, %select_n3A_1042 : vector<16xi32>
              %mul3A_1044 = arith.constant 16 : i32
              %mul3A_1045 = arith.muli %while3A_1028, %mul3A_1044 : i32
              %add3A_1046 = vector.broadcast %mul3A_1045 : i32 to vector<16xi32>
              %add3A_1047 = arith.addi %add3A_1046, %iota3A : vector<16xi32>
              %lt3A_1048 = arith.cmpi slt, %add3A_1047, %cond3A_850 : vector<16xi32>
              %gt3A_1049 = arith.cmpi ugt, %xor3A_1043, %broadcast_in_dim3A_1001 : vector<16xi32>
              %and3A_1050 = arith.andi %gt3A_1049, %lt3A_1048 : vector<16xi1>
              %all_reduce_population_count3A = tpu.all_reduce %and3A_1050 {dim = 0 : i64, kind = #tpu.reduction_kind<sum>} : vector<16xi1> -> vector<16xi32>
              %add3A_1051 = arith.addi %while3A_1029, %all_reduce_population_count3A : vector<16xi32>
              scf.yield %add3A_1051 : vector<16xi32>
            }
            %while3A_1013 = arith.constant 1 : i32
            %while3A_1014 = scf.for %while3A_1028 = %while3A_1010 to %while3A_1006 step %while3A_1013 iter_args(%while3A_1029 = %while3A_1012) -> (vector<16xi32>)  : i32 {
              %mul3A_1030 = arith.constant 16 : i32
              %mul3A_1031 = arith.muli %while3A_1028, %mul3A_1030 : i32
              %get3A_1032 = arith.index_cast %mul3A_1031 : i32 to index
              %get3A_1033 = tpu.vector_load %arg10[%get3A_1032] {strides = array<i32>} : memref<4112xf32, #tpu.memory_space<vmem>>, vector<16xf32>,
              %bitcast3A_1034 = vector.bitcast %get3A_1033 : vector<16xf32> to vector<16xi32>
              %ge3A_1035 = arith.constant -2147483648 : i32
              %ge3A_1036 = vector.broadcast %ge3A_1035 : i32 to vector<16xi32>
              %ge3A_1037 = arith.cmpi uge, %bitcast3A_1034, %ge3A_1036 : vector<16xi32>
              %jit3A_1038 = arith.constant -1 : i32
              %jit3A_1039 = arith.constant -2147483648 : i32
              %broadcast_in_dim3A_1040 = vector.broadcast %jit3A_1038 : i32 to vector<16xi32>
              %broadcast_in_dim3A_1041 = vector.broadcast %jit3A_1039 : i32 to vector<16xi32>
              %select_n3A_1042 = arith.select %ge3A_1037, %broadcast_in_dim3A_1040, %broadcast_in_dim3A_1041 : vector<16xi1>, vector<16xi32>
              %xor3A_1043 = arith.xori %bitcast3A_1034, %select_n3A_1042 : vector<16xi32>
              %mul3A_1044 = arith.constant 16 : i32
              %mul3A_1045 = arith.muli %while3A_1028, %mul3A_1044 : i32
              %add3A_1046 = vector.broadcast %mul3A_1045 : i32 to vector<16xi32>
              %add3A_1047 = arith.addi %add3A_1046, %iota3A : vector<16xi32>
              %lt3A_1048 = arith.cmpi slt, %add3A_1047, %cond3A_850 : vector<16xi32>
              %gt3A_1049 = arith.cmpi ugt, %xor3A_1043, %broadcast_in_dim3A_1001 : vector<16xi32>
              %and3A_1050 = arith.andi %gt3A_1049, %lt3A_1048 : vector<16xi1>
              %all_reduce_population_count3A = tpu.all_reduce %and3A_1050 {dim = 0 : i64, kind = #tpu.reduction_kind<sum>} : vector<16xi1> -> vector<16xi32>
              %add3A_1051 = arith.addi %while3A_1029, %all_reduce_population_count3A : vector<16xi32>
              scf.yield %add3A_1051 : vector<16xi32>
            }
            %reduce_max3A_1015 = arith.constant true
            %reduce_max3A_1016 = vector.broadcast %reduce_max3A_1015 : i1 to vector<16xi1>
            %reduce_max3A_1017 = arith.constant -2147483648 : i32
            %reduce_max3A_1018 = vector.broadcast %reduce_max3A_1017 : i32 to vector<16xi32>
            %reduce_max3A_1019 = arith.xori %while3A_1014, %reduce_max3A_1018 : vector<16xi32>
            %reduce_max3A_1020 = tpu.scan <max>, %reduce_max3A_1019 masked %reduce_max3A_1016 : vector<16xi32>, vector<16xi1> -> vector<16xi32>
            %reduce_max3A_1021 = arith.xori %reduce_max3A_1020, %reduce_max3A_1018 : vector<16xi32>
            %reduce_max3A_1022 = vector.extract %reduce_max3A_1021[15] : i32 from vector<16xi32>
            %ge3A_1023 = arith.constant 100 : i32
            %ge3A_1024 = arith.cmpi sge, %reduce_max3A_1022, %ge3A_1023 : i32
            %select_n3A_1025 = arith.select %ge3A_1024, %add3A_1000, %while3A_996 : i32
            %select_n3A_1026 = arith.select %ge3A_1024, %while3A_997, %add3A_1000 : i32
            %select_n3A_1027 = arith.select %ge3A_1024, %reduce_max3A_1022, %while3A_998 : i32
            scf.yield %select_n3A_1025, %select_n3A_1026, %select_n3A_1027 : i32, i32, i32
          }
          %broadcast_in_dim3A_962 = vector.broadcast %while3A_961#0 : i32 to vector<16xi32>
          %reduce_max3A_963 = arith.constant true
          %reduce_max3A_964 = vector.broadcast %reduce_max3A_963 : i1 to vector<16xi1>
          %reduce_max3A_965 = arith.constant -2147483648 : i32
          %reduce_max3A_966 = vector.broadcast %reduce_max3A_965 : i32 to vector<16xi32>
          %reduce_max3A_967 = arith.xori %cond3A_850, %reduce_max3A_966 : vector<16xi32>
          %reduce_max3A_968 = tpu.scan <max>, %reduce_max3A_967 masked %reduce_max3A_964 : vector<16xi32>, vector<16xi1> -> vector<16xi32>
          %reduce_max3A_969 = arith.xori %reduce_max3A_968, %reduce_max3A_966 : vector<16xi32>
          %reduce_max3A_970 = vector.extract %reduce_max3A_969[15] : i32 from vector<16xi32>
          %add3A_971 = arith.constant 15 : i32
          %add3A_972 = arith.addi %reduce_max3A_970, %add3A_971 : i32
          %shift_right_arithmetic3A_973 = arith.constant 4 : i32
          %shift_right_arithmetic3A_974 = arith.shrsi %add3A_972, %shift_right_arithmetic3A_973 : i32
          %broadcast_in_dim3A_975 = arith.constant 0 : i32
          %broadcast_in_dim3A_976 = vector.broadcast %broadcast_in_dim3A_975 : i32 to vector<16xi32>
          %while3A_977 = arith.constant 0 : i32
          %while3A_978 = arith.subi %shift_right_arithmetic3A_974, %while3A_977 : i32
          %while3A_979 = arith.addi %while3A_977, %while3A_978 : i32
          %while3A_980 = arith.constant 1 : i32
          %while3A_981 = arith.divsi %while3A_978, %while3A_980 : i32
          %while3A_982 = arith.muli %while3A_981, %while3A_980 : i32
          %while3A_983 = arith.addi %while3A_977, %while3A_982 : i32
          %while3A_984 = arith.constant 1 : i32
          %while3A_985 = scf.for %while3A_996 = %while3A_977 to %while3A_983 step %while3A_984 iter_args(%while3A_997 = %broadcast_in_dim3A_976) -> (vector<16xi32>)  : i32 {
            %mul3A_998 = arith.constant 16 : i32
            %mul3A_999 = arith.muli %while3A_996, %mul3A_998 : i32
            %get3A_1000 = arith.index_cast %mul3A_999 : i32 to index
            %get3A_1001 = tpu.vector_load %arg10[%get3A_1000] {strides = array<i32>} : memref<4112xf32, #tpu.memory_space<vmem>>, vector<16xf32>,
            %mul3A_1002 = arith.constant 16 : i32
            %mul3A_1003 = arith.muli %while3A_996, %mul3A_1002 : i32
            %get3A_1004 = arith.index_cast %mul3A_1003 : i32 to index
            %get3A_1005 = tpu.vector_load %arg11[%get3A_1004] {strides = array<i32>} : memref<4112xi32, #tpu.memory_space<vmem>>, vector<16xi32>,
            %mul3A_1006 = arith.constant 16 : i32
            %mul3A_1007 = arith.muli %while3A_996, %mul3A_1006 : i32
            %add3A_1008 = vector.broadcast %mul3A_1007 : i32 to vector<16xi32>
            %add3A_1009 = arith.addi %add3A_1008, %iota3A : vector<16xi32>
            %lt3A_1010 = arith.cmpi slt, %add3A_1009, %cond3A_850 : vector<16xi32>
            %bitcast3A_1011 = vector.bitcast %get3A_1001 : vector<16xf32> to vector<16xi32>
            %ge3A_1012 = arith.constant -2147483648 : i32
            %ge3A_1013 = vector.broadcast %ge3A_1012 : i32 to vector<16xi32>
            %ge3A_1014 = arith.cmpi uge, %bitcast3A_1011, %ge3A_1013 : vector<16xi32>
            %jit3A_1015 = arith.constant -1 : i32
            %jit3A_1016 = arith.constant -2147483648 : i32
            %broadcast_in_dim3A_1017 = vector.broadcast %jit3A_1015 : i32 to vector<16xi32>
            %broadcast_in_dim3A_1018 = vector.broadcast %jit3A_1016 : i32 to vector<16xi32>
            %select_n3A_1019 = arith.select %ge3A_1014, %broadcast_in_dim3A_1017, %broadcast_in_dim3A_1018 : vector<16xi1>, vector<16xi32>
            %xor3A_1020 = arith.xori %bitcast3A_1011, %select_n3A_1019 : vector<16xi32>
            %gt3A_1021 = arith.cmpi ugt, %xor3A_1020, %broadcast_in_dim3A_962 : vector<16xi32>
            %and3A_1022 = arith.andi %gt3A_1021, %lt3A_1010 : vector<16xi1>
            %jit3A_1023 = arith.constant 1 : i32
            %jit3A_1024 = arith.constant 0 : i32
            %broadcast_in_dim3A_1025 = vector.broadcast %jit3A_1023 : i32 to vector<16xi32>
            %broadcast_in_dim3A_1026 = vector.broadcast %jit3A_1024 : i32 to vector<16xi32>
            %select_n3A_1027 = arith.select %and3A_1022, %broadcast_in_dim3A_1025, %broadcast_in_dim3A_1026 : vector<16xi1>, vector<16xi32>
            %broadcast_in_dim3A_1028 = arith.constant true
            %broadcast_in_dim3A_1029 = vector.broadcast %broadcast_in_dim3A_1028 : i1 to vector<16xi1>
            %masked_cumsum3A = tpu.scan <sum>, %select_n3A_1027 masked %broadcast_in_dim3A_1029 : vector<16xi32>, vector<16xi1> -> vector<16xi32>
            %add3A_1030 = arith.addi %while3A_997, %masked_cumsum3A : vector<16xi32>
            %sub3A = arith.constant 1 : i32
            %sub3A_1031 = vector.broadcast %sub3A : i32 to vector<16xi32>
            %sub3A_1032 = arith.subi %add3A_1030, %sub3A_1031 : vector<16xi32>
            %min3A_1033 = arith.constant 4095 : i32
            %min3A_1034 = vector.broadcast %min3A_1033 : i32 to vector<16xi32>
            %min3A_1035 = arith.minsi %sub3A_1032, %min3A_1034 : vector<16xi32>
            tpu.vector_store_idx %arg10[%min3A_1035], %get3A_1001 masked %and3A_1022 : memref<4112xf32, #tpu.memory_space<vmem>>[vector<16xi32>], vector<16xf32>, vector<16xi1>
            tpu.vector_store_idx %arg11[%min3A_1035], %get3A_1005 masked %and3A_1022 : memref<4112xi32, #tpu.memory_space<vmem>>[vector<16xi32>], vector<16xi32>, vector<16xi1>
            %all_reduce_population_count3A = tpu.all_reduce %and3A_1022 {dim = 0 : i64, kind = #tpu.reduction_kind<sum>} : vector<16xi1> -> vector<16xi32>
            %add3A_1036 = arith.addi %while3A_997, %all_reduce_population_count3A : vector<16xi32>
            %broadcast_in_dim3A_1037 = arith.constant 4096 : i32
            %broadcast_in_dim3A_1038 = vector.broadcast %broadcast_in_dim3A_1037 : i32 to vector<16xi32>
            %min3A_1039 = arith.minsi %add3A_1036, %broadcast_in_dim3A_1038 : vector<16xi32>
            scf.yield %min3A_1039 : vector<16xi32>
          }
          %while3A_986 = arith.constant 1 : i32
          %while3A_987 = scf.for %while3A_996 = %while3A_983 to %while3A_979 step %while3A_986 iter_args(%while3A_997 = %while3A_985) -> (vector<16xi32>)  : i32 {
            %mul3A_998 = arith.constant 16 : i32
            %mul3A_999 = arith.muli %while3A_996, %mul3A_998 : i32
            %get3A_1000 = arith.index_cast %mul3A_999 : i32 to index
            %get3A_1001 = tpu.vector_load %arg10[%get3A_1000] {strides = array<i32>} : memref<4112xf32, #tpu.memory_space<vmem>>, vector<16xf32>,
            %mul3A_1002 = arith.constant 16 : i32
            %mul3A_1003 = arith.muli %while3A_996, %mul3A_1002 : i32
            %get3A_1004 = arith.index_cast %mul3A_1003 : i32 to index
            %get3A_1005 = tpu.vector_load %arg11[%get3A_1004] {strides = array<i32>} : memref<4112xi32, #tpu.memory_space<vmem>>, vector<16xi32>,
            %mul3A_1006 = arith.constant 16 : i32
            %mul3A_1007 = arith.muli %while3A_996, %mul3A_1006 : i32
            %add3A_1008 = vector.broadcast %mul3A_1007 : i32 to vector<16xi32>
            %add3A_1009 = arith.addi %add3A_1008, %iota3A : vector<16xi32>
            %lt3A_1010 = arith.cmpi slt, %add3A_1009, %cond3A_850 : vector<16xi32>
            %bitcast3A_1011 = vector.bitcast %get3A_1001 : vector<16xf32> to vector<16xi32>
            %ge3A_1012 = arith.constant -2147483648 : i32
            %ge3A_1013 = vector.broadcast %ge3A_1012 : i32 to vector<16xi32>
            %ge3A_1014 = arith.cmpi uge, %bitcast3A_1011, %ge3A_1013 : vector<16xi32>
            %jit3A_1015 = arith.constant -1 : i32
            %jit3A_1016 = arith.constant -2147483648 : i32
            %broadcast_in_dim3A_1017 = vector.broadcast %jit3A_1015 : i32 to vector<16xi32>
            %broadcast_in_dim3A_1018 = vector.broadcast %jit3A_1016 : i32 to vector<16xi32>
            %select_n3A_1019 = arith.select %ge3A_1014, %broadcast_in_dim3A_1017, %broadcast_in_dim3A_1018 : vector<16xi1>, vector<16xi32>
            %xor3A_1020 = arith.xori %bitcast3A_1011, %select_n3A_1019 : vector<16xi32>
            %gt3A_1021 = arith.cmpi ugt, %xor3A_1020, %broadcast_in_dim3A_962 : vector<16xi32>
            %and3A_1022 = arith.andi %gt3A_1021, %lt3A_1010 : vector<16xi1>
            %jit3A_1023 = arith.constant 1 : i32
            %jit3A_1024 = arith.constant 0 : i32
            %broadcast_in_dim3A_1025 = vector.broadcast %jit3A_1023 : i32 to vector<16xi32>
            %broadcast_in_dim3A_1026 = vector.broadcast %jit3A_1024 : i32 to vector<16xi32>
            %select_n3A_1027 = arith.select %and3A_1022, %broadcast_in_dim3A_1025, %broadcast_in_dim3A_1026 : vector<16xi1>, vector<16xi32>
            %broadcast_in_dim3A_1028 = arith.constant true
            %broadcast_in_dim3A_1029 = vector.broadcast %broadcast_in_dim3A_1028 : i1 to vector<16xi1>
            %masked_cumsum3A = tpu.scan <sum>, %select_n3A_1027 masked %broadcast_in_dim3A_1029 : vector<16xi32>, vector<16xi1> -> vector<16xi32>
            %add3A_1030 = arith.addi %while3A_997, %masked_cumsum3A : vector<16xi32>
            %sub3A = arith.constant 1 : i32
            %sub3A_1031 = vector.broadcast %sub3A : i32 to vector<16xi32>
            %sub3A_1032 = arith.subi %add3A_1030, %sub3A_1031 : vector<16xi32>
            %min3A_1033 = arith.constant 4095 : i32
            %min3A_1034 = vector.broadcast %min3A_1033 : i32 to vector<16xi32>
            %min3A_1035 = arith.minsi %sub3A_1032, %min3A_1034 : vector<16xi32>
            tpu.vector_store_idx %arg10[%min3A_1035], %get3A_1001 masked %and3A_1022 : memref<4112xf32, #tpu.memory_space<vmem>>[vector<16xi32>], vector<16xf32>, vector<16xi1>
            tpu.vector_store_idx %arg11[%min3A_1035], %get3A_1005 masked %and3A_1022 : memref<4112xi32, #tpu.memory_space<vmem>>[vector<16xi32>], vector<16xi32>, vector<16xi1>
            %all_reduce_population_count3A = tpu.all_reduce %and3A_1022 {dim = 0 : i64, kind = #tpu.reduction_kind<sum>} : vector<16xi1> -> vector<16xi32>
            %add3A_1036 = arith.addi %while3A_997, %all_reduce_population_count3A : vector<16xi32>
            %broadcast_in_dim3A_1037 = arith.constant 4096 : i32
            %broadcast_in_dim3A_1038 = vector.broadcast %broadcast_in_dim3A_1037 : i32 to vector<16xi32>
            %min3A_1039 = arith.minsi %add3A_1036, %broadcast_in_dim3A_1038 : vector<16xi32>
            scf.yield %min3A_1039 : vector<16xi32>
          }
          %ge3A_988 = arith.constant -2147483648 : i32
          %ge3A_989 = vector.broadcast %ge3A_988 : i32 to vector<16xi32>
          %ge3A_990 = arith.cmpi uge, %broadcast_in_dim3A_962, %ge3A_989 : vector<16xi32>
          %jit3A_991 = arith.constant -2147483648 : i32
          %jit3A_992 = arith.constant -1 : i32
          %broadcast_in_dim3A_993 = vector.broadcast %jit3A_991 : i32 to vector<16xi32>
          %broadcast_in_dim3A_994 = vector.broadcast %jit3A_992 : i32 to vector<16xi32>
          %select_n3A_995 = arith.select %ge3A_990, %broadcast_in_dim3A_993, %broadcast_in_dim3A_994 : vector<16xi1>, vector<16xi32>
          %xor3A = arith.xori %broadcast_in_dim3A_962, %select_n3A_995 : vector<16xi32>
          %bitcast3A = vector.bitcast %xor3A : vector<16xi32> to vector<16xf32>
          scf.yield %while3A_987, %bitcast3A : vector<16xi32>, vector<16xf32>
        } else {
          scf.yield %cond3A_850, %scan3A_773 : vector<16xi32>, vector<16xf32>
        }
        %add3A_859 = arith.constant 1 : i32
        %add3A_860 = arith.addi %select_n3A_14, %add3A_859 : i32
        %mul3A_861 = arith.constant 128 : i32
        %mul3A_862 = arith.muli %scan3A_771, %mul3A_861 : i32
        %get3A_863 = arith.index_cast %add3A_860 : i32 to index
        %get3A_864 = arith.index_cast %mul3A_862 : i32 to index
        %get3A_865 = tpu.vector_load %arg7[%get3A_863, %get3A_864] {strides = array<i32>} : memref<8x768xf32, #tpu.memory_space<vmem>>, vector<16xf32>,
        %gt3A_866 = arith.cmpf ogt, %get3A_865, %scan3A_775 : vector<16xf32>
        %add3A_867 = arith.constant 16 : i32
        %add3A_868 = arith.addi %mul3A_862, %add3A_867 : i32
        %get3A_869 = arith.index_cast %add3A_860 : i32 to index
        %get3A_870 = arith.index_cast %add3A_868 : i32 to index
        %get3A_871 = tpu.vector_load %arg7[%get3A_869, %get3A_870] {strides = array<i32>} : memref<8x768xf32, #tpu.memory_space<vmem>>, vector<16xf32>,
        %gt3A_872 = arith.cmpf ogt, %get3A_871, %scan3A_775 : vector<16xf32>
        %or3A_873 = arith.ori %gt3A_866, %gt3A_872 : vector<16xi1>
        %add3A_874 = arith.constant 32 : i32
        %add3A_875 = arith.addi %mul3A_862, %add3A_874 : i32
        %get3A_876 = arith.index_cast %add3A_860 : i32 to index
        %get3A_877 = arith.index_cast %add3A_875 : i32 to index
        %get3A_878 = tpu.vector_load %arg7[%get3A_876, %get3A_877] {strides = array<i32>} : memref<8x768xf32, #tpu.memory_space<vmem>>, vector<16xf32>,
        %gt3A_879 = arith.cmpf ogt, %get3A_878, %scan3A_775 : vector<16xf32>
        %or3A_880 = arith.ori %or3A_873, %gt3A_879 : vector<16xi1>
        %add3A_881 = arith.constant 48 : i32
        %add3A_882 = arith.addi %mul3A_862, %add3A_881 : i32
        %get3A_883 = arith.index_cast %add3A_860 : i32 to index
        %get3A_884 = arith.index_cast %add3A_882 : i32 to index
        %get3A_885 = tpu.vector_load %arg7[%get3A_883, %get3A_884] {strides = array<i32>} : memref<8x768xf32, #tpu.memory_space<vmem>>, vector<16xf32>,
        %gt3A_886 = arith.cmpf ogt, %get3A_885, %scan3A_775 : vector<16xf32>
        %or3A_887 = arith.ori %or3A_880, %gt3A_886 : vector<16xi1>
        %add3A_888 = arith.constant 64 : i32
        %add3A_889 = arith.addi %mul3A_862, %add3A_888 : i32
        %get3A_890 = arith.index_cast %add3A_860 : i32 to index
        %get3A_891 = arith.index_cast %add3A_889 : i32 to index
        %get3A_892 = tpu.vector_load %arg7[%get3A_890, %get3A_891] {strides = array<i32>} : memref<8x768xf32, #tpu.memory_space<vmem>>, vector<16xf32>,
        %gt3A_893 = arith.cmpf ogt, %get3A_892, %scan3A_775 : vector<16xf32>
        %or3A_894 = arith.ori %or3A_887, %gt3A_893 : vector<16xi1>
        %add3A_895 = arith.constant 80 : i32
        %add3A_896 = arith.addi %mul3A_862, %add3A_895 : i32
        %get3A_897 = arith.index_cast %add3A_860 : i32 to index
        %get3A_898 = arith.index_cast %add3A_896 : i32 to index
        %get3A_899 = tpu.vector_load %arg7[%get3A_897, %get3A_898] {strides = array<i32>} : memref<8x768xf32, #tpu.memory_space<vmem>>, vector<16xf32>,
        %gt3A_900 = arith.cmpf ogt, %get3A_899, %scan3A_775 : vector<16xf32>
        %or3A_901 = arith.ori %or3A_894, %gt3A_900 : vector<16xi1>
        %add3A_902 = arith.constant 96 : i32
        %add3A_903 = arith.addi %mul3A_862, %add3A_902 : i32
        %get3A_904 = arith.index_cast %add3A_860 : i32 to index
        %get3A_905 = arith.index_cast %add3A_903 : i32 to index
        %get3A_906 = tpu.vector_load %arg7[%get3A_904, %get3A_905] {strides = array<i32>} : memref<8x768xf32, #tpu.memory_space<vmem>>, vector<16xf32>,
        %gt3A_907 = arith.cmpf ogt, %get3A_906, %scan3A_775 : vector<16xf32>
        %or3A_908 = arith.ori %or3A_901, %gt3A_907 : vector<16xi1>
        %add3A_909 = arith.constant 112 : i32
        %add3A_910 = arith.addi %mul3A_862, %add3A_909 : i32
        %get3A_911 = arith.index_cast %add3A_860 : i32 to index
        %get3A_912 = arith.index_cast %add3A_910 : i32 to index
        %get3A_913 = tpu.vector_load %arg7[%get3A_911, %get3A_912] {strides = array<i32>} : memref<8x768xf32, #tpu.memory_space<vmem>>, vector<16xf32>,
        %gt3A_914 = arith.cmpf ogt, %get3A_913, %scan3A_775 : vector<16xf32>
        %or3A_915 = arith.ori %or3A_908, %gt3A_914 : vector<16xi1>
        %reduce_or3A_916 = arith.constant 1.000000e+00 : f32
        %reduce_or3A_917 = arith.constant 0.000000e+00 : f32
        %reduce_or3A_918 = vector.broadcast %reduce_or3A_916 : f32 to vector<16xf32>
        %reduce_or3A_919 = vector.broadcast %reduce_or3A_917 : f32 to vector<16xf32>
        %reduce_or3A_920 = arith.select %or3A_915, %reduce_or3A_918, %reduce_or3A_919 : vector<16xi1>, vector<16xf32>
        %reduce_or3A_921 = arith.constant true
        %reduce_or3A_922 = vector.broadcast %reduce_or3A_921 : i1 to vector<16xi1>
        %reduce_or3A_923 = tpu.scan <max>, %reduce_or3A_920 masked %reduce_or3A_922 : vector<16xf32>, vector<16xi1> -> vector<16xf32>
        %reduce_or3A_924 = vector.extract %reduce_or3A_923[15] : f32 from vector<16xf32>
        %reduce_or3A_925 = arith.constant 0.000000e+00 : f32
        %reduce_or3A_926 = arith.cmpf ogt, %reduce_or3A_924, %reduce_or3A_925 : f32
        %convert_element_type3A_927 = arith.extui %reduce_or3A_926 : i1 to i32
        %cond3A_928 = arith.constant 0 : i32
        %cond3A_929 = arith.cmpi ne, %convert_element_type3A_927, %cond3A_928 : i32
        %cond3A_930 = scf.if %cond3A_929 -> (vector<16xi32>) {
          %add3A_939 = arith.constant 0 : i32
          %add3A_940 = arith.addi %mul3A_862, %add3A_939 : i32
          %get3A_941 = arith.index_cast %add3A_860 : i32 to index
          %get3A_942 = arith.index_cast %add3A_940 : i32 to index
          %get3A_943 = tpu.vector_load %arg7[%get3A_941, %get3A_942] {strides = array<i32>} : memref<8x768xf32, #tpu.memory_space<vmem>>, vector<16xf32>,
          %gt3A_944 = arith.cmpf ogt, %get3A_943, %scan3A_775 : vector<16xf32>
          %jit3A_945 = arith.constant 1 : i32
          %jit3A_946 = arith.constant 0 : i32
          %broadcast_in_dim3A_947 = vector.broadcast %jit3A_945 : i32 to vector<16xi32>
          %broadcast_in_dim3A_948 = vector.broadcast %jit3A_946 : i32 to vector<16xi32>
          %select_n3A_949 = arith.select %gt3A_944, %broadcast_in_dim3A_947, %broadcast_in_dim3A_948 : vector<16xi1>, vector<16xi32>
          %broadcast_in_dim3A_950 = arith.constant true
          %broadcast_in_dim3A_951 = vector.broadcast %broadcast_in_dim3A_950 : i1 to vector<16xi1>
          %masked_cumsum3A = tpu.scan <sum>, %select_n3A_949 masked %broadcast_in_dim3A_951 : vector<16xi32>, vector<16xi1> -> vector<16xi32>
          %add3A_952 = arith.addi %scan3A_774, %masked_cumsum3A : vector<16xi32>
          %sub3A = arith.constant 1 : i32
          %sub3A_953 = vector.broadcast %sub3A : i32 to vector<16xi32>
          %sub3A_954 = arith.subi %add3A_952, %sub3A_953 : vector<16xi32>
          %broadcast_in_dim3A_955 = arith.constant 4111 : i32
          %broadcast_in_dim3A_956 = vector.broadcast %broadcast_in_dim3A_955 : i32 to vector<16xi32>
          %min3A_957 = arith.minsi %sub3A_954, %broadcast_in_dim3A_956 : vector<16xi32>
          tpu.vector_store_idx %arg12[%min3A_957], %get3A_943 masked %gt3A_944 : memref<4112xf32, #tpu.memory_space<vmem>>[vector<16xi32>], vector<16xf32>, vector<16xi1>
          %add3A_958 = arith.constant 0 : i32
          %add3A_959 = vector.broadcast %add3A_958 : i32 to vector<16xi32>
          %add3A_960 = arith.addi %add3A_780, %add3A_959 : vector<16xi32>
          tpu.vector_store_idx %arg13[%min3A_957], %add3A_960 masked %gt3A_944 : memref<4112xi32, #tpu.memory_space<vmem>>[vector<16xi32>], vector<16xi32>, vector<16xi1>
          %all_reduce_population_count3A = tpu.all_reduce %gt3A_944 {dim = 0 : i64, kind = #tpu.reduction_kind<sum>} : vector<16xi1> -> vector<16xi32>
          %add3A_961 = arith.addi %scan3A_774, %all_reduce_population_count3A : vector<16xi32>
          %broadcast_in_dim3A_962 = arith.constant 4096 : i32
          %broadcast_in_dim3A_963 = vector.broadcast %broadcast_in_dim3A_962 : i32 to vector<16xi32>
          %min3A_964 = arith.minsi %add3A_961, %broadcast_in_dim3A_963 : vector<16xi32>
          %add3A_965 = arith.constant 16 : i32
          %add3A_966 = arith.addi %mul3A_862, %add3A_965 : i32
          %get3A_967 = arith.index_cast %add3A_860 : i32 to index
          %get3A_968 = arith.index_cast %add3A_966 : i32 to index
          %get3A_969 = tpu.vector_load %arg7[%get3A_967, %get3A_968] {strides = array<i32>} : memref<8x768xf32, #tpu.memory_space<vmem>>, vector<16xf32>,
          %gt3A_970 = arith.cmpf ogt, %get3A_969, %scan3A_775 : vector<16xf32>
          %jit3A_971 = arith.constant 1 : i32
          %jit3A_972 = arith.constant 0 : i32
          %broadcast_in_dim3A_973 = vector.broadcast %jit3A_971 : i32 to vector<16xi32>
          %broadcast_in_dim3A_974 = vector.broadcast %jit3A_972 : i32 to vector<16xi32>
          %select_n3A_975 = arith.select %gt3A_970, %broadcast_in_dim3A_973, %broadcast_in_dim3A_974 : vector<16xi1>, vector<16xi32>
          %broadcast_in_dim3A_976 = arith.constant true
          %broadcast_in_dim3A_977 = vector.broadcast %broadcast_in_dim3A_976 : i1 to vector<16xi1>
          %masked_cumsum3A_978 = tpu.scan <sum>, %select_n3A_975 masked %broadcast_in_dim3A_977 : vector<16xi32>, vector<16xi1> -> vector<16xi32>
          %add3A_979 = arith.addi %min3A_964, %masked_cumsum3A_978 : vector<16xi32>
          %sub3A_980 = arith.constant 1 : i32
          %sub3A_981 = vector.broadcast %sub3A_980 : i32 to vector<16xi32>
          %sub3A_982 = arith.subi %add3A_979, %sub3A_981 : vector<16xi32>
          %broadcast_in_dim3A_983 = arith.constant 4111 : i32
          %broadcast_in_dim3A_984 = vector.broadcast %broadcast_in_dim3A_983 : i32 to vector<16xi32>
          %min3A_985 = arith.minsi %sub3A_982, %broadcast_in_dim3A_984 : vector<16xi32>
          tpu.vector_store_idx %arg12[%min3A_985], %get3A_969 masked %gt3A_970 : memref<4112xf32, #tpu.memory_space<vmem>>[vector<16xi32>], vector<16xf32>, vector<16xi1>
          %add3A_986 = arith.constant 16 : i32
          %add3A_987 = vector.broadcast %add3A_986 : i32 to vector<16xi32>
          %add3A_988 = arith.addi %add3A_780, %add3A_987 : vector<16xi32>
          tpu.vector_store_idx %arg13[%min3A_985], %add3A_988 masked %gt3A_970 : memref<4112xi32, #tpu.memory_space<vmem>>[vector<16xi32>], vector<16xi32>, vector<16xi1>
          %all_reduce_population_count3A_989 = tpu.all_reduce %gt3A_970 {dim = 0 : i64, kind = #tpu.reduction_kind<sum>} : vector<16xi1> -> vector<16xi32>
          %add3A_990 = arith.addi %min3A_964, %all_reduce_population_count3A_989 : vector<16xi32>
          %broadcast_in_dim3A_991 = arith.constant 4096 : i32
          %broadcast_in_dim3A_992 = vector.broadcast %broadcast_in_dim3A_991 : i32 to vector<16xi32>
          %min3A_993 = arith.minsi %add3A_990, %broadcast_in_dim3A_992 : vector<16xi32>
          %add3A_994 = arith.constant 32 : i32
          %add3A_995 = arith.addi %mul3A_862, %add3A_994 : i32
          %get3A_996 = arith.index_cast %add3A_860 : i32 to index
          %get3A_997 = arith.index_cast %add3A_995 : i32 to index
          %get3A_998 = tpu.vector_load %arg7[%get3A_996, %get3A_997] {strides = array<i32>} : memref<8x768xf32, #tpu.memory_space<vmem>>, vector<16xf32>,
          %gt3A_999 = arith.cmpf ogt, %get3A_998, %scan3A_775 : vector<16xf32>
          %jit3A_1000 = arith.constant 1 : i32
          %jit3A_1001 = arith.constant 0 : i32
          %broadcast_in_dim3A_1002 = vector.broadcast %jit3A_1000 : i32 to vector<16xi32>
          %broadcast_in_dim3A_1003 = vector.broadcast %jit3A_1001 : i32 to vector<16xi32>
          %select_n3A_1004 = arith.select %gt3A_999, %broadcast_in_dim3A_1002, %broadcast_in_dim3A_1003 : vector<16xi1>, vector<16xi32>
          %broadcast_in_dim3A_1005 = arith.constant true
          %broadcast_in_dim3A_1006 = vector.broadcast %broadcast_in_dim3A_1005 : i1 to vector<16xi1>
          %masked_cumsum3A_1007 = tpu.scan <sum>, %select_n3A_1004 masked %broadcast_in_dim3A_1006 : vector<16xi32>, vector<16xi1> -> vector<16xi32>
          %add3A_1008 = arith.addi %min3A_993, %masked_cumsum3A_1007 : vector<16xi32>
          %sub3A_1009 = arith.constant 1 : i32
          %sub3A_1010 = vector.broadcast %sub3A_1009 : i32 to vector<16xi32>
          %sub3A_1011 = arith.subi %add3A_1008, %sub3A_1010 : vector<16xi32>
          %broadcast_in_dim3A_1012 = arith.constant 4111 : i32
          %broadcast_in_dim3A_1013 = vector.broadcast %broadcast_in_dim3A_1012 : i32 to vector<16xi32>
          %min3A_1014 = arith.minsi %sub3A_1011, %broadcast_in_dim3A_1013 : vector<16xi32>
          tpu.vector_store_idx %arg12[%min3A_1014], %get3A_998 masked %gt3A_999 : memref<4112xf32, #tpu.memory_space<vmem>>[vector<16xi32>], vector<16xf32>, vector<16xi1>
          %add3A_1015 = arith.constant 32 : i32
          %add3A_1016 = vector.broadcast %add3A_1015 : i32 to vector<16xi32>
          %add3A_1017 = arith.addi %add3A_780, %add3A_1016 : vector<16xi32>
          tpu.vector_store_idx %arg13[%min3A_1014], %add3A_1017 masked %gt3A_999 : memref<4112xi32, #tpu.memory_space<vmem>>[vector<16xi32>], vector<16xi32>, vector<16xi1>
          %all_reduce_population_count3A_1018 = tpu.all_reduce %gt3A_999 {dim = 0 : i64, kind = #tpu.reduction_kind<sum>} : vector<16xi1> -> vector<16xi32>
          %add3A_1019 = arith.addi %min3A_993, %all_reduce_population_count3A_1018 : vector<16xi32>
          %broadcast_in_dim3A_1020 = arith.constant 4096 : i32
          %broadcast_in_dim3A_1021 = vector.broadcast %broadcast_in_dim3A_1020 : i32 to vector<16xi32>
          %min3A_1022 = arith.minsi %add3A_1019, %broadcast_in_dim3A_1021 : vector<16xi32>
          %add3A_1023 = arith.constant 48 : i32
          %add3A_1024 = arith.addi %mul3A_862, %add3A_1023 : i32
          %get3A_1025 = arith.index_cast %add3A_860 : i32 to index
          %get3A_1026 = arith.index_cast %add3A_1024 : i32 to index
          %get3A_1027 = tpu.vector_load %arg7[%get3A_1025, %get3A_1026] {strides = array<i32>} : memref<8x768xf32, #tpu.memory_space<vmem>>, vector<16xf32>,
          %gt3A_1028 = arith.cmpf ogt, %get3A_1027, %scan3A_775 : vector<16xf32>
          %jit3A_1029 = arith.constant 1 : i32
          %jit3A_1030 = arith.constant 0 : i32
          %broadcast_in_dim3A_1031 = vector.broadcast %jit3A_1029 : i32 to vector<16xi32>
          %broadcast_in_dim3A_1032 = vector.broadcast %jit3A_1030 : i32 to vector<16xi32>
          %select_n3A_1033 = arith.select %gt3A_1028, %broadcast_in_dim3A_1031, %broadcast_in_dim3A_1032 : vector<16xi1>, vector<16xi32>
          %broadcast_in_dim3A_1034 = arith.constant true
          %broadcast_in_dim3A_1035 = vector.broadcast %broadcast_in_dim3A_1034 : i1 to vector<16xi1>
          %masked_cumsum3A_1036 = tpu.scan <sum>, %select_n3A_1033 masked %broadcast_in_dim3A_1035 : vector<16xi32>, vector<16xi1> -> vector<16xi32>
          %add3A_1037 = arith.addi %min3A_1022, %masked_cumsum3A_1036 : vector<16xi32>
          %sub3A_1038 = arith.constant 1 : i32
          %sub3A_1039 = vector.broadcast %sub3A_1038 : i32 to vector<16xi32>
          %sub3A_1040 = arith.subi %add3A_1037, %sub3A_1039 : vector<16xi32>
          %broadcast_in_dim3A_1041 = arith.constant 4111 : i32
          %broadcast_in_dim3A_1042 = vector.broadcast %broadcast_in_dim3A_1041 : i32 to vector<16xi32>
          %min3A_1043 = arith.minsi %sub3A_1040, %broadcast_in_dim3A_1042 : vector<16xi32>
          tpu.vector_store_idx %arg12[%min3A_1043], %get3A_1027 masked %gt3A_1028 : memref<4112xf32, #tpu.memory_space<vmem>>[vector<16xi32>], vector<16xf32>, vector<16xi1>
          %add3A_1044 = arith.constant 48 : i32
          %add3A_1045 = vector.broadcast %add3A_1044 : i32 to vector<16xi32>
          %add3A_1046 = arith.addi %add3A_780, %add3A_1045 : vector<16xi32>
          tpu.vector_store_idx %arg13[%min3A_1043], %add3A_1046 masked %gt3A_1028 : memref<4112xi32, #tpu.memory_space<vmem>>[vector<16xi32>], vector<16xi32>, vector<16xi1>
          %all_reduce_population_count3A_1047 = tpu.all_reduce %gt3A_1028 {dim = 0 : i64, kind = #tpu.reduction_kind<sum>} : vector<16xi1> -> vector<16xi32>
          %add3A_1048 = arith.addi %min3A_1022, %all_reduce_population_count3A_1047 : vector<16xi32>
          %broadcast_in_dim3A_1049 = arith.constant 4096 : i32
          %broadcast_in_dim3A_1050 = vector.broadcast %broadcast_in_dim3A_1049 : i32 to vector<16xi32>
          %min3A_1051 = arith.minsi %add3A_1048, %broadcast_in_dim3A_1050 : vector<16xi32>
          %add3A_1052 = arith.constant 64 : i32
          %add3A_1053 = arith.addi %mul3A_862, %add3A_1052 : i32
          %get3A_1054 = arith.index_cast %add3A_860 : i32 to index
          %get3A_1055 = arith.index_cast %add3A_1053 : i32 to index
          %get3A_1056 = tpu.vector_load %arg7[%get3A_1054, %get3A_1055] {strides = array<i32>} : memref<8x768xf32, #tpu.memory_space<vmem>>, vector<16xf32>,
          %gt3A_1057 = arith.cmpf ogt, %get3A_1056, %scan3A_775 : vector<16xf32>
          %jit3A_1058 = arith.constant 1 : i32
          %jit3A_1059 = arith.constant 0 : i32
          %broadcast_in_dim3A_1060 = vector.broadcast %jit3A_1058 : i32 to vector<16xi32>
          %broadcast_in_dim3A_1061 = vector.broadcast %jit3A_1059 : i32 to vector<16xi32>
          %select_n3A_1062 = arith.select %gt3A_1057, %broadcast_in_dim3A_1060, %broadcast_in_dim3A_1061 : vector<16xi1>, vector<16xi32>
          %broadcast_in_dim3A_1063 = arith.constant true
          %broadcast_in_dim3A_1064 = vector.broadcast %broadcast_in_dim3A_1063 : i1 to vector<16xi1>
          %masked_cumsum3A_1065 = tpu.scan <sum>, %select_n3A_1062 masked %broadcast_in_dim3A_1064 : vector<16xi32>, vector<16xi1> -> vector<16xi32>
          %add3A_1066 = arith.addi %min3A_1051, %masked_cumsum3A_1065 : vector<16xi32>
          %sub3A_1067 = arith.constant 1 : i32
          %sub3A_1068 = vector.broadcast %sub3A_1067 : i32 to vector<16xi32>
          %sub3A_1069 = arith.subi %add3A_1066, %sub3A_1068 : vector<16xi32>
          %broadcast_in_dim3A_1070 = arith.constant 4111 : i32
          %broadcast_in_dim3A_1071 = vector.broadcast %broadcast_in_dim3A_1070 : i32 to vector<16xi32>
          %min3A_1072 = arith.minsi %sub3A_1069, %broadcast_in_dim3A_1071 : vector<16xi32>
          tpu.vector_store_idx %arg12[%min3A_1072], %get3A_1056 masked %gt3A_1057 : memref<4112xf32, #tpu.memory_space<vmem>>[vector<16xi32>], vector<16xf32>, vector<16xi1>
          %add3A_1073 = arith.constant 64 : i32
          %add3A_1074 = vector.broadcast %add3A_1073 : i32 to vector<16xi32>
          %add3A_1075 = arith.addi %add3A_780, %add3A_1074 : vector<16xi32>
          tpu.vector_store_idx %arg13[%min3A_1072], %add3A_1075 masked %gt3A_1057 : memref<4112xi32, #tpu.memory_space<vmem>>[vector<16xi32>], vector<16xi32>, vector<16xi1>
          %all_reduce_population_count3A_1076 = tpu.all_reduce %gt3A_1057 {dim = 0 : i64, kind = #tpu.reduction_kind<sum>} : vector<16xi1> -> vector<16xi32>
          %add3A_1077 = arith.addi %min3A_1051, %all_reduce_population_count3A_1076 : vector<16xi32>
          %broadcast_in_dim3A_1078 = arith.constant 4096 : i32
          %broadcast_in_dim3A_1079 = vector.broadcast %broadcast_in_dim3A_1078 : i32 to vector<16xi32>
          %min3A_1080 = arith.minsi %add3A_1077, %broadcast_in_dim3A_1079 : vector<16xi32>
          %add3A_1081 = arith.constant 80 : i32
          %add3A_1082 = arith.addi %mul3A_862, %add3A_1081 : i32
          %get3A_1083 = arith.index_cast %add3A_860 : i32 to index
          %get3A_1084 = arith.index_cast %add3A_1082 : i32 to index
          %get3A_1085 = tpu.vector_load %arg7[%get3A_1083, %get3A_1084] {strides = array<i32>} : memref<8x768xf32, #tpu.memory_space<vmem>>, vector<16xf32>,
          %gt3A_1086 = arith.cmpf ogt, %get3A_1085, %scan3A_775 : vector<16xf32>
          %jit3A_1087 = arith.constant 1 : i32
          %jit3A_1088 = arith.constant 0 : i32
          %broadcast_in_dim3A_1089 = vector.broadcast %jit3A_1087 : i32 to vector<16xi32>
          %broadcast_in_dim3A_1090 = vector.broadcast %jit3A_1088 : i32 to vector<16xi32>
          %select_n3A_1091 = arith.select %gt3A_1086, %broadcast_in_dim3A_1089, %broadcast_in_dim3A_1090 : vector<16xi1>, vector<16xi32>
          %broadcast_in_dim3A_1092 = arith.constant true
          %broadcast_in_dim3A_1093 = vector.broadcast %broadcast_in_dim3A_1092 : i1 to vector<16xi1>
          %masked_cumsum3A_1094 = tpu.scan <sum>, %select_n3A_1091 masked %broadcast_in_dim3A_1093 : vector<16xi32>, vector<16xi1> -> vector<16xi32>
          %add3A_1095 = arith.addi %min3A_1080, %masked_cumsum3A_1094 : vector<16xi32>
          %sub3A_1096 = arith.constant 1 : i32
          %sub3A_1097 = vector.broadcast %sub3A_1096 : i32 to vector<16xi32>
          %sub3A_1098 = arith.subi %add3A_1095, %sub3A_1097 : vector<16xi32>
          %broadcast_in_dim3A_1099 = arith.constant 4111 : i32
          %broadcast_in_dim3A_1100 = vector.broadcast %broadcast_in_dim3A_1099 : i32 to vector<16xi32>
          %min3A_1101 = arith.minsi %sub3A_1098, %broadcast_in_dim3A_1100 : vector<16xi32>
          tpu.vector_store_idx %arg12[%min3A_1101], %get3A_1085 masked %gt3A_1086 : memref<4112xf32, #tpu.memory_space<vmem>>[vector<16xi32>], vector<16xf32>, vector<16xi1>
          %add3A_1102 = arith.constant 80 : i32
          %add3A_1103 = vector.broadcast %add3A_1102 : i32 to vector<16xi32>
          %add3A_1104 = arith.addi %add3A_780, %add3A_1103 : vector<16xi32>
          tpu.vector_store_idx %arg13[%min3A_1101], %add3A_1104 masked %gt3A_1086 : memref<4112xi32, #tpu.memory_space<vmem>>[vector<16xi32>], vector<16xi32>, vector<16xi1>
          %all_reduce_population_count3A_1105 = tpu.all_reduce %gt3A_1086 {dim = 0 : i64, kind = #tpu.reduction_kind<sum>} : vector<16xi1> -> vector<16xi32>
          %add3A_1106 = arith.addi %min3A_1080, %all_reduce_population_count3A_1105 : vector<16xi32>
          %broadcast_in_dim3A_1107 = arith.constant 4096 : i32
          %broadcast_in_dim3A_1108 = vector.broadcast %broadcast_in_dim3A_1107 : i32 to vector<16xi32>
          %min3A_1109 = arith.minsi %add3A_1106, %broadcast_in_dim3A_1108 : vector<16xi32>
          %add3A_1110 = arith.constant 96 : i32
          %add3A_1111 = arith.addi %mul3A_862, %add3A_1110 : i32
          %get3A_1112 = arith.index_cast %add3A_860 : i32 to index
          %get3A_1113 = arith.index_cast %add3A_1111 : i32 to index
          %get3A_1114 = tpu.vector_load %arg7[%get3A_1112, %get3A_1113] {strides = array<i32>} : memref<8x768xf32, #tpu.memory_space<vmem>>, vector<16xf32>,
          %gt3A_1115 = arith.cmpf ogt, %get3A_1114, %scan3A_775 : vector<16xf32>
          %jit3A_1116 = arith.constant 1 : i32
          %jit3A_1117 = arith.constant 0 : i32
          %broadcast_in_dim3A_1118 = vector.broadcast %jit3A_1116 : i32 to vector<16xi32>
          %broadcast_in_dim3A_1119 = vector.broadcast %jit3A_1117 : i32 to vector<16xi32>
          %select_n3A_1120 = arith.select %gt3A_1115, %broadcast_in_dim3A_1118, %broadcast_in_dim3A_1119 : vector<16xi1>, vector<16xi32>
          %broadcast_in_dim3A_1121 = arith.constant true
          %broadcast_in_dim3A_1122 = vector.broadcast %broadcast_in_dim3A_1121 : i1 to vector<16xi1>
          %masked_cumsum3A_1123 = tpu.scan <sum>, %select_n3A_1120 masked %broadcast_in_dim3A_1122 : vector<16xi32>, vector<16xi1> -> vector<16xi32>
          %add3A_1124 = arith.addi %min3A_1109, %masked_cumsum3A_1123 : vector<16xi32>
          %sub3A_1125 = arith.constant 1 : i32
          %sub3A_1126 = vector.broadcast %sub3A_1125 : i32 to vector<16xi32>
          %sub3A_1127 = arith.subi %add3A_1124, %sub3A_1126 : vector<16xi32>
          %broadcast_in_dim3A_1128 = arith.constant 4111 : i32
          %broadcast_in_dim3A_1129 = vector.broadcast %broadcast_in_dim3A_1128 : i32 to vector<16xi32>
          %min3A_1130 = arith.minsi %sub3A_1127, %broadcast_in_dim3A_1129 : vector<16xi32>
          tpu.vector_store_idx %arg12[%min3A_1130], %get3A_1114 masked %gt3A_1115 : memref<4112xf32, #tpu.memory_space<vmem>>[vector<16xi32>], vector<16xf32>, vector<16xi1>
          %add3A_1131 = arith.constant 96 : i32
          %add3A_1132 = vector.broadcast %add3A_1131 : i32 to vector<16xi32>
          %add3A_1133 = arith.addi %add3A_780, %add3A_1132 : vector<16xi32>
          tpu.vector_store_idx %arg13[%min3A_1130], %add3A_1133 masked %gt3A_1115 : memref<4112xi32, #tpu.memory_space<vmem>>[vector<16xi32>], vector<16xi32>, vector<16xi1>
          %all_reduce_population_count3A_1134 = tpu.all_reduce %gt3A_1115 {dim = 0 : i64, kind = #tpu.reduction_kind<sum>} : vector<16xi1> -> vector<16xi32>
          %add3A_1135 = arith.addi %min3A_1109, %all_reduce_population_count3A_1134 : vector<16xi32>
          %broadcast_in_dim3A_1136 = arith.constant 4096 : i32
          %broadcast_in_dim3A_1137 = vector.broadcast %broadcast_in_dim3A_1136 : i32 to vector<16xi32>
          %min3A_1138 = arith.minsi %add3A_1135, %broadcast_in_dim3A_1137 : vector<16xi32>
          %add3A_1139 = arith.constant 112 : i32
          %add3A_1140 = arith.addi %mul3A_862, %add3A_1139 : i32
          %get3A_1141 = arith.index_cast %add3A_860 : i32 to index
          %get3A_1142 = arith.index_cast %add3A_1140 : i32 to index
          %get3A_1143 = tpu.vector_load %arg7[%get3A_1141, %get3A_1142] {strides = array<i32>} : memref<8x768xf32, #tpu.memory_space<vmem>>, vector<16xf32>,
          %gt3A_1144 = arith.cmpf ogt, %get3A_1143, %scan3A_775 : vector<16xf32>
          %jit3A_1145 = arith.constant 1 : i32
          %jit3A_1146 = arith.constant 0 : i32
          %broadcast_in_dim3A_1147 = vector.broadcast %jit3A_1145 : i32 to vector<16xi32>
          %broadcast_in_dim3A_1148 = vector.broadcast %jit3A_1146 : i32 to vector<16xi32>
          %select_n3A_1149 = arith.select %gt3A_1144, %broadcast_in_dim3A_1147, %broadcast_in_dim3A_1148 : vector<16xi1>, vector<16xi32>
          %broadcast_in_dim3A_1150 = arith.constant true
          %broadcast_in_dim3A_1151 = vector.broadcast %broadcast_in_dim3A_1150 : i1 to vector<16xi1>
          %masked_cumsum3A_1152 = tpu.scan <sum>, %select_n3A_1149 masked %broadcast_in_dim3A_1151 : vector<16xi32>, vector<16xi1> -> vector<16xi32>
          %add3A_1153 = arith.addi %min3A_1138, %masked_cumsum3A_1152 : vector<16xi32>
          %sub3A_1154 = arith.constant 1 : i32
          %sub3A_1155 = vector.broadcast %sub3A_1154 : i32 to vector<16xi32>
          %sub3A_1156 = arith.subi %add3A_1153, %sub3A_1155 : vector<16xi32>
          %broadcast_in_dim3A_1157 = arith.constant 4111 : i32
          %broadcast_in_dim3A_1158 = vector.broadcast %broadcast_in_dim3A_1157 : i32 to vector<16xi32>
          %min3A_1159 = arith.minsi %sub3A_1156, %broadcast_in_dim3A_1158 : vector<16xi32>
          tpu.vector_store_idx %arg12[%min3A_1159], %get3A_1143 masked %gt3A_1144 : memref<4112xf32, #tpu.memory_space<vmem>>[vector<16xi32>], vector<16xf32>, vector<16xi1>
          %add3A_1160 = arith.constant 112 : i32
          %add3A_1161 = vector.broadcast %add3A_1160 : i32 to vector<16xi32>
          %add3A_1162 = arith.addi %add3A_780, %add3A_1161 : vector<16xi32>
          tpu.vector_store_idx %arg13[%min3A_1159], %add3A_1162 masked %gt3A_1144 : memref<4112xi32, #tpu.memory_space<vmem>>[vector<16xi32>], vector<16xi32>, vector<16xi1>
          %all_reduce_population_count3A_1163 = tpu.all_reduce %gt3A_1144 {dim = 0 : i64, kind = #tpu.reduction_kind<sum>} : vector<16xi1> -> vector<16xi32>
          %add3A_1164 = arith.addi %min3A_1138, %all_reduce_population_count3A_1163 : vector<16xi32>
          %broadcast_in_dim3A_1165 = arith.constant 4096 : i32
          %broadcast_in_dim3A_1166 = vector.broadcast %broadcast_in_dim3A_1165 : i32 to vector<16xi32>
          %min3A_1167 = arith.minsi %add3A_1164, %broadcast_in_dim3A_1166 : vector<16xi32>
          scf.yield %min3A_1167 : vector<16xi32>
        } else {
          scf.yield %scan3A_774 : vector<16xi32>
        }
        %slice3A_931 = vector.extract_strided_slice %cond3A_930 {offsets = [0], sizes = [1], strides = [1]} : vector<16xi32> to vector<1xi32>
        %squeeze3A_932 = vector.extract %slice3A_931[0] : i32 from vector<1xi32>
        %ge3A_933 = arith.constant 3968 : i32
        %ge3A_934 = arith.cmpi sge, %squeeze3A_932, %ge3A_933 : i32
        %convert_element_type3A_935 = arith.extui %ge3A_934 : i1 to i32
        %cond3A_936 = arith.constant 0 : i32
        %cond3A_937 = arith.cmpi ne, %convert_element_type3A_935, %cond3A_936 : i32
        %cond3A_938:2 = scf.if %cond3A_937 -> (vector<16xi32>, vector<16xf32>) {
          %reduce_max3A_939 = arith.constant true
          %reduce_max3A_940 = vector.broadcast %reduce_max3A_939 : i1 to vector<16xi1>
          %reduce_max3A_941 = arith.constant -2147483648 : i32
          %reduce_max3A_942 = vector.broadcast %reduce_max3A_941 : i32 to vector<16xi32>
          %reduce_max3A_943 = arith.xori %cond3A_930, %reduce_max3A_942 : vector<16xi32>
          %reduce_max3A_944 = tpu.scan <max>, %reduce_max3A_943 masked %reduce_max3A_940 : vector<16xi32>, vector<16xi1> -> vector<16xi32>
          %reduce_max3A_945 = arith.xori %reduce_max3A_944, %reduce_max3A_942 : vector<16xi32>
          %reduce_max3A_946 = vector.extract %reduce_max3A_945[15] : i32 from vector<16xi32>
          %add3A_947 = arith.constant 15 : i32
          %add3A_948 = arith.addi %reduce_max3A_946, %add3A_947 : i32
          %shift_right_arithmetic3A_949 = arith.constant 4 : i32
          %shift_right_arithmetic3A_950 = arith.shrsi %add3A_948, %shift_right_arithmetic3A_949 : i32
          %reduce_max3A_951 = arith.constant true
          %reduce_max3A_952 = vector.broadcast %reduce_max3A_951 : i1 to vector<16xi1>
          %reduce_max3A_953 = arith.constant -2147483648 : i32
          %reduce_max3A_954 = vector.broadcast %reduce_max3A_953 : i32 to vector<16xi32>
          %reduce_max3A_955 = arith.xori %cond3A_930, %reduce_max3A_954 : vector<16xi32>
          %reduce_max3A_956 = tpu.scan <max>, %reduce_max3A_955 masked %reduce_max3A_952 : vector<16xi32>, vector<16xi1> -> vector<16xi32>
          %reduce_max3A_957 = arith.xori %reduce_max3A_956, %reduce_max3A_954 : vector<16xi32>
          %reduce_max3A_958 = vector.extract %reduce_max3A_957[15] : i32 from vector<16xi32>
          %while3A_959 = arith.constant 0 : i32
          %while3A_960 = arith.constant -1 : i32
          %while3A_961:3 = scf.while (%while3A_996 = %while3A_959, %while3A_997 = %while3A_960, %while3A_998 = %reduce_max3A_958) : (i32, i32, i32) -> (i32, i32, i32) {
            %sub3A = arith.subi %while3A_997, %while3A_996 : i32
            %gt3A_999 = arith.constant 1 : i32
            %gt3A_1000 = arith.cmpi ugt, %sub3A, %gt3A_999 : i32
            %lt3A_1001 = arith.constant 100 : i32
            %lt3A_1002 = arith.cmpi slt, %while3A_998, %lt3A_1001 : i32
            %gt3A_1003 = arith.constant 128 : i32
            %gt3A_1004 = arith.cmpi sgt, %while3A_998, %gt3A_1003 : i32
            %or3A_1005 = arith.ori %lt3A_1002, %gt3A_1004 : i1
            %and3A_1006 = arith.andi %gt3A_1000, %or3A_1005 : i1
            scf.condition(%and3A_1006) %while3A_996, %while3A_997, %while3A_998 : i32, i32, i32
          } do {
          ^bb0(%while3A_996: i32, %while3A_997: i32, %while3A_998: i32):
            %sub3A = arith.subi %while3A_997, %while3A_996 : i32
            %shift_right_logical3A = arith.constant 1 : i32
            %shift_right_logical3A_999 = arith.shrui %sub3A, %shift_right_logical3A : i32
            %add3A_1000 = arith.addi %while3A_996, %shift_right_logical3A_999 : i32
            %broadcast_in_dim3A_1001 = vector.broadcast %add3A_1000 : i32 to vector<16xi32>
            %broadcast_in_dim3A_1002 = arith.constant 0 : i32
            %broadcast_in_dim3A_1003 = vector.broadcast %broadcast_in_dim3A_1002 : i32 to vector<16xi32>
            %while3A_1004 = arith.constant 0 : i32
            %while3A_1005 = arith.subi %shift_right_arithmetic3A_950, %while3A_1004 : i32
            %while3A_1006 = arith.addi %while3A_1004, %while3A_1005 : i32
            %while3A_1007 = arith.constant 1 : i32
            %while3A_1008 = arith.divsi %while3A_1005, %while3A_1007 : i32
            %while3A_1009 = arith.muli %while3A_1008, %while3A_1007 : i32
            %while3A_1010 = arith.addi %while3A_1004, %while3A_1009 : i32
            %while3A_1011 = arith.constant 1 : i32
            %while3A_1012 = scf.for %while3A_1028 = %while3A_1004 to %while3A_1010 step %while3A_1011 iter_args(%while3A_1029 = %broadcast_in_dim3A_1003) -> (vector<16xi32>)  : i32 {
              %mul3A_1030 = arith.constant 16 : i32
              %mul3A_1031 = arith.muli %while3A_1028, %mul3A_1030 : i32
              %get3A_1032 = arith.index_cast %mul3A_1031 : i32 to index
              %get3A_1033 = tpu.vector_load %arg12[%get3A_1032] {strides = array<i32>} : memref<4112xf32, #tpu.memory_space<vmem>>, vector<16xf32>,
              %bitcast3A_1034 = vector.bitcast %get3A_1033 : vector<16xf32> to vector<16xi32>
              %ge3A_1035 = arith.constant -2147483648 : i32
              %ge3A_1036 = vector.broadcast %ge3A_1035 : i32 to vector<16xi32>
              %ge3A_1037 = arith.cmpi uge, %bitcast3A_1034, %ge3A_1036 : vector<16xi32>
              %jit3A_1038 = arith.constant -1 : i32
              %jit3A_1039 = arith.constant -2147483648 : i32
              %broadcast_in_dim3A_1040 = vector.broadcast %jit3A_1038 : i32 to vector<16xi32>
              %broadcast_in_dim3A_1041 = vector.broadcast %jit3A_1039 : i32 to vector<16xi32>
              %select_n3A_1042 = arith.select %ge3A_1037, %broadcast_in_dim3A_1040, %broadcast_in_dim3A_1041 : vector<16xi1>, vector<16xi32>
              %xor3A_1043 = arith.xori %bitcast3A_1034, %select_n3A_1042 : vector<16xi32>
              %mul3A_1044 = arith.constant 16 : i32
              %mul3A_1045 = arith.muli %while3A_1028, %mul3A_1044 : i32
              %add3A_1046 = vector.broadcast %mul3A_1045 : i32 to vector<16xi32>
              %add3A_1047 = arith.addi %add3A_1046, %iota3A : vector<16xi32>
              %lt3A_1048 = arith.cmpi slt, %add3A_1047, %cond3A_930 : vector<16xi32>
              %gt3A_1049 = arith.cmpi ugt, %xor3A_1043, %broadcast_in_dim3A_1001 : vector<16xi32>
              %and3A_1050 = arith.andi %gt3A_1049, %lt3A_1048 : vector<16xi1>
              %all_reduce_population_count3A = tpu.all_reduce %and3A_1050 {dim = 0 : i64, kind = #tpu.reduction_kind<sum>} : vector<16xi1> -> vector<16xi32>
              %add3A_1051 = arith.addi %while3A_1029, %all_reduce_population_count3A : vector<16xi32>
              scf.yield %add3A_1051 : vector<16xi32>
            }
            %while3A_1013 = arith.constant 1 : i32
            %while3A_1014 = scf.for %while3A_1028 = %while3A_1010 to %while3A_1006 step %while3A_1013 iter_args(%while3A_1029 = %while3A_1012) -> (vector<16xi32>)  : i32 {
              %mul3A_1030 = arith.constant 16 : i32
              %mul3A_1031 = arith.muli %while3A_1028, %mul3A_1030 : i32
              %get3A_1032 = arith.index_cast %mul3A_1031 : i32 to index
              %get3A_1033 = tpu.vector_load %arg12[%get3A_1032] {strides = array<i32>} : memref<4112xf32, #tpu.memory_space<vmem>>, vector<16xf32>,
              %bitcast3A_1034 = vector.bitcast %get3A_1033 : vector<16xf32> to vector<16xi32>
              %ge3A_1035 = arith.constant -2147483648 : i32
              %ge3A_1036 = vector.broadcast %ge3A_1035 : i32 to vector<16xi32>
              %ge3A_1037 = arith.cmpi uge, %bitcast3A_1034, %ge3A_1036 : vector<16xi32>
              %jit3A_1038 = arith.constant -1 : i32
              %jit3A_1039 = arith.constant -2147483648 : i32
              %broadcast_in_dim3A_1040 = vector.broadcast %jit3A_1038 : i32 to vector<16xi32>
              %broadcast_in_dim3A_1041 = vector.broadcast %jit3A_1039 : i32 to vector<16xi32>
              %select_n3A_1042 = arith.select %ge3A_1037, %broadcast_in_dim3A_1040, %broadcast_in_dim3A_1041 : vector<16xi1>, vector<16xi32>
              %xor3A_1043 = arith.xori %bitcast3A_1034, %select_n3A_1042 : vector<16xi32>
              %mul3A_1044 = arith.constant 16 : i32
              %mul3A_1045 = arith.muli %while3A_1028, %mul3A_1044 : i32
              %add3A_1046 = vector.broadcast %mul3A_1045 : i32 to vector<16xi32>
              %add3A_1047 = arith.addi %add3A_1046, %iota3A : vector<16xi32>
              %lt3A_1048 = arith.cmpi slt, %add3A_1047, %cond3A_930 : vector<16xi32>
              %gt3A_1049 = arith.cmpi ugt, %xor3A_1043, %broadcast_in_dim3A_1001 : vector<16xi32>
              %and3A_1050 = arith.andi %gt3A_1049, %lt3A_1048 : vector<16xi1>
              %all_reduce_population_count3A = tpu.all_reduce %and3A_1050 {dim = 0 : i64, kind = #tpu.reduction_kind<sum>} : vector<16xi1> -> vector<16xi32>
              %add3A_1051 = arith.addi %while3A_1029, %all_reduce_population_count3A : vector<16xi32>
              scf.yield %add3A_1051 : vector<16xi32>
            }
            %reduce_max3A_1015 = arith.constant true
            %reduce_max3A_1016 = vector.broadcast %reduce_max3A_1015 : i1 to vector<16xi1>
            %reduce_max3A_1017 = arith.constant -2147483648 : i32
            %reduce_max3A_1018 = vector.broadcast %reduce_max3A_1017 : i32 to vector<16xi32>
            %reduce_max3A_1019 = arith.xori %while3A_1014, %reduce_max3A_1018 : vector<16xi32>
            %reduce_max3A_1020 = tpu.scan <max>, %reduce_max3A_1019 masked %reduce_max3A_1016 : vector<16xi32>, vector<16xi1> -> vector<16xi32>
            %reduce_max3A_1021 = arith.xori %reduce_max3A_1020, %reduce_max3A_1018 : vector<16xi32>
            %reduce_max3A_1022 = vector.extract %reduce_max3A_1021[15] : i32 from vector<16xi32>
            %ge3A_1023 = arith.constant 100 : i32
            %ge3A_1024 = arith.cmpi sge, %reduce_max3A_1022, %ge3A_1023 : i32
            %select_n3A_1025 = arith.select %ge3A_1024, %add3A_1000, %while3A_996 : i32
            %select_n3A_1026 = arith.select %ge3A_1024, %while3A_997, %add3A_1000 : i32
            %select_n3A_1027 = arith.select %ge3A_1024, %reduce_max3A_1022, %while3A_998 : i32
            scf.yield %select_n3A_1025, %select_n3A_1026, %select_n3A_1027 : i32, i32, i32
          }
          %broadcast_in_dim3A_962 = vector.broadcast %while3A_961#0 : i32 to vector<16xi32>
          %reduce_max3A_963 = arith.constant true
          %reduce_max3A_964 = vector.broadcast %reduce_max3A_963 : i1 to vector<16xi1>
          %reduce_max3A_965 = arith.constant -2147483648 : i32
          %reduce_max3A_966 = vector.broadcast %reduce_max3A_965 : i32 to vector<16xi32>
          %reduce_max3A_967 = arith.xori %cond3A_930, %reduce_max3A_966 : vector<16xi32>
          %reduce_max3A_968 = tpu.scan <max>, %reduce_max3A_967 masked %reduce_max3A_964 : vector<16xi32>, vector<16xi1> -> vector<16xi32>
          %reduce_max3A_969 = arith.xori %reduce_max3A_968, %reduce_max3A_966 : vector<16xi32>
          %reduce_max3A_970 = vector.extract %reduce_max3A_969[15] : i32 from vector<16xi32>
          %add3A_971 = arith.constant 15 : i32
          %add3A_972 = arith.addi %reduce_max3A_970, %add3A_971 : i32
          %shift_right_arithmetic3A_973 = arith.constant 4 : i32
          %shift_right_arithmetic3A_974 = arith.shrsi %add3A_972, %shift_right_arithmetic3A_973 : i32
          %broadcast_in_dim3A_975 = arith.constant 0 : i32
          %broadcast_in_dim3A_976 = vector.broadcast %broadcast_in_dim3A_975 : i32 to vector<16xi32>
          %while3A_977 = arith.constant 0 : i32
          %while3A_978 = arith.subi %shift_right_arithmetic3A_974, %while3A_977 : i32
          %while3A_979 = arith.addi %while3A_977, %while3A_978 : i32
          %while3A_980 = arith.constant 1 : i32
          %while3A_981 = arith.divsi %while3A_978, %while3A_980 : i32
          %while3A_982 = arith.muli %while3A_981, %while3A_980 : i32
          %while3A_983 = arith.addi %while3A_977, %while3A_982 : i32
          %while3A_984 = arith.constant 1 : i32
          %while3A_985 = scf.for %while3A_996 = %while3A_977 to %while3A_983 step %while3A_984 iter_args(%while3A_997 = %broadcast_in_dim3A_976) -> (vector<16xi32>)  : i32 {
            %mul3A_998 = arith.constant 16 : i32
            %mul3A_999 = arith.muli %while3A_996, %mul3A_998 : i32
            %get3A_1000 = arith.index_cast %mul3A_999 : i32 to index
            %get3A_1001 = tpu.vector_load %arg12[%get3A_1000] {strides = array<i32>} : memref<4112xf32, #tpu.memory_space<vmem>>, vector<16xf32>,
            %mul3A_1002 = arith.constant 16 : i32
            %mul3A_1003 = arith.muli %while3A_996, %mul3A_1002 : i32
            %get3A_1004 = arith.index_cast %mul3A_1003 : i32 to index
            %get3A_1005 = tpu.vector_load %arg13[%get3A_1004] {strides = array<i32>} : memref<4112xi32, #tpu.memory_space<vmem>>, vector<16xi32>,
            %mul3A_1006 = arith.constant 16 : i32
            %mul3A_1007 = arith.muli %while3A_996, %mul3A_1006 : i32
            %add3A_1008 = vector.broadcast %mul3A_1007 : i32 to vector<16xi32>
            %add3A_1009 = arith.addi %add3A_1008, %iota3A : vector<16xi32>
            %lt3A_1010 = arith.cmpi slt, %add3A_1009, %cond3A_930 : vector<16xi32>
            %bitcast3A_1011 = vector.bitcast %get3A_1001 : vector<16xf32> to vector<16xi32>
            %ge3A_1012 = arith.constant -2147483648 : i32
            %ge3A_1013 = vector.broadcast %ge3A_1012 : i32 to vector<16xi32>
            %ge3A_1014 = arith.cmpi uge, %bitcast3A_1011, %ge3A_1013 : vector<16xi32>
            %jit3A_1015 = arith.constant -1 : i32
            %jit3A_1016 = arith.constant -2147483648 : i32
            %broadcast_in_dim3A_1017 = vector.broadcast %jit3A_1015 : i32 to vector<16xi32>
            %broadcast_in_dim3A_1018 = vector.broadcast %jit3A_1016 : i32 to vector<16xi32>
            %select_n3A_1019 = arith.select %ge3A_1014, %broadcast_in_dim3A_1017, %broadcast_in_dim3A_1018 : vector<16xi1>, vector<16xi32>
            %xor3A_1020 = arith.xori %bitcast3A_1011, %select_n3A_1019 : vector<16xi32>
            %gt3A_1021 = arith.cmpi ugt, %xor3A_1020, %broadcast_in_dim3A_962 : vector<16xi32>
            %and3A_1022 = arith.andi %gt3A_1021, %lt3A_1010 : vector<16xi1>
            %jit3A_1023 = arith.constant 1 : i32
            %jit3A_1024 = arith.constant 0 : i32
            %broadcast_in_dim3A_1025 = vector.broadcast %jit3A_1023 : i32 to vector<16xi32>
            %broadcast_in_dim3A_1026 = vector.broadcast %jit3A_1024 : i32 to vector<16xi32>
            %select_n3A_1027 = arith.select %and3A_1022, %broadcast_in_dim3A_1025, %broadcast_in_dim3A_1026 : vector<16xi1>, vector<16xi32>
            %broadcast_in_dim3A_1028 = arith.constant true
            %broadcast_in_dim3A_1029 = vector.broadcast %broadcast_in_dim3A_1028 : i1 to vector<16xi1>
            %masked_cumsum3A = tpu.scan <sum>, %select_n3A_1027 masked %broadcast_in_dim3A_1029 : vector<16xi32>, vector<16xi1> -> vector<16xi32>
            %add3A_1030 = arith.addi %while3A_997, %masked_cumsum3A : vector<16xi32>
            %sub3A = arith.constant 1 : i32
            %sub3A_1031 = vector.broadcast %sub3A : i32 to vector<16xi32>
            %sub3A_1032 = arith.subi %add3A_1030, %sub3A_1031 : vector<16xi32>
            %min3A_1033 = arith.constant 4095 : i32
            %min3A_1034 = vector.broadcast %min3A_1033 : i32 to vector<16xi32>
            %min3A_1035 = arith.minsi %sub3A_1032, %min3A_1034 : vector<16xi32>
            tpu.vector_store_idx %arg12[%min3A_1035], %get3A_1001 masked %and3A_1022 : memref<4112xf32, #tpu.memory_space<vmem>>[vector<16xi32>], vector<16xf32>, vector<16xi1>
            tpu.vector_store_idx %arg13[%min3A_1035], %get3A_1005 masked %and3A_1022 : memref<4112xi32, #tpu.memory_space<vmem>>[vector<16xi32>], vector<16xi32>, vector<16xi1>
            %all_reduce_population_count3A = tpu.all_reduce %and3A_1022 {dim = 0 : i64, kind = #tpu.reduction_kind<sum>} : vector<16xi1> -> vector<16xi32>
            %add3A_1036 = arith.addi %while3A_997, %all_reduce_population_count3A : vector<16xi32>
            %broadcast_in_dim3A_1037 = arith.constant 4096 : i32
            %broadcast_in_dim3A_1038 = vector.broadcast %broadcast_in_dim3A_1037 : i32 to vector<16xi32>
            %min3A_1039 = arith.minsi %add3A_1036, %broadcast_in_dim3A_1038 : vector<16xi32>
            scf.yield %min3A_1039 : vector<16xi32>
          }
          %while3A_986 = arith.constant 1 : i32
          %while3A_987 = scf.for %while3A_996 = %while3A_983 to %while3A_979 step %while3A_986 iter_args(%while3A_997 = %while3A_985) -> (vector<16xi32>)  : i32 {
            %mul3A_998 = arith.constant 16 : i32
            %mul3A_999 = arith.muli %while3A_996, %mul3A_998 : i32
            %get3A_1000 = arith.index_cast %mul3A_999 : i32 to index
            %get3A_1001 = tpu.vector_load %arg12[%get3A_1000] {strides = array<i32>} : memref<4112xf32, #tpu.memory_space<vmem>>, vector<16xf32>,
            %mul3A_1002 = arith.constant 16 : i32
            %mul3A_1003 = arith.muli %while3A_996, %mul3A_1002 : i32
            %get3A_1004 = arith.index_cast %mul3A_1003 : i32 to index
            %get3A_1005 = tpu.vector_load %arg13[%get3A_1004] {strides = array<i32>} : memref<4112xi32, #tpu.memory_space<vmem>>, vector<16xi32>,
            %mul3A_1006 = arith.constant 16 : i32
            %mul3A_1007 = arith.muli %while3A_996, %mul3A_1006 : i32
            %add3A_1008 = vector.broadcast %mul3A_1007 : i32 to vector<16xi32>
            %add3A_1009 = arith.addi %add3A_1008, %iota3A : vector<16xi32>
            %lt3A_1010 = arith.cmpi slt, %add3A_1009, %cond3A_930 : vector<16xi32>
            %bitcast3A_1011 = vector.bitcast %get3A_1001 : vector<16xf32> to vector<16xi32>
            %ge3A_1012 = arith.constant -2147483648 : i32
            %ge3A_1013 = vector.broadcast %ge3A_1012 : i32 to vector<16xi32>
            %ge3A_1014 = arith.cmpi uge, %bitcast3A_1011, %ge3A_1013 : vector<16xi32>
            %jit3A_1015 = arith.constant -1 : i32
            %jit3A_1016 = arith.constant -2147483648 : i32
            %broadcast_in_dim3A_1017 = vector.broadcast %jit3A_1015 : i32 to vector<16xi32>
            %broadcast_in_dim3A_1018 = vector.broadcast %jit3A_1016 : i32 to vector<16xi32>
            %select_n3A_1019 = arith.select %ge3A_1014, %broadcast_in_dim3A_1017, %broadcast_in_dim3A_1018 : vector<16xi1>, vector<16xi32>
            %xor3A_1020 = arith.xori %bitcast3A_1011, %select_n3A_1019 : vector<16xi32>
            %gt3A_1021 = arith.cmpi ugt, %xor3A_1020, %broadcast_in_dim3A_962 : vector<16xi32>
            %and3A_1022 = arith.andi %gt3A_1021, %lt3A_1010 : vector<16xi1>
            %jit3A_1023 = arith.constant 1 : i32
            %jit3A_1024 = arith.constant 0 : i32
            %broadcast_in_dim3A_1025 = vector.broadcast %jit3A_1023 : i32 to vector<16xi32>
            %broadcast_in_dim3A_1026 = vector.broadcast %jit3A_1024 : i32 to vector<16xi32>
            %select_n3A_1027 = arith.select %and3A_1022, %broadcast_in_dim3A_1025, %broadcast_in_dim3A_1026 : vector<16xi1>, vector<16xi32>
            %broadcast_in_dim3A_1028 = arith.constant true
            %broadcast_in_dim3A_1029 = vector.broadcast %broadcast_in_dim3A_1028 : i1 to vector<16xi1>
            %masked_cumsum3A = tpu.scan <sum>, %select_n3A_1027 masked %broadcast_in_dim3A_1029 : vector<16xi32>, vector<16xi1> -> vector<16xi32>
            %add3A_1030 = arith.addi %while3A_997, %masked_cumsum3A : vector<16xi32>
            %sub3A = arith.constant 1 : i32
            %sub3A_1031 = vector.broadcast %sub3A : i32 to vector<16xi32>
            %sub3A_1032 = arith.subi %add3A_1030, %sub3A_1031 : vector<16xi32>
            %min3A_1033 = arith.constant 4095 : i32
            %min3A_1034 = vector.broadcast %min3A_1033 : i32 to vector<16xi32>
            %min3A_1035 = arith.minsi %sub3A_1032, %min3A_1034 : vector<16xi32>
            tpu.vector_store_idx %arg12[%min3A_1035], %get3A_1001 masked %and3A_1022 : memref<4112xf32, #tpu.memory_space<vmem>>[vector<16xi32>], vector<16xf32>, vector<16xi1>
            tpu.vector_store_idx %arg13[%min3A_1035], %get3A_1005 masked %and3A_1022 : memref<4112xi32, #tpu.memory_space<vmem>>[vector<16xi32>], vector<16xi32>, vector<16xi1>
            %all_reduce_population_count3A = tpu.all_reduce %and3A_1022 {dim = 0 : i64, kind = #tpu.reduction_kind<sum>} : vector<16xi1> -> vector<16xi32>
            %add3A_1036 = arith.addi %while3A_997, %all_reduce_population_count3A : vector<16xi32>
            %broadcast_in_dim3A_1037 = arith.constant 4096 : i32
            %broadcast_in_dim3A_1038 = vector.broadcast %broadcast_in_dim3A_1037 : i32 to vector<16xi32>
            %min3A_1039 = arith.minsi %add3A_1036, %broadcast_in_dim3A_1038 : vector<16xi32>
            scf.yield %min3A_1039 : vector<16xi32>
          }
          %ge3A_988 = arith.constant -2147483648 : i32
          %ge3A_989 = vector.broadcast %ge3A_988 : i32 to vector<16xi32>
          %ge3A_990 = arith.cmpi uge, %broadcast_in_dim3A_962, %ge3A_989 : vector<16xi32>
          %jit3A_991 = arith.constant -2147483648 : i32
          %jit3A_992 = arith.constant -1 : i32
          %broadcast_in_dim3A_993 = vector.broadcast %jit3A_991 : i32 to vector<16xi32>
          %broadcast_in_dim3A_994 = vector.broadcast %jit3A_992 : i32 to vector<16xi32>
          %select_n3A_995 = arith.select %ge3A_990, %broadcast_in_dim3A_993, %broadcast_in_dim3A_994 : vector<16xi1>, vector<16xi32>
          %xor3A = arith.xori %broadcast_in_dim3A_962, %select_n3A_995 : vector<16xi32>
          %bitcast3A = vector.bitcast %xor3A : vector<16xi32> to vector<16xf32>
          scf.yield %while3A_987, %bitcast3A : vector<16xi32>, vector<16xf32>
        } else {
          scf.yield %cond3A_930, %scan3A_775 : vector<16xi32>, vector<16xf32>
        }
        scf.yield %cond3A_858#0, %cond3A_858#1, %cond3A_938#0, %cond3A_938#1 : vector<16xi32>, vector<16xf32>, vector<16xi32>, vector<16xf32>
      }
      %scan3A_748 = arith.constant 6 : i32
      %lt3A_749 = arith.constant 650 : i32
      %lt3A_750 = arith.cmpi slt, %scan3A_723, %lt3A_749 : i32
      %convert_element_type3A_751 = arith.extui %lt3A_750 : i1 to i32
      %cond3A_752 = arith.constant 0 : i32
      %cond3A_753 = arith.cmpi ne, %convert_element_type3A_751, %cond3A_752 : i32
      scf.if %cond3A_753 {
        %add3A_771 = arith.constant 2 : i32
        %add3A_772 = arith.addi %mul3A_729, %add3A_771 : i32
        %mul3A_773 = arith.constant 768 : i32
        %mul3A_774 = arith.muli %add3A_772, %mul3A_773 : i32
        %multiple_of3A_775 = tpu.assume_multiple %mul3A_774, 128 : i32
        %dma_start3A_776 = tpu.memref_slice %arg2[%multiple_of3A, %multiple_of3A_775] : memref<64x1000000xf32, #tpu.memory_space<hbm>> -> memref<8x768xf32, #tpu.memory_space<hbm>>
        %dma_start3A_777 = tpu.memref_slice %arg2[%multiple_of3A, %multiple_of3A_775] : memref<64x1000000xf32, #tpu.memory_space<hbm>> -> memref<8x768xf32, #tpu.memory_space<hbm>>
        tpu.enqueue_dma source(%dma_start3A_777 : memref<8x768xf32, #tpu.memory_space<hbm>>) target(%arg7 : memref<8x768xf32, #tpu.memory_space<vmem>>) target_semaphore(%arg20 : memref<!tpu.dma_semaphore, #tpu.memory_space<semaphore_mem>>)
      } else {
      }
      %add3A_754 = arith.constant 1 : i32
      %add3A_755 = arith.addi %mul3A_729, %add3A_754 : i32
      %mul3A_756 = arith.constant 768 : i32
      %mul3A_757 = arith.muli %add3A_755, %mul3A_756 : i32
      %multiple_of3A_758 = tpu.assume_multiple %mul3A_757, 128 : i32
      %dma_wait3A_759 = tpu.memref_slice %arg2[%multiple_of3A, %multiple_of3A_758] : memref<64x1000000xf32, #tpu.memory_space<hbm>> -> memref<8x768xf32, #tpu.memory_space<hbm>>
      %dma_wait3A_760 = tpu.memref_slice %arg2[%multiple_of3A, %multiple_of3A_758] : memref<64x1000000xf32, #tpu.memory_space<hbm>> -> memref<8x768xf32, #tpu.memory_space<hbm>>
      tpu.wait_dma2 semaphore(%arg21 : memref<!tpu.dma_semaphore, #tpu.memory_space<semaphore_mem>>) src(%dma_wait3A_760 : memref<8x768xf32, #tpu.memory_space<hbm>>) dst(%arg8 : memref<8x768xf32, #tpu.memory_space<vmem>>)
      %add3A_761 = arith.constant 1 : i32
      %add3A_762 = arith.addi %mul3A_729, %add3A_761 : i32
      %mul3A_763 = arith.constant 768 : i32
      %mul3A_764 = arith.muli %add3A_762, %mul3A_763 : i32
      %scan3A_765 = arith.constant 0 : i32
      %scan3A_766 = arith.constant 6 : i32
      %scan3A_767 = arith.addi %scan3A_765, %scan3A_766 : i32
      %scan3A_768 = arith.constant 1 : i32
      %scan3A_769:4 = scf.for %scan3A_771 = %scan3A_765 to %scan3A_767 step %scan3A_768 iter_args(%scan3A_772 = %scan3A_747#0, %scan3A_773 = %scan3A_747#1, %scan3A_774 = %scan3A_747#2, %scan3A_775 = %scan3A_747#3) -> (vector<16xi32>, vector<16xf32>, vector<16xi32>, vector<16xf32>)  : i32 {
        %mul3A_776 = arith.constant 128 : i32
        %mul3A_777 = arith.muli %scan3A_771, %mul3A_776 : i32
        %add3A_778 = arith.addi %mul3A_764, %mul3A_777 : i32
        %add3A_779 = vector.broadcast %add3A_778 : i32 to vector<16xi32>
        %add3A_780 = arith.addi %add3A_779, %iota3A : vector<16xi32>
        %mul3A_781 = arith.constant 128 : i32
        %mul3A_782 = arith.muli %scan3A_771, %mul3A_781 : i32
        %get3A_783 = arith.index_cast %select_n3A_14 : i32 to index
        %get3A_784 = arith.index_cast %mul3A_782 : i32 to index
        %get3A_785 = tpu.vector_load %arg8[%get3A_783, %get3A_784] {strides = array<i32>} : memref<8x768xf32, #tpu.memory_space<vmem>>, vector<16xf32>,
        %gt3A_786 = arith.cmpf ogt, %get3A_785, %scan3A_773 : vector<16xf32>
        %add3A_787 = arith.constant 16 : i32
        %add3A_788 = arith.addi %mul3A_782, %add3A_787 : i32
        %get3A_789 = arith.index_cast %select_n3A_14 : i32 to index
        %get3A_790 = arith.index_cast %add3A_788 : i32 to index
        %get3A_791 = tpu.vector_load %arg8[%get3A_789, %get3A_790] {strides = array<i32>} : memref<8x768xf32, #tpu.memory_space<vmem>>, vector<16xf32>,
        %gt3A_792 = arith.cmpf ogt, %get3A_791, %scan3A_773 : vector<16xf32>
        %or3A_793 = arith.ori %gt3A_786, %gt3A_792 : vector<16xi1>
        %add3A_794 = arith.constant 32 : i32
        %add3A_795 = arith.addi %mul3A_782, %add3A_794 : i32
        %get3A_796 = arith.index_cast %select_n3A_14 : i32 to index
        %get3A_797 = arith.index_cast %add3A_795 : i32 to index
        %get3A_798 = tpu.vector_load %arg8[%get3A_796, %get3A_797] {strides = array<i32>} : memref<8x768xf32, #tpu.memory_space<vmem>>, vector<16xf32>,
        %gt3A_799 = arith.cmpf ogt, %get3A_798, %scan3A_773 : vector<16xf32>
        %or3A_800 = arith.ori %or3A_793, %gt3A_799 : vector<16xi1>
        %add3A_801 = arith.constant 48 : i32
        %add3A_802 = arith.addi %mul3A_782, %add3A_801 : i32
        %get3A_803 = arith.index_cast %select_n3A_14 : i32 to index
        %get3A_804 = arith.index_cast %add3A_802 : i32 to index
        %get3A_805 = tpu.vector_load %arg8[%get3A_803, %get3A_804] {strides = array<i32>} : memref<8x768xf32, #tpu.memory_space<vmem>>, vector<16xf32>,
        %gt3A_806 = arith.cmpf ogt, %get3A_805, %scan3A_773 : vector<16xf32>
        %or3A_807 = arith.ori %or3A_800, %gt3A_806 : vector<16xi1>
        %add3A_808 = arith.constant 64 : i32
        %add3A_809 = arith.addi %mul3A_782, %add3A_808 : i32
        %get3A_810 = arith.index_cast %select_n3A_14 : i32 to index
        %get3A_811 = arith.index_cast %add3A_809 : i32 to index
        %get3A_812 = tpu.vector_load %arg8[%get3A_810, %get3A_811] {strides = array<i32>} : memref<8x768xf32, #tpu.memory_space<vmem>>, vector<16xf32>,
        %gt3A_813 = arith.cmpf ogt, %get3A_812, %scan3A_773 : vector<16xf32>
        %or3A_814 = arith.ori %or3A_807, %gt3A_813 : vector<16xi1>
        %add3A_815 = arith.constant 80 : i32
        %add3A_816 = arith.addi %mul3A_782, %add3A_815 : i32
        %get3A_817 = arith.index_cast %select_n3A_14 : i32 to index
        %get3A_818 = arith.index_cast %add3A_816 : i32 to index
        %get3A_819 = tpu.vector_load %arg8[%get3A_817, %get3A_818] {strides = array<i32>} : memref<8x768xf32, #tpu.memory_space<vmem>>, vector<16xf32>,
        %gt3A_820 = arith.cmpf ogt, %get3A_819, %scan3A_773 : vector<16xf32>
        %or3A_821 = arith.ori %or3A_814, %gt3A_820 : vector<16xi1>
        %add3A_822 = arith.constant 96 : i32
        %add3A_823 = arith.addi %mul3A_782, %add3A_822 : i32
        %get3A_824 = arith.index_cast %select_n3A_14 : i32 to index
        %get3A_825 = arith.index_cast %add3A_823 : i32 to index
        %get3A_826 = tpu.vector_load %arg8[%get3A_824, %get3A_825] {strides = array<i32>} : memref<8x768xf32, #tpu.memory_space<vmem>>, vector<16xf32>,
        %gt3A_827 = arith.cmpf ogt, %get3A_826, %scan3A_773 : vector<16xf32>
        %or3A_828 = arith.ori %or3A_821, %gt3A_827 : vector<16xi1>
        %add3A_829 = arith.constant 112 : i32
        %add3A_830 = arith.addi %mul3A_782, %add3A_829 : i32
        %get3A_831 = arith.index_cast %select_n3A_14 : i32 to index
        %get3A_832 = arith.index_cast %add3A_830 : i32 to index
        %get3A_833 = tpu.vector_load %arg8[%get3A_831, %get3A_832] {strides = array<i32>} : memref<8x768xf32, #tpu.memory_space<vmem>>, vector<16xf32>,
        %gt3A_834 = arith.cmpf ogt, %get3A_833, %scan3A_773 : vector<16xf32>
        %or3A_835 = arith.ori %or3A_828, %gt3A_834 : vector<16xi1>
        %reduce_or3A_836 = arith.constant 1.000000e+00 : f32
        %reduce_or3A_837 = arith.constant 0.000000e+00 : f32
        %reduce_or3A_838 = vector.broadcast %reduce_or3A_836 : f32 to vector<16xf32>
        %reduce_or3A_839 = vector.broadcast %reduce_or3A_837 : f32 to vector<16xf32>
        %reduce_or3A_840 = arith.select %or3A_835, %reduce_or3A_838, %reduce_or3A_839 : vector<16xi1>, vector<16xf32>
        %reduce_or3A_841 = arith.constant true
        %reduce_or3A_842 = vector.broadcast %reduce_or3A_841 : i1 to vector<16xi1>
        %reduce_or3A_843 = tpu.scan <max>, %reduce_or3A_840 masked %reduce_or3A_842 : vector<16xf32>, vector<16xi1> -> vector<16xf32>
        %reduce_or3A_844 = vector.extract %reduce_or3A_843[15] : f32 from vector<16xf32>
        %reduce_or3A_845 = arith.constant 0.000000e+00 : f32
        %reduce_or3A_846 = arith.cmpf ogt, %reduce_or3A_844, %reduce_or3A_845 : f32
        %convert_element_type3A_847 = arith.extui %reduce_or3A_846 : i1 to i32
        %cond3A_848 = arith.constant 0 : i32
        %cond3A_849 = arith.cmpi ne, %convert_element_type3A_847, %cond3A_848 : i32
        %cond3A_850 = scf.if %cond3A_849 -> (vector<16xi32>) {
          %add3A_939 = arith.constant 0 : i32
          %add3A_940 = arith.addi %mul3A_782, %add3A_939 : i32
          %get3A_941 = arith.index_cast %select_n3A_14 : i32 to index
          %get3A_942 = arith.index_cast %add3A_940 : i32 to index
          %get3A_943 = tpu.vector_load %arg8[%get3A_941, %get3A_942] {strides = array<i32>} : memref<8x768xf32, #tpu.memory_space<vmem>>, vector<16xf32>,
          %gt3A_944 = arith.cmpf ogt, %get3A_943, %scan3A_773 : vector<16xf32>
          %jit3A_945 = arith.constant 1 : i32
          %jit3A_946 = arith.constant 0 : i32
          %broadcast_in_dim3A_947 = vector.broadcast %jit3A_945 : i32 to vector<16xi32>
          %broadcast_in_dim3A_948 = vector.broadcast %jit3A_946 : i32 to vector<16xi32>
          %select_n3A_949 = arith.select %gt3A_944, %broadcast_in_dim3A_947, %broadcast_in_dim3A_948 : vector<16xi1>, vector<16xi32>
          %broadcast_in_dim3A_950 = arith.constant true
          %broadcast_in_dim3A_951 = vector.broadcast %broadcast_in_dim3A_950 : i1 to vector<16xi1>
          %masked_cumsum3A = tpu.scan <sum>, %select_n3A_949 masked %broadcast_in_dim3A_951 : vector<16xi32>, vector<16xi1> -> vector<16xi32>
          %add3A_952 = arith.addi %scan3A_772, %masked_cumsum3A : vector<16xi32>
          %sub3A = arith.constant 1 : i32
          %sub3A_953 = vector.broadcast %sub3A : i32 to vector<16xi32>
          %sub3A_954 = arith.subi %add3A_952, %sub3A_953 : vector<16xi32>
          %broadcast_in_dim3A_955 = arith.constant 4111 : i32
          %broadcast_in_dim3A_956 = vector.broadcast %broadcast_in_dim3A_955 : i32 to vector<16xi32>
          %min3A_957 = arith.minsi %sub3A_954, %broadcast_in_dim3A_956 : vector<16xi32>
          tpu.vector_store_idx %arg10[%min3A_957], %get3A_943 masked %gt3A_944 : memref<4112xf32, #tpu.memory_space<vmem>>[vector<16xi32>], vector<16xf32>, vector<16xi1>
          %add3A_958 = arith.constant 0 : i32
          %add3A_959 = vector.broadcast %add3A_958 : i32 to vector<16xi32>
          %add3A_960 = arith.addi %add3A_780, %add3A_959 : vector<16xi32>
          tpu.vector_store_idx %arg11[%min3A_957], %add3A_960 masked %gt3A_944 : memref<4112xi32, #tpu.memory_space<vmem>>[vector<16xi32>], vector<16xi32>, vector<16xi1>
          %all_reduce_population_count3A = tpu.all_reduce %gt3A_944 {dim = 0 : i64, kind = #tpu.reduction_kind<sum>} : vector<16xi1> -> vector<16xi32>
          %add3A_961 = arith.addi %scan3A_772, %all_reduce_population_count3A : vector<16xi32>
          %broadcast_in_dim3A_962 = arith.constant 4096 : i32
          %broadcast_in_dim3A_963 = vector.broadcast %broadcast_in_dim3A_962 : i32 to vector<16xi32>
          %min3A_964 = arith.minsi %add3A_961, %broadcast_in_dim3A_963 : vector<16xi32>
          %add3A_965 = arith.constant 16 : i32
          %add3A_966 = arith.addi %mul3A_782, %add3A_965 : i32
          %get3A_967 = arith.index_cast %select_n3A_14 : i32 to index
          %get3A_968 = arith.index_cast %add3A_966 : i32 to index
          %get3A_969 = tpu.vector_load %arg8[%get3A_967, %get3A_968] {strides = array<i32>} : memref<8x768xf32, #tpu.memory_space<vmem>>, vector<16xf32>,
          %gt3A_970 = arith.cmpf ogt, %get3A_969, %scan3A_773 : vector<16xf32>
          %jit3A_971 = arith.constant 1 : i32
          %jit3A_972 = arith.constant 0 : i32
          %broadcast_in_dim3A_973 = vector.broadcast %jit3A_971 : i32 to vector<16xi32>
          %broadcast_in_dim3A_974 = vector.broadcast %jit3A_972 : i32 to vector<16xi32>
          %select_n3A_975 = arith.select %gt3A_970, %broadcast_in_dim3A_973, %broadcast_in_dim3A_974 : vector<16xi1>, vector<16xi32>
          %broadcast_in_dim3A_976 = arith.constant true
          %broadcast_in_dim3A_977 = vector.broadcast %broadcast_in_dim3A_976 : i1 to vector<16xi1>
          %masked_cumsum3A_978 = tpu.scan <sum>, %select_n3A_975 masked %broadcast_in_dim3A_977 : vector<16xi32>, vector<16xi1> -> vector<16xi32>
          %add3A_979 = arith.addi %min3A_964, %masked_cumsum3A_978 : vector<16xi32>
          %sub3A_980 = arith.constant 1 : i32
          %sub3A_981 = vector.broadcast %sub3A_980 : i32 to vector<16xi32>
          %sub3A_982 = arith.subi %add3A_979, %sub3A_981 : vector<16xi32>
          %broadcast_in_dim3A_983 = arith.constant 4111 : i32
          %broadcast_in_dim3A_984 = vector.broadcast %broadcast_in_dim3A_983 : i32 to vector<16xi32>
          %min3A_985 = arith.minsi %sub3A_982, %broadcast_in_dim3A_984 : vector<16xi32>
          tpu.vector_store_idx %arg10[%min3A_985], %get3A_969 masked %gt3A_970 : memref<4112xf32, #tpu.memory_space<vmem>>[vector<16xi32>], vector<16xf32>, vector<16xi1>
          %add3A_986 = arith.constant 16 : i32
          %add3A_987 = vector.broadcast %add3A_986 : i32 to vector<16xi32>
          %add3A_988 = arith.addi %add3A_780, %add3A_987 : vector<16xi32>
          tpu.vector_store_idx %arg11[%min3A_985], %add3A_988 masked %gt3A_970 : memref<4112xi32, #tpu.memory_space<vmem>>[vector<16xi32>], vector<16xi32>, vector<16xi1>
          %all_reduce_population_count3A_989 = tpu.all_reduce %gt3A_970 {dim = 0 : i64, kind = #tpu.reduction_kind<sum>} : vector<16xi1> -> vector<16xi32>
          %add3A_990 = arith.addi %min3A_964, %all_reduce_population_count3A_989 : vector<16xi32>
          %broadcast_in_dim3A_991 = arith.constant 4096 : i32
          %broadcast_in_dim3A_992 = vector.broadcast %broadcast_in_dim3A_991 : i32 to vector<16xi32>
          %min3A_993 = arith.minsi %add3A_990, %broadcast_in_dim3A_992 : vector<16xi32>
          %add3A_994 = arith.constant 32 : i32
          %add3A_995 = arith.addi %mul3A_782, %add3A_994 : i32
          %get3A_996 = arith.index_cast %select_n3A_14 : i32 to index
          %get3A_997 = arith.index_cast %add3A_995 : i32 to index
          %get3A_998 = tpu.vector_load %arg8[%get3A_996, %get3A_997] {strides = array<i32>} : memref<8x768xf32, #tpu.memory_space<vmem>>, vector<16xf32>,
          %gt3A_999 = arith.cmpf ogt, %get3A_998, %scan3A_773 : vector<16xf32>
          %jit3A_1000 = arith.constant 1 : i32
          %jit3A_1001 = arith.constant 0 : i32
          %broadcast_in_dim3A_1002 = vector.broadcast %jit3A_1000 : i32 to vector<16xi32>
          %broadcast_in_dim3A_1003 = vector.broadcast %jit3A_1001 : i32 to vector<16xi32>
          %select_n3A_1004 = arith.select %gt3A_999, %broadcast_in_dim3A_1002, %broadcast_in_dim3A_1003 : vector<16xi1>, vector<16xi32>
          %broadcast_in_dim3A_1005 = arith.constant true
          %broadcast_in_dim3A_1006 = vector.broadcast %broadcast_in_dim3A_1005 : i1 to vector<16xi1>
          %masked_cumsum3A_1007 = tpu.scan <sum>, %select_n3A_1004 masked %broadcast_in_dim3A_1006 : vector<16xi32>, vector<16xi1> -> vector<16xi32>
          %add3A_1008 = arith.addi %min3A_993, %masked_cumsum3A_1007 : vector<16xi32>
          %sub3A_1009 = arith.constant 1 : i32
          %sub3A_1010 = vector.broadcast %sub3A_1009 : i32 to vector<16xi32>
          %sub3A_1011 = arith.subi %add3A_1008, %sub3A_1010 : vector<16xi32>
          %broadcast_in_dim3A_1012 = arith.constant 4111 : i32
          %broadcast_in_dim3A_1013 = vector.broadcast %broadcast_in_dim3A_1012 : i32 to vector<16xi32>
          %min3A_1014 = arith.minsi %sub3A_1011, %broadcast_in_dim3A_1013 : vector<16xi32>
          tpu.vector_store_idx %arg10[%min3A_1014], %get3A_998 masked %gt3A_999 : memref<4112xf32, #tpu.memory_space<vmem>>[vector<16xi32>], vector<16xf32>, vector<16xi1>
          %add3A_1015 = arith.constant 32 : i32
          %add3A_1016 = vector.broadcast %add3A_1015 : i32 to vector<16xi32>
          %add3A_1017 = arith.addi %add3A_780, %add3A_1016 : vector<16xi32>
          tpu.vector_store_idx %arg11[%min3A_1014], %add3A_1017 masked %gt3A_999 : memref<4112xi32, #tpu.memory_space<vmem>>[vector<16xi32>], vector<16xi32>, vector<16xi1>
          %all_reduce_population_count3A_1018 = tpu.all_reduce %gt3A_999 {dim = 0 : i64, kind = #tpu.reduction_kind<sum>} : vector<16xi1> -> vector<16xi32>
          %add3A_1019 = arith.addi %min3A_993, %all_reduce_population_count3A_1018 : vector<16xi32>
          %broadcast_in_dim3A_1020 = arith.constant 4096 : i32
          %broadcast_in_dim3A_1021 = vector.broadcast %broadcast_in_dim3A_1020 : i32 to vector<16xi32>
          %min3A_1022 = arith.minsi %add3A_1019, %broadcast_in_dim3A_1021 : vector<16xi32>
          %add3A_1023 = arith.constant 48 : i32
          %add3A_1024 = arith.addi %mul3A_782, %add3A_1023 : i32
          %get3A_1025 = arith.index_cast %select_n3A_14 : i32 to index
          %get3A_1026 = arith.index_cast %add3A_1024 : i32 to index
          %get3A_1027 = tpu.vector_load %arg8[%get3A_1025, %get3A_1026] {strides = array<i32>} : memref<8x768xf32, #tpu.memory_space<vmem>>, vector<16xf32>,
          %gt3A_1028 = arith.cmpf ogt, %get3A_1027, %scan3A_773 : vector<16xf32>
          %jit3A_1029 = arith.constant 1 : i32
          %jit3A_1030 = arith.constant 0 : i32
          %broadcast_in_dim3A_1031 = vector.broadcast %jit3A_1029 : i32 to vector<16xi32>
          %broadcast_in_dim3A_1032 = vector.broadcast %jit3A_1030 : i32 to vector<16xi32>
          %select_n3A_1033 = arith.select %gt3A_1028, %broadcast_in_dim3A_1031, %broadcast_in_dim3A_1032 : vector<16xi1>, vector<16xi32>
          %broadcast_in_dim3A_1034 = arith.constant true
          %broadcast_in_dim3A_1035 = vector.broadcast %broadcast_in_dim3A_1034 : i1 to vector<16xi1>
          %masked_cumsum3A_1036 = tpu.scan <sum>, %select_n3A_1033 masked %broadcast_in_dim3A_1035 : vector<16xi32>, vector<16xi1> -> vector<16xi32>
          %add3A_1037 = arith.addi %min3A_1022, %masked_cumsum3A_1036 : vector<16xi32>
          %sub3A_1038 = arith.constant 1 : i32
          %sub3A_1039 = vector.broadcast %sub3A_1038 : i32 to vector<16xi32>
          %sub3A_1040 = arith.subi %add3A_1037, %sub3A_1039 : vector<16xi32>
          %broadcast_in_dim3A_1041 = arith.constant 4111 : i32
          %broadcast_in_dim3A_1042 = vector.broadcast %broadcast_in_dim3A_1041 : i32 to vector<16xi32>
          %min3A_1043 = arith.minsi %sub3A_1040, %broadcast_in_dim3A_1042 : vector<16xi32>
          tpu.vector_store_idx %arg10[%min3A_1043], %get3A_1027 masked %gt3A_1028 : memref<4112xf32, #tpu.memory_space<vmem>>[vector<16xi32>], vector<16xf32>, vector<16xi1>
          %add3A_1044 = arith.constant 48 : i32
          %add3A_1045 = vector.broadcast %add3A_1044 : i32 to vector<16xi32>
          %add3A_1046 = arith.addi %add3A_780, %add3A_1045 : vector<16xi32>
          tpu.vector_store_idx %arg11[%min3A_1043], %add3A_1046 masked %gt3A_1028 : memref<4112xi32, #tpu.memory_space<vmem>>[vector<16xi32>], vector<16xi32>, vector<16xi1>
          %all_reduce_population_count3A_1047 = tpu.all_reduce %gt3A_1028 {dim = 0 : i64, kind = #tpu.reduction_kind<sum>} : vector<16xi1> -> vector<16xi32>
          %add3A_1048 = arith.addi %min3A_1022, %all_reduce_population_count3A_1047 : vector<16xi32>
          %broadcast_in_dim3A_1049 = arith.constant 4096 : i32
          %broadcast_in_dim3A_1050 = vector.broadcast %broadcast_in_dim3A_1049 : i32 to vector<16xi32>
          %min3A_1051 = arith.minsi %add3A_1048, %broadcast_in_dim3A_1050 : vector<16xi32>
          %add3A_1052 = arith.constant 64 : i32
          %add3A_1053 = arith.addi %mul3A_782, %add3A_1052 : i32
          %get3A_1054 = arith.index_cast %select_n3A_14 : i32 to index
          %get3A_1055 = arith.index_cast %add3A_1053 : i32 to index
          %get3A_1056 = tpu.vector_load %arg8[%get3A_1054, %get3A_1055] {strides = array<i32>} : memref<8x768xf32, #tpu.memory_space<vmem>>, vector<16xf32>,
          %gt3A_1057 = arith.cmpf ogt, %get3A_1056, %scan3A_773 : vector<16xf32>
          %jit3A_1058 = arith.constant 1 : i32
          %jit3A_1059 = arith.constant 0 : i32
          %broadcast_in_dim3A_1060 = vector.broadcast %jit3A_1058 : i32 to vector<16xi32>
          %broadcast_in_dim3A_1061 = vector.broadcast %jit3A_1059 : i32 to vector<16xi32>
          %select_n3A_1062 = arith.select %gt3A_1057, %broadcast_in_dim3A_1060, %broadcast_in_dim3A_1061 : vector<16xi1>, vector<16xi32>
          %broadcast_in_dim3A_1063 = arith.constant true
          %broadcast_in_dim3A_1064 = vector.broadcast %broadcast_in_dim3A_1063 : i1 to vector<16xi1>
          %masked_cumsum3A_1065 = tpu.scan <sum>, %select_n3A_1062 masked %broadcast_in_dim3A_1064 : vector<16xi32>, vector<16xi1> -> vector<16xi32>
          %add3A_1066 = arith.addi %min3A_1051, %masked_cumsum3A_1065 : vector<16xi32>
          %sub3A_1067 = arith.constant 1 : i32
          %sub3A_1068 = vector.broadcast %sub3A_1067 : i32 to vector<16xi32>
          %sub3A_1069 = arith.subi %add3A_1066, %sub3A_1068 : vector<16xi32>
          %broadcast_in_dim3A_1070 = arith.constant 4111 : i32
          %broadcast_in_dim3A_1071 = vector.broadcast %broadcast_in_dim3A_1070 : i32 to vector<16xi32>
          %min3A_1072 = arith.minsi %sub3A_1069, %broadcast_in_dim3A_1071 : vector<16xi32>
          tpu.vector_store_idx %arg10[%min3A_1072], %get3A_1056 masked %gt3A_1057 : memref<4112xf32, #tpu.memory_space<vmem>>[vector<16xi32>], vector<16xf32>, vector<16xi1>
          %add3A_1073 = arith.constant 64 : i32
          %add3A_1074 = vector.broadcast %add3A_1073 : i32 to vector<16xi32>
          %add3A_1075 = arith.addi %add3A_780, %add3A_1074 : vector<16xi32>
          tpu.vector_store_idx %arg11[%min3A_1072], %add3A_1075 masked %gt3A_1057 : memref<4112xi32, #tpu.memory_space<vmem>>[vector<16xi32>], vector<16xi32>, vector<16xi1>
          %all_reduce_population_count3A_1076 = tpu.all_reduce %gt3A_1057 {dim = 0 : i64, kind = #tpu.reduction_kind<sum>} : vector<16xi1> -> vector<16xi32>
          %add3A_1077 = arith.addi %min3A_1051, %all_reduce_population_count3A_1076 : vector<16xi32>
          %broadcast_in_dim3A_1078 = arith.constant 4096 : i32
          %broadcast_in_dim3A_1079 = vector.broadcast %broadcast_in_dim3A_1078 : i32 to vector<16xi32>
          %min3A_1080 = arith.minsi %add3A_1077, %broadcast_in_dim3A_1079 : vector<16xi32>
          %add3A_1081 = arith.constant 80 : i32
          %add3A_1082 = arith.addi %mul3A_782, %add3A_1081 : i32
          %get3A_1083 = arith.index_cast %select_n3A_14 : i32 to index
          %get3A_1084 = arith.index_cast %add3A_1082 : i32 to index
          %get3A_1085 = tpu.vector_load %arg8[%get3A_1083, %get3A_1084] {strides = array<i32>} : memref<8x768xf32, #tpu.memory_space<vmem>>, vector<16xf32>,
          %gt3A_1086 = arith.cmpf ogt, %get3A_1085, %scan3A_773 : vector<16xf32>
          %jit3A_1087 = arith.constant 1 : i32
          %jit3A_1088 = arith.constant 0 : i32
          %broadcast_in_dim3A_1089 = vector.broadcast %jit3A_1087 : i32 to vector<16xi32>
          %broadcast_in_dim3A_1090 = vector.broadcast %jit3A_1088 : i32 to vector<16xi32>
          %select_n3A_1091 = arith.select %gt3A_1086, %broadcast_in_dim3A_1089, %broadcast_in_dim3A_1090 : vector<16xi1>, vector<16xi32>
          %broadcast_in_dim3A_1092 = arith.constant true
          %broadcast_in_dim3A_1093 = vector.broadcast %broadcast_in_dim3A_1092 : i1 to vector<16xi1>
          %masked_cumsum3A_1094 = tpu.scan <sum>, %select_n3A_1091 masked %broadcast_in_dim3A_1093 : vector<16xi32>, vector<16xi1> -> vector<16xi32>
          %add3A_1095 = arith.addi %min3A_1080, %masked_cumsum3A_1094 : vector<16xi32>
          %sub3A_1096 = arith.constant 1 : i32
          %sub3A_1097 = vector.broadcast %sub3A_1096 : i32 to vector<16xi32>
          %sub3A_1098 = arith.subi %add3A_1095, %sub3A_1097 : vector<16xi32>
          %broadcast_in_dim3A_1099 = arith.constant 4111 : i32
          %broadcast_in_dim3A_1100 = vector.broadcast %broadcast_in_dim3A_1099 : i32 to vector<16xi32>
          %min3A_1101 = arith.minsi %sub3A_1098, %broadcast_in_dim3A_1100 : vector<16xi32>
          tpu.vector_store_idx %arg10[%min3A_1101], %get3A_1085 masked %gt3A_1086 : memref<4112xf32, #tpu.memory_space<vmem>>[vector<16xi32>], vector<16xf32>, vector<16xi1>
          %add3A_1102 = arith.constant 80 : i32
          %add3A_1103 = vector.broadcast %add3A_1102 : i32 to vector<16xi32>
          %add3A_1104 = arith.addi %add3A_780, %add3A_1103 : vector<16xi32>
          tpu.vector_store_idx %arg11[%min3A_1101], %add3A_1104 masked %gt3A_1086 : memref<4112xi32, #tpu.memory_space<vmem>>[vector<16xi32>], vector<16xi32>, vector<16xi1>
          %all_reduce_population_count3A_1105 = tpu.all_reduce %gt3A_1086 {dim = 0 : i64, kind = #tpu.reduction_kind<sum>} : vector<16xi1> -> vector<16xi32>
          %add3A_1106 = arith.addi %min3A_1080, %all_reduce_population_count3A_1105 : vector<16xi32>
          %broadcast_in_dim3A_1107 = arith.constant 4096 : i32
          %broadcast_in_dim3A_1108 = vector.broadcast %broadcast_in_dim3A_1107 : i32 to vector<16xi32>
          %min3A_1109 = arith.minsi %add3A_1106, %broadcast_in_dim3A_1108 : vector<16xi32>
          %add3A_1110 = arith.constant 96 : i32
          %add3A_1111 = arith.addi %mul3A_782, %add3A_1110 : i32
          %get3A_1112 = arith.index_cast %select_n3A_14 : i32 to index
          %get3A_1113 = arith.index_cast %add3A_1111 : i32 to index
          %get3A_1114 = tpu.vector_load %arg8[%get3A_1112, %get3A_1113] {strides = array<i32>} : memref<8x768xf32, #tpu.memory_space<vmem>>, vector<16xf32>,
          %gt3A_1115 = arith.cmpf ogt, %get3A_1114, %scan3A_773 : vector<16xf32>
          %jit3A_1116 = arith.constant 1 : i32
          %jit3A_1117 = arith.constant 0 : i32
          %broadcast_in_dim3A_1118 = vector.broadcast %jit3A_1116 : i32 to vector<16xi32>
          %broadcast_in_dim3A_1119 = vector.broadcast %jit3A_1117 : i32 to vector<16xi32>
          %select_n3A_1120 = arith.select %gt3A_1115, %broadcast_in_dim3A_1118, %broadcast_in_dim3A_1119 : vector<16xi1>, vector<16xi32>
          %broadcast_in_dim3A_1121 = arith.constant true
          %broadcast_in_dim3A_1122 = vector.broadcast %broadcast_in_dim3A_1121 : i1 to vector<16xi1>
          %masked_cumsum3A_1123 = tpu.scan <sum>, %select_n3A_1120 masked %broadcast_in_dim3A_1122 : vector<16xi32>, vector<16xi1> -> vector<16xi32>
          %add3A_1124 = arith.addi %min3A_1109, %masked_cumsum3A_1123 : vector<16xi32>
          %sub3A_1125 = arith.constant 1 : i32
          %sub3A_1126 = vector.broadcast %sub3A_1125 : i32 to vector<16xi32>
          %sub3A_1127 = arith.subi %add3A_1124, %sub3A_1126 : vector<16xi32>
          %broadcast_in_dim3A_1128 = arith.constant 4111 : i32
          %broadcast_in_dim3A_1129 = vector.broadcast %broadcast_in_dim3A_1128 : i32 to vector<16xi32>
          %min3A_1130 = arith.minsi %sub3A_1127, %broadcast_in_dim3A_1129 : vector<16xi32>
          tpu.vector_store_idx %arg10[%min3A_1130], %get3A_1114 masked %gt3A_1115 : memref<4112xf32, #tpu.memory_space<vmem>>[vector<16xi32>], vector<16xf32>, vector<16xi1>
          %add3A_1131 = arith.constant 96 : i32
          %add3A_1132 = vector.broadcast %add3A_1131 : i32 to vector<16xi32>
          %add3A_1133 = arith.addi %add3A_780, %add3A_1132 : vector<16xi32>
          tpu.vector_store_idx %arg11[%min3A_1130], %add3A_1133 masked %gt3A_1115 : memref<4112xi32, #tpu.memory_space<vmem>>[vector<16xi32>], vector<16xi32>, vector<16xi1>
          %all_reduce_population_count3A_1134 = tpu.all_reduce %gt3A_1115 {dim = 0 : i64, kind = #tpu.reduction_kind<sum>} : vector<16xi1> -> vector<16xi32>
          %add3A_1135 = arith.addi %min3A_1109, %all_reduce_population_count3A_1134 : vector<16xi32>
          %broadcast_in_dim3A_1136 = arith.constant 4096 : i32
          %broadcast_in_dim3A_1137 = vector.broadcast %broadcast_in_dim3A_1136 : i32 to vector<16xi32>
          %min3A_1138 = arith.minsi %add3A_1135, %broadcast_in_dim3A_1137 : vector<16xi32>
          %add3A_1139 = arith.constant 112 : i32
          %add3A_1140 = arith.addi %mul3A_782, %add3A_1139 : i32
          %get3A_1141 = arith.index_cast %select_n3A_14 : i32 to index
          %get3A_1142 = arith.index_cast %add3A_1140 : i32 to index
          %get3A_1143 = tpu.vector_load %arg8[%get3A_1141, %get3A_1142] {strides = array<i32>} : memref<8x768xf32, #tpu.memory_space<vmem>>, vector<16xf32>,
          %gt3A_1144 = arith.cmpf ogt, %get3A_1143, %scan3A_773 : vector<16xf32>
          %jit3A_1145 = arith.constant 1 : i32
          %jit3A_1146 = arith.constant 0 : i32
          %broadcast_in_dim3A_1147 = vector.broadcast %jit3A_1145 : i32 to vector<16xi32>
          %broadcast_in_dim3A_1148 = vector.broadcast %jit3A_1146 : i32 to vector<16xi32>
          %select_n3A_1149 = arith.select %gt3A_1144, %broadcast_in_dim3A_1147, %broadcast_in_dim3A_1148 : vector<16xi1>, vector<16xi32>
          %broadcast_in_dim3A_1150 = arith.constant true
          %broadcast_in_dim3A_1151 = vector.broadcast %broadcast_in_dim3A_1150 : i1 to vector<16xi1>
          %masked_cumsum3A_1152 = tpu.scan <sum>, %select_n3A_1149 masked %broadcast_in_dim3A_1151 : vector<16xi32>, vector<16xi1> -> vector<16xi32>
          %add3A_1153 = arith.addi %min3A_1138, %masked_cumsum3A_1152 : vector<16xi32>
          %sub3A_1154 = arith.constant 1 : i32
          %sub3A_1155 = vector.broadcast %sub3A_1154 : i32 to vector<16xi32>
          %sub3A_1156 = arith.subi %add3A_1153, %sub3A_1155 : vector<16xi32>
          %broadcast_in_dim3A_1157 = arith.constant 4111 : i32
          %broadcast_in_dim3A_1158 = vector.broadcast %broadcast_in_dim3A_1157 : i32 to vector<16xi32>
          %min3A_1159 = arith.minsi %sub3A_1156, %broadcast_in_dim3A_1158 : vector<16xi32>
          tpu.vector_store_idx %arg10[%min3A_1159], %get3A_1143 masked %gt3A_1144 : memref<4112xf32, #tpu.memory_space<vmem>>[vector<16xi32>], vector<16xf32>, vector<16xi1>
          %add3A_1160 = arith.constant 112 : i32
          %add3A_1161 = vector.broadcast %add3A_1160 : i32 to vector<16xi32>
          %add3A_1162 = arith.addi %add3A_780, %add3A_1161 : vector<16xi32>
          tpu.vector_store_idx %arg11[%min3A_1159], %add3A_1162 masked %gt3A_1144 : memref<4112xi32, #tpu.memory_space<vmem>>[vector<16xi32>], vector<16xi32>, vector<16xi1>
          %all_reduce_population_count3A_1163 = tpu.all_reduce %gt3A_1144 {dim = 0 : i64, kind = #tpu.reduction_kind<sum>} : vector<16xi1> -> vector<16xi32>
          %add3A_1164 = arith.addi %min3A_1138, %all_reduce_population_count3A_1163 : vector<16xi32>
          %broadcast_in_dim3A_1165 = arith.constant 4096 : i32
          %broadcast_in_dim3A_1166 = vector.broadcast %broadcast_in_dim3A_1165 : i32 to vector<16xi32>
          %min3A_1167 = arith.minsi %add3A_1164, %broadcast_in_dim3A_1166 : vector<16xi32>
          scf.yield %min3A_1167 : vector<16xi32>
        } else {
          scf.yield %scan3A_772 : vector<16xi32>
        }
        %slice3A_851 = vector.extract_strided_slice %cond3A_850 {offsets = [0], sizes = [1], strides = [1]} : vector<16xi32> to vector<1xi32>
        %squeeze3A_852 = vector.extract %slice3A_851[0] : i32 from vector<1xi32>
        %ge3A_853 = arith.constant 3968 : i32
        %ge3A_854 = arith.cmpi sge, %squeeze3A_852, %ge3A_853 : i32
        %convert_element_type3A_855 = arith.extui %ge3A_854 : i1 to i32
        %cond3A_856 = arith.constant 0 : i32
        %cond3A_857 = arith.cmpi ne, %convert_element_type3A_855, %cond3A_856 : i32
        %cond3A_858:2 = scf.if %cond3A_857 -> (vector<16xi32>, vector<16xf32>) {
          %reduce_max3A_939 = arith.constant true
          %reduce_max3A_940 = vector.broadcast %reduce_max3A_939 : i1 to vector<16xi1>
          %reduce_max3A_941 = arith.constant -2147483648 : i32
          %reduce_max3A_942 = vector.broadcast %reduce_max3A_941 : i32 to vector<16xi32>
          %reduce_max3A_943 = arith.xori %cond3A_850, %reduce_max3A_942 : vector<16xi32>
          %reduce_max3A_944 = tpu.scan <max>, %reduce_max3A_943 masked %reduce_max3A_940 : vector<16xi32>, vector<16xi1> -> vector<16xi32>
          %reduce_max3A_945 = arith.xori %reduce_max3A_944, %reduce_max3A_942 : vector<16xi32>
          %reduce_max3A_946 = vector.extract %reduce_max3A_945[15] : i32 from vector<16xi32>
          %add3A_947 = arith.constant 15 : i32
          %add3A_948 = arith.addi %reduce_max3A_946, %add3A_947 : i32
          %shift_right_arithmetic3A_949 = arith.constant 4 : i32
          %shift_right_arithmetic3A_950 = arith.shrsi %add3A_948, %shift_right_arithmetic3A_949 : i32
          %reduce_max3A_951 = arith.constant true
          %reduce_max3A_952 = vector.broadcast %reduce_max3A_951 : i1 to vector<16xi1>
          %reduce_max3A_953 = arith.constant -2147483648 : i32
          %reduce_max3A_954 = vector.broadcast %reduce_max3A_953 : i32 to vector<16xi32>
          %reduce_max3A_955 = arith.xori %cond3A_850, %reduce_max3A_954 : vector<16xi32>
          %reduce_max3A_956 = tpu.scan <max>, %reduce_max3A_955 masked %reduce_max3A_952 : vector<16xi32>, vector<16xi1> -> vector<16xi32>
          %reduce_max3A_957 = arith.xori %reduce_max3A_956, %reduce_max3A_954 : vector<16xi32>
          %reduce_max3A_958 = vector.extract %reduce_max3A_957[15] : i32 from vector<16xi32>
          %while3A_959 = arith.constant 0 : i32
          %while3A_960 = arith.constant -1 : i32
          %while3A_961:3 = scf.while (%while3A_996 = %while3A_959, %while3A_997 = %while3A_960, %while3A_998 = %reduce_max3A_958) : (i32, i32, i32) -> (i32, i32, i32) {
            %sub3A = arith.subi %while3A_997, %while3A_996 : i32
            %gt3A_999 = arith.constant 1 : i32
            %gt3A_1000 = arith.cmpi ugt, %sub3A, %gt3A_999 : i32
            %lt3A_1001 = arith.constant 100 : i32
            %lt3A_1002 = arith.cmpi slt, %while3A_998, %lt3A_1001 : i32
            %gt3A_1003 = arith.constant 128 : i32
            %gt3A_1004 = arith.cmpi sgt, %while3A_998, %gt3A_1003 : i32
            %or3A_1005 = arith.ori %lt3A_1002, %gt3A_1004 : i1
            %and3A_1006 = arith.andi %gt3A_1000, %or3A_1005 : i1
            scf.condition(%and3A_1006) %while3A_996, %while3A_997, %while3A_998 : i32, i32, i32
          } do {
          ^bb0(%while3A_996: i32, %while3A_997: i32, %while3A_998: i32):
            %sub3A = arith.subi %while3A_997, %while3A_996 : i32
            %shift_right_logical3A = arith.constant 1 : i32
            %shift_right_logical3A_999 = arith.shrui %sub3A, %shift_right_logical3A : i32
            %add3A_1000 = arith.addi %while3A_996, %shift_right_logical3A_999 : i32
            %broadcast_in_dim3A_1001 = vector.broadcast %add3A_1000 : i32 to vector<16xi32>
            %broadcast_in_dim3A_1002 = arith.constant 0 : i32
            %broadcast_in_dim3A_1003 = vector.broadcast %broadcast_in_dim3A_1002 : i32 to vector<16xi32>
            %while3A_1004 = arith.constant 0 : i32
            %while3A_1005 = arith.subi %shift_right_arithmetic3A_950, %while3A_1004 : i32
            %while3A_1006 = arith.addi %while3A_1004, %while3A_1005 : i32
            %while3A_1007 = arith.constant 1 : i32
            %while3A_1008 = arith.divsi %while3A_1005, %while3A_1007 : i32
            %while3A_1009 = arith.muli %while3A_1008, %while3A_1007 : i32
            %while3A_1010 = arith.addi %while3A_1004, %while3A_1009 : i32
            %while3A_1011 = arith.constant 1 : i32
            %while3A_1012 = scf.for %while3A_1028 = %while3A_1004 to %while3A_1010 step %while3A_1011 iter_args(%while3A_1029 = %broadcast_in_dim3A_1003) -> (vector<16xi32>)  : i32 {
              %mul3A_1030 = arith.constant 16 : i32
              %mul3A_1031 = arith.muli %while3A_1028, %mul3A_1030 : i32
              %get3A_1032 = arith.index_cast %mul3A_1031 : i32 to index
              %get3A_1033 = tpu.vector_load %arg10[%get3A_1032] {strides = array<i32>} : memref<4112xf32, #tpu.memory_space<vmem>>, vector<16xf32>,
              %bitcast3A_1034 = vector.bitcast %get3A_1033 : vector<16xf32> to vector<16xi32>
              %ge3A_1035 = arith.constant -2147483648 : i32
              %ge3A_1036 = vector.broadcast %ge3A_1035 : i32 to vector<16xi32>
              %ge3A_1037 = arith.cmpi uge, %bitcast3A_1034, %ge3A_1036 : vector<16xi32>
              %jit3A_1038 = arith.constant -1 : i32
              %jit3A_1039 = arith.constant -2147483648 : i32
              %broadcast_in_dim3A_1040 = vector.broadcast %jit3A_1038 : i32 to vector<16xi32>
              %broadcast_in_dim3A_1041 = vector.broadcast %jit3A_1039 : i32 to vector<16xi32>
              %select_n3A_1042 = arith.select %ge3A_1037, %broadcast_in_dim3A_1040, %broadcast_in_dim3A_1041 : vector<16xi1>, vector<16xi32>
              %xor3A_1043 = arith.xori %bitcast3A_1034, %select_n3A_1042 : vector<16xi32>
              %mul3A_1044 = arith.constant 16 : i32
              %mul3A_1045 = arith.muli %while3A_1028, %mul3A_1044 : i32
              %add3A_1046 = vector.broadcast %mul3A_1045 : i32 to vector<16xi32>
              %add3A_1047 = arith.addi %add3A_1046, %iota3A : vector<16xi32>
              %lt3A_1048 = arith.cmpi slt, %add3A_1047, %cond3A_850 : vector<16xi32>
              %gt3A_1049 = arith.cmpi ugt, %xor3A_1043, %broadcast_in_dim3A_1001 : vector<16xi32>
              %and3A_1050 = arith.andi %gt3A_1049, %lt3A_1048 : vector<16xi1>
              %all_reduce_population_count3A = tpu.all_reduce %and3A_1050 {dim = 0 : i64, kind = #tpu.reduction_kind<sum>} : vector<16xi1> -> vector<16xi32>
              %add3A_1051 = arith.addi %while3A_1029, %all_reduce_population_count3A : vector<16xi32>
              scf.yield %add3A_1051 : vector<16xi32>
            }
            %while3A_1013 = arith.constant 1 : i32
            %while3A_1014 = scf.for %while3A_1028 = %while3A_1010 to %while3A_1006 step %while3A_1013 iter_args(%while3A_1029 = %while3A_1012) -> (vector<16xi32>)  : i32 {
              %mul3A_1030 = arith.constant 16 : i32
              %mul3A_1031 = arith.muli %while3A_1028, %mul3A_1030 : i32
              %get3A_1032 = arith.index_cast %mul3A_1031 : i32 to index
              %get3A_1033 = tpu.vector_load %arg10[%get3A_1032] {strides = array<i32>} : memref<4112xf32, #tpu.memory_space<vmem>>, vector<16xf32>,
              %bitcast3A_1034 = vector.bitcast %get3A_1033 : vector<16xf32> to vector<16xi32>
              %ge3A_1035 = arith.constant -2147483648 : i32
              %ge3A_1036 = vector.broadcast %ge3A_1035 : i32 to vector<16xi32>
              %ge3A_1037 = arith.cmpi uge, %bitcast3A_1034, %ge3A_1036 : vector<16xi32>
              %jit3A_1038 = arith.constant -1 : i32
              %jit3A_1039 = arith.constant -2147483648 : i32
              %broadcast_in_dim3A_1040 = vector.broadcast %jit3A_1038 : i32 to vector<16xi32>
              %broadcast_in_dim3A_1041 = vector.broadcast %jit3A_1039 : i32 to vector<16xi32>
              %select_n3A_1042 = arith.select %ge3A_1037, %broadcast_in_dim3A_1040, %broadcast_in_dim3A_1041 : vector<16xi1>, vector<16xi32>
              %xor3A_1043 = arith.xori %bitcast3A_1034, %select_n3A_1042 : vector<16xi32>
              %mul3A_1044 = arith.constant 16 : i32
              %mul3A_1045 = arith.muli %while3A_1028, %mul3A_1044 : i32
              %add3A_1046 = vector.broadcast %mul3A_1045 : i32 to vector<16xi32>
              %add3A_1047 = arith.addi %add3A_1046, %iota3A : vector<16xi32>
              %lt3A_1048 = arith.cmpi slt, %add3A_1047, %cond3A_850 : vector<16xi32>
              %gt3A_1049 = arith.cmpi ugt, %xor3A_1043, %broadcast_in_dim3A_1001 : vector<16xi32>
              %and3A_1050 = arith.andi %gt3A_1049, %lt3A_1048 : vector<16xi1>
              %all_reduce_population_count3A = tpu.all_reduce %and3A_1050 {dim = 0 : i64, kind = #tpu.reduction_kind<sum>} : vector<16xi1> -> vector<16xi32>
              %add3A_1051 = arith.addi %while3A_1029, %all_reduce_population_count3A : vector<16xi32>
              scf.yield %add3A_1051 : vector<16xi32>
            }
            %reduce_max3A_1015 = arith.constant true
            %reduce_max3A_1016 = vector.broadcast %reduce_max3A_1015 : i1 to vector<16xi1>
            %reduce_max3A_1017 = arith.constant -2147483648 : i32
            %reduce_max3A_1018 = vector.broadcast %reduce_max3A_1017 : i32 to vector<16xi32>
            %reduce_max3A_1019 = arith.xori %while3A_1014, %reduce_max3A_1018 : vector<16xi32>
            %reduce_max3A_1020 = tpu.scan <max>, %reduce_max3A_1019 masked %reduce_max3A_1016 : vector<16xi32>, vector<16xi1> -> vector<16xi32>
            %reduce_max3A_1021 = arith.xori %reduce_max3A_1020, %reduce_max3A_1018 : vector<16xi32>
            %reduce_max3A_1022 = vector.extract %reduce_max3A_1021[15] : i32 from vector<16xi32>
            %ge3A_1023 = arith.constant 100 : i32
            %ge3A_1024 = arith.cmpi sge, %reduce_max3A_1022, %ge3A_1023 : i32
            %select_n3A_1025 = arith.select %ge3A_1024, %add3A_1000, %while3A_996 : i32
            %select_n3A_1026 = arith.select %ge3A_1024, %while3A_997, %add3A_1000 : i32
            %select_n3A_1027 = arith.select %ge3A_1024, %reduce_max3A_1022, %while3A_998 : i32
            scf.yield %select_n3A_1025, %select_n3A_1026, %select_n3A_1027 : i32, i32, i32
          }
          %broadcast_in_dim3A_962 = vector.broadcast %while3A_961#0 : i32 to vector<16xi32>
          %reduce_max3A_963 = arith.constant true
          %reduce_max3A_964 = vector.broadcast %reduce_max3A_963 : i1 to vector<16xi1>
          %reduce_max3A_965 = arith.constant -2147483648 : i32
          %reduce_max3A_966 = vector.broadcast %reduce_max3A_965 : i32 to vector<16xi32>
          %reduce_max3A_967 = arith.xori %cond3A_850, %reduce_max3A_966 : vector<16xi32>
          %reduce_max3A_968 = tpu.scan <max>, %reduce_max3A_967 masked %reduce_max3A_964 : vector<16xi32>, vector<16xi1> -> vector<16xi32>
          %reduce_max3A_969 = arith.xori %reduce_max3A_968, %reduce_max3A_966 : vector<16xi32>
          %reduce_max3A_970 = vector.extract %reduce_max3A_969[15] : i32 from vector<16xi32>
          %add3A_971 = arith.constant 15 : i32
          %add3A_972 = arith.addi %reduce_max3A_970, %add3A_971 : i32
          %shift_right_arithmetic3A_973 = arith.constant 4 : i32
          %shift_right_arithmetic3A_974 = arith.shrsi %add3A_972, %shift_right_arithmetic3A_973 : i32
          %broadcast_in_dim3A_975 = arith.constant 0 : i32
          %broadcast_in_dim3A_976 = vector.broadcast %broadcast_in_dim3A_975 : i32 to vector<16xi32>
          %while3A_977 = arith.constant 0 : i32
          %while3A_978 = arith.subi %shift_right_arithmetic3A_974, %while3A_977 : i32
          %while3A_979 = arith.addi %while3A_977, %while3A_978 : i32
          %while3A_980 = arith.constant 1 : i32
          %while3A_981 = arith.divsi %while3A_978, %while3A_980 : i32
          %while3A_982 = arith.muli %while3A_981, %while3A_980 : i32
          %while3A_983 = arith.addi %while3A_977, %while3A_982 : i32
          %while3A_984 = arith.constant 1 : i32
          %while3A_985 = scf.for %while3A_996 = %while3A_977 to %while3A_983 step %while3A_984 iter_args(%while3A_997 = %broadcast_in_dim3A_976) -> (vector<16xi32>)  : i32 {
            %mul3A_998 = arith.constant 16 : i32
            %mul3A_999 = arith.muli %while3A_996, %mul3A_998 : i32
            %get3A_1000 = arith.index_cast %mul3A_999 : i32 to index
            %get3A_1001 = tpu.vector_load %arg10[%get3A_1000] {strides = array<i32>} : memref<4112xf32, #tpu.memory_space<vmem>>, vector<16xf32>,
            %mul3A_1002 = arith.constant 16 : i32
            %mul3A_1003 = arith.muli %while3A_996, %mul3A_1002 : i32
            %get3A_1004 = arith.index_cast %mul3A_1003 : i32 to index
            %get3A_1005 = tpu.vector_load %arg11[%get3A_1004] {strides = array<i32>} : memref<4112xi32, #tpu.memory_space<vmem>>, vector<16xi32>,
            %mul3A_1006 = arith.constant 16 : i32
            %mul3A_1007 = arith.muli %while3A_996, %mul3A_1006 : i32
            %add3A_1008 = vector.broadcast %mul3A_1007 : i32 to vector<16xi32>
            %add3A_1009 = arith.addi %add3A_1008, %iota3A : vector<16xi32>
            %lt3A_1010 = arith.cmpi slt, %add3A_1009, %cond3A_850 : vector<16xi32>
            %bitcast3A_1011 = vector.bitcast %get3A_1001 : vector<16xf32> to vector<16xi32>
            %ge3A_1012 = arith.constant -2147483648 : i32
            %ge3A_1013 = vector.broadcast %ge3A_1012 : i32 to vector<16xi32>
            %ge3A_1014 = arith.cmpi uge, %bitcast3A_1011, %ge3A_1013 : vector<16xi32>
            %jit3A_1015 = arith.constant -1 : i32
            %jit3A_1016 = arith.constant -2147483648 : i32
            %broadcast_in_dim3A_1017 = vector.broadcast %jit3A_1015 : i32 to vector<16xi32>
            %broadcast_in_dim3A_1018 = vector.broadcast %jit3A_1016 : i32 to vector<16xi32>
            %select_n3A_1019 = arith.select %ge3A_1014, %broadcast_in_dim3A_1017, %broadcast_in_dim3A_1018 : vector<16xi1>, vector<16xi32>
            %xor3A_1020 = arith.xori %bitcast3A_1011, %select_n3A_1019 : vector<16xi32>
            %gt3A_1021 = arith.cmpi ugt, %xor3A_1020, %broadcast_in_dim3A_962 : vector<16xi32>
            %and3A_1022 = arith.andi %gt3A_1021, %lt3A_1010 : vector<16xi1>
            %jit3A_1023 = arith.constant 1 : i32
            %jit3A_1024 = arith.constant 0 : i32
            %broadcast_in_dim3A_1025 = vector.broadcast %jit3A_1023 : i32 to vector<16xi32>
            %broadcast_in_dim3A_1026 = vector.broadcast %jit3A_1024 : i32 to vector<16xi32>
            %select_n3A_1027 = arith.select %and3A_1022, %broadcast_in_dim3A_1025, %broadcast_in_dim3A_1026 : vector<16xi1>, vector<16xi32>
            %broadcast_in_dim3A_1028 = arith.constant true
            %broadcast_in_dim3A_1029 = vector.broadcast %broadcast_in_dim3A_1028 : i1 to vector<16xi1>
            %masked_cumsum3A = tpu.scan <sum>, %select_n3A_1027 masked %broadcast_in_dim3A_1029 : vector<16xi32>, vector<16xi1> -> vector<16xi32>
            %add3A_1030 = arith.addi %while3A_997, %masked_cumsum3A : vector<16xi32>
            %sub3A = arith.constant 1 : i32
            %sub3A_1031 = vector.broadcast %sub3A : i32 to vector<16xi32>
            %sub3A_1032 = arith.subi %add3A_1030, %sub3A_1031 : vector<16xi32>
            %min3A_1033 = arith.constant 4095 : i32
            %min3A_1034 = vector.broadcast %min3A_1033 : i32 to vector<16xi32>
            %min3A_1035 = arith.minsi %sub3A_1032, %min3A_1034 : vector<16xi32>
            tpu.vector_store_idx %arg10[%min3A_1035], %get3A_1001 masked %and3A_1022 : memref<4112xf32, #tpu.memory_space<vmem>>[vector<16xi32>], vector<16xf32>, vector<16xi1>
            tpu.vector_store_idx %arg11[%min3A_1035], %get3A_1005 masked %and3A_1022 : memref<4112xi32, #tpu.memory_space<vmem>>[vector<16xi32>], vector<16xi32>, vector<16xi1>
            %all_reduce_population_count3A = tpu.all_reduce %and3A_1022 {dim = 0 : i64, kind = #tpu.reduction_kind<sum>} : vector<16xi1> -> vector<16xi32>
            %add3A_1036 = arith.addi %while3A_997, %all_reduce_population_count3A : vector<16xi32>
            %broadcast_in_dim3A_1037 = arith.constant 4096 : i32
            %broadcast_in_dim3A_1038 = vector.broadcast %broadcast_in_dim3A_1037 : i32 to vector<16xi32>
            %min3A_1039 = arith.minsi %add3A_1036, %broadcast_in_dim3A_1038 : vector<16xi32>
            scf.yield %min3A_1039 : vector<16xi32>
          }
          %while3A_986 = arith.constant 1 : i32
          %while3A_987 = scf.for %while3A_996 = %while3A_983 to %while3A_979 step %while3A_986 iter_args(%while3A_997 = %while3A_985) -> (vector<16xi32>)  : i32 {
            %mul3A_998 = arith.constant 16 : i32
            %mul3A_999 = arith.muli %while3A_996, %mul3A_998 : i32
            %get3A_1000 = arith.index_cast %mul3A_999 : i32 to index
            %get3A_1001 = tpu.vector_load %arg10[%get3A_1000] {strides = array<i32>} : memref<4112xf32, #tpu.memory_space<vmem>>, vector<16xf32>,
            %mul3A_1002 = arith.constant 16 : i32
            %mul3A_1003 = arith.muli %while3A_996, %mul3A_1002 : i32
            %get3A_1004 = arith.index_cast %mul3A_1003 : i32 to index
            %get3A_1005 = tpu.vector_load %arg11[%get3A_1004] {strides = array<i32>} : memref<4112xi32, #tpu.memory_space<vmem>>, vector<16xi32>,
            %mul3A_1006 = arith.constant 16 : i32
            %mul3A_1007 = arith.muli %while3A_996, %mul3A_1006 : i32
            %add3A_1008 = vector.broadcast %mul3A_1007 : i32 to vector<16xi32>
            %add3A_1009 = arith.addi %add3A_1008, %iota3A : vector<16xi32>
            %lt3A_1010 = arith.cmpi slt, %add3A_1009, %cond3A_850 : vector<16xi32>
            %bitcast3A_1011 = vector.bitcast %get3A_1001 : vector<16xf32> to vector<16xi32>
            %ge3A_1012 = arith.constant -2147483648 : i32
            %ge3A_1013 = vector.broadcast %ge3A_1012 : i32 to vector<16xi32>
            %ge3A_1014 = arith.cmpi uge, %bitcast3A_1011, %ge3A_1013 : vector<16xi32>
            %jit3A_1015 = arith.constant -1 : i32
            %jit3A_1016 = arith.constant -2147483648 : i32
            %broadcast_in_dim3A_1017 = vector.broadcast %jit3A_1015 : i32 to vector<16xi32>
            %broadcast_in_dim3A_1018 = vector.broadcast %jit3A_1016 : i32 to vector<16xi32>
            %select_n3A_1019 = arith.select %ge3A_1014, %broadcast_in_dim3A_1017, %broadcast_in_dim3A_1018 : vector<16xi1>, vector<16xi32>
            %xor3A_1020 = arith.xori %bitcast3A_1011, %select_n3A_1019 : vector<16xi32>
            %gt3A_1021 = arith.cmpi ugt, %xor3A_1020, %broadcast_in_dim3A_962 : vector<16xi32>
            %and3A_1022 = arith.andi %gt3A_1021, %lt3A_1010 : vector<16xi1>
            %jit3A_1023 = arith.constant 1 : i32
            %jit3A_1024 = arith.constant 0 : i32
            %broadcast_in_dim3A_1025 = vector.broadcast %jit3A_1023 : i32 to vector<16xi32>
            %broadcast_in_dim3A_1026 = vector.broadcast %jit3A_1024 : i32 to vector<16xi32>
            %select_n3A_1027 = arith.select %and3A_1022, %broadcast_in_dim3A_1025, %broadcast_in_dim3A_1026 : vector<16xi1>, vector<16xi32>
            %broadcast_in_dim3A_1028 = arith.constant true
            %broadcast_in_dim3A_1029 = vector.broadcast %broadcast_in_dim3A_1028 : i1 to vector<16xi1>
            %masked_cumsum3A = tpu.scan <sum>, %select_n3A_1027 masked %broadcast_in_dim3A_1029 : vector<16xi32>, vector<16xi1> -> vector<16xi32>
            %add3A_1030 = arith.addi %while3A_997, %masked_cumsum3A : vector<16xi32>
            %sub3A = arith.constant 1 : i32
            %sub3A_1031 = vector.broadcast %sub3A : i32 to vector<16xi32>
            %sub3A_1032 = arith.subi %add3A_1030, %sub3A_1031 : vector<16xi32>
            %min3A_1033 = arith.constant 4095 : i32
            %min3A_1034 = vector.broadcast %min3A_1033 : i32 to vector<16xi32>
            %min3A_1035 = arith.minsi %sub3A_1032, %min3A_1034 : vector<16xi32>
            tpu.vector_store_idx %arg10[%min3A_1035], %get3A_1001 masked %and3A_1022 : memref<4112xf32, #tpu.memory_space<vmem>>[vector<16xi32>], vector<16xf32>, vector<16xi1>
            tpu.vector_store_idx %arg11[%min3A_1035], %get3A_1005 masked %and3A_1022 : memref<4112xi32, #tpu.memory_space<vmem>>[vector<16xi32>], vector<16xi32>, vector<16xi1>
            %all_reduce_population_count3A = tpu.all_reduce %and3A_1022 {dim = 0 : i64, kind = #tpu.reduction_kind<sum>} : vector<16xi1> -> vector<16xi32>
            %add3A_1036 = arith.addi %while3A_997, %all_reduce_population_count3A : vector<16xi32>
            %broadcast_in_dim3A_1037 = arith.constant 4096 : i32
            %broadcast_in_dim3A_1038 = vector.broadcast %broadcast_in_dim3A_1037 : i32 to vector<16xi32>
            %min3A_1039 = arith.minsi %add3A_1036, %broadcast_in_dim3A_1038 : vector<16xi32>
            scf.yield %min3A_1039 : vector<16xi32>
          }
          %ge3A_988 = arith.constant -2147483648 : i32
          %ge3A_989 = vector.broadcast %ge3A_988 : i32 to vector<16xi32>
          %ge3A_990 = arith.cmpi uge, %broadcast_in_dim3A_962, %ge3A_989 : vector<16xi32>
          %jit3A_991 = arith.constant -2147483648 : i32
          %jit3A_992 = arith.constant -1 : i32
          %broadcast_in_dim3A_993 = vector.broadcast %jit3A_991 : i32 to vector<16xi32>
          %broadcast_in_dim3A_994 = vector.broadcast %jit3A_992 : i32 to vector<16xi32>
          %select_n3A_995 = arith.select %ge3A_990, %broadcast_in_dim3A_993, %broadcast_in_dim3A_994 : vector<16xi1>, vector<16xi32>
          %xor3A = arith.xori %broadcast_in_dim3A_962, %select_n3A_995 : vector<16xi32>
          %bitcast3A = vector.bitcast %xor3A : vector<16xi32> to vector<16xf32>
          scf.yield %while3A_987, %bitcast3A : vector<16xi32>, vector<16xf32>
        } else {
          scf.yield %cond3A_850, %scan3A_773 : vector<16xi32>, vector<16xf32>
        }
        %add3A_859 = arith.constant 1 : i32
        %add3A_860 = arith.addi %select_n3A_14, %add3A_859 : i32
        %mul3A_861 = arith.constant 128 : i32
        %mul3A_862 = arith.muli %scan3A_771, %mul3A_861 : i32
        %get3A_863 = arith.index_cast %add3A_860 : i32 to index
        %get3A_864 = arith.index_cast %mul3A_862 : i32 to index
        %get3A_865 = tpu.vector_load %arg8[%get3A_863, %get3A_864] {strides = array<i32>} : memref<8x768xf32, #tpu.memory_space<vmem>>, vector<16xf32>,
        %gt3A_866 = arith.cmpf ogt, %get3A_865, %scan3A_775 : vector<16xf32>
        %add3A_867 = arith.constant 16 : i32
        %add3A_868 = arith.addi %mul3A_862, %add3A_867 : i32
        %get3A_869 = arith.index_cast %add3A_860 : i32 to index
        %get3A_870 = arith.index_cast %add3A_868 : i32 to index
        %get3A_871 = tpu.vector_load %arg8[%get3A_869, %get3A_870] {strides = array<i32>} : memref<8x768xf32, #tpu.memory_space<vmem>>, vector<16xf32>,
        %gt3A_872 = arith.cmpf ogt, %get3A_871, %scan3A_775 : vector<16xf32>
        %or3A_873 = arith.ori %gt3A_866, %gt3A_872 : vector<16xi1>
        %add3A_874 = arith.constant 32 : i32
        %add3A_875 = arith.addi %mul3A_862, %add3A_874 : i32
        %get3A_876 = arith.index_cast %add3A_860 : i32 to index
        %get3A_877 = arith.index_cast %add3A_875 : i32 to index
        %get3A_878 = tpu.vector_load %arg8[%get3A_876, %get3A_877] {strides = array<i32>} : memref<8x768xf32, #tpu.memory_space<vmem>>, vector<16xf32>,
        %gt3A_879 = arith.cmpf ogt, %get3A_878, %scan3A_775 : vector<16xf32>
        %or3A_880 = arith.ori %or3A_873, %gt3A_879 : vector<16xi1>
        %add3A_881 = arith.constant 48 : i32
        %add3A_882 = arith.addi %mul3A_862, %add3A_881 : i32
        %get3A_883 = arith.index_cast %add3A_860 : i32 to index
        %get3A_884 = arith.index_cast %add3A_882 : i32 to index
        %get3A_885 = tpu.vector_load %arg8[%get3A_883, %get3A_884] {strides = array<i32>} : memref<8x768xf32, #tpu.memory_space<vmem>>, vector<16xf32>,
        %gt3A_886 = arith.cmpf ogt, %get3A_885, %scan3A_775 : vector<16xf32>
        %or3A_887 = arith.ori %or3A_880, %gt3A_886 : vector<16xi1>
        %add3A_888 = arith.constant 64 : i32
        %add3A_889 = arith.addi %mul3A_862, %add3A_888 : i32
        %get3A_890 = arith.index_cast %add3A_860 : i32 to index
        %get3A_891 = arith.index_cast %add3A_889 : i32 to index
        %get3A_892 = tpu.vector_load %arg8[%get3A_890, %get3A_891] {strides = array<i32>} : memref<8x768xf32, #tpu.memory_space<vmem>>, vector<16xf32>,
        %gt3A_893 = arith.cmpf ogt, %get3A_892, %scan3A_775 : vector<16xf32>
        %or3A_894 = arith.ori %or3A_887, %gt3A_893 : vector<16xi1>
        %add3A_895 = arith.constant 80 : i32
        %add3A_896 = arith.addi %mul3A_862, %add3A_895 : i32
        %get3A_897 = arith.index_cast %add3A_860 : i32 to index
        %get3A_898 = arith.index_cast %add3A_896 : i32 to index
        %get3A_899 = tpu.vector_load %arg8[%get3A_897, %get3A_898] {strides = array<i32>} : memref<8x768xf32, #tpu.memory_space<vmem>>, vector<16xf32>,
        %gt3A_900 = arith.cmpf ogt, %get3A_899, %scan3A_775 : vector<16xf32>
        %or3A_901 = arith.ori %or3A_894, %gt3A_900 : vector<16xi1>
        %add3A_902 = arith.constant 96 : i32
        %add3A_903 = arith.addi %mul3A_862, %add3A_902 : i32
        %get3A_904 = arith.index_cast %add3A_860 : i32 to index
        %get3A_905 = arith.index_cast %add3A_903 : i32 to index
        %get3A_906 = tpu.vector_load %arg8[%get3A_904, %get3A_905] {strides = array<i32>} : memref<8x768xf32, #tpu.memory_space<vmem>>, vector<16xf32>,
        %gt3A_907 = arith.cmpf ogt, %get3A_906, %scan3A_775 : vector<16xf32>
        %or3A_908 = arith.ori %or3A_901, %gt3A_907 : vector<16xi1>
        %add3A_909 = arith.constant 112 : i32
        %add3A_910 = arith.addi %mul3A_862, %add3A_909 : i32
        %get3A_911 = arith.index_cast %add3A_860 : i32 to index
        %get3A_912 = arith.index_cast %add3A_910 : i32 to index
        %get3A_913 = tpu.vector_load %arg8[%get3A_911, %get3A_912] {strides = array<i32>} : memref<8x768xf32, #tpu.memory_space<vmem>>, vector<16xf32>,
        %gt3A_914 = arith.cmpf ogt, %get3A_913, %scan3A_775 : vector<16xf32>
        %or3A_915 = arith.ori %or3A_908, %gt3A_914 : vector<16xi1>
        %reduce_or3A_916 = arith.constant 1.000000e+00 : f32
        %reduce_or3A_917 = arith.constant 0.000000e+00 : f32
        %reduce_or3A_918 = vector.broadcast %reduce_or3A_916 : f32 to vector<16xf32>
        %reduce_or3A_919 = vector.broadcast %reduce_or3A_917 : f32 to vector<16xf32>
        %reduce_or3A_920 = arith.select %or3A_915, %reduce_or3A_918, %reduce_or3A_919 : vector<16xi1>, vector<16xf32>
        %reduce_or3A_921 = arith.constant true
        %reduce_or3A_922 = vector.broadcast %reduce_or3A_921 : i1 to vector<16xi1>
        %reduce_or3A_923 = tpu.scan <max>, %reduce_or3A_920 masked %reduce_or3A_922 : vector<16xf32>, vector<16xi1> -> vector<16xf32>
        %reduce_or3A_924 = vector.extract %reduce_or3A_923[15] : f32 from vector<16xf32>
        %reduce_or3A_925 = arith.constant 0.000000e+00 : f32
        %reduce_or3A_926 = arith.cmpf ogt, %reduce_or3A_924, %reduce_or3A_925 : f32
        %convert_element_type3A_927 = arith.extui %reduce_or3A_926 : i1 to i32
        %cond3A_928 = arith.constant 0 : i32
        %cond3A_929 = arith.cmpi ne, %convert_element_type3A_927, %cond3A_928 : i32
        %cond3A_930 = scf.if %cond3A_929 -> (vector<16xi32>) {
          %add3A_939 = arith.constant 0 : i32
          %add3A_940 = arith.addi %mul3A_862, %add3A_939 : i32
          %get3A_941 = arith.index_cast %add3A_860 : i32 to index
          %get3A_942 = arith.index_cast %add3A_940 : i32 to index
          %get3A_943 = tpu.vector_load %arg8[%get3A_941, %get3A_942] {strides = array<i32>} : memref<8x768xf32, #tpu.memory_space<vmem>>, vector<16xf32>,
          %gt3A_944 = arith.cmpf ogt, %get3A_943, %scan3A_775 : vector<16xf32>
          %jit3A_945 = arith.constant 1 : i32
          %jit3A_946 = arith.constant 0 : i32
          %broadcast_in_dim3A_947 = vector.broadcast %jit3A_945 : i32 to vector<16xi32>
          %broadcast_in_dim3A_948 = vector.broadcast %jit3A_946 : i32 to vector<16xi32>
          %select_n3A_949 = arith.select %gt3A_944, %broadcast_in_dim3A_947, %broadcast_in_dim3A_948 : vector<16xi1>, vector<16xi32>
          %broadcast_in_dim3A_950 = arith.constant true
          %broadcast_in_dim3A_951 = vector.broadcast %broadcast_in_dim3A_950 : i1 to vector<16xi1>
          %masked_cumsum3A = tpu.scan <sum>, %select_n3A_949 masked %broadcast_in_dim3A_951 : vector<16xi32>, vector<16xi1> -> vector<16xi32>
          %add3A_952 = arith.addi %scan3A_774, %masked_cumsum3A : vector<16xi32>
          %sub3A = arith.constant 1 : i32
          %sub3A_953 = vector.broadcast %sub3A : i32 to vector<16xi32>
          %sub3A_954 = arith.subi %add3A_952, %sub3A_953 : vector<16xi32>
          %broadcast_in_dim3A_955 = arith.constant 4111 : i32
          %broadcast_in_dim3A_956 = vector.broadcast %broadcast_in_dim3A_955 : i32 to vector<16xi32>
          %min3A_957 = arith.minsi %sub3A_954, %broadcast_in_dim3A_956 : vector<16xi32>
          tpu.vector_store_idx %arg12[%min3A_957], %get3A_943 masked %gt3A_944 : memref<4112xf32, #tpu.memory_space<vmem>>[vector<16xi32>], vector<16xf32>, vector<16xi1>
          %add3A_958 = arith.constant 0 : i32
          %add3A_959 = vector.broadcast %add3A_958 : i32 to vector<16xi32>
          %add3A_960 = arith.addi %add3A_780, %add3A_959 : vector<16xi32>
          tpu.vector_store_idx %arg13[%min3A_957], %add3A_960 masked %gt3A_944 : memref<4112xi32, #tpu.memory_space<vmem>>[vector<16xi32>], vector<16xi32>, vector<16xi1>
          %all_reduce_population_count3A = tpu.all_reduce %gt3A_944 {dim = 0 : i64, kind = #tpu.reduction_kind<sum>} : vector<16xi1> -> vector<16xi32>
          %add3A_961 = arith.addi %scan3A_774, %all_reduce_population_count3A : vector<16xi32>
          %broadcast_in_dim3A_962 = arith.constant 4096 : i32
          %broadcast_in_dim3A_963 = vector.broadcast %broadcast_in_dim3A_962 : i32 to vector<16xi32>
          %min3A_964 = arith.minsi %add3A_961, %broadcast_in_dim3A_963 : vector<16xi32>
          %add3A_965 = arith.constant 16 : i32
          %add3A_966 = arith.addi %mul3A_862, %add3A_965 : i32
          %get3A_967 = arith.index_cast %add3A_860 : i32 to index
          %get3A_968 = arith.index_cast %add3A_966 : i32 to index
          %get3A_969 = tpu.vector_load %arg8[%get3A_967, %get3A_968] {strides = array<i32>} : memref<8x768xf32, #tpu.memory_space<vmem>>, vector<16xf32>,
          %gt3A_970 = arith.cmpf ogt, %get3A_969, %scan3A_775 : vector<16xf32>
          %jit3A_971 = arith.constant 1 : i32
          %jit3A_972 = arith.constant 0 : i32
          %broadcast_in_dim3A_973 = vector.broadcast %jit3A_971 : i32 to vector<16xi32>
          %broadcast_in_dim3A_974 = vector.broadcast %jit3A_972 : i32 to vector<16xi32>
          %select_n3A_975 = arith.select %gt3A_970, %broadcast_in_dim3A_973, %broadcast_in_dim3A_974 : vector<16xi1>, vector<16xi32>
          %broadcast_in_dim3A_976 = arith.constant true
          %broadcast_in_dim3A_977 = vector.broadcast %broadcast_in_dim3A_976 : i1 to vector<16xi1>
          %masked_cumsum3A_978 = tpu.scan <sum>, %select_n3A_975 masked %broadcast_in_dim3A_977 : vector<16xi32>, vector<16xi1> -> vector<16xi32>
          %add3A_979 = arith.addi %min3A_964, %masked_cumsum3A_978 : vector<16xi32>
          %sub3A_980 = arith.constant 1 : i32
          %sub3A_981 = vector.broadcast %sub3A_980 : i32 to vector<16xi32>
          %sub3A_982 = arith.subi %add3A_979, %sub3A_981 : vector<16xi32>
          %broadcast_in_dim3A_983 = arith.constant 4111 : i32
          %broadcast_in_dim3A_984 = vector.broadcast %broadcast_in_dim3A_983 : i32 to vector<16xi32>
          %min3A_985 = arith.minsi %sub3A_982, %broadcast_in_dim3A_984 : vector<16xi32>
          tpu.vector_store_idx %arg12[%min3A_985], %get3A_969 masked %gt3A_970 : memref<4112xf32, #tpu.memory_space<vmem>>[vector<16xi32>], vector<16xf32>, vector<16xi1>
          %add3A_986 = arith.constant 16 : i32
          %add3A_987 = vector.broadcast %add3A_986 : i32 to vector<16xi32>
          %add3A_988 = arith.addi %add3A_780, %add3A_987 : vector<16xi32>
          tpu.vector_store_idx %arg13[%min3A_985], %add3A_988 masked %gt3A_970 : memref<4112xi32, #tpu.memory_space<vmem>>[vector<16xi32>], vector<16xi32>, vector<16xi1>
          %all_reduce_population_count3A_989 = tpu.all_reduce %gt3A_970 {dim = 0 : i64, kind = #tpu.reduction_kind<sum>} : vector<16xi1> -> vector<16xi32>
          %add3A_990 = arith.addi %min3A_964, %all_reduce_population_count3A_989 : vector<16xi32>
          %broadcast_in_dim3A_991 = arith.constant 4096 : i32
          %broadcast_in_dim3A_992 = vector.broadcast %broadcast_in_dim3A_991 : i32 to vector<16xi32>
          %min3A_993 = arith.minsi %add3A_990, %broadcast_in_dim3A_992 : vector<16xi32>
          %add3A_994 = arith.constant 32 : i32
          %add3A_995 = arith.addi %mul3A_862, %add3A_994 : i32
          %get3A_996 = arith.index_cast %add3A_860 : i32 to index
          %get3A_997 = arith.index_cast %add3A_995 : i32 to index
          %get3A_998 = tpu.vector_load %arg8[%get3A_996, %get3A_997] {strides = array<i32>} : memref<8x768xf32, #tpu.memory_space<vmem>>, vector<16xf32>,
          %gt3A_999 = arith.cmpf ogt, %get3A_998, %scan3A_775 : vector<16xf32>
          %jit3A_1000 = arith.constant 1 : i32
          %jit3A_1001 = arith.constant 0 : i32
          %broadcast_in_dim3A_1002 = vector.broadcast %jit3A_1000 : i32 to vector<16xi32>
          %broadcast_in_dim3A_1003 = vector.broadcast %jit3A_1001 : i32 to vector<16xi32>
          %select_n3A_1004 = arith.select %gt3A_999, %broadcast_in_dim3A_1002, %broadcast_in_dim3A_1003 : vector<16xi1>, vector<16xi32>
          %broadcast_in_dim3A_1005 = arith.constant true
          %broadcast_in_dim3A_1006 = vector.broadcast %broadcast_in_dim3A_1005 : i1 to vector<16xi1>
          %masked_cumsum3A_1007 = tpu.scan <sum>, %select_n3A_1004 masked %broadcast_in_dim3A_1006 : vector<16xi32>, vector<16xi1> -> vector<16xi32>
          %add3A_1008 = arith.addi %min3A_993, %masked_cumsum3A_1007 : vector<16xi32>
          %sub3A_1009 = arith.constant 1 : i32
          %sub3A_1010 = vector.broadcast %sub3A_1009 : i32 to vector<16xi32>
          %sub3A_1011 = arith.subi %add3A_1008, %sub3A_1010 : vector<16xi32>
          %broadcast_in_dim3A_1012 = arith.constant 4111 : i32
          %broadcast_in_dim3A_1013 = vector.broadcast %broadcast_in_dim3A_1012 : i32 to vector<16xi32>
          %min3A_1014 = arith.minsi %sub3A_1011, %broadcast_in_dim3A_1013 : vector<16xi32>
          tpu.vector_store_idx %arg12[%min3A_1014], %get3A_998 masked %gt3A_999 : memref<4112xf32, #tpu.memory_space<vmem>>[vector<16xi32>], vector<16xf32>, vector<16xi1>
          %add3A_1015 = arith.constant 32 : i32
          %add3A_1016 = vector.broadcast %add3A_1015 : i32 to vector<16xi32>
          %add3A_1017 = arith.addi %add3A_780, %add3A_1016 : vector<16xi32>
          tpu.vector_store_idx %arg13[%min3A_1014], %add3A_1017 masked %gt3A_999 : memref<4112xi32, #tpu.memory_space<vmem>>[vector<16xi32>], vector<16xi32>, vector<16xi1>
          %all_reduce_population_count3A_1018 = tpu.all_reduce %gt3A_999 {dim = 0 : i64, kind = #tpu.reduction_kind<sum>} : vector<16xi1> -> vector<16xi32>
          %add3A_1019 = arith.addi %min3A_993, %all_reduce_population_count3A_1018 : vector<16xi32>
          %broadcast_in_dim3A_1020 = arith.constant 4096 : i32
          %broadcast_in_dim3A_1021 = vector.broadcast %broadcast_in_dim3A_1020 : i32 to vector<16xi32>
          %min3A_1022 = arith.minsi %add3A_1019, %broadcast_in_dim3A_1021 : vector<16xi32>
          %add3A_1023 = arith.constant 48 : i32
          %add3A_1024 = arith.addi %mul3A_862, %add3A_1023 : i32
          %get3A_1025 = arith.index_cast %add3A_860 : i32 to index
          %get3A_1026 = arith.index_cast %add3A_1024 : i32 to index
          %get3A_1027 = tpu.vector_load %arg8[%get3A_1025, %get3A_1026] {strides = array<i32>} : memref<8x768xf32, #tpu.memory_space<vmem>>, vector<16xf32>,
          %gt3A_1028 = arith.cmpf ogt, %get3A_1027, %scan3A_775 : vector<16xf32>
          %jit3A_1029 = arith.constant 1 : i32
          %jit3A_1030 = arith.constant 0 : i32
          %broadcast_in_dim3A_1031 = vector.broadcast %jit3A_1029 : i32 to vector<16xi32>
          %broadcast_in_dim3A_1032 = vector.broadcast %jit3A_1030 : i32 to vector<16xi32>
          %select_n3A_1033 = arith.select %gt3A_1028, %broadcast_in_dim3A_1031, %broadcast_in_dim3A_1032 : vector<16xi1>, vector<16xi32>
          %broadcast_in_dim3A_1034 = arith.constant true
          %broadcast_in_dim3A_1035 = vector.broadcast %broadcast_in_dim3A_1034 : i1 to vector<16xi1>
          %masked_cumsum3A_1036 = tpu.scan <sum>, %select_n3A_1033 masked %broadcast_in_dim3A_1035 : vector<16xi32>, vector<16xi1> -> vector<16xi32>
          %add3A_1037 = arith.addi %min3A_1022, %masked_cumsum3A_1036 : vector<16xi32>
          %sub3A_1038 = arith.constant 1 : i32
          %sub3A_1039 = vector.broadcast %sub3A_1038 : i32 to vector<16xi32>
          %sub3A_1040 = arith.subi %add3A_1037, %sub3A_1039 : vector<16xi32>
          %broadcast_in_dim3A_1041 = arith.constant 4111 : i32
          %broadcast_in_dim3A_1042 = vector.broadcast %broadcast_in_dim3A_1041 : i32 to vector<16xi32>
          %min3A_1043 = arith.minsi %sub3A_1040, %broadcast_in_dim3A_1042 : vector<16xi32>
          tpu.vector_store_idx %arg12[%min3A_1043], %get3A_1027 masked %gt3A_1028 : memref<4112xf32, #tpu.memory_space<vmem>>[vector<16xi32>], vector<16xf32>, vector<16xi1>
          %add3A_1044 = arith.constant 48 : i32
          %add3A_1045 = vector.broadcast %add3A_1044 : i32 to vector<16xi32>
          %add3A_1046 = arith.addi %add3A_780, %add3A_1045 : vector<16xi32>
          tpu.vector_store_idx %arg13[%min3A_1043], %add3A_1046 masked %gt3A_1028 : memref<4112xi32, #tpu.memory_space<vmem>>[vector<16xi32>], vector<16xi32>, vector<16xi1>
          %all_reduce_population_count3A_1047 = tpu.all_reduce %gt3A_1028 {dim = 0 : i64, kind = #tpu.reduction_kind<sum>} : vector<16xi1> -> vector<16xi32>
          %add3A_1048 = arith.addi %min3A_1022, %all_reduce_population_count3A_1047 : vector<16xi32>
          %broadcast_in_dim3A_1049 = arith.constant 4096 : i32
          %broadcast_in_dim3A_1050 = vector.broadcast %broadcast_in_dim3A_1049 : i32 to vector<16xi32>
          %min3A_1051 = arith.minsi %add3A_1048, %broadcast_in_dim3A_1050 : vector<16xi32>
          %add3A_1052 = arith.constant 64 : i32
          %add3A_1053 = arith.addi %mul3A_862, %add3A_1052 : i32
          %get3A_1054 = arith.index_cast %add3A_860 : i32 to index
          %get3A_1055 = arith.index_cast %add3A_1053 : i32 to index
          %get3A_1056 = tpu.vector_load %arg8[%get3A_1054, %get3A_1055] {strides = array<i32>} : memref<8x768xf32, #tpu.memory_space<vmem>>, vector<16xf32>,
          %gt3A_1057 = arith.cmpf ogt, %get3A_1056, %scan3A_775 : vector<16xf32>
          %jit3A_1058 = arith.constant 1 : i32
          %jit3A_1059 = arith.constant 0 : i32
          %broadcast_in_dim3A_1060 = vector.broadcast %jit3A_1058 : i32 to vector<16xi32>
          %broadcast_in_dim3A_1061 = vector.broadcast %jit3A_1059 : i32 to vector<16xi32>
          %select_n3A_1062 = arith.select %gt3A_1057, %broadcast_in_dim3A_1060, %broadcast_in_dim3A_1061 : vector<16xi1>, vector<16xi32>
          %broadcast_in_dim3A_1063 = arith.constant true
          %broadcast_in_dim3A_1064 = vector.broadcast %broadcast_in_dim3A_1063 : i1 to vector<16xi1>
          %masked_cumsum3A_1065 = tpu.scan <sum>, %select_n3A_1062 masked %broadcast_in_dim3A_1064 : vector<16xi32>, vector<16xi1> -> vector<16xi32>
          %add3A_1066 = arith.addi %min3A_1051, %masked_cumsum3A_1065 : vector<16xi32>
          %sub3A_1067 = arith.constant 1 : i32
          %sub3A_1068 = vector.broadcast %sub3A_1067 : i32 to vector<16xi32>
          %sub3A_1069 = arith.subi %add3A_1066, %sub3A_1068 : vector<16xi32>
          %broadcast_in_dim3A_1070 = arith.constant 4111 : i32
          %broadcast_in_dim3A_1071 = vector.broadcast %broadcast_in_dim3A_1070 : i32 to vector<16xi32>
          %min3A_1072 = arith.minsi %sub3A_1069, %broadcast_in_dim3A_1071 : vector<16xi32>
          tpu.vector_store_idx %arg12[%min3A_1072], %get3A_1056 masked %gt3A_1057 : memref<4112xf32, #tpu.memory_space<vmem>>[vector<16xi32>], vector<16xf32>, vector<16xi1>
          %add3A_1073 = arith.constant 64 : i32
          %add3A_1074 = vector.broadcast %add3A_1073 : i32 to vector<16xi32>
          %add3A_1075 = arith.addi %add3A_780, %add3A_1074 : vector<16xi32>
          tpu.vector_store_idx %arg13[%min3A_1072], %add3A_1075 masked %gt3A_1057 : memref<4112xi32, #tpu.memory_space<vmem>>[vector<16xi32>], vector<16xi32>, vector<16xi1>
          %all_reduce_population_count3A_1076 = tpu.all_reduce %gt3A_1057 {dim = 0 : i64, kind = #tpu.reduction_kind<sum>} : vector<16xi1> -> vector<16xi32>
          %add3A_1077 = arith.addi %min3A_1051, %all_reduce_population_count3A_1076 : vector<16xi32>
          %broadcast_in_dim3A_1078 = arith.constant 4096 : i32
          %broadcast_in_dim3A_1079 = vector.broadcast %broadcast_in_dim3A_1078 : i32 to vector<16xi32>
          %min3A_1080 = arith.minsi %add3A_1077, %broadcast_in_dim3A_1079 : vector<16xi32>
          %add3A_1081 = arith.constant 80 : i32
          %add3A_1082 = arith.addi %mul3A_862, %add3A_1081 : i32
          %get3A_1083 = arith.index_cast %add3A_860 : i32 to index
          %get3A_1084 = arith.index_cast %add3A_1082 : i32 to index
          %get3A_1085 = tpu.vector_load %arg8[%get3A_1083, %get3A_1084] {strides = array<i32>} : memref<8x768xf32, #tpu.memory_space<vmem>>, vector<16xf32>,
          %gt3A_1086 = arith.cmpf ogt, %get3A_1085, %scan3A_775 : vector<16xf32>
          %jit3A_1087 = arith.constant 1 : i32
          %jit3A_1088 = arith.constant 0 : i32
          %broadcast_in_dim3A_1089 = vector.broadcast %jit3A_1087 : i32 to vector<16xi32>
          %broadcast_in_dim3A_1090 = vector.broadcast %jit3A_1088 : i32 to vector<16xi32>
          %select_n3A_1091 = arith.select %gt3A_1086, %broadcast_in_dim3A_1089, %broadcast_in_dim3A_1090 : vector<16xi1>, vector<16xi32>
          %broadcast_in_dim3A_1092 = arith.constant true
          %broadcast_in_dim3A_1093 = vector.broadcast %broadcast_in_dim3A_1092 : i1 to vector<16xi1>
          %masked_cumsum3A_1094 = tpu.scan <sum>, %select_n3A_1091 masked %broadcast_in_dim3A_1093 : vector<16xi32>, vector<16xi1> -> vector<16xi32>
          %add3A_1095 = arith.addi %min3A_1080, %masked_cumsum3A_1094 : vector<16xi32>
          %sub3A_1096 = arith.constant 1 : i32
          %sub3A_1097 = vector.broadcast %sub3A_1096 : i32 to vector<16xi32>
          %sub3A_1098 = arith.subi %add3A_1095, %sub3A_1097 : vector<16xi32>
          %broadcast_in_dim3A_1099 = arith.constant 4111 : i32
          %broadcast_in_dim3A_1100 = vector.broadcast %broadcast_in_dim3A_1099 : i32 to vector<16xi32>
          %min3A_1101 = arith.minsi %sub3A_1098, %broadcast_in_dim3A_1100 : vector<16xi32>
          tpu.vector_store_idx %arg12[%min3A_1101], %get3A_1085 masked %gt3A_1086 : memref<4112xf32, #tpu.memory_space<vmem>>[vector<16xi32>], vector<16xf32>, vector<16xi1>
          %add3A_1102 = arith.constant 80 : i32
          %add3A_1103 = vector.broadcast %add3A_1102 : i32 to vector<16xi32>
          %add3A_1104 = arith.addi %add3A_780, %add3A_1103 : vector<16xi32>
          tpu.vector_store_idx %arg13[%min3A_1101], %add3A_1104 masked %gt3A_1086 : memref<4112xi32, #tpu.memory_space<vmem>>[vector<16xi32>], vector<16xi32>, vector<16xi1>
          %all_reduce_population_count3A_1105 = tpu.all_reduce %gt3A_1086 {dim = 0 : i64, kind = #tpu.reduction_kind<sum>} : vector<16xi1> -> vector<16xi32>
          %add3A_1106 = arith.addi %min3A_1080, %all_reduce_population_count3A_1105 : vector<16xi32>
          %broadcast_in_dim3A_1107 = arith.constant 4096 : i32
          %broadcast_in_dim3A_1108 = vector.broadcast %broadcast_in_dim3A_1107 : i32 to vector<16xi32>
          %min3A_1109 = arith.minsi %add3A_1106, %broadcast_in_dim3A_1108 : vector<16xi32>
          %add3A_1110 = arith.constant 96 : i32
          %add3A_1111 = arith.addi %mul3A_862, %add3A_1110 : i32
          %get3A_1112 = arith.index_cast %add3A_860 : i32 to index
          %get3A_1113 = arith.index_cast %add3A_1111 : i32 to index
          %get3A_1114 = tpu.vector_load %arg8[%get3A_1112, %get3A_1113] {strides = array<i32>} : memref<8x768xf32, #tpu.memory_space<vmem>>, vector<16xf32>,
          %gt3A_1115 = arith.cmpf ogt, %get3A_1114, %scan3A_775 : vector<16xf32>
          %jit3A_1116 = arith.constant 1 : i32
          %jit3A_1117 = arith.constant 0 : i32
          %broadcast_in_dim3A_1118 = vector.broadcast %jit3A_1116 : i32 to vector<16xi32>
          %broadcast_in_dim3A_1119 = vector.broadcast %jit3A_1117 : i32 to vector<16xi32>
          %select_n3A_1120 = arith.select %gt3A_1115, %broadcast_in_dim3A_1118, %broadcast_in_dim3A_1119 : vector<16xi1>, vector<16xi32>
          %broadcast_in_dim3A_1121 = arith.constant true
          %broadcast_in_dim3A_1122 = vector.broadcast %broadcast_in_dim3A_1121 : i1 to vector<16xi1>
          %masked_cumsum3A_1123 = tpu.scan <sum>, %select_n3A_1120 masked %broadcast_in_dim3A_1122 : vector<16xi32>, vector<16xi1> -> vector<16xi32>
          %add3A_1124 = arith.addi %min3A_1109, %masked_cumsum3A_1123 : vector<16xi32>
          %sub3A_1125 = arith.constant 1 : i32
          %sub3A_1126 = vector.broadcast %sub3A_1125 : i32 to vector<16xi32>
          %sub3A_1127 = arith.subi %add3A_1124, %sub3A_1126 : vector<16xi32>
          %broadcast_in_dim3A_1128 = arith.constant 4111 : i32
          %broadcast_in_dim3A_1129 = vector.broadcast %broadcast_in_dim3A_1128 : i32 to vector<16xi32>
          %min3A_1130 = arith.minsi %sub3A_1127, %broadcast_in_dim3A_1129 : vector<16xi32>
          tpu.vector_store_idx %arg12[%min3A_1130], %get3A_1114 masked %gt3A_1115 : memref<4112xf32, #tpu.memory_space<vmem>>[vector<16xi32>], vector<16xf32>, vector<16xi1>
          %add3A_1131 = arith.constant 96 : i32
          %add3A_1132 = vector.broadcast %add3A_1131 : i32 to vector<16xi32>
          %add3A_1133 = arith.addi %add3A_780, %add3A_1132 : vector<16xi32>
          tpu.vector_store_idx %arg13[%min3A_1130], %add3A_1133 masked %gt3A_1115 : memref<4112xi32, #tpu.memory_space<vmem>>[vector<16xi32>], vector<16xi32>, vector<16xi1>
          %all_reduce_population_count3A_1134 = tpu.all_reduce %gt3A_1115 {dim = 0 : i64, kind = #tpu.reduction_kind<sum>} : vector<16xi1> -> vector<16xi32>
          %add3A_1135 = arith.addi %min3A_1109, %all_reduce_population_count3A_1134 : vector<16xi32>
          %broadcast_in_dim3A_1136 = arith.constant 4096 : i32
          %broadcast_in_dim3A_1137 = vector.broadcast %broadcast_in_dim3A_1136 : i32 to vector<16xi32>
          %min3A_1138 = arith.minsi %add3A_1135, %broadcast_in_dim3A_1137 : vector<16xi32>
          %add3A_1139 = arith.constant 112 : i32
          %add3A_1140 = arith.addi %mul3A_862, %add3A_1139 : i32
          %get3A_1141 = arith.index_cast %add3A_860 : i32 to index
          %get3A_1142 = arith.index_cast %add3A_1140 : i32 to index
          %get3A_1143 = tpu.vector_load %arg8[%get3A_1141, %get3A_1142] {strides = array<i32>} : memref<8x768xf32, #tpu.memory_space<vmem>>, vector<16xf32>,
          %gt3A_1144 = arith.cmpf ogt, %get3A_1143, %scan3A_775 : vector<16xf32>
          %jit3A_1145 = arith.constant 1 : i32
          %jit3A_1146 = arith.constant 0 : i32
          %broadcast_in_dim3A_1147 = vector.broadcast %jit3A_1145 : i32 to vector<16xi32>
          %broadcast_in_dim3A_1148 = vector.broadcast %jit3A_1146 : i32 to vector<16xi32>
          %select_n3A_1149 = arith.select %gt3A_1144, %broadcast_in_dim3A_1147, %broadcast_in_dim3A_1148 : vector<16xi1>, vector<16xi32>
          %broadcast_in_dim3A_1150 = arith.constant true
          %broadcast_in_dim3A_1151 = vector.broadcast %broadcast_in_dim3A_1150 : i1 to vector<16xi1>
          %masked_cumsum3A_1152 = tpu.scan <sum>, %select_n3A_1149 masked %broadcast_in_dim3A_1151 : vector<16xi32>, vector<16xi1> -> vector<16xi32>
          %add3A_1153 = arith.addi %min3A_1138, %masked_cumsum3A_1152 : vector<16xi32>
          %sub3A_1154 = arith.constant 1 : i32
          %sub3A_1155 = vector.broadcast %sub3A_1154 : i32 to vector<16xi32>
          %sub3A_1156 = arith.subi %add3A_1153, %sub3A_1155 : vector<16xi32>
          %broadcast_in_dim3A_1157 = arith.constant 4111 : i32
          %broadcast_in_dim3A_1158 = vector.broadcast %broadcast_in_dim3A_1157 : i32 to vector<16xi32>
          %min3A_1159 = arith.minsi %sub3A_1156, %broadcast_in_dim3A_1158 : vector<16xi32>
          tpu.vector_store_idx %arg12[%min3A_1159], %get3A_1143 masked %gt3A_1144 : memref<4112xf32, #tpu.memory_space<vmem>>[vector<16xi32>], vector<16xf32>, vector<16xi1>
          %add3A_1160 = arith.constant 112 : i32
          %add3A_1161 = vector.broadcast %add3A_1160 : i32 to vector<16xi32>
          %add3A_1162 = arith.addi %add3A_780, %add3A_1161 : vector<16xi32>
          tpu.vector_store_idx %arg13[%min3A_1159], %add3A_1162 masked %gt3A_1144 : memref<4112xi32, #tpu.memory_space<vmem>>[vector<16xi32>], vector<16xi32>, vector<16xi1>
          %all_reduce_population_count3A_1163 = tpu.all_reduce %gt3A_1144 {dim = 0 : i64, kind = #tpu.reduction_kind<sum>} : vector<16xi1> -> vector<16xi32>
          %add3A_1164 = arith.addi %min3A_1138, %all_reduce_population_count3A_1163 : vector<16xi32>
          %broadcast_in_dim3A_1165 = arith.constant 4096 : i32
          %broadcast_in_dim3A_1166 = vector.broadcast %broadcast_in_dim3A_1165 : i32 to vector<16xi32>
          %min3A_1167 = arith.minsi %add3A_1164, %broadcast_in_dim3A_1166 : vector<16xi32>
          scf.yield %min3A_1167 : vector<16xi32>
        } else {
          scf.yield %scan3A_774 : vector<16xi32>
        }
        %slice3A_931 = vector.extract_strided_slice %cond3A_930 {offsets = [0], sizes = [1], strides = [1]} : vector<16xi32> to vector<1xi32>
        %squeeze3A_932 = vector.extract %slice3A_931[0] : i32 from vector<1xi32>
        %ge3A_933 = arith.constant 3968 : i32
        %ge3A_934 = arith.cmpi sge, %squeeze3A_932, %ge3A_933 : i32
        %convert_element_type3A_935 = arith.extui %ge3A_934 : i1 to i32
        %cond3A_936 = arith.constant 0 : i32
        %cond3A_937 = arith.cmpi ne, %convert_element_type3A_935, %cond3A_936 : i32
        %cond3A_938:2 = scf.if %cond3A_937 -> (vector<16xi32>, vector<16xf32>) {
          %reduce_max3A_939 = arith.constant true
          %reduce_max3A_940 = vector.broadcast %reduce_max3A_939 : i1 to vector<16xi1>
          %reduce_max3A_941 = arith.constant -2147483648 : i32
          %reduce_max3A_942 = vector.broadcast %reduce_max3A_941 : i32 to vector<16xi32>
          %reduce_max3A_943 = arith.xori %cond3A_930, %reduce_max3A_942 : vector<16xi32>
          %reduce_max3A_944 = tpu.scan <max>, %reduce_max3A_943 masked %reduce_max3A_940 : vector<16xi32>, vector<16xi1> -> vector<16xi32>
          %reduce_max3A_945 = arith.xori %reduce_max3A_944, %reduce_max3A_942 : vector<16xi32>
          %reduce_max3A_946 = vector.extract %reduce_max3A_945[15] : i32 from vector<16xi32>
          %add3A_947 = arith.constant 15 : i32
          %add3A_948 = arith.addi %reduce_max3A_946, %add3A_947 : i32
          %shift_right_arithmetic3A_949 = arith.constant 4 : i32
          %shift_right_arithmetic3A_950 = arith.shrsi %add3A_948, %shift_right_arithmetic3A_949 : i32
          %reduce_max3A_951 = arith.constant true
          %reduce_max3A_952 = vector.broadcast %reduce_max3A_951 : i1 to vector<16xi1>
          %reduce_max3A_953 = arith.constant -2147483648 : i32
          %reduce_max3A_954 = vector.broadcast %reduce_max3A_953 : i32 to vector<16xi32>
          %reduce_max3A_955 = arith.xori %cond3A_930, %reduce_max3A_954 : vector<16xi32>
          %reduce_max3A_956 = tpu.scan <max>, %reduce_max3A_955 masked %reduce_max3A_952 : vector<16xi32>, vector<16xi1> -> vector<16xi32>
          %reduce_max3A_957 = arith.xori %reduce_max3A_956, %reduce_max3A_954 : vector<16xi32>
          %reduce_max3A_958 = vector.extract %reduce_max3A_957[15] : i32 from vector<16xi32>
          %while3A_959 = arith.constant 0 : i32
          %while3A_960 = arith.constant -1 : i32
          %while3A_961:3 = scf.while (%while3A_996 = %while3A_959, %while3A_997 = %while3A_960, %while3A_998 = %reduce_max3A_958) : (i32, i32, i32) -> (i32, i32, i32) {
            %sub3A = arith.subi %while3A_997, %while3A_996 : i32
            %gt3A_999 = arith.constant 1 : i32
            %gt3A_1000 = arith.cmpi ugt, %sub3A, %gt3A_999 : i32
            %lt3A_1001 = arith.constant 100 : i32
            %lt3A_1002 = arith.cmpi slt, %while3A_998, %lt3A_1001 : i32
            %gt3A_1003 = arith.constant 128 : i32
            %gt3A_1004 = arith.cmpi sgt, %while3A_998, %gt3A_1003 : i32
            %or3A_1005 = arith.ori %lt3A_1002, %gt3A_1004 : i1
            %and3A_1006 = arith.andi %gt3A_1000, %or3A_1005 : i1
            scf.condition(%and3A_1006) %while3A_996, %while3A_997, %while3A_998 : i32, i32, i32
          } do {
          ^bb0(%while3A_996: i32, %while3A_997: i32, %while3A_998: i32):
            %sub3A = arith.subi %while3A_997, %while3A_996 : i32
            %shift_right_logical3A = arith.constant 1 : i32
            %shift_right_logical3A_999 = arith.shrui %sub3A, %shift_right_logical3A : i32
            %add3A_1000 = arith.addi %while3A_996, %shift_right_logical3A_999 : i32
            %broadcast_in_dim3A_1001 = vector.broadcast %add3A_1000 : i32 to vector<16xi32>
            %broadcast_in_dim3A_1002 = arith.constant 0 : i32
            %broadcast_in_dim3A_1003 = vector.broadcast %broadcast_in_dim3A_1002 : i32 to vector<16xi32>
            %while3A_1004 = arith.constant 0 : i32
            %while3A_1005 = arith.subi %shift_right_arithmetic3A_950, %while3A_1004 : i32
            %while3A_1006 = arith.addi %while3A_1004, %while3A_1005 : i32
            %while3A_1007 = arith.constant 1 : i32
            %while3A_1008 = arith.divsi %while3A_1005, %while3A_1007 : i32
            %while3A_1009 = arith.muli %while3A_1008, %while3A_1007 : i32
            %while3A_1010 = arith.addi %while3A_1004, %while3A_1009 : i32
            %while3A_1011 = arith.constant 1 : i32
            %while3A_1012 = scf.for %while3A_1028 = %while3A_1004 to %while3A_1010 step %while3A_1011 iter_args(%while3A_1029 = %broadcast_in_dim3A_1003) -> (vector<16xi32>)  : i32 {
              %mul3A_1030 = arith.constant 16 : i32
              %mul3A_1031 = arith.muli %while3A_1028, %mul3A_1030 : i32
              %get3A_1032 = arith.index_cast %mul3A_1031 : i32 to index
              %get3A_1033 = tpu.vector_load %arg12[%get3A_1032] {strides = array<i32>} : memref<4112xf32, #tpu.memory_space<vmem>>, vector<16xf32>,
              %bitcast3A_1034 = vector.bitcast %get3A_1033 : vector<16xf32> to vector<16xi32>
              %ge3A_1035 = arith.constant -2147483648 : i32
              %ge3A_1036 = vector.broadcast %ge3A_1035 : i32 to vector<16xi32>
              %ge3A_1037 = arith.cmpi uge, %bitcast3A_1034, %ge3A_1036 : vector<16xi32>
              %jit3A_1038 = arith.constant -1 : i32
              %jit3A_1039 = arith.constant -2147483648 : i32
              %broadcast_in_dim3A_1040 = vector.broadcast %jit3A_1038 : i32 to vector<16xi32>
              %broadcast_in_dim3A_1041 = vector.broadcast %jit3A_1039 : i32 to vector<16xi32>
              %select_n3A_1042 = arith.select %ge3A_1037, %broadcast_in_dim3A_1040, %broadcast_in_dim3A_1041 : vector<16xi1>, vector<16xi32>
              %xor3A_1043 = arith.xori %bitcast3A_1034, %select_n3A_1042 : vector<16xi32>
              %mul3A_1044 = arith.constant 16 : i32
              %mul3A_1045 = arith.muli %while3A_1028, %mul3A_1044 : i32
              %add3A_1046 = vector.broadcast %mul3A_1045 : i32 to vector<16xi32>
              %add3A_1047 = arith.addi %add3A_1046, %iota3A : vector<16xi32>
              %lt3A_1048 = arith.cmpi slt, %add3A_1047, %cond3A_930 : vector<16xi32>
              %gt3A_1049 = arith.cmpi ugt, %xor3A_1043, %broadcast_in_dim3A_1001 : vector<16xi32>
              %and3A_1050 = arith.andi %gt3A_1049, %lt3A_1048 : vector<16xi1>
              %all_reduce_population_count3A = tpu.all_reduce %and3A_1050 {dim = 0 : i64, kind = #tpu.reduction_kind<sum>} : vector<16xi1> -> vector<16xi32>
              %add3A_1051 = arith.addi %while3A_1029, %all_reduce_population_count3A : vector<16xi32>
              scf.yield %add3A_1051 : vector<16xi32>
            }
            %while3A_1013 = arith.constant 1 : i32
            %while3A_1014 = scf.for %while3A_1028 = %while3A_1010 to %while3A_1006 step %while3A_1013 iter_args(%while3A_1029 = %while3A_1012) -> (vector<16xi32>)  : i32 {
              %mul3A_1030 = arith.constant 16 : i32
              %mul3A_1031 = arith.muli %while3A_1028, %mul3A_1030 : i32
              %get3A_1032 = arith.index_cast %mul3A_1031 : i32 to index
              %get3A_1033 = tpu.vector_load %arg12[%get3A_1032] {strides = array<i32>} : memref<4112xf32, #tpu.memory_space<vmem>>, vector<16xf32>,
              %bitcast3A_1034 = vector.bitcast %get3A_1033 : vector<16xf32> to vector<16xi32>
              %ge3A_1035 = arith.constant -2147483648 : i32
              %ge3A_1036 = vector.broadcast %ge3A_1035 : i32 to vector<16xi32>
              %ge3A_1037 = arith.cmpi uge, %bitcast3A_1034, %ge3A_1036 : vector<16xi32>
              %jit3A_1038 = arith.constant -1 : i32
              %jit3A_1039 = arith.constant -2147483648 : i32
              %broadcast_in_dim3A_1040 = vector.broadcast %jit3A_1038 : i32 to vector<16xi32>
              %broadcast_in_dim3A_1041 = vector.broadcast %jit3A_1039 : i32 to vector<16xi32>
              %select_n3A_1042 = arith.select %ge3A_1037, %broadcast_in_dim3A_1040, %broadcast_in_dim3A_1041 : vector<16xi1>, vector<16xi32>
              %xor3A_1043 = arith.xori %bitcast3A_1034, %select_n3A_1042 : vector<16xi32>
              %mul3A_1044 = arith.constant 16 : i32
              %mul3A_1045 = arith.muli %while3A_1028, %mul3A_1044 : i32
              %add3A_1046 = vector.broadcast %mul3A_1045 : i32 to vector<16xi32>
              %add3A_1047 = arith.addi %add3A_1046, %iota3A : vector<16xi32>
              %lt3A_1048 = arith.cmpi slt, %add3A_1047, %cond3A_930 : vector<16xi32>
              %gt3A_1049 = arith.cmpi ugt, %xor3A_1043, %broadcast_in_dim3A_1001 : vector<16xi32>
              %and3A_1050 = arith.andi %gt3A_1049, %lt3A_1048 : vector<16xi1>
              %all_reduce_population_count3A = tpu.all_reduce %and3A_1050 {dim = 0 : i64, kind = #tpu.reduction_kind<sum>} : vector<16xi1> -> vector<16xi32>
              %add3A_1051 = arith.addi %while3A_1029, %all_reduce_population_count3A : vector<16xi32>
              scf.yield %add3A_1051 : vector<16xi32>
            }
            %reduce_max3A_1015 = arith.constant true
            %reduce_max3A_1016 = vector.broadcast %reduce_max3A_1015 : i1 to vector<16xi1>
            %reduce_max3A_1017 = arith.constant -2147483648 : i32
            %reduce_max3A_1018 = vector.broadcast %reduce_max3A_1017 : i32 to vector<16xi32>
            %reduce_max3A_1019 = arith.xori %while3A_1014, %reduce_max3A_1018 : vector<16xi32>
            %reduce_max3A_1020 = tpu.scan <max>, %reduce_max3A_1019 masked %reduce_max3A_1016 : vector<16xi32>, vector<16xi1> -> vector<16xi32>
            %reduce_max3A_1021 = arith.xori %reduce_max3A_1020, %reduce_max3A_1018 : vector<16xi32>
            %reduce_max3A_1022 = vector.extract %reduce_max3A_1021[15] : i32 from vector<16xi32>
            %ge3A_1023 = arith.constant 100 : i32
            %ge3A_1024 = arith.cmpi sge, %reduce_max3A_1022, %ge3A_1023 : i32
            %select_n3A_1025 = arith.select %ge3A_1024, %add3A_1000, %while3A_996 : i32
            %select_n3A_1026 = arith.select %ge3A_1024, %while3A_997, %add3A_1000 : i32
            %select_n3A_1027 = arith.select %ge3A_1024, %reduce_max3A_1022, %while3A_998 : i32
            scf.yield %select_n3A_1025, %select_n3A_1026, %select_n3A_1027 : i32, i32, i32
          }
          %broadcast_in_dim3A_962 = vector.broadcast %while3A_961#0 : i32 to vector<16xi32>
          %reduce_max3A_963 = arith.constant true
          %reduce_max3A_964 = vector.broadcast %reduce_max3A_963 : i1 to vector<16xi1>
          %reduce_max3A_965 = arith.constant -2147483648 : i32
          %reduce_max3A_966 = vector.broadcast %reduce_max3A_965 : i32 to vector<16xi32>
          %reduce_max3A_967 = arith.xori %cond3A_930, %reduce_max3A_966 : vector<16xi32>
          %reduce_max3A_968 = tpu.scan <max>, %reduce_max3A_967 masked %reduce_max3A_964 : vector<16xi32>, vector<16xi1> -> vector<16xi32>
          %reduce_max3A_969 = arith.xori %reduce_max3A_968, %reduce_max3A_966 : vector<16xi32>
          %reduce_max3A_970 = vector.extract %reduce_max3A_969[15] : i32 from vector<16xi32>
          %add3A_971 = arith.constant 15 : i32
          %add3A_972 = arith.addi %reduce_max3A_970, %add3A_971 : i32
          %shift_right_arithmetic3A_973 = arith.constant 4 : i32
          %shift_right_arithmetic3A_974 = arith.shrsi %add3A_972, %shift_right_arithmetic3A_973 : i32
          %broadcast_in_dim3A_975 = arith.constant 0 : i32
          %broadcast_in_dim3A_976 = vector.broadcast %broadcast_in_dim3A_975 : i32 to vector<16xi32>
          %while3A_977 = arith.constant 0 : i32
          %while3A_978 = arith.subi %shift_right_arithmetic3A_974, %while3A_977 : i32
          %while3A_979 = arith.addi %while3A_977, %while3A_978 : i32
          %while3A_980 = arith.constant 1 : i32
          %while3A_981 = arith.divsi %while3A_978, %while3A_980 : i32
          %while3A_982 = arith.muli %while3A_981, %while3A_980 : i32
          %while3A_983 = arith.addi %while3A_977, %while3A_982 : i32
          %while3A_984 = arith.constant 1 : i32
          %while3A_985 = scf.for %while3A_996 = %while3A_977 to %while3A_983 step %while3A_984 iter_args(%while3A_997 = %broadcast_in_dim3A_976) -> (vector<16xi32>)  : i32 {
            %mul3A_998 = arith.constant 16 : i32
            %mul3A_999 = arith.muli %while3A_996, %mul3A_998 : i32
            %get3A_1000 = arith.index_cast %mul3A_999 : i32 to index
            %get3A_1001 = tpu.vector_load %arg12[%get3A_1000] {strides = array<i32>} : memref<4112xf32, #tpu.memory_space<vmem>>, vector<16xf32>,
            %mul3A_1002 = arith.constant 16 : i32
            %mul3A_1003 = arith.muli %while3A_996, %mul3A_1002 : i32
            %get3A_1004 = arith.index_cast %mul3A_1003 : i32 to index
            %get3A_1005 = tpu.vector_load %arg13[%get3A_1004] {strides = array<i32>} : memref<4112xi32, #tpu.memory_space<vmem>>, vector<16xi32>,
            %mul3A_1006 = arith.constant 16 : i32
            %mul3A_1007 = arith.muli %while3A_996, %mul3A_1006 : i32
            %add3A_1008 = vector.broadcast %mul3A_1007 : i32 to vector<16xi32>
            %add3A_1009 = arith.addi %add3A_1008, %iota3A : vector<16xi32>
            %lt3A_1010 = arith.cmpi slt, %add3A_1009, %cond3A_930 : vector<16xi32>
            %bitcast3A_1011 = vector.bitcast %get3A_1001 : vector<16xf32> to vector<16xi32>
            %ge3A_1012 = arith.constant -2147483648 : i32
            %ge3A_1013 = vector.broadcast %ge3A_1012 : i32 to vector<16xi32>
            %ge3A_1014 = arith.cmpi uge, %bitcast3A_1011, %ge3A_1013 : vector<16xi32>
            %jit3A_1015 = arith.constant -1 : i32
            %jit3A_1016 = arith.constant -2147483648 : i32
            %broadcast_in_dim3A_1017 = vector.broadcast %jit3A_1015 : i32 to vector<16xi32>
            %broadcast_in_dim3A_1018 = vector.broadcast %jit3A_1016 : i32 to vector<16xi32>
            %select_n3A_1019 = arith.select %ge3A_1014, %broadcast_in_dim3A_1017, %broadcast_in_dim3A_1018 : vector<16xi1>, vector<16xi32>
            %xor3A_1020 = arith.xori %bitcast3A_1011, %select_n3A_1019 : vector<16xi32>
            %gt3A_1021 = arith.cmpi ugt, %xor3A_1020, %broadcast_in_dim3A_962 : vector<16xi32>
            %and3A_1022 = arith.andi %gt3A_1021, %lt3A_1010 : vector<16xi1>
            %jit3A_1023 = arith.constant 1 : i32
            %jit3A_1024 = arith.constant 0 : i32
            %broadcast_in_dim3A_1025 = vector.broadcast %jit3A_1023 : i32 to vector<16xi32>
            %broadcast_in_dim3A_1026 = vector.broadcast %jit3A_1024 : i32 to vector<16xi32>
            %select_n3A_1027 = arith.select %and3A_1022, %broadcast_in_dim3A_1025, %broadcast_in_dim3A_1026 : vector<16xi1>, vector<16xi32>
            %broadcast_in_dim3A_1028 = arith.constant true
            %broadcast_in_dim3A_1029 = vector.broadcast %broadcast_in_dim3A_1028 : i1 to vector<16xi1>
            %masked_cumsum3A = tpu.scan <sum>, %select_n3A_1027 masked %broadcast_in_dim3A_1029 : vector<16xi32>, vector<16xi1> -> vector<16xi32>
            %add3A_1030 = arith.addi %while3A_997, %masked_cumsum3A : vector<16xi32>
            %sub3A = arith.constant 1 : i32
            %sub3A_1031 = vector.broadcast %sub3A : i32 to vector<16xi32>
            %sub3A_1032 = arith.subi %add3A_1030, %sub3A_1031 : vector<16xi32>
            %min3A_1033 = arith.constant 4095 : i32
            %min3A_1034 = vector.broadcast %min3A_1033 : i32 to vector<16xi32>
            %min3A_1035 = arith.minsi %sub3A_1032, %min3A_1034 : vector<16xi32>
            tpu.vector_store_idx %arg12[%min3A_1035], %get3A_1001 masked %and3A_1022 : memref<4112xf32, #tpu.memory_space<vmem>>[vector<16xi32>], vector<16xf32>, vector<16xi1>
            tpu.vector_store_idx %arg13[%min3A_1035], %get3A_1005 masked %and3A_1022 : memref<4112xi32, #tpu.memory_space<vmem>>[vector<16xi32>], vector<16xi32>, vector<16xi1>
            %all_reduce_population_count3A = tpu.all_reduce %and3A_1022 {dim = 0 : i64, kind = #tpu.reduction_kind<sum>} : vector<16xi1> -> vector<16xi32>
            %add3A_1036 = arith.addi %while3A_997, %all_reduce_population_count3A : vector<16xi32>
            %broadcast_in_dim3A_1037 = arith.constant 4096 : i32
            %broadcast_in_dim3A_1038 = vector.broadcast %broadcast_in_dim3A_1037 : i32 to vector<16xi32>
            %min3A_1039 = arith.minsi %add3A_1036, %broadcast_in_dim3A_1038 : vector<16xi32>
            scf.yield %min3A_1039 : vector<16xi32>
          }
          %while3A_986 = arith.constant 1 : i32
          %while3A_987 = scf.for %while3A_996 = %while3A_983 to %while3A_979 step %while3A_986 iter_args(%while3A_997 = %while3A_985) -> (vector<16xi32>)  : i32 {
            %mul3A_998 = arith.constant 16 : i32
            %mul3A_999 = arith.muli %while3A_996, %mul3A_998 : i32
            %get3A_1000 = arith.index_cast %mul3A_999 : i32 to index
            %get3A_1001 = tpu.vector_load %arg12[%get3A_1000] {strides = array<i32>} : memref<4112xf32, #tpu.memory_space<vmem>>, vector<16xf32>,
            %mul3A_1002 = arith.constant 16 : i32
            %mul3A_1003 = arith.muli %while3A_996, %mul3A_1002 : i32
            %get3A_1004 = arith.index_cast %mul3A_1003 : i32 to index
            %get3A_1005 = tpu.vector_load %arg13[%get3A_1004] {strides = array<i32>} : memref<4112xi32, #tpu.memory_space<vmem>>, vector<16xi32>,
            %mul3A_1006 = arith.constant 16 : i32
            %mul3A_1007 = arith.muli %while3A_996, %mul3A_1006 : i32
            %add3A_1008 = vector.broadcast %mul3A_1007 : i32 to vector<16xi32>
            %add3A_1009 = arith.addi %add3A_1008, %iota3A : vector<16xi32>
            %lt3A_1010 = arith.cmpi slt, %add3A_1009, %cond3A_930 : vector<16xi32>
            %bitcast3A_1011 = vector.bitcast %get3A_1001 : vector<16xf32> to vector<16xi32>
            %ge3A_1012 = arith.constant -2147483648 : i32
            %ge3A_1013 = vector.broadcast %ge3A_1012 : i32 to vector<16xi32>
            %ge3A_1014 = arith.cmpi uge, %bitcast3A_1011, %ge3A_1013 : vector<16xi32>
            %jit3A_1015 = arith.constant -1 : i32
            %jit3A_1016 = arith.constant -2147483648 : i32
            %broadcast_in_dim3A_1017 = vector.broadcast %jit3A_1015 : i32 to vector<16xi32>
            %broadcast_in_dim3A_1018 = vector.broadcast %jit3A_1016 : i32 to vector<16xi32>
            %select_n3A_1019 = arith.select %ge3A_1014, %broadcast_in_dim3A_1017, %broadcast_in_dim3A_1018 : vector<16xi1>, vector<16xi32>
            %xor3A_1020 = arith.xori %bitcast3A_1011, %select_n3A_1019 : vector<16xi32>
            %gt3A_1021 = arith.cmpi ugt, %xor3A_1020, %broadcast_in_dim3A_962 : vector<16xi32>
            %and3A_1022 = arith.andi %gt3A_1021, %lt3A_1010 : vector<16xi1>
            %jit3A_1023 = arith.constant 1 : i32
            %jit3A_1024 = arith.constant 0 : i32
            %broadcast_in_dim3A_1025 = vector.broadcast %jit3A_1023 : i32 to vector<16xi32>
            %broadcast_in_dim3A_1026 = vector.broadcast %jit3A_1024 : i32 to vector<16xi32>
            %select_n3A_1027 = arith.select %and3A_1022, %broadcast_in_dim3A_1025, %broadcast_in_dim3A_1026 : vector<16xi1>, vector<16xi32>
            %broadcast_in_dim3A_1028 = arith.constant true
            %broadcast_in_dim3A_1029 = vector.broadcast %broadcast_in_dim3A_1028 : i1 to vector<16xi1>
            %masked_cumsum3A = tpu.scan <sum>, %select_n3A_1027 masked %broadcast_in_dim3A_1029 : vector<16xi32>, vector<16xi1> -> vector<16xi32>
            %add3A_1030 = arith.addi %while3A_997, %masked_cumsum3A : vector<16xi32>
            %sub3A = arith.constant 1 : i32
            %sub3A_1031 = vector.broadcast %sub3A : i32 to vector<16xi32>
            %sub3A_1032 = arith.subi %add3A_1030, %sub3A_1031 : vector<16xi32>
            %min3A_1033 = arith.constant 4095 : i32
            %min3A_1034 = vector.broadcast %min3A_1033 : i32 to vector<16xi32>
            %min3A_1035 = arith.minsi %sub3A_1032, %min3A_1034 : vector<16xi32>
            tpu.vector_store_idx %arg12[%min3A_1035], %get3A_1001 masked %and3A_1022 : memref<4112xf32, #tpu.memory_space<vmem>>[vector<16xi32>], vector<16xf32>, vector<16xi1>
            tpu.vector_store_idx %arg13[%min3A_1035], %get3A_1005 masked %and3A_1022 : memref<4112xi32, #tpu.memory_space<vmem>>[vector<16xi32>], vector<16xi32>, vector<16xi1>
            %all_reduce_population_count3A = tpu.all_reduce %and3A_1022 {dim = 0 : i64, kind = #tpu.reduction_kind<sum>} : vector<16xi1> -> vector<16xi32>
            %add3A_1036 = arith.addi %while3A_997, %all_reduce_population_count3A : vector<16xi32>
            %broadcast_in_dim3A_1037 = arith.constant 4096 : i32
            %broadcast_in_dim3A_1038 = vector.broadcast %broadcast_in_dim3A_1037 : i32 to vector<16xi32>
            %min3A_1039 = arith.minsi %add3A_1036, %broadcast_in_dim3A_1038 : vector<16xi32>
            scf.yield %min3A_1039 : vector<16xi32>
          }
          %ge3A_988 = arith.constant -2147483648 : i32
          %ge3A_989 = vector.broadcast %ge3A_988 : i32 to vector<16xi32>
          %ge3A_990 = arith.cmpi uge, %broadcast_in_dim3A_962, %ge3A_989 : vector<16xi32>
          %jit3A_991 = arith.constant -2147483648 : i32
          %jit3A_992 = arith.constant -1 : i32
          %broadcast_in_dim3A_993 = vector.broadcast %jit3A_991 : i32 to vector<16xi32>
          %broadcast_in_dim3A_994 = vector.broadcast %jit3A_992 : i32 to vector<16xi32>
          %select_n3A_995 = arith.select %ge3A_990, %broadcast_in_dim3A_993, %broadcast_in_dim3A_994 : vector<16xi1>, vector<16xi32>
          %xor3A = arith.xori %broadcast_in_dim3A_962, %select_n3A_995 : vector<16xi32>
          %bitcast3A = vector.bitcast %xor3A : vector<16xi32> to vector<16xf32>
          scf.yield %while3A_987, %bitcast3A : vector<16xi32>, vector<16xf32>
        } else {
          scf.yield %cond3A_930, %scan3A_775 : vector<16xi32>, vector<16xf32>
        }
        scf.yield %cond3A_858#0, %cond3A_858#1, %cond3A_938#0, %cond3A_938#1 : vector<16xi32>, vector<16xf32>, vector<16xi32>, vector<16xf32>
      }
      %scan3A_770 = arith.constant 6 : i32
      scf.yield %scan3A_769#0, %scan3A_769#1, %scan3A_769#2, %scan3A_769#3 : vector<16xi32>, vector<16xf32>, vector<16xi32>, vector<16xf32>
    }
    %scan3A_29 = arith.constant 651 : i32
    %add3A_30 = arith.constant 999936 : i32
    %add3A_31 = vector.broadcast %add3A_30 : i32 to vector<16xi32>
    %add3A_32 = arith.addi %add3A_31, %iota3A : vector<16xi32>
    %mul3A_33 = arith.constant 64 : i32
    %mul3A_34 = arith.muli %mul3A_2, %mul3A_33 : i32
    "tpu.region"() ({
      %run_scoped3A = tpu.sem_alloc : memref<!tpu.dma_semaphore, #tpu.memory_space<semaphore_mem>>
      %dma_start3A_723 = tpu.memref_slice %arg3[%mul3A_34] : memref<4096xf32, #tpu.memory_space<hbm>> -> memref<64xf32, #tpu.memory_space<hbm>>
      %dma_start3A_724 = tpu.memref_slice %arg3[%mul3A_34] : memref<4096xf32, #tpu.memory_space<hbm>> -> memref<64xf32, #tpu.memory_space<hbm>>
      tpu.enqueue_dma source(%dma_start3A_724 : memref<64xf32, #tpu.memory_space<hbm>>) target(%arg9 : memref<64xf32, #tpu.memory_space<vmem>>) target_semaphore(%run_scoped3A : memref<!tpu.dma_semaphore, #tpu.memory_space<semaphore_mem>>)
      %dma_wait3A = tpu.memref_slice %arg3[%mul3A_34] : memref<4096xf32, #tpu.memory_space<hbm>> -> memref<64xf32, #tpu.memory_space<hbm>>
      %dma_wait3A_725 = tpu.memref_slice %arg3[%mul3A_34] : memref<4096xf32, #tpu.memory_space<hbm>> -> memref<64xf32, #tpu.memory_space<hbm>>
      tpu.wait_dma2 semaphore(%run_scoped3A : memref<!tpu.dma_semaphore, #tpu.memory_space<semaphore_mem>>) src(%dma_wait3A_725 : memref<64xf32, #tpu.memory_space<hbm>>) dst(%arg9 : memref<64xf32, #tpu.memory_space<vmem>>)
      tpu.yield
    }) : () -> ()
    %get3A = arith.constant 0 : index
    %get3A_35 = tpu.vector_load %arg9[%get3A] {strides = array<i32>} : memref<64xf32, #tpu.memory_space<vmem>>, vector<16xf32>,
    %gt3A = arith.cmpf ogt, %get3A_35, %scan3A_28#1 : vector<16xf32>
    %get3A_36 = arith.constant 16 : index
    %get3A_37 = tpu.vector_load %arg9[%get3A_36] {strides = array<i32>} : memref<64xf32, #tpu.memory_space<vmem>>, vector<16xf32>,
    %gt3A_38 = arith.cmpf ogt, %get3A_37, %scan3A_28#1 : vector<16xf32>
    %or3A = arith.ori %gt3A, %gt3A_38 : vector<16xi1>
    %get3A_39 = arith.constant 32 : index
    %get3A_40 = tpu.vector_load %arg9[%get3A_39] {strides = array<i32>} : memref<64xf32, #tpu.memory_space<vmem>>, vector<16xf32>,
    %gt3A_41 = arith.cmpf ogt, %get3A_40, %scan3A_28#1 : vector<16xf32>
    %or3A_42 = arith.ori %or3A, %gt3A_41 : vector<16xi1>
    %get3A_43 = arith.constant 48 : index
    %get3A_44 = tpu.vector_load %arg9[%get3A_43] {strides = array<i32>} : memref<64xf32, #tpu.memory_space<vmem>>, vector<16xf32>,
    %gt3A_45 = arith.cmpf ogt, %get3A_44, %scan3A_28#1 : vector<16xf32>
    %or3A_46 = arith.ori %or3A_42, %gt3A_45 : vector<16xi1>
    %reduce_or3A = arith.constant 1.000000e+00 : f32
    %reduce_or3A_47 = arith.constant 0.000000e+00 : f32
    %reduce_or3A_48 = vector.broadcast %reduce_or3A : f32 to vector<16xf32>
    %reduce_or3A_49 = vector.broadcast %reduce_or3A_47 : f32 to vector<16xf32>
    %reduce_or3A_50 = arith.select %or3A_46, %reduce_or3A_48, %reduce_or3A_49 : vector<16xi1>, vector<16xf32>
    %reduce_or3A_51 = arith.constant true
    %reduce_or3A_52 = vector.broadcast %reduce_or3A_51 : i1 to vector<16xi1>
    %reduce_or3A_53 = tpu.scan <max>, %reduce_or3A_50 masked %reduce_or3A_52 : vector<16xf32>, vector<16xi1> -> vector<16xf32>
    %reduce_or3A_54 = vector.extract %reduce_or3A_53[15] : f32 from vector<16xf32>
    %reduce_or3A_55 = arith.constant 0.000000e+00 : f32
    %reduce_or3A_56 = arith.cmpf ogt, %reduce_or3A_54, %reduce_or3A_55 : f32
    %convert_element_type3A = arith.extui %reduce_or3A_56 : i1 to i32
    %cond3A = arith.constant 0 : i32
    %cond3A_57 = arith.cmpi ne, %convert_element_type3A, %cond3A : i32
    %cond3A_58 = scf.if %cond3A_57 -> (vector<16xi32>) {
      %get3A_723 = arith.constant 0 : index
      %get3A_724 = tpu.vector_load %arg9[%get3A_723] {strides = array<i32>} : memref<64xf32, #tpu.memory_space<vmem>>, vector<16xf32>,
      %gt3A_725 = arith.cmpf ogt, %get3A_724, %scan3A_28#1 : vector<16xf32>
      %jit3A_726 = arith.constant 1 : i32
      %jit3A_727 = arith.constant 0 : i32
      %broadcast_in_dim3A_728 = vector.broadcast %jit3A_726 : i32 to vector<16xi32>
      %broadcast_in_dim3A_729 = vector.broadcast %jit3A_727 : i32 to vector<16xi32>
      %select_n3A_730 = arith.select %gt3A_725, %broadcast_in_dim3A_728, %broadcast_in_dim3A_729 : vector<16xi1>, vector<16xi32>
      %broadcast_in_dim3A_731 = arith.constant true
      %broadcast_in_dim3A_732 = vector.broadcast %broadcast_in_dim3A_731 : i1 to vector<16xi1>
      %masked_cumsum3A = tpu.scan <sum>, %select_n3A_730 masked %broadcast_in_dim3A_732 : vector<16xi32>, vector<16xi1> -> vector<16xi32>
      %add3A_733 = arith.addi %scan3A_28#0, %masked_cumsum3A : vector<16xi32>
      %sub3A = arith.constant 1 : i32
      %sub3A_734 = vector.broadcast %sub3A : i32 to vector<16xi32>
      %sub3A_735 = arith.subi %add3A_733, %sub3A_734 : vector<16xi32>
      %broadcast_in_dim3A_736 = arith.constant 4111 : i32
      %broadcast_in_dim3A_737 = vector.broadcast %broadcast_in_dim3A_736 : i32 to vector<16xi32>
      %min3A_738 = arith.minsi %sub3A_735, %broadcast_in_dim3A_737 : vector<16xi32>
      tpu.vector_store_idx %arg10[%min3A_738], %get3A_724 masked %gt3A_725 : memref<4112xf32, #tpu.memory_space<vmem>>[vector<16xi32>], vector<16xf32>, vector<16xi1>
      %add3A_739 = arith.constant 0 : i32
      %add3A_740 = vector.broadcast %add3A_739 : i32 to vector<16xi32>
      %add3A_741 = arith.addi %add3A_32, %add3A_740 : vector<16xi32>
      tpu.vector_store_idx %arg11[%min3A_738], %add3A_741 masked %gt3A_725 : memref<4112xi32, #tpu.memory_space<vmem>>[vector<16xi32>], vector<16xi32>, vector<16xi1>
      %all_reduce_population_count3A = tpu.all_reduce %gt3A_725 {dim = 0 : i64, kind = #tpu.reduction_kind<sum>} : vector<16xi1> -> vector<16xi32>
      %add3A_742 = arith.addi %scan3A_28#0, %all_reduce_population_count3A : vector<16xi32>
      %broadcast_in_dim3A_743 = arith.constant 4096 : i32
      %broadcast_in_dim3A_744 = vector.broadcast %broadcast_in_dim3A_743 : i32 to vector<16xi32>
      %min3A_745 = arith.minsi %add3A_742, %broadcast_in_dim3A_744 : vector<16xi32>
      %get3A_746 = arith.constant 16 : index
      %get3A_747 = tpu.vector_load %arg9[%get3A_746] {strides = array<i32>} : memref<64xf32, #tpu.memory_space<vmem>>, vector<16xf32>,
      %gt3A_748 = arith.cmpf ogt, %get3A_747, %scan3A_28#1 : vector<16xf32>
      %jit3A_749 = arith.constant 1 : i32
      %jit3A_750 = arith.constant 0 : i32
      %broadcast_in_dim3A_751 = vector.broadcast %jit3A_749 : i32 to vector<16xi32>
      %broadcast_in_dim3A_752 = vector.broadcast %jit3A_750 : i32 to vector<16xi32>
      %select_n3A_753 = arith.select %gt3A_748, %broadcast_in_dim3A_751, %broadcast_in_dim3A_752 : vector<16xi1>, vector<16xi32>
      %broadcast_in_dim3A_754 = arith.constant true
      %broadcast_in_dim3A_755 = vector.broadcast %broadcast_in_dim3A_754 : i1 to vector<16xi1>
      %masked_cumsum3A_756 = tpu.scan <sum>, %select_n3A_753 masked %broadcast_in_dim3A_755 : vector<16xi32>, vector<16xi1> -> vector<16xi32>
      %add3A_757 = arith.addi %min3A_745, %masked_cumsum3A_756 : vector<16xi32>
      %sub3A_758 = arith.constant 1 : i32
      %sub3A_759 = vector.broadcast %sub3A_758 : i32 to vector<16xi32>
      %sub3A_760 = arith.subi %add3A_757, %sub3A_759 : vector<16xi32>
      %broadcast_in_dim3A_761 = arith.constant 4111 : i32
      %broadcast_in_dim3A_762 = vector.broadcast %broadcast_in_dim3A_761 : i32 to vector<16xi32>
      %min3A_763 = arith.minsi %sub3A_760, %broadcast_in_dim3A_762 : vector<16xi32>
      tpu.vector_store_idx %arg10[%min3A_763], %get3A_747 masked %gt3A_748 : memref<4112xf32, #tpu.memory_space<vmem>>[vector<16xi32>], vector<16xf32>, vector<16xi1>
      %add3A_764 = arith.constant 16 : i32
      %add3A_765 = vector.broadcast %add3A_764 : i32 to vector<16xi32>
      %add3A_766 = arith.addi %add3A_32, %add3A_765 : vector<16xi32>
      tpu.vector_store_idx %arg11[%min3A_763], %add3A_766 masked %gt3A_748 : memref<4112xi32, #tpu.memory_space<vmem>>[vector<16xi32>], vector<16xi32>, vector<16xi1>
      %all_reduce_population_count3A_767 = tpu.all_reduce %gt3A_748 {dim = 0 : i64, kind = #tpu.reduction_kind<sum>} : vector<16xi1> -> vector<16xi32>
      %add3A_768 = arith.addi %min3A_745, %all_reduce_population_count3A_767 : vector<16xi32>
      %broadcast_in_dim3A_769 = arith.constant 4096 : i32
      %broadcast_in_dim3A_770 = vector.broadcast %broadcast_in_dim3A_769 : i32 to vector<16xi32>
      %min3A_771 = arith.minsi %add3A_768, %broadcast_in_dim3A_770 : vector<16xi32>
      %get3A_772 = arith.constant 32 : index
      %get3A_773 = tpu.vector_load %arg9[%get3A_772] {strides = array<i32>} : memref<64xf32, #tpu.memory_space<vmem>>, vector<16xf32>,
      %gt3A_774 = arith.cmpf ogt, %get3A_773, %scan3A_28#1 : vector<16xf32>
      %jit3A_775 = arith.constant 1 : i32
      %jit3A_776 = arith.constant 0 : i32
      %broadcast_in_dim3A_777 = vector.broadcast %jit3A_775 : i32 to vector<16xi32>
      %broadcast_in_dim3A_778 = vector.broadcast %jit3A_776 : i32 to vector<16xi32>
      %select_n3A_779 = arith.select %gt3A_774, %broadcast_in_dim3A_777, %broadcast_in_dim3A_778 : vector<16xi1>, vector<16xi32>
      %broadcast_in_dim3A_780 = arith.constant true
      %broadcast_in_dim3A_781 = vector.broadcast %broadcast_in_dim3A_780 : i1 to vector<16xi1>
      %masked_cumsum3A_782 = tpu.scan <sum>, %select_n3A_779 masked %broadcast_in_dim3A_781 : vector<16xi32>, vector<16xi1> -> vector<16xi32>
      %add3A_783 = arith.addi %min3A_771, %masked_cumsum3A_782 : vector<16xi32>
      %sub3A_784 = arith.constant 1 : i32
      %sub3A_785 = vector.broadcast %sub3A_784 : i32 to vector<16xi32>
      %sub3A_786 = arith.subi %add3A_783, %sub3A_785 : vector<16xi32>
      %broadcast_in_dim3A_787 = arith.constant 4111 : i32
      %broadcast_in_dim3A_788 = vector.broadcast %broadcast_in_dim3A_787 : i32 to vector<16xi32>
      %min3A_789 = arith.minsi %sub3A_786, %broadcast_in_dim3A_788 : vector<16xi32>
      tpu.vector_store_idx %arg10[%min3A_789], %get3A_773 masked %gt3A_774 : memref<4112xf32, #tpu.memory_space<vmem>>[vector<16xi32>], vector<16xf32>, vector<16xi1>
      %add3A_790 = arith.constant 32 : i32
      %add3A_791 = vector.broadcast %add3A_790 : i32 to vector<16xi32>
      %add3A_792 = arith.addi %add3A_32, %add3A_791 : vector<16xi32>
      tpu.vector_store_idx %arg11[%min3A_789], %add3A_792 masked %gt3A_774 : memref<4112xi32, #tpu.memory_space<vmem>>[vector<16xi32>], vector<16xi32>, vector<16xi1>
      %all_reduce_population_count3A_793 = tpu.all_reduce %gt3A_774 {dim = 0 : i64, kind = #tpu.reduction_kind<sum>} : vector<16xi1> -> vector<16xi32>
      %add3A_794 = arith.addi %min3A_771, %all_reduce_population_count3A_793 : vector<16xi32>
      %broadcast_in_dim3A_795 = arith.constant 4096 : i32
      %broadcast_in_dim3A_796 = vector.broadcast %broadcast_in_dim3A_795 : i32 to vector<16xi32>
      %min3A_797 = arith.minsi %add3A_794, %broadcast_in_dim3A_796 : vector<16xi32>
      %get3A_798 = arith.constant 48 : index
      %get3A_799 = tpu.vector_load %arg9[%get3A_798] {strides = array<i32>} : memref<64xf32, #tpu.memory_space<vmem>>, vector<16xf32>,
      %gt3A_800 = arith.cmpf ogt, %get3A_799, %scan3A_28#1 : vector<16xf32>
      %jit3A_801 = arith.constant 1 : i32
      %jit3A_802 = arith.constant 0 : i32
      %broadcast_in_dim3A_803 = vector.broadcast %jit3A_801 : i32 to vector<16xi32>
      %broadcast_in_dim3A_804 = vector.broadcast %jit3A_802 : i32 to vector<16xi32>
      %select_n3A_805 = arith.select %gt3A_800, %broadcast_in_dim3A_803, %broadcast_in_dim3A_804 : vector<16xi1>, vector<16xi32>
      %broadcast_in_dim3A_806 = arith.constant true
      %broadcast_in_dim3A_807 = vector.broadcast %broadcast_in_dim3A_806 : i1 to vector<16xi1>
      %masked_cumsum3A_808 = tpu.scan <sum>, %select_n3A_805 masked %broadcast_in_dim3A_807 : vector<16xi32>, vector<16xi1> -> vector<16xi32>
      %add3A_809 = arith.addi %min3A_797, %masked_cumsum3A_808 : vector<16xi32>
      %sub3A_810 = arith.constant 1 : i32
      %sub3A_811 = vector.broadcast %sub3A_810 : i32 to vector<16xi32>
      %sub3A_812 = arith.subi %add3A_809, %sub3A_811 : vector<16xi32>
      %broadcast_in_dim3A_813 = arith.constant 4111 : i32
      %broadcast_in_dim3A_814 = vector.broadcast %broadcast_in_dim3A_813 : i32 to vector<16xi32>
      %min3A_815 = arith.minsi %sub3A_812, %broadcast_in_dim3A_814 : vector<16xi32>
      tpu.vector_store_idx %arg10[%min3A_815], %get3A_799 masked %gt3A_800 : memref<4112xf32, #tpu.memory_space<vmem>>[vector<16xi32>], vector<16xf32>, vector<16xi1>
      %add3A_816 = arith.constant 48 : i32
      %add3A_817 = vector.broadcast %add3A_816 : i32 to vector<16xi32>
      %add3A_818 = arith.addi %add3A_32, %add3A_817 : vector<16xi32>
      tpu.vector_store_idx %arg11[%min3A_815], %add3A_818 masked %gt3A_800 : memref<4112xi32, #tpu.memory_space<vmem>>[vector<16xi32>], vector<16xi32>, vector<16xi1>
      %all_reduce_population_count3A_819 = tpu.all_reduce %gt3A_800 {dim = 0 : i64, kind = #tpu.reduction_kind<sum>} : vector<16xi1> -> vector<16xi32>
      %add3A_820 = arith.addi %min3A_797, %all_reduce_population_count3A_819 : vector<16xi32>
      %broadcast_in_dim3A_821 = arith.constant 4096 : i32
      %broadcast_in_dim3A_822 = vector.broadcast %broadcast_in_dim3A_821 : i32 to vector<16xi32>
      %min3A_823 = arith.minsi %add3A_820, %broadcast_in_dim3A_822 : vector<16xi32>
      scf.yield %min3A_823 : vector<16xi32>
    } else {
      scf.yield %scan3A_28#0 : vector<16xi32>
    }
    %slice3A = vector.extract_strided_slice %cond3A_58 {offsets = [0], sizes = [1], strides = [1]} : vector<16xi32> to vector<1xi32>
    %squeeze3A = vector.extract %slice3A[0] : i32 from vector<1xi32>
    %ge3A = arith.constant 4032 : i32
    %ge3A_59 = arith.cmpi sge, %squeeze3A, %ge3A : i32
    %convert_element_type3A_60 = arith.extui %ge3A_59 : i1 to i32
    %cond3A_61 = arith.constant 0 : i32
    %cond3A_62 = arith.cmpi ne, %convert_element_type3A_60, %cond3A_61 : i32
    %cond3A_63:2 = scf.if %cond3A_62 -> (vector<16xi32>, vector<16xf32>) {
      %reduce_max3A_723 = arith.constant true
      %reduce_max3A_724 = vector.broadcast %reduce_max3A_723 : i1 to vector<16xi1>
      %reduce_max3A_725 = arith.constant -2147483648 : i32
      %reduce_max3A_726 = vector.broadcast %reduce_max3A_725 : i32 to vector<16xi32>
      %reduce_max3A_727 = arith.xori %cond3A_58, %reduce_max3A_726 : vector<16xi32>
      %reduce_max3A_728 = tpu.scan <max>, %reduce_max3A_727 masked %reduce_max3A_724 : vector<16xi32>, vector<16xi1> -> vector<16xi32>
      %reduce_max3A_729 = arith.xori %reduce_max3A_728, %reduce_max3A_726 : vector<16xi32>
      %reduce_max3A_730 = vector.extract %reduce_max3A_729[15] : i32 from vector<16xi32>
      %add3A_731 = arith.constant 15 : i32
      %add3A_732 = arith.addi %reduce_max3A_730, %add3A_731 : i32
      %shift_right_arithmetic3A_733 = arith.constant 4 : i32
      %shift_right_arithmetic3A_734 = arith.shrsi %add3A_732, %shift_right_arithmetic3A_733 : i32
      %reduce_max3A_735 = arith.constant true
      %reduce_max3A_736 = vector.broadcast %reduce_max3A_735 : i1 to vector<16xi1>
      %reduce_max3A_737 = arith.constant -2147483648 : i32
      %reduce_max3A_738 = vector.broadcast %reduce_max3A_737 : i32 to vector<16xi32>
      %reduce_max3A_739 = arith.xori %cond3A_58, %reduce_max3A_738 : vector<16xi32>
      %reduce_max3A_740 = tpu.scan <max>, %reduce_max3A_739 masked %reduce_max3A_736 : vector<16xi32>, vector<16xi1> -> vector<16xi32>
      %reduce_max3A_741 = arith.xori %reduce_max3A_740, %reduce_max3A_738 : vector<16xi32>
      %reduce_max3A_742 = vector.extract %reduce_max3A_741[15] : i32 from vector<16xi32>
      %while3A_743 = arith.constant 0 : i32
      %while3A_744 = arith.constant -1 : i32
      %while3A_745:3 = scf.while (%while3A_780 = %while3A_743, %while3A_781 = %while3A_744, %while3A_782 = %reduce_max3A_742) : (i32, i32, i32) -> (i32, i32, i32) {
        %sub3A = arith.subi %while3A_781, %while3A_780 : i32
        %gt3A_783 = arith.constant 1 : i32
        %gt3A_784 = arith.cmpi ugt, %sub3A, %gt3A_783 : i32
        %lt3A_785 = arith.constant 100 : i32
        %lt3A_786 = arith.cmpi slt, %while3A_782, %lt3A_785 : i32
        %gt3A_787 = arith.constant 128 : i32
        %gt3A_788 = arith.cmpi sgt, %while3A_782, %gt3A_787 : i32
        %or3A_789 = arith.ori %lt3A_786, %gt3A_788 : i1
        %and3A_790 = arith.andi %gt3A_784, %or3A_789 : i1
        scf.condition(%and3A_790) %while3A_780, %while3A_781, %while3A_782 : i32, i32, i32
      } do {
      ^bb0(%while3A_780: i32, %while3A_781: i32, %while3A_782: i32):
        %sub3A = arith.subi %while3A_781, %while3A_780 : i32
        %shift_right_logical3A = arith.constant 1 : i32
        %shift_right_logical3A_783 = arith.shrui %sub3A, %shift_right_logical3A : i32
        %add3A_784 = arith.addi %while3A_780, %shift_right_logical3A_783 : i32
        %broadcast_in_dim3A_785 = vector.broadcast %add3A_784 : i32 to vector<16xi32>
        %broadcast_in_dim3A_786 = arith.constant 0 : i32
        %broadcast_in_dim3A_787 = vector.broadcast %broadcast_in_dim3A_786 : i32 to vector<16xi32>
        %while3A_788 = arith.constant 0 : i32
        %while3A_789 = arith.subi %shift_right_arithmetic3A_734, %while3A_788 : i32
        %while3A_790 = arith.addi %while3A_788, %while3A_789 : i32
        %while3A_791 = arith.constant 1 : i32
        %while3A_792 = arith.divsi %while3A_789, %while3A_791 : i32
        %while3A_793 = arith.muli %while3A_792, %while3A_791 : i32
        %while3A_794 = arith.addi %while3A_788, %while3A_793 : i32
        %while3A_795 = arith.constant 1 : i32
        %while3A_796 = scf.for %while3A_812 = %while3A_788 to %while3A_794 step %while3A_795 iter_args(%while3A_813 = %broadcast_in_dim3A_787) -> (vector<16xi32>)  : i32 {
          %mul3A_814 = arith.constant 16 : i32
          %mul3A_815 = arith.muli %while3A_812, %mul3A_814 : i32
          %get3A_816 = arith.index_cast %mul3A_815 : i32 to index
          %get3A_817 = tpu.vector_load %arg10[%get3A_816] {strides = array<i32>} : memref<4112xf32, #tpu.memory_space<vmem>>, vector<16xf32>,
          %bitcast3A_818 = vector.bitcast %get3A_817 : vector<16xf32> to vector<16xi32>
          %ge3A_819 = arith.constant -2147483648 : i32
          %ge3A_820 = vector.broadcast %ge3A_819 : i32 to vector<16xi32>
          %ge3A_821 = arith.cmpi uge, %bitcast3A_818, %ge3A_820 : vector<16xi32>
          %jit3A_822 = arith.constant -1 : i32
          %jit3A_823 = arith.constant -2147483648 : i32
          %broadcast_in_dim3A_824 = vector.broadcast %jit3A_822 : i32 to vector<16xi32>
          %broadcast_in_dim3A_825 = vector.broadcast %jit3A_823 : i32 to vector<16xi32>
          %select_n3A_826 = arith.select %ge3A_821, %broadcast_in_dim3A_824, %broadcast_in_dim3A_825 : vector<16xi1>, vector<16xi32>
          %xor3A_827 = arith.xori %bitcast3A_818, %select_n3A_826 : vector<16xi32>
          %mul3A_828 = arith.constant 16 : i32
          %mul3A_829 = arith.muli %while3A_812, %mul3A_828 : i32
          %add3A_830 = vector.broadcast %mul3A_829 : i32 to vector<16xi32>
          %add3A_831 = arith.addi %add3A_830, %iota3A : vector<16xi32>
          %lt3A_832 = arith.cmpi slt, %add3A_831, %cond3A_58 : vector<16xi32>
          %gt3A_833 = arith.cmpi ugt, %xor3A_827, %broadcast_in_dim3A_785 : vector<16xi32>
          %and3A_834 = arith.andi %gt3A_833, %lt3A_832 : vector<16xi1>
          %all_reduce_population_count3A = tpu.all_reduce %and3A_834 {dim = 0 : i64, kind = #tpu.reduction_kind<sum>} : vector<16xi1> -> vector<16xi32>
          %add3A_835 = arith.addi %while3A_813, %all_reduce_population_count3A : vector<16xi32>
          scf.yield %add3A_835 : vector<16xi32>
        }
        %while3A_797 = arith.constant 1 : i32
        %while3A_798 = scf.for %while3A_812 = %while3A_794 to %while3A_790 step %while3A_797 iter_args(%while3A_813 = %while3A_796) -> (vector<16xi32>)  : i32 {
          %mul3A_814 = arith.constant 16 : i32
          %mul3A_815 = arith.muli %while3A_812, %mul3A_814 : i32
          %get3A_816 = arith.index_cast %mul3A_815 : i32 to index
          %get3A_817 = tpu.vector_load %arg10[%get3A_816] {strides = array<i32>} : memref<4112xf32, #tpu.memory_space<vmem>>, vector<16xf32>,
          %bitcast3A_818 = vector.bitcast %get3A_817 : vector<16xf32> to vector<16xi32>
          %ge3A_819 = arith.constant -2147483648 : i32
          %ge3A_820 = vector.broadcast %ge3A_819 : i32 to vector<16xi32>
          %ge3A_821 = arith.cmpi uge, %bitcast3A_818, %ge3A_820 : vector<16xi32>
          %jit3A_822 = arith.constant -1 : i32
          %jit3A_823 = arith.constant -2147483648 : i32
          %broadcast_in_dim3A_824 = vector.broadcast %jit3A_822 : i32 to vector<16xi32>
          %broadcast_in_dim3A_825 = vector.broadcast %jit3A_823 : i32 to vector<16xi32>
          %select_n3A_826 = arith.select %ge3A_821, %broadcast_in_dim3A_824, %broadcast_in_dim3A_825 : vector<16xi1>, vector<16xi32>
          %xor3A_827 = arith.xori %bitcast3A_818, %select_n3A_826 : vector<16xi32>
          %mul3A_828 = arith.constant 16 : i32
          %mul3A_829 = arith.muli %while3A_812, %mul3A_828 : i32
          %add3A_830 = vector.broadcast %mul3A_829 : i32 to vector<16xi32>
          %add3A_831 = arith.addi %add3A_830, %iota3A : vector<16xi32>
          %lt3A_832 = arith.cmpi slt, %add3A_831, %cond3A_58 : vector<16xi32>
          %gt3A_833 = arith.cmpi ugt, %xor3A_827, %broadcast_in_dim3A_785 : vector<16xi32>
          %and3A_834 = arith.andi %gt3A_833, %lt3A_832 : vector<16xi1>
          %all_reduce_population_count3A = tpu.all_reduce %and3A_834 {dim = 0 : i64, kind = #tpu.reduction_kind<sum>} : vector<16xi1> -> vector<16xi32>
          %add3A_835 = arith.addi %while3A_813, %all_reduce_population_count3A : vector<16xi32>
          scf.yield %add3A_835 : vector<16xi32>
        }
        %reduce_max3A_799 = arith.constant true
        %reduce_max3A_800 = vector.broadcast %reduce_max3A_799 : i1 to vector<16xi1>
        %reduce_max3A_801 = arith.constant -2147483648 : i32
        %reduce_max3A_802 = vector.broadcast %reduce_max3A_801 : i32 to vector<16xi32>
        %reduce_max3A_803 = arith.xori %while3A_798, %reduce_max3A_802 : vector<16xi32>
        %reduce_max3A_804 = tpu.scan <max>, %reduce_max3A_803 masked %reduce_max3A_800 : vector<16xi32>, vector<16xi1> -> vector<16xi32>
        %reduce_max3A_805 = arith.xori %reduce_max3A_804, %reduce_max3A_802 : vector<16xi32>
        %reduce_max3A_806 = vector.extract %reduce_max3A_805[15] : i32 from vector<16xi32>
        %ge3A_807 = arith.constant 100 : i32
        %ge3A_808 = arith.cmpi sge, %reduce_max3A_806, %ge3A_807 : i32
        %select_n3A_809 = arith.select %ge3A_808, %add3A_784, %while3A_780 : i32
        %select_n3A_810 = arith.select %ge3A_808, %while3A_781, %add3A_784 : i32
        %select_n3A_811 = arith.select %ge3A_808, %reduce_max3A_806, %while3A_782 : i32
        scf.yield %select_n3A_809, %select_n3A_810, %select_n3A_811 : i32, i32, i32
      }
      %broadcast_in_dim3A_746 = vector.broadcast %while3A_745#0 : i32 to vector<16xi32>
      %reduce_max3A_747 = arith.constant true
      %reduce_max3A_748 = vector.broadcast %reduce_max3A_747 : i1 to vector<16xi1>
      %reduce_max3A_749 = arith.constant -2147483648 : i32
      %reduce_max3A_750 = vector.broadcast %reduce_max3A_749 : i32 to vector<16xi32>
      %reduce_max3A_751 = arith.xori %cond3A_58, %reduce_max3A_750 : vector<16xi32>
      %reduce_max3A_752 = tpu.scan <max>, %reduce_max3A_751 masked %reduce_max3A_748 : vector<16xi32>, vector<16xi1> -> vector<16xi32>
      %reduce_max3A_753 = arith.xori %reduce_max3A_752, %reduce_max3A_750 : vector<16xi32>
      %reduce_max3A_754 = vector.extract %reduce_max3A_753[15] : i32 from vector<16xi32>
      %add3A_755 = arith.constant 15 : i32
      %add3A_756 = arith.addi %reduce_max3A_754, %add3A_755 : i32
      %shift_right_arithmetic3A_757 = arith.constant 4 : i32
      %shift_right_arithmetic3A_758 = arith.shrsi %add3A_756, %shift_right_arithmetic3A_757 : i32
      %broadcast_in_dim3A_759 = arith.constant 0 : i32
      %broadcast_in_dim3A_760 = vector.broadcast %broadcast_in_dim3A_759 : i32 to vector<16xi32>
      %while3A_761 = arith.constant 0 : i32
      %while3A_762 = arith.subi %shift_right_arithmetic3A_758, %while3A_761 : i32
      %while3A_763 = arith.addi %while3A_761, %while3A_762 : i32
      %while3A_764 = arith.constant 1 : i32
      %while3A_765 = arith.divsi %while3A_762, %while3A_764 : i32
      %while3A_766 = arith.muli %while3A_765, %while3A_764 : i32
      %while3A_767 = arith.addi %while3A_761, %while3A_766 : i32
      %while3A_768 = arith.constant 1 : i32
      %while3A_769 = scf.for %while3A_780 = %while3A_761 to %while3A_767 step %while3A_768 iter_args(%while3A_781 = %broadcast_in_dim3A_760) -> (vector<16xi32>)  : i32 {
        %mul3A_782 = arith.constant 16 : i32
        %mul3A_783 = arith.muli %while3A_780, %mul3A_782 : i32
        %get3A_784 = arith.index_cast %mul3A_783 : i32 to index
        %get3A_785 = tpu.vector_load %arg10[%get3A_784] {strides = array<i32>} : memref<4112xf32, #tpu.memory_space<vmem>>, vector<16xf32>,
        %mul3A_786 = arith.constant 16 : i32
        %mul3A_787 = arith.muli %while3A_780, %mul3A_786 : i32
        %get3A_788 = arith.index_cast %mul3A_787 : i32 to index
        %get3A_789 = tpu.vector_load %arg11[%get3A_788] {strides = array<i32>} : memref<4112xi32, #tpu.memory_space<vmem>>, vector<16xi32>,
        %mul3A_790 = arith.constant 16 : i32
        %mul3A_791 = arith.muli %while3A_780, %mul3A_790 : i32
        %add3A_792 = vector.broadcast %mul3A_791 : i32 to vector<16xi32>
        %add3A_793 = arith.addi %add3A_792, %iota3A : vector<16xi32>
        %lt3A_794 = arith.cmpi slt, %add3A_793, %cond3A_58 : vector<16xi32>
        %bitcast3A_795 = vector.bitcast %get3A_785 : vector<16xf32> to vector<16xi32>
        %ge3A_796 = arith.constant -2147483648 : i32
        %ge3A_797 = vector.broadcast %ge3A_796 : i32 to vector<16xi32>
        %ge3A_798 = arith.cmpi uge, %bitcast3A_795, %ge3A_797 : vector<16xi32>
        %jit3A_799 = arith.constant -1 : i32
        %jit3A_800 = arith.constant -2147483648 : i32
        %broadcast_in_dim3A_801 = vector.broadcast %jit3A_799 : i32 to vector<16xi32>
        %broadcast_in_dim3A_802 = vector.broadcast %jit3A_800 : i32 to vector<16xi32>
        %select_n3A_803 = arith.select %ge3A_798, %broadcast_in_dim3A_801, %broadcast_in_dim3A_802 : vector<16xi1>, vector<16xi32>
        %xor3A_804 = arith.xori %bitcast3A_795, %select_n3A_803 : vector<16xi32>
        %gt3A_805 = arith.cmpi ugt, %xor3A_804, %broadcast_in_dim3A_746 : vector<16xi32>
        %and3A_806 = arith.andi %gt3A_805, %lt3A_794 : vector<16xi1>
        %jit3A_807 = arith.constant 1 : i32
        %jit3A_808 = arith.constant 0 : i32
        %broadcast_in_dim3A_809 = vector.broadcast %jit3A_807 : i32 to vector<16xi32>
        %broadcast_in_dim3A_810 = vector.broadcast %jit3A_808 : i32 to vector<16xi32>
        %select_n3A_811 = arith.select %and3A_806, %broadcast_in_dim3A_809, %broadcast_in_dim3A_810 : vector<16xi1>, vector<16xi32>
        %broadcast_in_dim3A_812 = arith.constant true
        %broadcast_in_dim3A_813 = vector.broadcast %broadcast_in_dim3A_812 : i1 to vector<16xi1>
        %masked_cumsum3A = tpu.scan <sum>, %select_n3A_811 masked %broadcast_in_dim3A_813 : vector<16xi32>, vector<16xi1> -> vector<16xi32>
        %add3A_814 = arith.addi %while3A_781, %masked_cumsum3A : vector<16xi32>
        %sub3A = arith.constant 1 : i32
        %sub3A_815 = vector.broadcast %sub3A : i32 to vector<16xi32>
        %sub3A_816 = arith.subi %add3A_814, %sub3A_815 : vector<16xi32>
        %min3A_817 = arith.constant 4095 : i32
        %min3A_818 = vector.broadcast %min3A_817 : i32 to vector<16xi32>
        %min3A_819 = arith.minsi %sub3A_816, %min3A_818 : vector<16xi32>
        tpu.vector_store_idx %arg10[%min3A_819], %get3A_785 masked %and3A_806 : memref<4112xf32, #tpu.memory_space<vmem>>[vector<16xi32>], vector<16xf32>, vector<16xi1>
        tpu.vector_store_idx %arg11[%min3A_819], %get3A_789 masked %and3A_806 : memref<4112xi32, #tpu.memory_space<vmem>>[vector<16xi32>], vector<16xi32>, vector<16xi1>
        %all_reduce_population_count3A = tpu.all_reduce %and3A_806 {dim = 0 : i64, kind = #tpu.reduction_kind<sum>} : vector<16xi1> -> vector<16xi32>
        %add3A_820 = arith.addi %while3A_781, %all_reduce_population_count3A : vector<16xi32>
        %broadcast_in_dim3A_821 = arith.constant 4096 : i32
        %broadcast_in_dim3A_822 = vector.broadcast %broadcast_in_dim3A_821 : i32 to vector<16xi32>
        %min3A_823 = arith.minsi %add3A_820, %broadcast_in_dim3A_822 : vector<16xi32>
        scf.yield %min3A_823 : vector<16xi32>
      }
      %while3A_770 = arith.constant 1 : i32
      %while3A_771 = scf.for %while3A_780 = %while3A_767 to %while3A_763 step %while3A_770 iter_args(%while3A_781 = %while3A_769) -> (vector<16xi32>)  : i32 {
        %mul3A_782 = arith.constant 16 : i32
        %mul3A_783 = arith.muli %while3A_780, %mul3A_782 : i32
        %get3A_784 = arith.index_cast %mul3A_783 : i32 to index
        %get3A_785 = tpu.vector_load %arg10[%get3A_784] {strides = array<i32>} : memref<4112xf32, #tpu.memory_space<vmem>>, vector<16xf32>,
        %mul3A_786 = arith.constant 16 : i32
        %mul3A_787 = arith.muli %while3A_780, %mul3A_786 : i32
        %get3A_788 = arith.index_cast %mul3A_787 : i32 to index
        %get3A_789 = tpu.vector_load %arg11[%get3A_788] {strides = array<i32>} : memref<4112xi32, #tpu.memory_space<vmem>>, vector<16xi32>,
        %mul3A_790 = arith.constant 16 : i32
        %mul3A_791 = arith.muli %while3A_780, %mul3A_790 : i32
        %add3A_792 = vector.broadcast %mul3A_791 : i32 to vector<16xi32>
        %add3A_793 = arith.addi %add3A_792, %iota3A : vector<16xi32>
        %lt3A_794 = arith.cmpi slt, %add3A_793, %cond3A_58 : vector<16xi32>
        %bitcast3A_795 = vector.bitcast %get3A_785 : vector<16xf32> to vector<16xi32>
        %ge3A_796 = arith.constant -2147483648 : i32
        %ge3A_797 = vector.broadcast %ge3A_796 : i32 to vector<16xi32>
        %ge3A_798 = arith.cmpi uge, %bitcast3A_795, %ge3A_797 : vector<16xi32>
        %jit3A_799 = arith.constant -1 : i32
        %jit3A_800 = arith.constant -2147483648 : i32
        %broadcast_in_dim3A_801 = vector.broadcast %jit3A_799 : i32 to vector<16xi32>
        %broadcast_in_dim3A_802 = vector.broadcast %jit3A_800 : i32 to vector<16xi32>
        %select_n3A_803 = arith.select %ge3A_798, %broadcast_in_dim3A_801, %broadcast_in_dim3A_802 : vector<16xi1>, vector<16xi32>
        %xor3A_804 = arith.xori %bitcast3A_795, %select_n3A_803 : vector<16xi32>
        %gt3A_805 = arith.cmpi ugt, %xor3A_804, %broadcast_in_dim3A_746 : vector<16xi32>
        %and3A_806 = arith.andi %gt3A_805, %lt3A_794 : vector<16xi1>
        %jit3A_807 = arith.constant 1 : i32
        %jit3A_808 = arith.constant 0 : i32
        %broadcast_in_dim3A_809 = vector.broadcast %jit3A_807 : i32 to vector<16xi32>
        %broadcast_in_dim3A_810 = vector.broadcast %jit3A_808 : i32 to vector<16xi32>
        %select_n3A_811 = arith.select %and3A_806, %broadcast_in_dim3A_809, %broadcast_in_dim3A_810 : vector<16xi1>, vector<16xi32>
        %broadcast_in_dim3A_812 = arith.constant true
        %broadcast_in_dim3A_813 = vector.broadcast %broadcast_in_dim3A_812 : i1 to vector<16xi1>
        %masked_cumsum3A = tpu.scan <sum>, %select_n3A_811 masked %broadcast_in_dim3A_813 : vector<16xi32>, vector<16xi1> -> vector<16xi32>
        %add3A_814 = arith.addi %while3A_781, %masked_cumsum3A : vector<16xi32>
        %sub3A = arith.constant 1 : i32
        %sub3A_815 = vector.broadcast %sub3A : i32 to vector<16xi32>
        %sub3A_816 = arith.subi %add3A_814, %sub3A_815 : vector<16xi32>
        %min3A_817 = arith.constant 4095 : i32
        %min3A_818 = vector.broadcast %min3A_817 : i32 to vector<16xi32>
        %min3A_819 = arith.minsi %sub3A_816, %min3A_818 : vector<16xi32>
        tpu.vector_store_idx %arg10[%min3A_819], %get3A_785 masked %and3A_806 : memref<4112xf32, #tpu.memory_space<vmem>>[vector<16xi32>], vector<16xf32>, vector<16xi1>
        tpu.vector_store_idx %arg11[%min3A_819], %get3A_789 masked %and3A_806 : memref<4112xi32, #tpu.memory_space<vmem>>[vector<16xi32>], vector<16xi32>, vector<16xi1>
        %all_reduce_population_count3A = tpu.all_reduce %and3A_806 {dim = 0 : i64, kind = #tpu.reduction_kind<sum>} : vector<16xi1> -> vector<16xi32>
        %add3A_820 = arith.addi %while3A_781, %all_reduce_population_count3A : vector<16xi32>
        %broadcast_in_dim3A_821 = arith.constant 4096 : i32
        %broadcast_in_dim3A_822 = vector.broadcast %broadcast_in_dim3A_821 : i32 to vector<16xi32>
        %min3A_823 = arith.minsi %add3A_820, %broadcast_in_dim3A_822 : vector<16xi32>
        scf.yield %min3A_823 : vector<16xi32>
      }
      %ge3A_772 = arith.constant -2147483648 : i32
      %ge3A_773 = vector.broadcast %ge3A_772 : i32 to vector<16xi32>
      %ge3A_774 = arith.cmpi uge, %broadcast_in_dim3A_746, %ge3A_773 : vector<16xi32>
      %jit3A_775 = arith.constant -2147483648 : i32
      %jit3A_776 = arith.constant -1 : i32
      %broadcast_in_dim3A_777 = vector.broadcast %jit3A_775 : i32 to vector<16xi32>
      %broadcast_in_dim3A_778 = vector.broadcast %jit3A_776 : i32 to vector<16xi32>
      %select_n3A_779 = arith.select %ge3A_774, %broadcast_in_dim3A_777, %broadcast_in_dim3A_778 : vector<16xi1>, vector<16xi32>
      %xor3A = arith.xori %broadcast_in_dim3A_746, %select_n3A_779 : vector<16xi32>
      %bitcast3A = vector.bitcast %xor3A : vector<16xi32> to vector<16xf32>
      scf.yield %while3A_771, %bitcast3A : vector<16xi32>, vector<16xf32>
    } else {
      scf.yield %cond3A_58, %scan3A_28#1 : vector<16xi32>, vector<16xf32>
    }
    %add3A_64 = arith.constant 1 : i32
    %add3A_65 = arith.addi %mul3A_2, %add3A_64 : i32
    %mul3A_66 = arith.constant 64 : i32
    %mul3A_67 = arith.muli %add3A_65, %mul3A_66 : i32
    "tpu.region"() ({
      %run_scoped3A = tpu.sem_alloc : memref<!tpu.dma_semaphore, #tpu.memory_space<semaphore_mem>>
      %dma_start3A_723 = tpu.memref_slice %arg3[%mul3A_67] : memref<4096xf32, #tpu.memory_space<hbm>> -> memref<64xf32, #tpu.memory_space<hbm>>
      %dma_start3A_724 = tpu.memref_slice %arg3[%mul3A_67] : memref<4096xf32, #tpu.memory_space<hbm>> -> memref<64xf32, #tpu.memory_space<hbm>>
      tpu.enqueue_dma source(%dma_start3A_724 : memref<64xf32, #tpu.memory_space<hbm>>) target(%arg9 : memref<64xf32, #tpu.memory_space<vmem>>) target_semaphore(%run_scoped3A : memref<!tpu.dma_semaphore, #tpu.memory_space<semaphore_mem>>)
      %dma_wait3A = tpu.memref_slice %arg3[%mul3A_67] : memref<4096xf32, #tpu.memory_space<hbm>> -> memref<64xf32, #tpu.memory_space<hbm>>
      %dma_wait3A_725 = tpu.memref_slice %arg3[%mul3A_67] : memref<4096xf32, #tpu.memory_space<hbm>> -> memref<64xf32, #tpu.memory_space<hbm>>
      tpu.wait_dma2 semaphore(%run_scoped3A : memref<!tpu.dma_semaphore, #tpu.memory_space<semaphore_mem>>) src(%dma_wait3A_725 : memref<64xf32, #tpu.memory_space<hbm>>) dst(%arg9 : memref<64xf32, #tpu.memory_space<vmem>>)
      tpu.yield
    }) : () -> ()
    %get3A_68 = arith.constant 0 : index
    %get3A_69 = tpu.vector_load %arg9[%get3A_68] {strides = array<i32>} : memref<64xf32, #tpu.memory_space<vmem>>, vector<16xf32>,
    %gt3A_70 = arith.cmpf ogt, %get3A_69, %scan3A_28#3 : vector<16xf32>
    %get3A_71 = arith.constant 16 : index
    %get3A_72 = tpu.vector_load %arg9[%get3A_71] {strides = array<i32>} : memref<64xf32, #tpu.memory_space<vmem>>, vector<16xf32>,
    %gt3A_73 = arith.cmpf ogt, %get3A_72, %scan3A_28#3 : vector<16xf32>
    %or3A_74 = arith.ori %gt3A_70, %gt3A_73 : vector<16xi1>
    %get3A_75 = arith.constant 32 : index
    %get3A_76 = tpu.vector_load %arg9[%get3A_75] {strides = array<i32>} : memref<64xf32, #tpu.memory_space<vmem>>, vector<16xf32>,
    %gt3A_77 = arith.cmpf ogt, %get3A_76, %scan3A_28#3 : vector<16xf32>
    %or3A_78 = arith.ori %or3A_74, %gt3A_77 : vector<16xi1>
    %get3A_79 = arith.constant 48 : index
    %get3A_80 = tpu.vector_load %arg9[%get3A_79] {strides = array<i32>} : memref<64xf32, #tpu.memory_space<vmem>>, vector<16xf32>,
    %gt3A_81 = arith.cmpf ogt, %get3A_80, %scan3A_28#3 : vector<16xf32>
    %or3A_82 = arith.ori %or3A_78, %gt3A_81 : vector<16xi1>
    %reduce_or3A_83 = arith.constant 1.000000e+00 : f32
    %reduce_or3A_84 = arith.constant 0.000000e+00 : f32
    %reduce_or3A_85 = vector.broadcast %reduce_or3A_83 : f32 to vector<16xf32>
    %reduce_or3A_86 = vector.broadcast %reduce_or3A_84 : f32 to vector<16xf32>
    %reduce_or3A_87 = arith.select %or3A_82, %reduce_or3A_85, %reduce_or3A_86 : vector<16xi1>, vector<16xf32>
    %reduce_or3A_88 = arith.constant true
    %reduce_or3A_89 = vector.broadcast %reduce_or3A_88 : i1 to vector<16xi1>
    %reduce_or3A_90 = tpu.scan <max>, %reduce_or3A_87 masked %reduce_or3A_89 : vector<16xf32>, vector<16xi1> -> vector<16xf32>
    %reduce_or3A_91 = vector.extract %reduce_or3A_90[15] : f32 from vector<16xf32>
    %reduce_or3A_92 = arith.constant 0.000000e+00 : f32
    %reduce_or3A_93 = arith.cmpf ogt, %reduce_or3A_91, %reduce_or3A_92 : f32
    %convert_element_type3A_94 = arith.extui %reduce_or3A_93 : i1 to i32
    %cond3A_95 = arith.constant 0 : i32
    %cond3A_96 = arith.cmpi ne, %convert_element_type3A_94, %cond3A_95 : i32
    %cond3A_97 = scf.if %cond3A_96 -> (vector<16xi32>) {
      %get3A_723 = arith.constant 0 : index
      %get3A_724 = tpu.vector_load %arg9[%get3A_723] {strides = array<i32>} : memref<64xf32, #tpu.memory_space<vmem>>, vector<16xf32>,
      %gt3A_725 = arith.cmpf ogt, %get3A_724, %scan3A_28#3 : vector<16xf32>
      %jit3A_726 = arith.constant 1 : i32
      %jit3A_727 = arith.constant 0 : i32
      %broadcast_in_dim3A_728 = vector.broadcast %jit3A_726 : i32 to vector<16xi32>
      %broadcast_in_dim3A_729 = vector.broadcast %jit3A_727 : i32 to vector<16xi32>
      %select_n3A_730 = arith.select %gt3A_725, %broadcast_in_dim3A_728, %broadcast_in_dim3A_729 : vector<16xi1>, vector<16xi32>
      %broadcast_in_dim3A_731 = arith.constant true
      %broadcast_in_dim3A_732 = vector.broadcast %broadcast_in_dim3A_731 : i1 to vector<16xi1>
      %masked_cumsum3A = tpu.scan <sum>, %select_n3A_730 masked %broadcast_in_dim3A_732 : vector<16xi32>, vector<16xi1> -> vector<16xi32>
      %add3A_733 = arith.addi %scan3A_28#2, %masked_cumsum3A : vector<16xi32>
      %sub3A = arith.constant 1 : i32
      %sub3A_734 = vector.broadcast %sub3A : i32 to vector<16xi32>
      %sub3A_735 = arith.subi %add3A_733, %sub3A_734 : vector<16xi32>
      %broadcast_in_dim3A_736 = arith.constant 4111 : i32
      %broadcast_in_dim3A_737 = vector.broadcast %broadcast_in_dim3A_736 : i32 to vector<16xi32>
      %min3A_738 = arith.minsi %sub3A_735, %broadcast_in_dim3A_737 : vector<16xi32>
      tpu.vector_store_idx %arg12[%min3A_738], %get3A_724 masked %gt3A_725 : memref<4112xf32, #tpu.memory_space<vmem>>[vector<16xi32>], vector<16xf32>, vector<16xi1>
      %add3A_739 = arith.constant 0 : i32
      %add3A_740 = vector.broadcast %add3A_739 : i32 to vector<16xi32>
      %add3A_741 = arith.addi %add3A_32, %add3A_740 : vector<16xi32>
      tpu.vector_store_idx %arg13[%min3A_738], %add3A_741 masked %gt3A_725 : memref<4112xi32, #tpu.memory_space<vmem>>[vector<16xi32>], vector<16xi32>, vector<16xi1>
      %all_reduce_population_count3A = tpu.all_reduce %gt3A_725 {dim = 0 : i64, kind = #tpu.reduction_kind<sum>} : vector<16xi1> -> vector<16xi32>
      %add3A_742 = arith.addi %scan3A_28#2, %all_reduce_population_count3A : vector<16xi32>
      %broadcast_in_dim3A_743 = arith.constant 4096 : i32
      %broadcast_in_dim3A_744 = vector.broadcast %broadcast_in_dim3A_743 : i32 to vector<16xi32>
      %min3A_745 = arith.minsi %add3A_742, %broadcast_in_dim3A_744 : vector<16xi32>
      %get3A_746 = arith.constant 16 : index
      %get3A_747 = tpu.vector_load %arg9[%get3A_746] {strides = array<i32>} : memref<64xf32, #tpu.memory_space<vmem>>, vector<16xf32>,
      %gt3A_748 = arith.cmpf ogt, %get3A_747, %scan3A_28#3 : vector<16xf32>
      %jit3A_749 = arith.constant 1 : i32
      %jit3A_750 = arith.constant 0 : i32
      %broadcast_in_dim3A_751 = vector.broadcast %jit3A_749 : i32 to vector<16xi32>
      %broadcast_in_dim3A_752 = vector.broadcast %jit3A_750 : i32 to vector<16xi32>
      %select_n3A_753 = arith.select %gt3A_748, %broadcast_in_dim3A_751, %broadcast_in_dim3A_752 : vector<16xi1>, vector<16xi32>
      %broadcast_in_dim3A_754 = arith.constant true
      %broadcast_in_dim3A_755 = vector.broadcast %broadcast_in_dim3A_754 : i1 to vector<16xi1>
      %masked_cumsum3A_756 = tpu.scan <sum>, %select_n3A_753 masked %broadcast_in_dim3A_755 : vector<16xi32>, vector<16xi1> -> vector<16xi32>
      %add3A_757 = arith.addi %min3A_745, %masked_cumsum3A_756 : vector<16xi32>
      %sub3A_758 = arith.constant 1 : i32
      %sub3A_759 = vector.broadcast %sub3A_758 : i32 to vector<16xi32>
      %sub3A_760 = arith.subi %add3A_757, %sub3A_759 : vector<16xi32>
      %broadcast_in_dim3A_761 = arith.constant 4111 : i32
      %broadcast_in_dim3A_762 = vector.broadcast %broadcast_in_dim3A_761 : i32 to vector<16xi32>
      %min3A_763 = arith.minsi %sub3A_760, %broadcast_in_dim3A_762 : vector<16xi32>
      tpu.vector_store_idx %arg12[%min3A_763], %get3A_747 masked %gt3A_748 : memref<4112xf32, #tpu.memory_space<vmem>>[vector<16xi32>], vector<16xf32>, vector<16xi1>
      %add3A_764 = arith.constant 16 : i32
      %add3A_765 = vector.broadcast %add3A_764 : i32 to vector<16xi32>
      %add3A_766 = arith.addi %add3A_32, %add3A_765 : vector<16xi32>
      tpu.vector_store_idx %arg13[%min3A_763], %add3A_766 masked %gt3A_748 : memref<4112xi32, #tpu.memory_space<vmem>>[vector<16xi32>], vector<16xi32>, vector<16xi1>
      %all_reduce_population_count3A_767 = tpu.all_reduce %gt3A_748 {dim = 0 : i64, kind = #tpu.reduction_kind<sum>} : vector<16xi1> -> vector<16xi32>
      %add3A_768 = arith.addi %min3A_745, %all_reduce_population_count3A_767 : vector<16xi32>
      %broadcast_in_dim3A_769 = arith.constant 4096 : i32
      %broadcast_in_dim3A_770 = vector.broadcast %broadcast_in_dim3A_769 : i32 to vector<16xi32>
      %min3A_771 = arith.minsi %add3A_768, %broadcast_in_dim3A_770 : vector<16xi32>
      %get3A_772 = arith.constant 32 : index
      %get3A_773 = tpu.vector_load %arg9[%get3A_772] {strides = array<i32>} : memref<64xf32, #tpu.memory_space<vmem>>, vector<16xf32>,
      %gt3A_774 = arith.cmpf ogt, %get3A_773, %scan3A_28#3 : vector<16xf32>
      %jit3A_775 = arith.constant 1 : i32
      %jit3A_776 = arith.constant 0 : i32
      %broadcast_in_dim3A_777 = vector.broadcast %jit3A_775 : i32 to vector<16xi32>
      %broadcast_in_dim3A_778 = vector.broadcast %jit3A_776 : i32 to vector<16xi32>
      %select_n3A_779 = arith.select %gt3A_774, %broadcast_in_dim3A_777, %broadcast_in_dim3A_778 : vector<16xi1>, vector<16xi32>
      %broadcast_in_dim3A_780 = arith.constant true
      %broadcast_in_dim3A_781 = vector.broadcast %broadcast_in_dim3A_780 : i1 to vector<16xi1>
      %masked_cumsum3A_782 = tpu.scan <sum>, %select_n3A_779 masked %broadcast_in_dim3A_781 : vector<16xi32>, vector<16xi1> -> vector<16xi32>
      %add3A_783 = arith.addi %min3A_771, %masked_cumsum3A_782 : vector<16xi32>
      %sub3A_784 = arith.constant 1 : i32
      %sub3A_785 = vector.broadcast %sub3A_784 : i32 to vector<16xi32>
      %sub3A_786 = arith.subi %add3A_783, %sub3A_785 : vector<16xi32>
      %broadcast_in_dim3A_787 = arith.constant 4111 : i32
      %broadcast_in_dim3A_788 = vector.broadcast %broadcast_in_dim3A_787 : i32 to vector<16xi32>
      %min3A_789 = arith.minsi %sub3A_786, %broadcast_in_dim3A_788 : vector<16xi32>
      tpu.vector_store_idx %arg12[%min3A_789], %get3A_773 masked %gt3A_774 : memref<4112xf32, #tpu.memory_space<vmem>>[vector<16xi32>], vector<16xf32>, vector<16xi1>
      %add3A_790 = arith.constant 32 : i32
      %add3A_791 = vector.broadcast %add3A_790 : i32 to vector<16xi32>
      %add3A_792 = arith.addi %add3A_32, %add3A_791 : vector<16xi32>
      tpu.vector_store_idx %arg13[%min3A_789], %add3A_792 masked %gt3A_774 : memref<4112xi32, #tpu.memory_space<vmem>>[vector<16xi32>], vector<16xi32>, vector<16xi1>
      %all_reduce_population_count3A_793 = tpu.all_reduce %gt3A_774 {dim = 0 : i64, kind = #tpu.reduction_kind<sum>} : vector<16xi1> -> vector<16xi32>
      %add3A_794 = arith.addi %min3A_771, %all_reduce_population_count3A_793 : vector<16xi32>
      %broadcast_in_dim3A_795 = arith.constant 4096 : i32
      %broadcast_in_dim3A_796 = vector.broadcast %broadcast_in_dim3A_795 : i32 to vector<16xi32>
      %min3A_797 = arith.minsi %add3A_794, %broadcast_in_dim3A_796 : vector<16xi32>
      %get3A_798 = arith.constant 48 : index
      %get3A_799 = tpu.vector_load %arg9[%get3A_798] {strides = array<i32>} : memref<64xf32, #tpu.memory_space<vmem>>, vector<16xf32>,
      %gt3A_800 = arith.cmpf ogt, %get3A_799, %scan3A_28#3 : vector<16xf32>
      %jit3A_801 = arith.constant 1 : i32
      %jit3A_802 = arith.constant 0 : i32
      %broadcast_in_dim3A_803 = vector.broadcast %jit3A_801 : i32 to vector<16xi32>
      %broadcast_in_dim3A_804 = vector.broadcast %jit3A_802 : i32 to vector<16xi32>
      %select_n3A_805 = arith.select %gt3A_800, %broadcast_in_dim3A_803, %broadcast_in_dim3A_804 : vector<16xi1>, vector<16xi32>
      %broadcast_in_dim3A_806 = arith.constant true
      %broadcast_in_dim3A_807 = vector.broadcast %broadcast_in_dim3A_806 : i1 to vector<16xi1>
      %masked_cumsum3A_808 = tpu.scan <sum>, %select_n3A_805 masked %broadcast_in_dim3A_807 : vector<16xi32>, vector<16xi1> -> vector<16xi32>
      %add3A_809 = arith.addi %min3A_797, %masked_cumsum3A_808 : vector<16xi32>
      %sub3A_810 = arith.constant 1 : i32
      %sub3A_811 = vector.broadcast %sub3A_810 : i32 to vector<16xi32>
      %sub3A_812 = arith.subi %add3A_809, %sub3A_811 : vector<16xi32>
      %broadcast_in_dim3A_813 = arith.constant 4111 : i32
      %broadcast_in_dim3A_814 = vector.broadcast %broadcast_in_dim3A_813 : i32 to vector<16xi32>
      %min3A_815 = arith.minsi %sub3A_812, %broadcast_in_dim3A_814 : vector<16xi32>
      tpu.vector_store_idx %arg12[%min3A_815], %get3A_799 masked %gt3A_800 : memref<4112xf32, #tpu.memory_space<vmem>>[vector<16xi32>], vector<16xf32>, vector<16xi1>
      %add3A_816 = arith.constant 48 : i32
      %add3A_817 = vector.broadcast %add3A_816 : i32 to vector<16xi32>
      %add3A_818 = arith.addi %add3A_32, %add3A_817 : vector<16xi32>
      tpu.vector_store_idx %arg13[%min3A_815], %add3A_818 masked %gt3A_800 : memref<4112xi32, #tpu.memory_space<vmem>>[vector<16xi32>], vector<16xi32>, vector<16xi1>
      %all_reduce_population_count3A_819 = tpu.all_reduce %gt3A_800 {dim = 0 : i64, kind = #tpu.reduction_kind<sum>} : vector<16xi1> -> vector<16xi32>
      %add3A_820 = arith.addi %min3A_797, %all_reduce_population_count3A_819 : vector<16xi32>
      %broadcast_in_dim3A_821 = arith.constant 4096 : i32
      %broadcast_in_dim3A_822 = vector.broadcast %broadcast_in_dim3A_821 : i32 to vector<16xi32>
      %min3A_823 = arith.minsi %add3A_820, %broadcast_in_dim3A_822 : vector<16xi32>
      scf.yield %min3A_823 : vector<16xi32>
    } else {
      scf.yield %scan3A_28#2 : vector<16xi32>
    }
    %slice3A_98 = vector.extract_strided_slice %cond3A_97 {offsets = [0], sizes = [1], strides = [1]} : vector<16xi32> to vector<1xi32>
    %squeeze3A_99 = vector.extract %slice3A_98[0] : i32 from vector<1xi32>
    %ge3A_100 = arith.constant 4032 : i32
    %ge3A_101 = arith.cmpi sge, %squeeze3A_99, %ge3A_100 : i32
    %convert_element_type3A_102 = arith.extui %ge3A_101 : i1 to i32
    %cond3A_103 = arith.constant 0 : i32
    %cond3A_104 = arith.cmpi ne, %convert_element_type3A_102, %cond3A_103 : i32
    %cond3A_105:2 = scf.if %cond3A_104 -> (vector<16xi32>, vector<16xf32>) {
      %reduce_max3A_723 = arith.constant true
      %reduce_max3A_724 = vector.broadcast %reduce_max3A_723 : i1 to vector<16xi1>
      %reduce_max3A_725 = arith.constant -2147483648 : i32
      %reduce_max3A_726 = vector.broadcast %reduce_max3A_725 : i32 to vector<16xi32>
      %reduce_max3A_727 = arith.xori %cond3A_97, %reduce_max3A_726 : vector<16xi32>
      %reduce_max3A_728 = tpu.scan <max>, %reduce_max3A_727 masked %reduce_max3A_724 : vector<16xi32>, vector<16xi1> -> vector<16xi32>
      %reduce_max3A_729 = arith.xori %reduce_max3A_728, %reduce_max3A_726 : vector<16xi32>
      %reduce_max3A_730 = vector.extract %reduce_max3A_729[15] : i32 from vector<16xi32>
      %add3A_731 = arith.constant 15 : i32
      %add3A_732 = arith.addi %reduce_max3A_730, %add3A_731 : i32
      %shift_right_arithmetic3A_733 = arith.constant 4 : i32
      %shift_right_arithmetic3A_734 = arith.shrsi %add3A_732, %shift_right_arithmetic3A_733 : i32
      %reduce_max3A_735 = arith.constant true
      %reduce_max3A_736 = vector.broadcast %reduce_max3A_735 : i1 to vector<16xi1>
      %reduce_max3A_737 = arith.constant -2147483648 : i32
      %reduce_max3A_738 = vector.broadcast %reduce_max3A_737 : i32 to vector<16xi32>
      %reduce_max3A_739 = arith.xori %cond3A_97, %reduce_max3A_738 : vector<16xi32>
      %reduce_max3A_740 = tpu.scan <max>, %reduce_max3A_739 masked %reduce_max3A_736 : vector<16xi32>, vector<16xi1> -> vector<16xi32>
      %reduce_max3A_741 = arith.xori %reduce_max3A_740, %reduce_max3A_738 : vector<16xi32>
      %reduce_max3A_742 = vector.extract %reduce_max3A_741[15] : i32 from vector<16xi32>
      %while3A_743 = arith.constant 0 : i32
      %while3A_744 = arith.constant -1 : i32
      %while3A_745:3 = scf.while (%while3A_780 = %while3A_743, %while3A_781 = %while3A_744, %while3A_782 = %reduce_max3A_742) : (i32, i32, i32) -> (i32, i32, i32) {
        %sub3A = arith.subi %while3A_781, %while3A_780 : i32
        %gt3A_783 = arith.constant 1 : i32
        %gt3A_784 = arith.cmpi ugt, %sub3A, %gt3A_783 : i32
        %lt3A_785 = arith.constant 100 : i32
        %lt3A_786 = arith.cmpi slt, %while3A_782, %lt3A_785 : i32
        %gt3A_787 = arith.constant 128 : i32
        %gt3A_788 = arith.cmpi sgt, %while3A_782, %gt3A_787 : i32
        %or3A_789 = arith.ori %lt3A_786, %gt3A_788 : i1
        %and3A_790 = arith.andi %gt3A_784, %or3A_789 : i1
        scf.condition(%and3A_790) %while3A_780, %while3A_781, %while3A_782 : i32, i32, i32
      } do {
      ^bb0(%while3A_780: i32, %while3A_781: i32, %while3A_782: i32):
        %sub3A = arith.subi %while3A_781, %while3A_780 : i32
        %shift_right_logical3A = arith.constant 1 : i32
        %shift_right_logical3A_783 = arith.shrui %sub3A, %shift_right_logical3A : i32
        %add3A_784 = arith.addi %while3A_780, %shift_right_logical3A_783 : i32
        %broadcast_in_dim3A_785 = vector.broadcast %add3A_784 : i32 to vector<16xi32>
        %broadcast_in_dim3A_786 = arith.constant 0 : i32
        %broadcast_in_dim3A_787 = vector.broadcast %broadcast_in_dim3A_786 : i32 to vector<16xi32>
        %while3A_788 = arith.constant 0 : i32
        %while3A_789 = arith.subi %shift_right_arithmetic3A_734, %while3A_788 : i32
        %while3A_790 = arith.addi %while3A_788, %while3A_789 : i32
        %while3A_791 = arith.constant 1 : i32
        %while3A_792 = arith.divsi %while3A_789, %while3A_791 : i32
        %while3A_793 = arith.muli %while3A_792, %while3A_791 : i32
        %while3A_794 = arith.addi %while3A_788, %while3A_793 : i32
        %while3A_795 = arith.constant 1 : i32
        %while3A_796 = scf.for %while3A_812 = %while3A_788 to %while3A_794 step %while3A_795 iter_args(%while3A_813 = %broadcast_in_dim3A_787) -> (vector<16xi32>)  : i32 {
          %mul3A_814 = arith.constant 16 : i32
          %mul3A_815 = arith.muli %while3A_812, %mul3A_814 : i32
          %get3A_816 = arith.index_cast %mul3A_815 : i32 to index
          %get3A_817 = tpu.vector_load %arg12[%get3A_816] {strides = array<i32>} : memref<4112xf32, #tpu.memory_space<vmem>>, vector<16xf32>,
          %bitcast3A_818 = vector.bitcast %get3A_817 : vector<16xf32> to vector<16xi32>
          %ge3A_819 = arith.constant -2147483648 : i32
          %ge3A_820 = vector.broadcast %ge3A_819 : i32 to vector<16xi32>
          %ge3A_821 = arith.cmpi uge, %bitcast3A_818, %ge3A_820 : vector<16xi32>
          %jit3A_822 = arith.constant -1 : i32
          %jit3A_823 = arith.constant -2147483648 : i32
          %broadcast_in_dim3A_824 = vector.broadcast %jit3A_822 : i32 to vector<16xi32>
          %broadcast_in_dim3A_825 = vector.broadcast %jit3A_823 : i32 to vector<16xi32>
          %select_n3A_826 = arith.select %ge3A_821, %broadcast_in_dim3A_824, %broadcast_in_dim3A_825 : vector<16xi1>, vector<16xi32>
          %xor3A_827 = arith.xori %bitcast3A_818, %select_n3A_826 : vector<16xi32>
          %mul3A_828 = arith.constant 16 : i32
          %mul3A_829 = arith.muli %while3A_812, %mul3A_828 : i32
          %add3A_830 = vector.broadcast %mul3A_829 : i32 to vector<16xi32>
          %add3A_831 = arith.addi %add3A_830, %iota3A : vector<16xi32>
          %lt3A_832 = arith.cmpi slt, %add3A_831, %cond3A_97 : vector<16xi32>
          %gt3A_833 = arith.cmpi ugt, %xor3A_827, %broadcast_in_dim3A_785 : vector<16xi32>
          %and3A_834 = arith.andi %gt3A_833, %lt3A_832 : vector<16xi1>
          %all_reduce_population_count3A = tpu.all_reduce %and3A_834 {dim = 0 : i64, kind = #tpu.reduction_kind<sum>} : vector<16xi1> -> vector<16xi32>
          %add3A_835 = arith.addi %while3A_813, %all_reduce_population_count3A : vector<16xi32>
          scf.yield %add3A_835 : vector<16xi32>
        }
        %while3A_797 = arith.constant 1 : i32
        %while3A_798 = scf.for %while3A_812 = %while3A_794 to %while3A_790 step %while3A_797 iter_args(%while3A_813 = %while3A_796) -> (vector<16xi32>)  : i32 {
          %mul3A_814 = arith.constant 16 : i32
          %mul3A_815 = arith.muli %while3A_812, %mul3A_814 : i32
          %get3A_816 = arith.index_cast %mul3A_815 : i32 to index
          %get3A_817 = tpu.vector_load %arg12[%get3A_816] {strides = array<i32>} : memref<4112xf32, #tpu.memory_space<vmem>>, vector<16xf32>,
          %bitcast3A_818 = vector.bitcast %get3A_817 : vector<16xf32> to vector<16xi32>
          %ge3A_819 = arith.constant -2147483648 : i32
          %ge3A_820 = vector.broadcast %ge3A_819 : i32 to vector<16xi32>
          %ge3A_821 = arith.cmpi uge, %bitcast3A_818, %ge3A_820 : vector<16xi32>
          %jit3A_822 = arith.constant -1 : i32
          %jit3A_823 = arith.constant -2147483648 : i32
          %broadcast_in_dim3A_824 = vector.broadcast %jit3A_822 : i32 to vector<16xi32>
          %broadcast_in_dim3A_825 = vector.broadcast %jit3A_823 : i32 to vector<16xi32>
          %select_n3A_826 = arith.select %ge3A_821, %broadcast_in_dim3A_824, %broadcast_in_dim3A_825 : vector<16xi1>, vector<16xi32>
          %xor3A_827 = arith.xori %bitcast3A_818, %select_n3A_826 : vector<16xi32>
          %mul3A_828 = arith.constant 16 : i32
          %mul3A_829 = arith.muli %while3A_812, %mul3A_828 : i32
          %add3A_830 = vector.broadcast %mul3A_829 : i32 to vector<16xi32>
          %add3A_831 = arith.addi %add3A_830, %iota3A : vector<16xi32>
          %lt3A_832 = arith.cmpi slt, %add3A_831, %cond3A_97 : vector<16xi32>
          %gt3A_833 = arith.cmpi ugt, %xor3A_827, %broadcast_in_dim3A_785 : vector<16xi32>
          %and3A_834 = arith.andi %gt3A_833, %lt3A_832 : vector<16xi1>
          %all_reduce_population_count3A = tpu.all_reduce %and3A_834 {dim = 0 : i64, kind = #tpu.reduction_kind<sum>} : vector<16xi1> -> vector<16xi32>
          %add3A_835 = arith.addi %while3A_813, %all_reduce_population_count3A : vector<16xi32>
          scf.yield %add3A_835 : vector<16xi32>
        }
        %reduce_max3A_799 = arith.constant true
        %reduce_max3A_800 = vector.broadcast %reduce_max3A_799 : i1 to vector<16xi1>
        %reduce_max3A_801 = arith.constant -2147483648 : i32
        %reduce_max3A_802 = vector.broadcast %reduce_max3A_801 : i32 to vector<16xi32>
        %reduce_max3A_803 = arith.xori %while3A_798, %reduce_max3A_802 : vector<16xi32>
        %reduce_max3A_804 = tpu.scan <max>, %reduce_max3A_803 masked %reduce_max3A_800 : vector<16xi32>, vector<16xi1> -> vector<16xi32>
        %reduce_max3A_805 = arith.xori %reduce_max3A_804, %reduce_max3A_802 : vector<16xi32>
        %reduce_max3A_806 = vector.extract %reduce_max3A_805[15] : i32 from vector<16xi32>
        %ge3A_807 = arith.constant 100 : i32
        %ge3A_808 = arith.cmpi sge, %reduce_max3A_806, %ge3A_807 : i32
        %select_n3A_809 = arith.select %ge3A_808, %add3A_784, %while3A_780 : i32
        %select_n3A_810 = arith.select %ge3A_808, %while3A_781, %add3A_784 : i32
        %select_n3A_811 = arith.select %ge3A_808, %reduce_max3A_806, %while3A_782 : i32
        scf.yield %select_n3A_809, %select_n3A_810, %select_n3A_811 : i32, i32, i32
      }
      %broadcast_in_dim3A_746 = vector.broadcast %while3A_745#0 : i32 to vector<16xi32>
      %reduce_max3A_747 = arith.constant true
      %reduce_max3A_748 = vector.broadcast %reduce_max3A_747 : i1 to vector<16xi1>
      %reduce_max3A_749 = arith.constant -2147483648 : i32
      %reduce_max3A_750 = vector.broadcast %reduce_max3A_749 : i32 to vector<16xi32>
      %reduce_max3A_751 = arith.xori %cond3A_97, %reduce_max3A_750 : vector<16xi32>
      %reduce_max3A_752 = tpu.scan <max>, %reduce_max3A_751 masked %reduce_max3A_748 : vector<16xi32>, vector<16xi1> -> vector<16xi32>
      %reduce_max3A_753 = arith.xori %reduce_max3A_752, %reduce_max3A_750 : vector<16xi32>
      %reduce_max3A_754 = vector.extract %reduce_max3A_753[15] : i32 from vector<16xi32>
      %add3A_755 = arith.constant 15 : i32
      %add3A_756 = arith.addi %reduce_max3A_754, %add3A_755 : i32
      %shift_right_arithmetic3A_757 = arith.constant 4 : i32
      %shift_right_arithmetic3A_758 = arith.shrsi %add3A_756, %shift_right_arithmetic3A_757 : i32
      %broadcast_in_dim3A_759 = arith.constant 0 : i32
      %broadcast_in_dim3A_760 = vector.broadcast %broadcast_in_dim3A_759 : i32 to vector<16xi32>
      %while3A_761 = arith.constant 0 : i32
      %while3A_762 = arith.subi %shift_right_arithmetic3A_758, %while3A_761 : i32
      %while3A_763 = arith.addi %while3A_761, %while3A_762 : i32
      %while3A_764 = arith.constant 1 : i32
      %while3A_765 = arith.divsi %while3A_762, %while3A_764 : i32
      %while3A_766 = arith.muli %while3A_765, %while3A_764 : i32
      %while3A_767 = arith.addi %while3A_761, %while3A_766 : i32
      %while3A_768 = arith.constant 1 : i32
      %while3A_769 = scf.for %while3A_780 = %while3A_761 to %while3A_767 step %while3A_768 iter_args(%while3A_781 = %broadcast_in_dim3A_760) -> (vector<16xi32>)  : i32 {
        %mul3A_782 = arith.constant 16 : i32
        %mul3A_783 = arith.muli %while3A_780, %mul3A_782 : i32
        %get3A_784 = arith.index_cast %mul3A_783 : i32 to index
        %get3A_785 = tpu.vector_load %arg12[%get3A_784] {strides = array<i32>} : memref<4112xf32, #tpu.memory_space<vmem>>, vector<16xf32>,
        %mul3A_786 = arith.constant 16 : i32
        %mul3A_787 = arith.muli %while3A_780, %mul3A_786 : i32
        %get3A_788 = arith.index_cast %mul3A_787 : i32 to index
        %get3A_789 = tpu.vector_load %arg13[%get3A_788] {strides = array<i32>} : memref<4112xi32, #tpu.memory_space<vmem>>, vector<16xi32>,
        %mul3A_790 = arith.constant 16 : i32
        %mul3A_791 = arith.muli %while3A_780, %mul3A_790 : i32
        %add3A_792 = vector.broadcast %mul3A_791 : i32 to vector<16xi32>
        %add3A_793 = arith.addi %add3A_792, %iota3A : vector<16xi32>
        %lt3A_794 = arith.cmpi slt, %add3A_793, %cond3A_97 : vector<16xi32>
        %bitcast3A_795 = vector.bitcast %get3A_785 : vector<16xf32> to vector<16xi32>
        %ge3A_796 = arith.constant -2147483648 : i32
        %ge3A_797 = vector.broadcast %ge3A_796 : i32 to vector<16xi32>
        %ge3A_798 = arith.cmpi uge, %bitcast3A_795, %ge3A_797 : vector<16xi32>
        %jit3A_799 = arith.constant -1 : i32
        %jit3A_800 = arith.constant -2147483648 : i32
        %broadcast_in_dim3A_801 = vector.broadcast %jit3A_799 : i32 to vector<16xi32>
        %broadcast_in_dim3A_802 = vector.broadcast %jit3A_800 : i32 to vector<16xi32>
        %select_n3A_803 = arith.select %ge3A_798, %broadcast_in_dim3A_801, %broadcast_in_dim3A_802 : vector<16xi1>, vector<16xi32>
        %xor3A_804 = arith.xori %bitcast3A_795, %select_n3A_803 : vector<16xi32>
        %gt3A_805 = arith.cmpi ugt, %xor3A_804, %broadcast_in_dim3A_746 : vector<16xi32>
        %and3A_806 = arith.andi %gt3A_805, %lt3A_794 : vector<16xi1>
        %jit3A_807 = arith.constant 1 : i32
        %jit3A_808 = arith.constant 0 : i32
        %broadcast_in_dim3A_809 = vector.broadcast %jit3A_807 : i32 to vector<16xi32>
        %broadcast_in_dim3A_810 = vector.broadcast %jit3A_808 : i32 to vector<16xi32>
        %select_n3A_811 = arith.select %and3A_806, %broadcast_in_dim3A_809, %broadcast_in_dim3A_810 : vector<16xi1>, vector<16xi32>
        %broadcast_in_dim3A_812 = arith.constant true
        %broadcast_in_dim3A_813 = vector.broadcast %broadcast_in_dim3A_812 : i1 to vector<16xi1>
        %masked_cumsum3A = tpu.scan <sum>, %select_n3A_811 masked %broadcast_in_dim3A_813 : vector<16xi32>, vector<16xi1> -> vector<16xi32>
        %add3A_814 = arith.addi %while3A_781, %masked_cumsum3A : vector<16xi32>
        %sub3A = arith.constant 1 : i32
        %sub3A_815 = vector.broadcast %sub3A : i32 to vector<16xi32>
        %sub3A_816 = arith.subi %add3A_814, %sub3A_815 : vector<16xi32>
        %min3A_817 = arith.constant 4095 : i32
        %min3A_818 = vector.broadcast %min3A_817 : i32 to vector<16xi32>
        %min3A_819 = arith.minsi %sub3A_816, %min3A_818 : vector<16xi32>
        tpu.vector_store_idx %arg12[%min3A_819], %get3A_785 masked %and3A_806 : memref<4112xf32, #tpu.memory_space<vmem>>[vector<16xi32>], vector<16xf32>, vector<16xi1>
        tpu.vector_store_idx %arg13[%min3A_819], %get3A_789 masked %and3A_806 : memref<4112xi32, #tpu.memory_space<vmem>>[vector<16xi32>], vector<16xi32>, vector<16xi1>
        %all_reduce_population_count3A = tpu.all_reduce %and3A_806 {dim = 0 : i64, kind = #tpu.reduction_kind<sum>} : vector<16xi1> -> vector<16xi32>
        %add3A_820 = arith.addi %while3A_781, %all_reduce_population_count3A : vector<16xi32>
        %broadcast_in_dim3A_821 = arith.constant 4096 : i32
        %broadcast_in_dim3A_822 = vector.broadcast %broadcast_in_dim3A_821 : i32 to vector<16xi32>
        %min3A_823 = arith.minsi %add3A_820, %broadcast_in_dim3A_822 : vector<16xi32>
        scf.yield %min3A_823 : vector<16xi32>
      }
      %while3A_770 = arith.constant 1 : i32
      %while3A_771 = scf.for %while3A_780 = %while3A_767 to %while3A_763 step %while3A_770 iter_args(%while3A_781 = %while3A_769) -> (vector<16xi32>)  : i32 {
        %mul3A_782 = arith.constant 16 : i32
        %mul3A_783 = arith.muli %while3A_780, %mul3A_782 : i32
        %get3A_784 = arith.index_cast %mul3A_783 : i32 to index
        %get3A_785 = tpu.vector_load %arg12[%get3A_784] {strides = array<i32>} : memref<4112xf32, #tpu.memory_space<vmem>>, vector<16xf32>,
        %mul3A_786 = arith.constant 16 : i32
        %mul3A_787 = arith.muli %while3A_780, %mul3A_786 : i32
        %get3A_788 = arith.index_cast %mul3A_787 : i32 to index
        %get3A_789 = tpu.vector_load %arg13[%get3A_788] {strides = array<i32>} : memref<4112xi32, #tpu.memory_space<vmem>>, vector<16xi32>,
        %mul3A_790 = arith.constant 16 : i32
        %mul3A_791 = arith.muli %while3A_780, %mul3A_790 : i32
        %add3A_792 = vector.broadcast %mul3A_791 : i32 to vector<16xi32>
        %add3A_793 = arith.addi %add3A_792, %iota3A : vector<16xi32>
        %lt3A_794 = arith.cmpi slt, %add3A_793, %cond3A_97 : vector<16xi32>
        %bitcast3A_795 = vector.bitcast %get3A_785 : vector<16xf32> to vector<16xi32>
        %ge3A_796 = arith.constant -2147483648 : i32
        %ge3A_797 = vector.broadcast %ge3A_796 : i32 to vector<16xi32>
        %ge3A_798 = arith.cmpi uge, %bitcast3A_795, %ge3A_797 : vector<16xi32>
        %jit3A_799 = arith.constant -1 : i32
        %jit3A_800 = arith.constant -2147483648 : i32
        %broadcast_in_dim3A_801 = vector.broadcast %jit3A_799 : i32 to vector<16xi32>
        %broadcast_in_dim3A_802 = vector.broadcast %jit3A_800 : i32 to vector<16xi32>
        %select_n3A_803 = arith.select %ge3A_798, %broadcast_in_dim3A_801, %broadcast_in_dim3A_802 : vector<16xi1>, vector<16xi32>
        %xor3A_804 = arith.xori %bitcast3A_795, %select_n3A_803 : vector<16xi32>
        %gt3A_805 = arith.cmpi ugt, %xor3A_804, %broadcast_in_dim3A_746 : vector<16xi32>
        %and3A_806 = arith.andi %gt3A_805, %lt3A_794 : vector<16xi1>
        %jit3A_807 = arith.constant 1 : i32
        %jit3A_808 = arith.constant 0 : i32
        %broadcast_in_dim3A_809 = vector.broadcast %jit3A_807 : i32 to vector<16xi32>
        %broadcast_in_dim3A_810 = vector.broadcast %jit3A_808 : i32 to vector<16xi32>
        %select_n3A_811 = arith.select %and3A_806, %broadcast_in_dim3A_809, %broadcast_in_dim3A_810 : vector<16xi1>, vector<16xi32>
        %broadcast_in_dim3A_812 = arith.constant true
        %broadcast_in_dim3A_813 = vector.broadcast %broadcast_in_dim3A_812 : i1 to vector<16xi1>
        %masked_cumsum3A = tpu.scan <sum>, %select_n3A_811 masked %broadcast_in_dim3A_813 : vector<16xi32>, vector<16xi1> -> vector<16xi32>
        %add3A_814 = arith.addi %while3A_781, %masked_cumsum3A : vector<16xi32>
        %sub3A = arith.constant 1 : i32
        %sub3A_815 = vector.broadcast %sub3A : i32 to vector<16xi32>
        %sub3A_816 = arith.subi %add3A_814, %sub3A_815 : vector<16xi32>
        %min3A_817 = arith.constant 4095 : i32
        %min3A_818 = vector.broadcast %min3A_817 : i32 to vector<16xi32>
        %min3A_819 = arith.minsi %sub3A_816, %min3A_818 : vector<16xi32>
        tpu.vector_store_idx %arg12[%min3A_819], %get3A_785 masked %and3A_806 : memref<4112xf32, #tpu.memory_space<vmem>>[vector<16xi32>], vector<16xf32>, vector<16xi1>
        tpu.vector_store_idx %arg13[%min3A_819], %get3A_789 masked %and3A_806 : memref<4112xi32, #tpu.memory_space<vmem>>[vector<16xi32>], vector<16xi32>, vector<16xi1>
        %all_reduce_population_count3A = tpu.all_reduce %and3A_806 {dim = 0 : i64, kind = #tpu.reduction_kind<sum>} : vector<16xi1> -> vector<16xi32>
        %add3A_820 = arith.addi %while3A_781, %all_reduce_population_count3A : vector<16xi32>
        %broadcast_in_dim3A_821 = arith.constant 4096 : i32
        %broadcast_in_dim3A_822 = vector.broadcast %broadcast_in_dim3A_821 : i32 to vector<16xi32>
        %min3A_823 = arith.minsi %add3A_820, %broadcast_in_dim3A_822 : vector<16xi32>
        scf.yield %min3A_823 : vector<16xi32>
      }
      %ge3A_772 = arith.constant -2147483648 : i32
      %ge3A_773 = vector.broadcast %ge3A_772 : i32 to vector<16xi32>
      %ge3A_774 = arith.cmpi uge, %broadcast_in_dim3A_746, %ge3A_773 : vector<16xi32>
      %jit3A_775 = arith.constant -2147483648 : i32
      %jit3A_776 = arith.constant -1 : i32
      %broadcast_in_dim3A_777 = vector.broadcast %jit3A_775 : i32 to vector<16xi32>
      %broadcast_in_dim3A_778 = vector.broadcast %jit3A_776 : i32 to vector<16xi32>
      %select_n3A_779 = arith.select %ge3A_774, %broadcast_in_dim3A_777, %broadcast_in_dim3A_778 : vector<16xi1>, vector<16xi32>
      %xor3A = arith.xori %broadcast_in_dim3A_746, %select_n3A_779 : vector<16xi32>
      %bitcast3A = vector.bitcast %xor3A : vector<16xi32> to vector<16xf32>
      scf.yield %while3A_771, %bitcast3A : vector<16xi32>, vector<16xf32>
    } else {
      scf.yield %cond3A_97, %scan3A_28#3 : vector<16xi32>, vector<16xf32>
    }
    %add3A_106 = arith.constant 0 : i32
    %add3A_107 = arith.addi %mul3A_2, %add3A_106 : i32
    %reduce_max3A = arith.constant true
    %reduce_max3A_108 = vector.broadcast %reduce_max3A : i1 to vector<16xi1>
    %reduce_max3A_109 = arith.constant -2147483648 : i32
    %reduce_max3A_110 = vector.broadcast %reduce_max3A_109 : i32 to vector<16xi32>
    %reduce_max3A_111 = arith.xori %cond3A_63#0, %reduce_max3A_110 : vector<16xi32>
    %reduce_max3A_112 = tpu.scan <max>, %reduce_max3A_111 masked %reduce_max3A_108 : vector<16xi32>, vector<16xi1> -> vector<16xi32>
    %reduce_max3A_113 = arith.xori %reduce_max3A_112, %reduce_max3A_110 : vector<16xi32>
    %reduce_max3A_114 = vector.extract %reduce_max3A_113[15] : i32 from vector<16xi32>
    %add3A_115 = arith.constant 15 : i32
    %add3A_116 = arith.addi %reduce_max3A_114, %add3A_115 : i32
    %shift_right_arithmetic3A_117 = arith.constant 4 : i32
    %shift_right_arithmetic3A_118 = arith.shrsi %add3A_116, %shift_right_arithmetic3A_117 : i32
    %reduce_max3A_119 = arith.constant true
    %reduce_max3A_120 = vector.broadcast %reduce_max3A_119 : i1 to vector<16xi1>
    %reduce_max3A_121 = arith.constant -2147483648 : i32
    %reduce_max3A_122 = vector.broadcast %reduce_max3A_121 : i32 to vector<16xi32>
    %reduce_max3A_123 = arith.xori %cond3A_63#0, %reduce_max3A_122 : vector<16xi32>
    %reduce_max3A_124 = tpu.scan <max>, %reduce_max3A_123 masked %reduce_max3A_120 : vector<16xi32>, vector<16xi1> -> vector<16xi32>
    %reduce_max3A_125 = arith.xori %reduce_max3A_124, %reduce_max3A_122 : vector<16xi32>
    %reduce_max3A_126 = vector.extract %reduce_max3A_125[15] : i32 from vector<16xi32>
    %while3A = arith.constant 0 : i32
    %while3A_127 = arith.constant -1 : i32
    %while3A_128:3 = scf.while (%while3A_723 = %while3A, %while3A_724 = %while3A_127, %while3A_725 = %reduce_max3A_126) : (i32, i32, i32) -> (i32, i32, i32) {
      %sub3A = arith.subi %while3A_724, %while3A_723 : i32
      %gt3A_726 = arith.constant 1 : i32
      %gt3A_727 = arith.cmpi ugt, %sub3A, %gt3A_726 : i32
      %lt3A_728 = arith.constant 100 : i32
      %lt3A_729 = arith.cmpi slt, %while3A_725, %lt3A_728 : i32
      %gt3A_730 = arith.constant 120 : i32
      %gt3A_731 = arith.cmpi sgt, %while3A_725, %gt3A_730 : i32
      %or3A_732 = arith.ori %lt3A_729, %gt3A_731 : i1
      %and3A_733 = arith.andi %gt3A_727, %or3A_732 : i1
      scf.condition(%and3A_733) %while3A_723, %while3A_724, %while3A_725 : i32, i32, i32
    } do {
    ^bb0(%while3A_723: i32, %while3A_724: i32, %while3A_725: i32):
      %sub3A = arith.subi %while3A_724, %while3A_723 : i32
      %shift_right_logical3A = arith.constant 1 : i32
      %shift_right_logical3A_726 = arith.shrui %sub3A, %shift_right_logical3A : i32
      %add3A_727 = arith.addi %while3A_723, %shift_right_logical3A_726 : i32
      %broadcast_in_dim3A_728 = vector.broadcast %add3A_727 : i32 to vector<16xi32>
      %broadcast_in_dim3A_729 = arith.constant 0 : i32
      %broadcast_in_dim3A_730 = vector.broadcast %broadcast_in_dim3A_729 : i32 to vector<16xi32>
      %while3A_731 = arith.constant 0 : i32
      %while3A_732 = arith.subi %shift_right_arithmetic3A_118, %while3A_731 : i32
      %while3A_733 = arith.addi %while3A_731, %while3A_732 : i32
      %while3A_734 = arith.constant 1 : i32
      %while3A_735 = arith.divsi %while3A_732, %while3A_734 : i32
      %while3A_736 = arith.muli %while3A_735, %while3A_734 : i32
      %while3A_737 = arith.addi %while3A_731, %while3A_736 : i32
      %while3A_738 = arith.constant 1 : i32
      %while3A_739 = scf.for %while3A_755 = %while3A_731 to %while3A_737 step %while3A_738 iter_args(%while3A_756 = %broadcast_in_dim3A_730) -> (vector<16xi32>)  : i32 {
        %mul3A_757 = arith.constant 16 : i32
        %mul3A_758 = arith.muli %while3A_755, %mul3A_757 : i32
        %get3A_759 = arith.index_cast %mul3A_758 : i32 to index
        %get3A_760 = tpu.vector_load %arg10[%get3A_759] {strides = array<i32>} : memref<4112xf32, #tpu.memory_space<vmem>>, vector<16xf32>,
        %bitcast3A = vector.bitcast %get3A_760 : vector<16xf32> to vector<16xi32>
        %ge3A_761 = arith.constant -2147483648 : i32
        %ge3A_762 = vector.broadcast %ge3A_761 : i32 to vector<16xi32>
        %ge3A_763 = arith.cmpi uge, %bitcast3A, %ge3A_762 : vector<16xi32>
        %jit3A_764 = arith.constant -1 : i32
        %jit3A_765 = arith.constant -2147483648 : i32
        %broadcast_in_dim3A_766 = vector.broadcast %jit3A_764 : i32 to vector<16xi32>
        %broadcast_in_dim3A_767 = vector.broadcast %jit3A_765 : i32 to vector<16xi32>
        %select_n3A_768 = arith.select %ge3A_763, %broadcast_in_dim3A_766, %broadcast_in_dim3A_767 : vector<16xi1>, vector<16xi32>
        %xor3A = arith.xori %bitcast3A, %select_n3A_768 : vector<16xi32>
        %mul3A_769 = arith.constant 16 : i32
        %mul3A_770 = arith.muli %while3A_755, %mul3A_769 : i32
        %add3A_771 = vector.broadcast %mul3A_770 : i32 to vector<16xi32>
        %add3A_772 = arith.addi %add3A_771, %iota3A : vector<16xi32>
        %lt3A_773 = arith.cmpi slt, %add3A_772, %cond3A_63#0 : vector<16xi32>
        %gt3A_774 = arith.cmpi ugt, %xor3A, %broadcast_in_dim3A_728 : vector<16xi32>
        %and3A_775 = arith.andi %gt3A_774, %lt3A_773 : vector<16xi1>
        %all_reduce_population_count3A = tpu.all_reduce %and3A_775 {dim = 0 : i64, kind = #tpu.reduction_kind<sum>} : vector<16xi1> -> vector<16xi32>
        %add3A_776 = arith.addi %while3A_756, %all_reduce_population_count3A : vector<16xi32>
        scf.yield %add3A_776 : vector<16xi32>
      }
      %while3A_740 = arith.constant 1 : i32
      %while3A_741 = scf.for %while3A_755 = %while3A_737 to %while3A_733 step %while3A_740 iter_args(%while3A_756 = %while3A_739) -> (vector<16xi32>)  : i32 {
        %mul3A_757 = arith.constant 16 : i32
        %mul3A_758 = arith.muli %while3A_755, %mul3A_757 : i32
        %get3A_759 = arith.index_cast %mul3A_758 : i32 to index
        %get3A_760 = tpu.vector_load %arg10[%get3A_759] {strides = array<i32>} : memref<4112xf32, #tpu.memory_space<vmem>>, vector<16xf32>,
        %bitcast3A = vector.bitcast %get3A_760 : vector<16xf32> to vector<16xi32>
        %ge3A_761 = arith.constant -2147483648 : i32
        %ge3A_762 = vector.broadcast %ge3A_761 : i32 to vector<16xi32>
        %ge3A_763 = arith.cmpi uge, %bitcast3A, %ge3A_762 : vector<16xi32>
        %jit3A_764 = arith.constant -1 : i32
        %jit3A_765 = arith.constant -2147483648 : i32
        %broadcast_in_dim3A_766 = vector.broadcast %jit3A_764 : i32 to vector<16xi32>
        %broadcast_in_dim3A_767 = vector.broadcast %jit3A_765 : i32 to vector<16xi32>
        %select_n3A_768 = arith.select %ge3A_763, %broadcast_in_dim3A_766, %broadcast_in_dim3A_767 : vector<16xi1>, vector<16xi32>
        %xor3A = arith.xori %bitcast3A, %select_n3A_768 : vector<16xi32>
        %mul3A_769 = arith.constant 16 : i32
        %mul3A_770 = arith.muli %while3A_755, %mul3A_769 : i32
        %add3A_771 = vector.broadcast %mul3A_770 : i32 to vector<16xi32>
        %add3A_772 = arith.addi %add3A_771, %iota3A : vector<16xi32>
        %lt3A_773 = arith.cmpi slt, %add3A_772, %cond3A_63#0 : vector<16xi32>
        %gt3A_774 = arith.cmpi ugt, %xor3A, %broadcast_in_dim3A_728 : vector<16xi32>
        %and3A_775 = arith.andi %gt3A_774, %lt3A_773 : vector<16xi1>
        %all_reduce_population_count3A = tpu.all_reduce %and3A_775 {dim = 0 : i64, kind = #tpu.reduction_kind<sum>} : vector<16xi1> -> vector<16xi32>
        %add3A_776 = arith.addi %while3A_756, %all_reduce_population_count3A : vector<16xi32>
        scf.yield %add3A_776 : vector<16xi32>
      }
      %reduce_max3A_742 = arith.constant true
      %reduce_max3A_743 = vector.broadcast %reduce_max3A_742 : i1 to vector<16xi1>
      %reduce_max3A_744 = arith.constant -2147483648 : i32
      %reduce_max3A_745 = vector.broadcast %reduce_max3A_744 : i32 to vector<16xi32>
      %reduce_max3A_746 = arith.xori %while3A_741, %reduce_max3A_745 : vector<16xi32>
      %reduce_max3A_747 = tpu.scan <max>, %reduce_max3A_746 masked %reduce_max3A_743 : vector<16xi32>, vector<16xi1> -> vector<16xi32>
      %reduce_max3A_748 = arith.xori %reduce_max3A_747, %reduce_max3A_745 : vector<16xi32>
      %reduce_max3A_749 = vector.extract %reduce_max3A_748[15] : i32 from vector<16xi32>
      %ge3A_750 = arith.constant 100 : i32
      %ge3A_751 = arith.cmpi sge, %reduce_max3A_749, %ge3A_750 : i32
      %select_n3A_752 = arith.select %ge3A_751, %add3A_727, %while3A_723 : i32
      %select_n3A_753 = arith.select %ge3A_751, %while3A_724, %add3A_727 : i32
      %select_n3A_754 = arith.select %ge3A_751, %reduce_max3A_749, %while3A_725 : i32
      scf.yield %select_n3A_752, %select_n3A_753, %select_n3A_754 : i32, i32, i32
    }
    %broadcast_in_dim3A_129 = vector.broadcast %while3A_128#0 : i32 to vector<16xi32>
    %broadcast_in_dim3A_130 = arith.constant 0xFF800000 : f32
    %broadcast_in_dim3A_131 = vector.broadcast %broadcast_in_dim3A_130 : f32 to vector<16xf32>
    %swap3A = arith.constant 0 : index
    %swap3A_132 = tpu.vector_load %arg14[%swap3A] {strides = array<i32>} : memref<128xf32, #tpu.memory_space<vmem>>, vector<16xf32>,
    tpu.vector_store %arg14[%swap3A], %broadcast_in_dim3A_131 {strides = array<i32>} : memref<128xf32, #tpu.memory_space<vmem>>, vector<16xf32>,
    %broadcast_in_dim3A_133 = arith.constant 0 : i32
    %broadcast_in_dim3A_134 = vector.broadcast %broadcast_in_dim3A_133 : i32 to vector<16xi32>
    %swap3A_135 = arith.constant 0 : index
    %swap3A_136 = tpu.vector_load %arg15[%swap3A_135] {strides = array<i32>} : memref<128xi32, #tpu.memory_space<vmem>>, vector<16xi32>,
    tpu.vector_store %arg15[%swap3A_135], %broadcast_in_dim3A_134 {strides = array<i32>} : memref<128xi32, #tpu.memory_space<vmem>>, vector<16xi32>,
    %broadcast_in_dim3A_137 = arith.constant 0xFF800000 : f32
    %broadcast_in_dim3A_138 = vector.broadcast %broadcast_in_dim3A_137 : f32 to vector<16xf32>
    %swap3A_139 = arith.constant 16 : index
    %swap3A_140 = tpu.vector_load %arg14[%swap3A_139] {strides = array<i32>} : memref<128xf32, #tpu.memory_space<vmem>>, vector<16xf32>,
    tpu.vector_store %arg14[%swap3A_139], %broadcast_in_dim3A_138 {strides = array<i32>} : memref<128xf32, #tpu.memory_space<vmem>>, vector<16xf32>,
    %broadcast_in_dim3A_141 = arith.constant 0 : i32
    %broadcast_in_dim3A_142 = vector.broadcast %broadcast_in_dim3A_141 : i32 to vector<16xi32>
    %swap3A_143 = arith.constant 16 : index
    %swap3A_144 = tpu.vector_load %arg15[%swap3A_143] {strides = array<i32>} : memref<128xi32, #tpu.memory_space<vmem>>, vector<16xi32>,
    tpu.vector_store %arg15[%swap3A_143], %broadcast_in_dim3A_142 {strides = array<i32>} : memref<128xi32, #tpu.memory_space<vmem>>, vector<16xi32>,
    %broadcast_in_dim3A_145 = arith.constant 0xFF800000 : f32
    %broadcast_in_dim3A_146 = vector.broadcast %broadcast_in_dim3A_145 : f32 to vector<16xf32>
    %swap3A_147 = arith.constant 32 : index
    %swap3A_148 = tpu.vector_load %arg14[%swap3A_147] {strides = array<i32>} : memref<128xf32, #tpu.memory_space<vmem>>, vector<16xf32>,
    tpu.vector_store %arg14[%swap3A_147], %broadcast_in_dim3A_146 {strides = array<i32>} : memref<128xf32, #tpu.memory_space<vmem>>, vector<16xf32>,
    %broadcast_in_dim3A_149 = arith.constant 0 : i32
    %broadcast_in_dim3A_150 = vector.broadcast %broadcast_in_dim3A_149 : i32 to vector<16xi32>
    %swap3A_151 = arith.constant 32 : index
    %swap3A_152 = tpu.vector_load %arg15[%swap3A_151] {strides = array<i32>} : memref<128xi32, #tpu.memory_space<vmem>>, vector<16xi32>,
    tpu.vector_store %arg15[%swap3A_151], %broadcast_in_dim3A_150 {strides = array<i32>} : memref<128xi32, #tpu.memory_space<vmem>>, vector<16xi32>,
    %broadcast_in_dim3A_153 = arith.constant 0xFF800000 : f32
    %broadcast_in_dim3A_154 = vector.broadcast %broadcast_in_dim3A_153 : f32 to vector<16xf32>
    %swap3A_155 = arith.constant 48 : index
    %swap3A_156 = tpu.vector_load %arg14[%swap3A_155] {strides = array<i32>} : memref<128xf32, #tpu.memory_space<vmem>>, vector<16xf32>,
    tpu.vector_store %arg14[%swap3A_155], %broadcast_in_dim3A_154 {strides = array<i32>} : memref<128xf32, #tpu.memory_space<vmem>>, vector<16xf32>,
    %broadcast_in_dim3A_157 = arith.constant 0 : i32
    %broadcast_in_dim3A_158 = vector.broadcast %broadcast_in_dim3A_157 : i32 to vector<16xi32>
    %swap3A_159 = arith.constant 48 : index
    %swap3A_160 = tpu.vector_load %arg15[%swap3A_159] {strides = array<i32>} : memref<128xi32, #tpu.memory_space<vmem>>, vector<16xi32>,
    tpu.vector_store %arg15[%swap3A_159], %broadcast_in_dim3A_158 {strides = array<i32>} : memref<128xi32, #tpu.memory_space<vmem>>, vector<16xi32>,
    %broadcast_in_dim3A_161 = arith.constant 0xFF800000 : f32
    %broadcast_in_dim3A_162 = vector.broadcast %broadcast_in_dim3A_161 : f32 to vector<16xf32>
    %swap3A_163 = arith.constant 64 : index
    %swap3A_164 = tpu.vector_load %arg14[%swap3A_163] {strides = array<i32>} : memref<128xf32, #tpu.memory_space<vmem>>, vector<16xf32>,
    tpu.vector_store %arg14[%swap3A_163], %broadcast_in_dim3A_162 {strides = array<i32>} : memref<128xf32, #tpu.memory_space<vmem>>, vector<16xf32>,
    %broadcast_in_dim3A_165 = arith.constant 0 : i32
    %broadcast_in_dim3A_166 = vector.broadcast %broadcast_in_dim3A_165 : i32 to vector<16xi32>
    %swap3A_167 = arith.constant 64 : index
    %swap3A_168 = tpu.vector_load %arg15[%swap3A_167] {strides = array<i32>} : memref<128xi32, #tpu.memory_space<vmem>>, vector<16xi32>,
    tpu.vector_store %arg15[%swap3A_167], %broadcast_in_dim3A_166 {strides = array<i32>} : memref<128xi32, #tpu.memory_space<vmem>>, vector<16xi32>,
    %broadcast_in_dim3A_169 = arith.constant 0xFF800000 : f32
    %broadcast_in_dim3A_170 = vector.broadcast %broadcast_in_dim3A_169 : f32 to vector<16xf32>
    %swap3A_171 = arith.constant 80 : index
    %swap3A_172 = tpu.vector_load %arg14[%swap3A_171] {strides = array<i32>} : memref<128xf32, #tpu.memory_space<vmem>>, vector<16xf32>,
    tpu.vector_store %arg14[%swap3A_171], %broadcast_in_dim3A_170 {strides = array<i32>} : memref<128xf32, #tpu.memory_space<vmem>>, vector<16xf32>,
    %broadcast_in_dim3A_173 = arith.constant 0 : i32
    %broadcast_in_dim3A_174 = vector.broadcast %broadcast_in_dim3A_173 : i32 to vector<16xi32>
    %swap3A_175 = arith.constant 80 : index
    %swap3A_176 = tpu.vector_load %arg15[%swap3A_175] {strides = array<i32>} : memref<128xi32, #tpu.memory_space<vmem>>, vector<16xi32>,
    tpu.vector_store %arg15[%swap3A_175], %broadcast_in_dim3A_174 {strides = array<i32>} : memref<128xi32, #tpu.memory_space<vmem>>, vector<16xi32>,
    %broadcast_in_dim3A_177 = arith.constant 0xFF800000 : f32
    %broadcast_in_dim3A_178 = vector.broadcast %broadcast_in_dim3A_177 : f32 to vector<16xf32>
    %swap3A_179 = arith.constant 96 : index
    %swap3A_180 = tpu.vector_load %arg14[%swap3A_179] {strides = array<i32>} : memref<128xf32, #tpu.memory_space<vmem>>, vector<16xf32>,
    tpu.vector_store %arg14[%swap3A_179], %broadcast_in_dim3A_178 {strides = array<i32>} : memref<128xf32, #tpu.memory_space<vmem>>, vector<16xf32>,
    %broadcast_in_dim3A_181 = arith.constant 0 : i32
    %broadcast_in_dim3A_182 = vector.broadcast %broadcast_in_dim3A_181 : i32 to vector<16xi32>
    %swap3A_183 = arith.constant 96 : index
    %swap3A_184 = tpu.vector_load %arg15[%swap3A_183] {strides = array<i32>} : memref<128xi32, #tpu.memory_space<vmem>>, vector<16xi32>,
    tpu.vector_store %arg15[%swap3A_183], %broadcast_in_dim3A_182 {strides = array<i32>} : memref<128xi32, #tpu.memory_space<vmem>>, vector<16xi32>,
    %broadcast_in_dim3A_185 = arith.constant 0xFF800000 : f32
    %broadcast_in_dim3A_186 = vector.broadcast %broadcast_in_dim3A_185 : f32 to vector<16xf32>
    %swap3A_187 = arith.constant 112 : index
    %swap3A_188 = tpu.vector_load %arg14[%swap3A_187] {strides = array<i32>} : memref<128xf32, #tpu.memory_space<vmem>>, vector<16xf32>,
    tpu.vector_store %arg14[%swap3A_187], %broadcast_in_dim3A_186 {strides = array<i32>} : memref<128xf32, #tpu.memory_space<vmem>>, vector<16xf32>,
    %broadcast_in_dim3A_189 = arith.constant 0 : i32
    %broadcast_in_dim3A_190 = vector.broadcast %broadcast_in_dim3A_189 : i32 to vector<16xi32>
    %swap3A_191 = arith.constant 112 : index
    %swap3A_192 = tpu.vector_load %arg15[%swap3A_191] {strides = array<i32>} : memref<128xi32, #tpu.memory_space<vmem>>, vector<16xi32>,
    tpu.vector_store %arg15[%swap3A_191], %broadcast_in_dim3A_190 {strides = array<i32>} : memref<128xi32, #tpu.memory_space<vmem>>, vector<16xi32>,
    %reduce_max3A_193 = arith.constant true
    %reduce_max3A_194 = vector.broadcast %reduce_max3A_193 : i1 to vector<16xi1>
    %reduce_max3A_195 = arith.constant -2147483648 : i32
    %reduce_max3A_196 = vector.broadcast %reduce_max3A_195 : i32 to vector<16xi32>
    %reduce_max3A_197 = arith.xori %cond3A_63#0, %reduce_max3A_196 : vector<16xi32>
    %reduce_max3A_198 = tpu.scan <max>, %reduce_max3A_197 masked %reduce_max3A_194 : vector<16xi32>, vector<16xi1> -> vector<16xi32>
    %reduce_max3A_199 = arith.xori %reduce_max3A_198, %reduce_max3A_196 : vector<16xi32>
    %reduce_max3A_200 = vector.extract %reduce_max3A_199[15] : i32 from vector<16xi32>
    %add3A_201 = arith.constant 15 : i32
    %add3A_202 = arith.addi %reduce_max3A_200, %add3A_201 : i32
    %shift_right_arithmetic3A_203 = arith.constant 4 : i32
    %shift_right_arithmetic3A_204 = arith.shrsi %add3A_202, %shift_right_arithmetic3A_203 : i32
    %broadcast_in_dim3A_205 = arith.constant 0 : i32
    %broadcast_in_dim3A_206 = vector.broadcast %broadcast_in_dim3A_205 : i32 to vector<16xi32>
    %while3A_207 = arith.constant 0 : i32
    %while3A_208 = arith.subi %shift_right_arithmetic3A_204, %while3A_207 : i32
    %while3A_209 = arith.addi %while3A_207, %while3A_208 : i32
    %while3A_210 = arith.constant 1 : i32
    %while3A_211 = arith.divsi %while3A_208, %while3A_210 : i32
    %while3A_212 = arith.muli %while3A_211, %while3A_210 : i32
    %while3A_213 = arith.addi %while3A_207, %while3A_212 : i32
    %while3A_214 = arith.constant 1 : i32
    %while3A_215 = scf.for %while3A_723 = %while3A_207 to %while3A_213 step %while3A_214 iter_args(%while3A_724 = %broadcast_in_dim3A_206) -> (vector<16xi32>)  : i32 {
      %mul3A_725 = arith.constant 16 : i32
      %mul3A_726 = arith.muli %while3A_723, %mul3A_725 : i32
      %get3A_727 = arith.index_cast %mul3A_726 : i32 to index
      %get3A_728 = tpu.vector_load %arg10[%get3A_727] {strides = array<i32>} : memref<4112xf32, #tpu.memory_space<vmem>>, vector<16xf32>,
      %mul3A_729 = arith.constant 16 : i32
      %mul3A_730 = arith.muli %while3A_723, %mul3A_729 : i32
      %get3A_731 = arith.index_cast %mul3A_730 : i32 to index
      %get3A_732 = tpu.vector_load %arg11[%get3A_731] {strides = array<i32>} : memref<4112xi32, #tpu.memory_space<vmem>>, vector<16xi32>,
      %mul3A_733 = arith.constant 16 : i32
      %mul3A_734 = arith.muli %while3A_723, %mul3A_733 : i32
      %add3A_735 = vector.broadcast %mul3A_734 : i32 to vector<16xi32>
      %add3A_736 = arith.addi %add3A_735, %iota3A : vector<16xi32>
      %lt3A_737 = arith.cmpi slt, %add3A_736, %cond3A_63#0 : vector<16xi32>
      %bitcast3A = vector.bitcast %get3A_728 : vector<16xf32> to vector<16xi32>
      %ge3A_738 = arith.constant -2147483648 : i32
      %ge3A_739 = vector.broadcast %ge3A_738 : i32 to vector<16xi32>
      %ge3A_740 = arith.cmpi uge, %bitcast3A, %ge3A_739 : vector<16xi32>
      %jit3A_741 = arith.constant -1 : i32
      %jit3A_742 = arith.constant -2147483648 : i32
      %broadcast_in_dim3A_743 = vector.broadcast %jit3A_741 : i32 to vector<16xi32>
      %broadcast_in_dim3A_744 = vector.broadcast %jit3A_742 : i32 to vector<16xi32>
      %select_n3A_745 = arith.select %ge3A_740, %broadcast_in_dim3A_743, %broadcast_in_dim3A_744 : vector<16xi1>, vector<16xi32>
      %xor3A = arith.xori %bitcast3A, %select_n3A_745 : vector<16xi32>
      %gt3A_746 = arith.cmpi ugt, %xor3A, %broadcast_in_dim3A_129 : vector<16xi32>
      %and3A_747 = arith.andi %gt3A_746, %lt3A_737 : vector<16xi1>
      %jit3A_748 = arith.constant 1 : i32
      %jit3A_749 = arith.constant 0 : i32
      %broadcast_in_dim3A_750 = vector.broadcast %jit3A_748 : i32 to vector<16xi32>
      %broadcast_in_dim3A_751 = vector.broadcast %jit3A_749 : i32 to vector<16xi32>
      %select_n3A_752 = arith.select %and3A_747, %broadcast_in_dim3A_750, %broadcast_in_dim3A_751 : vector<16xi1>, vector<16xi32>
      %broadcast_in_dim3A_753 = arith.constant true
      %broadcast_in_dim3A_754 = vector.broadcast %broadcast_in_dim3A_753 : i1 to vector<16xi1>
      %masked_cumsum3A = tpu.scan <sum>, %select_n3A_752 masked %broadcast_in_dim3A_754 : vector<16xi32>, vector<16xi1> -> vector<16xi32>
      %add3A_755 = arith.addi %while3A_724, %masked_cumsum3A : vector<16xi32>
      %sub3A = arith.constant 1 : i32
      %sub3A_756 = vector.broadcast %sub3A : i32 to vector<16xi32>
      %sub3A_757 = arith.subi %add3A_755, %sub3A_756 : vector<16xi32>
      %min3A_758 = arith.constant 127 : i32
      %min3A_759 = vector.broadcast %min3A_758 : i32 to vector<16xi32>
      %min3A_760 = arith.minsi %sub3A_757, %min3A_759 : vector<16xi32>
      tpu.vector_store_idx %arg14[%min3A_760], %get3A_728 masked %and3A_747 : memref<128xf32, #tpu.memory_space<vmem>>[vector<16xi32>], vector<16xf32>, vector<16xi1>
      tpu.vector_store_idx %arg15[%min3A_760], %get3A_732 masked %and3A_747 : memref<128xi32, #tpu.memory_space<vmem>>[vector<16xi32>], vector<16xi32>, vector<16xi1>
      %all_reduce_population_count3A = tpu.all_reduce %and3A_747 {dim = 0 : i64, kind = #tpu.reduction_kind<sum>} : vector<16xi1> -> vector<16xi32>
      %add3A_761 = arith.addi %while3A_724, %all_reduce_population_count3A : vector<16xi32>
      %broadcast_in_dim3A_762 = arith.constant 128 : i32
      %broadcast_in_dim3A_763 = vector.broadcast %broadcast_in_dim3A_762 : i32 to vector<16xi32>
      %min3A_764 = arith.minsi %add3A_761, %broadcast_in_dim3A_763 : vector<16xi32>
      scf.yield %min3A_764 : vector<16xi32>
    }
    %while3A_216 = arith.constant 1 : i32
    %while3A_217 = scf.for %while3A_723 = %while3A_213 to %while3A_209 step %while3A_216 iter_args(%while3A_724 = %while3A_215) -> (vector<16xi32>)  : i32 {
      %mul3A_725 = arith.constant 16 : i32
      %mul3A_726 = arith.muli %while3A_723, %mul3A_725 : i32
      %get3A_727 = arith.index_cast %mul3A_726 : i32 to index
      %get3A_728 = tpu.vector_load %arg10[%get3A_727] {strides = array<i32>} : memref<4112xf32, #tpu.memory_space<vmem>>, vector<16xf32>,
      %mul3A_729 = arith.constant 16 : i32
      %mul3A_730 = arith.muli %while3A_723, %mul3A_729 : i32
      %get3A_731 = arith.index_cast %mul3A_730 : i32 to index
      %get3A_732 = tpu.vector_load %arg11[%get3A_731] {strides = array<i32>} : memref<4112xi32, #tpu.memory_space<vmem>>, vector<16xi32>,
      %mul3A_733 = arith.constant 16 : i32
      %mul3A_734 = arith.muli %while3A_723, %mul3A_733 : i32
      %add3A_735 = vector.broadcast %mul3A_734 : i32 to vector<16xi32>
      %add3A_736 = arith.addi %add3A_735, %iota3A : vector<16xi32>
      %lt3A_737 = arith.cmpi slt, %add3A_736, %cond3A_63#0 : vector<16xi32>
      %bitcast3A = vector.bitcast %get3A_728 : vector<16xf32> to vector<16xi32>
      %ge3A_738 = arith.constant -2147483648 : i32
      %ge3A_739 = vector.broadcast %ge3A_738 : i32 to vector<16xi32>
      %ge3A_740 = arith.cmpi uge, %bitcast3A, %ge3A_739 : vector<16xi32>
      %jit3A_741 = arith.constant -1 : i32
      %jit3A_742 = arith.constant -2147483648 : i32
      %broadcast_in_dim3A_743 = vector.broadcast %jit3A_741 : i32 to vector<16xi32>
      %broadcast_in_dim3A_744 = vector.broadcast %jit3A_742 : i32 to vector<16xi32>
      %select_n3A_745 = arith.select %ge3A_740, %broadcast_in_dim3A_743, %broadcast_in_dim3A_744 : vector<16xi1>, vector<16xi32>
      %xor3A = arith.xori %bitcast3A, %select_n3A_745 : vector<16xi32>
      %gt3A_746 = arith.cmpi ugt, %xor3A, %broadcast_in_dim3A_129 : vector<16xi32>
      %and3A_747 = arith.andi %gt3A_746, %lt3A_737 : vector<16xi1>
      %jit3A_748 = arith.constant 1 : i32
      %jit3A_749 = arith.constant 0 : i32
      %broadcast_in_dim3A_750 = vector.broadcast %jit3A_748 : i32 to vector<16xi32>
      %broadcast_in_dim3A_751 = vector.broadcast %jit3A_749 : i32 to vector<16xi32>
      %select_n3A_752 = arith.select %and3A_747, %broadcast_in_dim3A_750, %broadcast_in_dim3A_751 : vector<16xi1>, vector<16xi32>
      %broadcast_in_dim3A_753 = arith.constant true
      %broadcast_in_dim3A_754 = vector.broadcast %broadcast_in_dim3A_753 : i1 to vector<16xi1>
      %masked_cumsum3A = tpu.scan <sum>, %select_n3A_752 masked %broadcast_in_dim3A_754 : vector<16xi32>, vector<16xi1> -> vector<16xi32>
      %add3A_755 = arith.addi %while3A_724, %masked_cumsum3A : vector<16xi32>
      %sub3A = arith.constant 1 : i32
      %sub3A_756 = vector.broadcast %sub3A : i32 to vector<16xi32>
      %sub3A_757 = arith.subi %add3A_755, %sub3A_756 : vector<16xi32>
      %min3A_758 = arith.constant 127 : i32
      %min3A_759 = vector.broadcast %min3A_758 : i32 to vector<16xi32>
      %min3A_760 = arith.minsi %sub3A_757, %min3A_759 : vector<16xi32>
      tpu.vector_store_idx %arg14[%min3A_760], %get3A_728 masked %and3A_747 : memref<128xf32, #tpu.memory_space<vmem>>[vector<16xi32>], vector<16xf32>, vector<16xi1>
      tpu.vector_store_idx %arg15[%min3A_760], %get3A_732 masked %and3A_747 : memref<128xi32, #tpu.memory_space<vmem>>[vector<16xi32>], vector<16xi32>, vector<16xi1>
      %all_reduce_population_count3A = tpu.all_reduce %and3A_747 {dim = 0 : i64, kind = #tpu.reduction_kind<sum>} : vector<16xi1> -> vector<16xi32>
      %add3A_761 = arith.addi %while3A_724, %all_reduce_population_count3A : vector<16xi32>
      %broadcast_in_dim3A_762 = arith.constant 128 : i32
      %broadcast_in_dim3A_763 = vector.broadcast %broadcast_in_dim3A_762 : i32 to vector<16xi32>
      %min3A_764 = arith.minsi %add3A_761, %broadcast_in_dim3A_763 : vector<16xi32>
      scf.yield %min3A_764 : vector<16xi32>
    }
    %broadcast_in_dim3A_218 = arith.constant 0xFF800000 : f32
    %broadcast_in_dim3A_219 = vector.broadcast %broadcast_in_dim3A_218 : f32 to vector<16xf32>
    %swap3A_220 = arith.constant 0 : index
    %swap3A_221 = tpu.vector_load %arg16[%swap3A_220] {strides = array<i32>} : memref<112xf32, #tpu.memory_space<vmem>>, vector<16xf32>,
    tpu.vector_store %arg16[%swap3A_220], %broadcast_in_dim3A_219 {strides = array<i32>} : memref<112xf32, #tpu.memory_space<vmem>>, vector<16xf32>,
    %broadcast_in_dim3A_222 = arith.constant 0 : i32
    %broadcast_in_dim3A_223 = vector.broadcast %broadcast_in_dim3A_222 : i32 to vector<16xi32>
    %swap3A_224 = arith.constant 0 : index
    %swap3A_225 = tpu.vector_load %arg17[%swap3A_224] {strides = array<i32>} : memref<112xi32, #tpu.memory_space<vmem>>, vector<16xi32>,
    tpu.vector_store %arg17[%swap3A_224], %broadcast_in_dim3A_223 {strides = array<i32>} : memref<112xi32, #tpu.memory_space<vmem>>, vector<16xi32>,
    %broadcast_in_dim3A_226 = arith.constant 0xFF800000 : f32
    %broadcast_in_dim3A_227 = vector.broadcast %broadcast_in_dim3A_226 : f32 to vector<16xf32>
    %swap3A_228 = arith.constant 16 : index
    %swap3A_229 = tpu.vector_load %arg16[%swap3A_228] {strides = array<i32>} : memref<112xf32, #tpu.memory_space<vmem>>, vector<16xf32>,
    tpu.vector_store %arg16[%swap3A_228], %broadcast_in_dim3A_227 {strides = array<i32>} : memref<112xf32, #tpu.memory_space<vmem>>, vector<16xf32>,
    %broadcast_in_dim3A_230 = arith.constant 0 : i32
    %broadcast_in_dim3A_231 = vector.broadcast %broadcast_in_dim3A_230 : i32 to vector<16xi32>
    %swap3A_232 = arith.constant 16 : index
    %swap3A_233 = tpu.vector_load %arg17[%swap3A_232] {strides = array<i32>} : memref<112xi32, #tpu.memory_space<vmem>>, vector<16xi32>,
    tpu.vector_store %arg17[%swap3A_232], %broadcast_in_dim3A_231 {strides = array<i32>} : memref<112xi32, #tpu.memory_space<vmem>>, vector<16xi32>,
    %broadcast_in_dim3A_234 = arith.constant 0xFF800000 : f32
    %broadcast_in_dim3A_235 = vector.broadcast %broadcast_in_dim3A_234 : f32 to vector<16xf32>
    %swap3A_236 = arith.constant 32 : index
    %swap3A_237 = tpu.vector_load %arg16[%swap3A_236] {strides = array<i32>} : memref<112xf32, #tpu.memory_space<vmem>>, vector<16xf32>,
    tpu.vector_store %arg16[%swap3A_236], %broadcast_in_dim3A_235 {strides = array<i32>} : memref<112xf32, #tpu.memory_space<vmem>>, vector<16xf32>,
    %broadcast_in_dim3A_238 = arith.constant 0 : i32
    %broadcast_in_dim3A_239 = vector.broadcast %broadcast_in_dim3A_238 : i32 to vector<16xi32>
    %swap3A_240 = arith.constant 32 : index
    %swap3A_241 = tpu.vector_load %arg17[%swap3A_240] {strides = array<i32>} : memref<112xi32, #tpu.memory_space<vmem>>, vector<16xi32>,
    tpu.vector_store %arg17[%swap3A_240], %broadcast_in_dim3A_239 {strides = array<i32>} : memref<112xi32, #tpu.memory_space<vmem>>, vector<16xi32>,
    %broadcast_in_dim3A_242 = arith.constant 0xFF800000 : f32
    %broadcast_in_dim3A_243 = vector.broadcast %broadcast_in_dim3A_242 : f32 to vector<16xf32>
    %swap3A_244 = arith.constant 48 : index
    %swap3A_245 = tpu.vector_load %arg16[%swap3A_244] {strides = array<i32>} : memref<112xf32, #tpu.memory_space<vmem>>, vector<16xf32>,
    tpu.vector_store %arg16[%swap3A_244], %broadcast_in_dim3A_243 {strides = array<i32>} : memref<112xf32, #tpu.memory_space<vmem>>, vector<16xf32>,
    %broadcast_in_dim3A_246 = arith.constant 0 : i32
    %broadcast_in_dim3A_247 = vector.broadcast %broadcast_in_dim3A_246 : i32 to vector<16xi32>
    %swap3A_248 = arith.constant 48 : index
    %swap3A_249 = tpu.vector_load %arg17[%swap3A_248] {strides = array<i32>} : memref<112xi32, #tpu.memory_space<vmem>>, vector<16xi32>,
    tpu.vector_store %arg17[%swap3A_248], %broadcast_in_dim3A_247 {strides = array<i32>} : memref<112xi32, #tpu.memory_space<vmem>>, vector<16xi32>,
    %broadcast_in_dim3A_250 = arith.constant 0xFF800000 : f32
    %broadcast_in_dim3A_251 = vector.broadcast %broadcast_in_dim3A_250 : f32 to vector<16xf32>
    %swap3A_252 = arith.constant 64 : index
    %swap3A_253 = tpu.vector_load %arg16[%swap3A_252] {strides = array<i32>} : memref<112xf32, #tpu.memory_space<vmem>>, vector<16xf32>,
    tpu.vector_store %arg16[%swap3A_252], %broadcast_in_dim3A_251 {strides = array<i32>} : memref<112xf32, #tpu.memory_space<vmem>>, vector<16xf32>,
    %broadcast_in_dim3A_254 = arith.constant 0 : i32
    %broadcast_in_dim3A_255 = vector.broadcast %broadcast_in_dim3A_254 : i32 to vector<16xi32>
    %swap3A_256 = arith.constant 64 : index
    %swap3A_257 = tpu.vector_load %arg17[%swap3A_256] {strides = array<i32>} : memref<112xi32, #tpu.memory_space<vmem>>, vector<16xi32>,
    tpu.vector_store %arg17[%swap3A_256], %broadcast_in_dim3A_255 {strides = array<i32>} : memref<112xi32, #tpu.memory_space<vmem>>, vector<16xi32>,
    %broadcast_in_dim3A_258 = arith.constant 0xFF800000 : f32
    %broadcast_in_dim3A_259 = vector.broadcast %broadcast_in_dim3A_258 : f32 to vector<16xf32>
    %swap3A_260 = arith.constant 80 : index
    %swap3A_261 = tpu.vector_load %arg16[%swap3A_260] {strides = array<i32>} : memref<112xf32, #tpu.memory_space<vmem>>, vector<16xf32>,
    tpu.vector_store %arg16[%swap3A_260], %broadcast_in_dim3A_259 {strides = array<i32>} : memref<112xf32, #tpu.memory_space<vmem>>, vector<16xf32>,
    %broadcast_in_dim3A_262 = arith.constant 0 : i32
    %broadcast_in_dim3A_263 = vector.broadcast %broadcast_in_dim3A_262 : i32 to vector<16xi32>
    %swap3A_264 = arith.constant 80 : index
    %swap3A_265 = tpu.vector_load %arg17[%swap3A_264] {strides = array<i32>} : memref<112xi32, #tpu.memory_space<vmem>>, vector<16xi32>,
    tpu.vector_store %arg17[%swap3A_264], %broadcast_in_dim3A_263 {strides = array<i32>} : memref<112xi32, #tpu.memory_space<vmem>>, vector<16xi32>,
    %broadcast_in_dim3A_266 = arith.constant 0xFF800000 : f32
    %broadcast_in_dim3A_267 = vector.broadcast %broadcast_in_dim3A_266 : f32 to vector<16xf32>
    %swap3A_268 = arith.constant 96 : index
    %swap3A_269 = tpu.vector_load %arg16[%swap3A_268] {strides = array<i32>} : memref<112xf32, #tpu.memory_space<vmem>>, vector<16xf32>,
    tpu.vector_store %arg16[%swap3A_268], %broadcast_in_dim3A_267 {strides = array<i32>} : memref<112xf32, #tpu.memory_space<vmem>>, vector<16xf32>,
    %broadcast_in_dim3A_270 = arith.constant 0 : i32
    %broadcast_in_dim3A_271 = vector.broadcast %broadcast_in_dim3A_270 : i32 to vector<16xi32>
    %swap3A_272 = arith.constant 96 : index
    %swap3A_273 = tpu.vector_load %arg17[%swap3A_272] {strides = array<i32>} : memref<112xi32, #tpu.memory_space<vmem>>, vector<16xi32>,
    tpu.vector_store %arg17[%swap3A_272], %broadcast_in_dim3A_271 {strides = array<i32>} : memref<112xi32, #tpu.memory_space<vmem>>, vector<16xi32>,
    %scan3A_274 = arith.constant 0 : i32
    %scan3A_275 = arith.constant 0 : i32
    %scan3A_276 = arith.constant 100 : i32
    %scan3A_277 = arith.addi %scan3A_275, %scan3A_276 : i32
    %scan3A_278 = arith.constant 1 : i32
    %scan3A_279 = scf.for %scan3A_723 = %scan3A_275 to %scan3A_277 step %scan3A_278 iter_args(%scan3A_724 = %scan3A_274) -> (i32)  : i32 {
      %get3A_725 = arith.constant 0 : index
      %get3A_726 = tpu.vector_load %arg14[%get3A_725] {strides = array<i32>} : memref<128xf32, #tpu.memory_space<vmem>>, vector<16xf32>,
      %get3A_727 = arith.constant 16 : index
      %get3A_728 = tpu.vector_load %arg14[%get3A_727] {strides = array<i32>} : memref<128xf32, #tpu.memory_space<vmem>>, vector<16xf32>,
      %max3A_729 = arith.maximumf %get3A_726, %get3A_728 : vector<16xf32>
      %get3A_730 = arith.constant 32 : index
      %get3A_731 = tpu.vector_load %arg14[%get3A_730] {strides = array<i32>} : memref<128xf32, #tpu.memory_space<vmem>>, vector<16xf32>,
      %max3A_732 = arith.maximumf %max3A_729, %get3A_731 : vector<16xf32>
      %get3A_733 = arith.constant 48 : index
      %get3A_734 = tpu.vector_load %arg14[%get3A_733] {strides = array<i32>} : memref<128xf32, #tpu.memory_space<vmem>>, vector<16xf32>,
      %max3A_735 = arith.maximumf %max3A_732, %get3A_734 : vector<16xf32>
      %get3A_736 = arith.constant 64 : index
      %get3A_737 = tpu.vector_load %arg14[%get3A_736] {strides = array<i32>} : memref<128xf32, #tpu.memory_space<vmem>>, vector<16xf32>,
      %max3A_738 = arith.maximumf %max3A_735, %get3A_737 : vector<16xf32>
      %get3A_739 = arith.constant 80 : index
      %get3A_740 = tpu.vector_load %arg14[%get3A_739] {strides = array<i32>} : memref<128xf32, #tpu.memory_space<vmem>>, vector<16xf32>,
      %max3A_741 = arith.maximumf %max3A_738, %get3A_740 : vector<16xf32>
      %get3A_742 = arith.constant 96 : index
      %get3A_743 = tpu.vector_load %arg14[%get3A_742] {strides = array<i32>} : memref<128xf32, #tpu.memory_space<vmem>>, vector<16xf32>,
      %max3A_744 = arith.maximumf %max3A_741, %get3A_743 : vector<16xf32>
      %get3A_745 = arith.constant 112 : index
      %get3A_746 = tpu.vector_load %arg14[%get3A_745] {strides = array<i32>} : memref<128xf32, #tpu.memory_space<vmem>>, vector<16xf32>,
      %max3A_747 = arith.maximumf %max3A_744, %get3A_746 : vector<16xf32>
      %broadcast_in_dim3A_748 = arith.constant 1.000000e+00 : f32
      %broadcast_in_dim3A_749 = vector.broadcast %broadcast_in_dim3A_748 : f32 to vector<16xf32>
      %reduce_max3A_750 = arith.constant true
      %reduce_max3A_751 = vector.broadcast %reduce_max3A_750 : i1 to vector<16xi1>
      %reduce_max3A_752 = tpu.scan <max>, %max3A_747 masked %reduce_max3A_751 : vector<16xf32>, vector<16xi1> -> vector<16xf32>
      %reduce_max3A_753 = vector.extract %reduce_max3A_752[15] : f32 from vector<16xf32>
      %mul3A_754 = vector.broadcast %reduce_max3A_753 : f32 to vector<16xf32>
      %mul3A_755 = arith.mulf %broadcast_in_dim3A_749, %mul3A_754 : vector<16xf32>
      %broadcast_in_dim3A_756 = arith.constant 128 : i32
      %broadcast_in_dim3A_757 = vector.broadcast %broadcast_in_dim3A_756 : i32 to vector<16xi32>
      %get3A_758 = arith.constant 0 : index
      %get3A_759 = tpu.vector_load %arg14[%get3A_758] {strides = array<i32>} : memref<128xf32, #tpu.memory_space<vmem>>, vector<16xf32>,
      %eq3A_760 = arith.cmpf oeq, %get3A_759, %mul3A_755 : vector<16xf32>
      %add3A_761 = arith.constant 0 : i32
      %add3A_762 = vector.broadcast %add3A_761 : i32 to vector<16xi32>
      %add3A_763 = arith.addi %add3A_762, %iota3A : vector<16xi32>
      %jit3A_764 = arith.constant 128 : i32
      %broadcast_in_dim3A_765 = vector.broadcast %jit3A_764 : i32 to vector<16xi32>
      %select_n3A_766 = arith.select %eq3A_760, %add3A_763, %broadcast_in_dim3A_765 : vector<16xi1>, vector<16xi32>
      %min3A_767 = arith.minsi %broadcast_in_dim3A_757, %select_n3A_766 : vector<16xi32>
      %get3A_768 = arith.constant 16 : index
      %get3A_769 = tpu.vector_load %arg14[%get3A_768] {strides = array<i32>} : memref<128xf32, #tpu.memory_space<vmem>>, vector<16xf32>,
      %eq3A_770 = arith.cmpf oeq, %get3A_769, %mul3A_755 : vector<16xf32>
      %add3A_771 = arith.constant 16 : i32
      %add3A_772 = vector.broadcast %add3A_771 : i32 to vector<16xi32>
      %add3A_773 = arith.addi %add3A_772, %iota3A : vector<16xi32>
      %jit3A_774 = arith.constant 128 : i32
      %broadcast_in_dim3A_775 = vector.broadcast %jit3A_774 : i32 to vector<16xi32>
      %select_n3A_776 = arith.select %eq3A_770, %add3A_773, %broadcast_in_dim3A_775 : vector<16xi1>, vector<16xi32>
      %min3A_777 = arith.minsi %min3A_767, %select_n3A_776 : vector<16xi32>
      %get3A_778 = arith.constant 32 : index
      %get3A_779 = tpu.vector_load %arg14[%get3A_778] {strides = array<i32>} : memref<128xf32, #tpu.memory_space<vmem>>, vector<16xf32>,
      %eq3A_780 = arith.cmpf oeq, %get3A_779, %mul3A_755 : vector<16xf32>
      %add3A_781 = arith.constant 32 : i32
      %add3A_782 = vector.broadcast %add3A_781 : i32 to vector<16xi32>
      %add3A_783 = arith.addi %add3A_782, %iota3A : vector<16xi32>
      %jit3A_784 = arith.constant 128 : i32
      %broadcast_in_dim3A_785 = vector.broadcast %jit3A_784 : i32 to vector<16xi32>
      %select_n3A_786 = arith.select %eq3A_780, %add3A_783, %broadcast_in_dim3A_785 : vector<16xi1>, vector<16xi32>
      %min3A_787 = arith.minsi %min3A_777, %select_n3A_786 : vector<16xi32>
      %get3A_788 = arith.constant 48 : index
      %get3A_789 = tpu.vector_load %arg14[%get3A_788] {strides = array<i32>} : memref<128xf32, #tpu.memory_space<vmem>>, vector<16xf32>,
      %eq3A_790 = arith.cmpf oeq, %get3A_789, %mul3A_755 : vector<16xf32>
      %add3A_791 = arith.constant 48 : i32
      %add3A_792 = vector.broadcast %add3A_791 : i32 to vector<16xi32>
      %add3A_793 = arith.addi %add3A_792, %iota3A : vector<16xi32>
      %jit3A_794 = arith.constant 128 : i32
      %broadcast_in_dim3A_795 = vector.broadcast %jit3A_794 : i32 to vector<16xi32>
      %select_n3A_796 = arith.select %eq3A_790, %add3A_793, %broadcast_in_dim3A_795 : vector<16xi1>, vector<16xi32>
      %min3A_797 = arith.minsi %min3A_787, %select_n3A_796 : vector<16xi32>
      %get3A_798 = arith.constant 64 : index
      %get3A_799 = tpu.vector_load %arg14[%get3A_798] {strides = array<i32>} : memref<128xf32, #tpu.memory_space<vmem>>, vector<16xf32>,
      %eq3A_800 = arith.cmpf oeq, %get3A_799, %mul3A_755 : vector<16xf32>
      %add3A_801 = arith.constant 64 : i32
      %add3A_802 = vector.broadcast %add3A_801 : i32 to vector<16xi32>
      %add3A_803 = arith.addi %add3A_802, %iota3A : vector<16xi32>
      %jit3A_804 = arith.constant 128 : i32
      %broadcast_in_dim3A_805 = vector.broadcast %jit3A_804 : i32 to vector<16xi32>
      %select_n3A_806 = arith.select %eq3A_800, %add3A_803, %broadcast_in_dim3A_805 : vector<16xi1>, vector<16xi32>
      %min3A_807 = arith.minsi %min3A_797, %select_n3A_806 : vector<16xi32>
      %get3A_808 = arith.constant 80 : index
      %get3A_809 = tpu.vector_load %arg14[%get3A_808] {strides = array<i32>} : memref<128xf32, #tpu.memory_space<vmem>>, vector<16xf32>,
      %eq3A_810 = arith.cmpf oeq, %get3A_809, %mul3A_755 : vector<16xf32>
      %add3A_811 = arith.constant 80 : i32
      %add3A_812 = vector.broadcast %add3A_811 : i32 to vector<16xi32>
      %add3A_813 = arith.addi %add3A_812, %iota3A : vector<16xi32>
      %jit3A_814 = arith.constant 128 : i32
      %broadcast_in_dim3A_815 = vector.broadcast %jit3A_814 : i32 to vector<16xi32>
      %select_n3A_816 = arith.select %eq3A_810, %add3A_813, %broadcast_in_dim3A_815 : vector<16xi1>, vector<16xi32>
      %min3A_817 = arith.minsi %min3A_807, %select_n3A_816 : vector<16xi32>
      %get3A_818 = arith.constant 96 : index
      %get3A_819 = tpu.vector_load %arg14[%get3A_818] {strides = array<i32>} : memref<128xf32, #tpu.memory_space<vmem>>, vector<16xf32>,
      %eq3A_820 = arith.cmpf oeq, %get3A_819, %mul3A_755 : vector<16xf32>
      %add3A_821 = arith.constant 96 : i32
      %add3A_822 = vector.broadcast %add3A_821 : i32 to vector<16xi32>
      %add3A_823 = arith.addi %add3A_822, %iota3A : vector<16xi32>
      %jit3A_824 = arith.constant 128 : i32
      %broadcast_in_dim3A_825 = vector.broadcast %jit3A_824 : i32 to vector<16xi32>
      %select_n3A_826 = arith.select %eq3A_820, %add3A_823, %broadcast_in_dim3A_825 : vector<16xi1>, vector<16xi32>
      %min3A_827 = arith.minsi %min3A_817, %select_n3A_826 : vector<16xi32>
      %get3A_828 = arith.constant 112 : index
      %get3A_829 = tpu.vector_load %arg14[%get3A_828] {strides = array<i32>} : memref<128xf32, #tpu.memory_space<vmem>>, vector<16xf32>,
      %eq3A_830 = arith.cmpf oeq, %get3A_829, %mul3A_755 : vector<16xf32>
      %add3A_831 = arith.constant 112 : i32
      %add3A_832 = vector.broadcast %add3A_831 : i32 to vector<16xi32>
      %add3A_833 = arith.addi %add3A_832, %iota3A : vector<16xi32>
      %jit3A_834 = arith.constant 128 : i32
      %broadcast_in_dim3A_835 = vector.broadcast %jit3A_834 : i32 to vector<16xi32>
      %select_n3A_836 = arith.select %eq3A_830, %add3A_833, %broadcast_in_dim3A_835 : vector<16xi1>, vector<16xi32>
      %min3A_837 = arith.minsi %min3A_827, %select_n3A_836 : vector<16xi32>
      %broadcast_in_dim3A_838 = arith.constant 1 : i32
      %broadcast_in_dim3A_839 = vector.broadcast %broadcast_in_dim3A_838 : i32 to vector<16xi32>
      %reduce_min3A_840 = arith.constant true
      %reduce_min3A_841 = vector.broadcast %reduce_min3A_840 : i1 to vector<16xi1>
      %reduce_min3A_842 = arith.constant -2147483648 : i32
      %reduce_min3A_843 = vector.broadcast %reduce_min3A_842 : i32 to vector<16xi32>
      %reduce_min3A_844 = arith.xori %min3A_837, %reduce_min3A_843 : vector<16xi32>
      %reduce_min3A_845 = tpu.scan <min>, %reduce_min3A_844 masked %reduce_min3A_841 : vector<16xi32>, vector<16xi1> -> vector<16xi32>
      %reduce_min3A_846 = arith.xori %reduce_min3A_845, %reduce_min3A_843 : vector<16xi32>
      %reduce_min3A_847 = vector.extract %reduce_min3A_846[15] : i32 from vector<16xi32>
      %mul3A_848 = vector.broadcast %reduce_min3A_847 : i32 to vector<16xi32>
      %mul3A_849 = arith.muli %broadcast_in_dim3A_839, %mul3A_848 : vector<16xi32>
      %broadcast_in_dim3A_850 = arith.constant 127 : i32
      %broadcast_in_dim3A_851 = vector.broadcast %broadcast_in_dim3A_850 : i32 to vector<16xi32>
      %min3A_852 = arith.minsi %mul3A_849, %broadcast_in_dim3A_851 : vector<16xi32>
      %gather3A_853 = tpu.vector_load_idx %arg15[%min3A_852] : memref<128xi32, #tpu.memory_space<vmem>>[vector<16xi32>], vector<16xi32>,
      %broadcast_in_dim3A_854 = arith.constant 1 : i32
      %broadcast_in_dim3A_855 = vector.broadcast %broadcast_in_dim3A_854 : i32 to vector<16xi32>
      %mul3A_856 = vector.broadcast %scan3A_723 : i32 to vector<16xi32>
      %mul3A_857 = arith.muli %broadcast_in_dim3A_855, %mul3A_856 : vector<16xi32>
      %eq3A_858 = arith.constant 0 : i32
      %eq3A_859 = vector.broadcast %eq3A_858 : i32 to vector<16xi32>
      %eq3A_860 = arith.cmpi eq, %iota3A, %eq3A_859 : vector<16xi32>
      tpu.vector_store_idx %arg16[%mul3A_857], %mul3A_755 masked %eq3A_860 : memref<112xf32, #tpu.memory_space<vmem>>[vector<16xi32>], vector<16xf32>, vector<16xi1>
      tpu.vector_store_idx %arg17[%mul3A_857], %gather3A_853 masked %eq3A_860 : memref<112xi32, #tpu.memory_space<vmem>>[vector<16xi32>], vector<16xi32>, vector<16xi1>
      %broadcast_in_dim3A_861 = arith.constant 0xFF800000 : f32
      %broadcast_in_dim3A_862 = vector.broadcast %broadcast_in_dim3A_861 : f32 to vector<16xf32>
      tpu.vector_store_idx %arg14[%min3A_852], %broadcast_in_dim3A_862 masked %eq3A_860 : memref<128xf32, #tpu.memory_space<vmem>>[vector<16xi32>], vector<16xf32>, vector<16xi1>
      %scan3A_863 = arith.constant 0 : i32
      scf.yield %scan3A_863 : i32
    }
    %scan3A_280 = arith.constant 100 : i32
    %mul3A_281 = arith.constant 112 : i32
    %mul3A_282 = arith.muli %add3A_107, %mul3A_281 : i32
    "tpu.region"() ({
      %run_scoped3A = tpu.sem_alloc : memref<!tpu.dma_semaphore, #tpu.memory_space<semaphore_mem>>
      %dma_start3A_723 = tpu.memref_slice %arg4[%mul3A_282] : memref<7168xf32, #tpu.memory_space<hbm>> -> memref<112xf32, #tpu.memory_space<hbm>>
      %dma_start3A_724 = tpu.memref_slice %arg4[%mul3A_282] : memref<7168xf32, #tpu.memory_space<hbm>> -> memref<112xf32, #tpu.memory_space<hbm>>
      tpu.enqueue_dma source(%dma_start3A_724 : memref<112xf32, #tpu.memory_space<hbm>>) target(%arg18 : memref<112xf32, #tpu.memory_space<vmem>>) target_semaphore(%run_scoped3A : memref<!tpu.dma_semaphore, #tpu.memory_space<semaphore_mem>>)
      %dma_wait3A = tpu.memref_slice %arg4[%mul3A_282] : memref<7168xf32, #tpu.memory_space<hbm>> -> memref<112xf32, #tpu.memory_space<hbm>>
      %dma_wait3A_725 = tpu.memref_slice %arg4[%mul3A_282] : memref<7168xf32, #tpu.memory_space<hbm>> -> memref<112xf32, #tpu.memory_space<hbm>>
      tpu.wait_dma2 semaphore(%run_scoped3A : memref<!tpu.dma_semaphore, #tpu.memory_space<semaphore_mem>>) src(%dma_wait3A_725 : memref<112xf32, #tpu.memory_space<hbm>>) dst(%arg18 : memref<112xf32, #tpu.memory_space<vmem>>)
      tpu.yield
    }) : () -> ()
    %broadcast_in_dim3A_283 = arith.constant 0xFF800000 : f32
    %broadcast_in_dim3A_284 = vector.broadcast %broadcast_in_dim3A_283 : f32 to vector<16xf32>
    %get3A_285 = arith.constant 0 : index
    %get3A_286 = tpu.vector_load %arg16[%get3A_285] {strides = array<i32>} : memref<112xf32, #tpu.memory_space<vmem>>, vector<16xf32>,
    %get3A_287 = arith.constant 0 : index
    %get3A_288 = tpu.vector_load %arg18[%get3A_287] {strides = array<i32>} : memref<112xf32, #tpu.memory_space<vmem>>, vector<16xf32>,
    %add3A_289 = arith.addf %get3A_286, %get3A_288 : vector<16xf32>
    %max3A = arith.maximumf %broadcast_in_dim3A_284, %add3A_289 : vector<16xf32>
    %get3A_290 = arith.constant 16 : index
    %get3A_291 = tpu.vector_load %arg16[%get3A_290] {strides = array<i32>} : memref<112xf32, #tpu.memory_space<vmem>>, vector<16xf32>,
    %get3A_292 = arith.constant 16 : index
    %get3A_293 = tpu.vector_load %arg18[%get3A_292] {strides = array<i32>} : memref<112xf32, #tpu.memory_space<vmem>>, vector<16xf32>,
    %add3A_294 = arith.addf %get3A_291, %get3A_293 : vector<16xf32>
    %max3A_295 = arith.maximumf %max3A, %add3A_294 : vector<16xf32>
    %get3A_296 = arith.constant 32 : index
    %get3A_297 = tpu.vector_load %arg16[%get3A_296] {strides = array<i32>} : memref<112xf32, #tpu.memory_space<vmem>>, vector<16xf32>,
    %get3A_298 = arith.constant 32 : index
    %get3A_299 = tpu.vector_load %arg18[%get3A_298] {strides = array<i32>} : memref<112xf32, #tpu.memory_space<vmem>>, vector<16xf32>,
    %add3A_300 = arith.addf %get3A_297, %get3A_299 : vector<16xf32>
    %max3A_301 = arith.maximumf %max3A_295, %add3A_300 : vector<16xf32>
    %get3A_302 = arith.constant 48 : index
    %get3A_303 = tpu.vector_load %arg16[%get3A_302] {strides = array<i32>} : memref<112xf32, #tpu.memory_space<vmem>>, vector<16xf32>,
    %get3A_304 = arith.constant 48 : index
    %get3A_305 = tpu.vector_load %arg18[%get3A_304] {strides = array<i32>} : memref<112xf32, #tpu.memory_space<vmem>>, vector<16xf32>,
    %add3A_306 = arith.addf %get3A_303, %get3A_305 : vector<16xf32>
    %max3A_307 = arith.maximumf %max3A_301, %add3A_306 : vector<16xf32>
    %get3A_308 = arith.constant 64 : index
    %get3A_309 = tpu.vector_load %arg16[%get3A_308] {strides = array<i32>} : memref<112xf32, #tpu.memory_space<vmem>>, vector<16xf32>,
    %get3A_310 = arith.constant 64 : index
    %get3A_311 = tpu.vector_load %arg18[%get3A_310] {strides = array<i32>} : memref<112xf32, #tpu.memory_space<vmem>>, vector<16xf32>,
    %add3A_312 = arith.addf %get3A_309, %get3A_311 : vector<16xf32>
    %max3A_313 = arith.maximumf %max3A_307, %add3A_312 : vector<16xf32>
    %get3A_314 = arith.constant 80 : index
    %get3A_315 = tpu.vector_load %arg16[%get3A_314] {strides = array<i32>} : memref<112xf32, #tpu.memory_space<vmem>>, vector<16xf32>,
    %get3A_316 = arith.constant 80 : index
    %get3A_317 = tpu.vector_load %arg18[%get3A_316] {strides = array<i32>} : memref<112xf32, #tpu.memory_space<vmem>>, vector<16xf32>,
    %add3A_318 = arith.addf %get3A_315, %get3A_317 : vector<16xf32>
    %max3A_319 = arith.maximumf %max3A_313, %add3A_318 : vector<16xf32>
    %get3A_320 = arith.constant 96 : index
    %get3A_321 = tpu.vector_load %arg16[%get3A_320] {strides = array<i32>} : memref<112xf32, #tpu.memory_space<vmem>>, vector<16xf32>,
    %get3A_322 = arith.constant 96 : index
    %get3A_323 = tpu.vector_load %arg18[%get3A_322] {strides = array<i32>} : memref<112xf32, #tpu.memory_space<vmem>>, vector<16xf32>,
    %add3A_324 = arith.addf %get3A_321, %get3A_323 : vector<16xf32>
    %max3A_325 = arith.maximumf %max3A_319, %add3A_324 : vector<16xf32>
    %broadcast_in_dim3A_326 = arith.constant 1.000000e+00 : f32
    %broadcast_in_dim3A_327 = vector.broadcast %broadcast_in_dim3A_326 : f32 to vector<16xf32>
    %reduce_max3A_328 = arith.constant true
    %reduce_max3A_329 = vector.broadcast %reduce_max3A_328 : i1 to vector<16xi1>
    %reduce_max3A_330 = tpu.scan <max>, %max3A_325 masked %reduce_max3A_329 : vector<16xf32>, vector<16xi1> -> vector<16xf32>
    %reduce_max3A_331 = vector.extract %reduce_max3A_330[15] : f32 from vector<16xf32>
    %mul3A_332 = vector.broadcast %reduce_max3A_331 : f32 to vector<16xf32>
    %mul3A_333 = arith.mulf %broadcast_in_dim3A_327, %mul3A_332 : vector<16xf32>
    %broadcast_in_dim3A_334 = arith.constant 112 : i32
    %broadcast_in_dim3A_335 = vector.broadcast %broadcast_in_dim3A_334 : i32 to vector<16xi32>
    %eq3A_336 = arith.cmpf oeq, %add3A_289, %mul3A_333 : vector<16xf32>
    %add3A_337 = arith.constant 0 : i32
    %add3A_338 = vector.broadcast %add3A_337 : i32 to vector<16xi32>
    %add3A_339 = arith.addi %add3A_338, %iota3A : vector<16xi32>
    %jit3A_340 = arith.constant 112 : i32
    %broadcast_in_dim3A_341 = vector.broadcast %jit3A_340 : i32 to vector<16xi32>
    %select_n3A_342 = arith.select %eq3A_336, %add3A_339, %broadcast_in_dim3A_341 : vector<16xi1>, vector<16xi32>
    %min3A = arith.minsi %broadcast_in_dim3A_335, %select_n3A_342 : vector<16xi32>
    %eq3A_343 = arith.cmpf oeq, %add3A_294, %mul3A_333 : vector<16xf32>
    %add3A_344 = arith.constant 16 : i32
    %add3A_345 = vector.broadcast %add3A_344 : i32 to vector<16xi32>
    %add3A_346 = arith.addi %add3A_345, %iota3A : vector<16xi32>
    %jit3A_347 = arith.constant 112 : i32
    %broadcast_in_dim3A_348 = vector.broadcast %jit3A_347 : i32 to vector<16xi32>
    %select_n3A_349 = arith.select %eq3A_343, %add3A_346, %broadcast_in_dim3A_348 : vector<16xi1>, vector<16xi32>
    %min3A_350 = arith.minsi %min3A, %select_n3A_349 : vector<16xi32>
    %eq3A_351 = arith.cmpf oeq, %add3A_300, %mul3A_333 : vector<16xf32>
    %add3A_352 = arith.constant 32 : i32
    %add3A_353 = vector.broadcast %add3A_352 : i32 to vector<16xi32>
    %add3A_354 = arith.addi %add3A_353, %iota3A : vector<16xi32>
    %jit3A_355 = arith.constant 112 : i32
    %broadcast_in_dim3A_356 = vector.broadcast %jit3A_355 : i32 to vector<16xi32>
    %select_n3A_357 = arith.select %eq3A_351, %add3A_354, %broadcast_in_dim3A_356 : vector<16xi1>, vector<16xi32>
    %min3A_358 = arith.minsi %min3A_350, %select_n3A_357 : vector<16xi32>
    %eq3A_359 = arith.cmpf oeq, %add3A_306, %mul3A_333 : vector<16xf32>
    %add3A_360 = arith.constant 48 : i32
    %add3A_361 = vector.broadcast %add3A_360 : i32 to vector<16xi32>
    %add3A_362 = arith.addi %add3A_361, %iota3A : vector<16xi32>
    %jit3A_363 = arith.constant 112 : i32
    %broadcast_in_dim3A_364 = vector.broadcast %jit3A_363 : i32 to vector<16xi32>
    %select_n3A_365 = arith.select %eq3A_359, %add3A_362, %broadcast_in_dim3A_364 : vector<16xi1>, vector<16xi32>
    %min3A_366 = arith.minsi %min3A_358, %select_n3A_365 : vector<16xi32>
    %eq3A_367 = arith.cmpf oeq, %add3A_312, %mul3A_333 : vector<16xf32>
    %add3A_368 = arith.constant 64 : i32
    %add3A_369 = vector.broadcast %add3A_368 : i32 to vector<16xi32>
    %add3A_370 = arith.addi %add3A_369, %iota3A : vector<16xi32>
    %jit3A_371 = arith.constant 112 : i32
    %broadcast_in_dim3A_372 = vector.broadcast %jit3A_371 : i32 to vector<16xi32>
    %select_n3A_373 = arith.select %eq3A_367, %add3A_370, %broadcast_in_dim3A_372 : vector<16xi1>, vector<16xi32>
    %min3A_374 = arith.minsi %min3A_366, %select_n3A_373 : vector<16xi32>
    %eq3A_375 = arith.cmpf oeq, %add3A_318, %mul3A_333 : vector<16xf32>
    %add3A_376 = arith.constant 80 : i32
    %add3A_377 = vector.broadcast %add3A_376 : i32 to vector<16xi32>
    %add3A_378 = arith.addi %add3A_377, %iota3A : vector<16xi32>
    %jit3A_379 = arith.constant 112 : i32
    %broadcast_in_dim3A_380 = vector.broadcast %jit3A_379 : i32 to vector<16xi32>
    %select_n3A_381 = arith.select %eq3A_375, %add3A_378, %broadcast_in_dim3A_380 : vector<16xi1>, vector<16xi32>
    %min3A_382 = arith.minsi %min3A_374, %select_n3A_381 : vector<16xi32>
    %eq3A_383 = arith.cmpf oeq, %add3A_324, %mul3A_333 : vector<16xf32>
    %add3A_384 = arith.constant 96 : i32
    %add3A_385 = vector.broadcast %add3A_384 : i32 to vector<16xi32>
    %add3A_386 = arith.addi %add3A_385, %iota3A : vector<16xi32>
    %jit3A_387 = arith.constant 112 : i32
    %broadcast_in_dim3A_388 = vector.broadcast %jit3A_387 : i32 to vector<16xi32>
    %select_n3A_389 = arith.select %eq3A_383, %add3A_386, %broadcast_in_dim3A_388 : vector<16xi1>, vector<16xi32>
    %min3A_390 = arith.minsi %min3A_382, %select_n3A_389 : vector<16xi32>
    %broadcast_in_dim3A_391 = arith.constant 1 : i32
    %broadcast_in_dim3A_392 = vector.broadcast %broadcast_in_dim3A_391 : i32 to vector<16xi32>
    %reduce_min3A = arith.constant true
    %reduce_min3A_393 = vector.broadcast %reduce_min3A : i1 to vector<16xi1>
    %reduce_min3A_394 = arith.constant -2147483648 : i32
    %reduce_min3A_395 = vector.broadcast %reduce_min3A_394 : i32 to vector<16xi32>
    %reduce_min3A_396 = arith.xori %min3A_390, %reduce_min3A_395 : vector<16xi32>
    %reduce_min3A_397 = tpu.scan <min>, %reduce_min3A_396 masked %reduce_min3A_393 : vector<16xi32>, vector<16xi1> -> vector<16xi32>
    %reduce_min3A_398 = arith.xori %reduce_min3A_397, %reduce_min3A_395 : vector<16xi32>
    %reduce_min3A_399 = vector.extract %reduce_min3A_398[15] : i32 from vector<16xi32>
    %mul3A_400 = vector.broadcast %reduce_min3A_399 : i32 to vector<16xi32>
    %mul3A_401 = arith.muli %broadcast_in_dim3A_392, %mul3A_400 : vector<16xi32>
    %broadcast_in_dim3A_402 = arith.constant 111 : i32
    %broadcast_in_dim3A_403 = vector.broadcast %broadcast_in_dim3A_402 : i32 to vector<16xi32>
    %min3A_404 = arith.minsi %mul3A_401, %broadcast_in_dim3A_403 : vector<16xi32>
    %gather3A = tpu.vector_load_idx %arg17[%min3A_404] : memref<112xi32, #tpu.memory_space<vmem>>[vector<16xi32>], vector<16xi32>,
    %swap3A_405 = arith.constant 0 : index
    %swap3A_406 = tpu.vector_load %arg19[%swap3A_405] {strides = array<i32>} : memref<16xi32, #tpu.memory_space<vmem>>, vector<16xi32>,
    tpu.vector_store %arg19[%swap3A_405], %gather3A {strides = array<i32>} : memref<16xi32, #tpu.memory_space<vmem>>, vector<16xi32>,
    %mul3A_407 = arith.constant 112 : i32
    %mul3A_408 = arith.muli %add3A_107, %mul3A_407 : i32
    "tpu.region"() ({
      %run_scoped3A = tpu.sem_alloc : memref<!tpu.dma_semaphore, #tpu.memory_space<semaphore_mem>>
      %dma_start3A_723 = tpu.memref_slice %arg5[%mul3A_408] : memref<7168xf32, #tpu.memory_space<hbm>> -> memref<112xf32, #tpu.memory_space<hbm>>
      %dma_start3A_724 = tpu.memref_slice %arg5[%mul3A_408] : memref<7168xf32, #tpu.memory_space<hbm>> -> memref<112xf32, #tpu.memory_space<hbm>>
      tpu.enqueue_dma source(%arg16 : memref<112xf32, #tpu.memory_space<vmem>>) target(%dma_start3A_724 : memref<112xf32, #tpu.memory_space<hbm>>) target_semaphore(%run_scoped3A : memref<!tpu.dma_semaphore, #tpu.memory_space<semaphore_mem>>)
      %dma_wait3A = tpu.memref_slice %arg5[%mul3A_408] : memref<7168xf32, #tpu.memory_space<hbm>> -> memref<112xf32, #tpu.memory_space<hbm>>
      %dma_wait3A_725 = tpu.memref_slice %arg5[%mul3A_408] : memref<7168xf32, #tpu.memory_space<hbm>> -> memref<112xf32, #tpu.memory_space<hbm>>
      tpu.wait_dma2 semaphore(%run_scoped3A : memref<!tpu.dma_semaphore, #tpu.memory_space<semaphore_mem>>) src(%arg16 : memref<112xf32, #tpu.memory_space<vmem>>) dst(%dma_wait3A_725 : memref<112xf32, #tpu.memory_space<hbm>>)
      tpu.yield
    }) : () -> ()
    %mul3A_409 = arith.constant 16 : i32
    %mul3A_410 = arith.muli %add3A_107, %mul3A_409 : i32
    "tpu.region"() ({
      %run_scoped3A = tpu.sem_alloc : memref<!tpu.dma_semaphore, #tpu.memory_space<semaphore_mem>>
      %dma_start3A_723 = tpu.memref_slice %arg6[%mul3A_410] : memref<1024xi32, #tpu.memory_space<hbm>> -> memref<16xi32, #tpu.memory_space<hbm>>
      %dma_start3A_724 = tpu.memref_slice %arg6[%mul3A_410] : memref<1024xi32, #tpu.memory_space<hbm>> -> memref<16xi32, #tpu.memory_space<hbm>>
      tpu.enqueue_dma source(%arg19 : memref<16xi32, #tpu.memory_space<vmem>>) target(%dma_start3A_724 : memref<16xi32, #tpu.memory_space<hbm>>) target_semaphore(%run_scoped3A : memref<!tpu.dma_semaphore, #tpu.memory_space<semaphore_mem>>)
      %dma_wait3A = tpu.memref_slice %arg6[%mul3A_410] : memref<1024xi32, #tpu.memory_space<hbm>> -> memref<16xi32, #tpu.memory_space<hbm>>
      %dma_wait3A_725 = tpu.memref_slice %arg6[%mul3A_410] : memref<1024xi32, #tpu.memory_space<hbm>> -> memref<16xi32, #tpu.memory_space<hbm>>
      tpu.wait_dma2 semaphore(%run_scoped3A : memref<!tpu.dma_semaphore, #tpu.memory_space<semaphore_mem>>) src(%arg19 : memref<16xi32, #tpu.memory_space<vmem>>) dst(%dma_wait3A_725 : memref<16xi32, #tpu.memory_space<hbm>>)
      tpu.yield
    }) : () -> ()
    %add3A_411 = arith.constant 1 : i32
    %add3A_412 = arith.addi %mul3A_2, %add3A_411 : i32
    %reduce_max3A_413 = arith.constant true
    %reduce_max3A_414 = vector.broadcast %reduce_max3A_413 : i1 to vector<16xi1>
    %reduce_max3A_415 = arith.constant -2147483648 : i32
    %reduce_max3A_416 = vector.broadcast %reduce_max3A_415 : i32 to vector<16xi32>
    %reduce_max3A_417 = arith.xori %cond3A_105#0, %reduce_max3A_416 : vector<16xi32>
    %reduce_max3A_418 = tpu.scan <max>, %reduce_max3A_417 masked %reduce_max3A_414 : vector<16xi32>, vector<16xi1> -> vector<16xi32>
    %reduce_max3A_419 = arith.xori %reduce_max3A_418, %reduce_max3A_416 : vector<16xi32>
    %reduce_max3A_420 = vector.extract %reduce_max3A_419[15] : i32 from vector<16xi32>
    %add3A_421 = arith.constant 15 : i32
    %add3A_422 = arith.addi %reduce_max3A_420, %add3A_421 : i32
    %shift_right_arithmetic3A_423 = arith.constant 4 : i32
    %shift_right_arithmetic3A_424 = arith.shrsi %add3A_422, %shift_right_arithmetic3A_423 : i32
    %reduce_max3A_425 = arith.constant true
    %reduce_max3A_426 = vector.broadcast %reduce_max3A_425 : i1 to vector<16xi1>
    %reduce_max3A_427 = arith.constant -2147483648 : i32
    %reduce_max3A_428 = vector.broadcast %reduce_max3A_427 : i32 to vector<16xi32>
    %reduce_max3A_429 = arith.xori %cond3A_105#0, %reduce_max3A_428 : vector<16xi32>
    %reduce_max3A_430 = tpu.scan <max>, %reduce_max3A_429 masked %reduce_max3A_426 : vector<16xi32>, vector<16xi1> -> vector<16xi32>
    %reduce_max3A_431 = arith.xori %reduce_max3A_430, %reduce_max3A_428 : vector<16xi32>
    %reduce_max3A_432 = vector.extract %reduce_max3A_431[15] : i32 from vector<16xi32>
    %while3A_433 = arith.constant 0 : i32
    %while3A_434 = arith.constant -1 : i32
    %while3A_435:3 = scf.while (%while3A_723 = %while3A_433, %while3A_724 = %while3A_434, %while3A_725 = %reduce_max3A_432) : (i32, i32, i32) -> (i32, i32, i32) {
      %sub3A = arith.subi %while3A_724, %while3A_723 : i32
      %gt3A_726 = arith.constant 1 : i32
      %gt3A_727 = arith.cmpi ugt, %sub3A, %gt3A_726 : i32
      %lt3A_728 = arith.constant 100 : i32
      %lt3A_729 = arith.cmpi slt, %while3A_725, %lt3A_728 : i32
      %gt3A_730 = arith.constant 120 : i32
      %gt3A_731 = arith.cmpi sgt, %while3A_725, %gt3A_730 : i32
      %or3A_732 = arith.ori %lt3A_729, %gt3A_731 : i1
      %and3A_733 = arith.andi %gt3A_727, %or3A_732 : i1
      scf.condition(%and3A_733) %while3A_723, %while3A_724, %while3A_725 : i32, i32, i32
    } do {
    ^bb0(%while3A_723: i32, %while3A_724: i32, %while3A_725: i32):
      %sub3A = arith.subi %while3A_724, %while3A_723 : i32
      %shift_right_logical3A = arith.constant 1 : i32
      %shift_right_logical3A_726 = arith.shrui %sub3A, %shift_right_logical3A : i32
      %add3A_727 = arith.addi %while3A_723, %shift_right_logical3A_726 : i32
      %broadcast_in_dim3A_728 = vector.broadcast %add3A_727 : i32 to vector<16xi32>
      %broadcast_in_dim3A_729 = arith.constant 0 : i32
      %broadcast_in_dim3A_730 = vector.broadcast %broadcast_in_dim3A_729 : i32 to vector<16xi32>
      %while3A_731 = arith.constant 0 : i32
      %while3A_732 = arith.subi %shift_right_arithmetic3A_424, %while3A_731 : i32
      %while3A_733 = arith.addi %while3A_731, %while3A_732 : i32
      %while3A_734 = arith.constant 1 : i32
      %while3A_735 = arith.divsi %while3A_732, %while3A_734 : i32
      %while3A_736 = arith.muli %while3A_735, %while3A_734 : i32
      %while3A_737 = arith.addi %while3A_731, %while3A_736 : i32
      %while3A_738 = arith.constant 1 : i32
      %while3A_739 = scf.for %while3A_755 = %while3A_731 to %while3A_737 step %while3A_738 iter_args(%while3A_756 = %broadcast_in_dim3A_730) -> (vector<16xi32>)  : i32 {
        %mul3A_757 = arith.constant 16 : i32
        %mul3A_758 = arith.muli %while3A_755, %mul3A_757 : i32
        %get3A_759 = arith.index_cast %mul3A_758 : i32 to index
        %get3A_760 = tpu.vector_load %arg12[%get3A_759] {strides = array<i32>} : memref<4112xf32, #tpu.memory_space<vmem>>, vector<16xf32>,
        %bitcast3A = vector.bitcast %get3A_760 : vector<16xf32> to vector<16xi32>
        %ge3A_761 = arith.constant -2147483648 : i32
        %ge3A_762 = vector.broadcast %ge3A_761 : i32 to vector<16xi32>
        %ge3A_763 = arith.cmpi uge, %bitcast3A, %ge3A_762 : vector<16xi32>
        %jit3A_764 = arith.constant -1 : i32
        %jit3A_765 = arith.constant -2147483648 : i32
        %broadcast_in_dim3A_766 = vector.broadcast %jit3A_764 : i32 to vector<16xi32>
        %broadcast_in_dim3A_767 = vector.broadcast %jit3A_765 : i32 to vector<16xi32>
        %select_n3A_768 = arith.select %ge3A_763, %broadcast_in_dim3A_766, %broadcast_in_dim3A_767 : vector<16xi1>, vector<16xi32>
        %xor3A = arith.xori %bitcast3A, %select_n3A_768 : vector<16xi32>
        %mul3A_769 = arith.constant 16 : i32
        %mul3A_770 = arith.muli %while3A_755, %mul3A_769 : i32
        %add3A_771 = vector.broadcast %mul3A_770 : i32 to vector<16xi32>
        %add3A_772 = arith.addi %add3A_771, %iota3A : vector<16xi32>
        %lt3A_773 = arith.cmpi slt, %add3A_772, %cond3A_105#0 : vector<16xi32>
        %gt3A_774 = arith.cmpi ugt, %xor3A, %broadcast_in_dim3A_728 : vector<16xi32>
        %and3A_775 = arith.andi %gt3A_774, %lt3A_773 : vector<16xi1>
        %all_reduce_population_count3A = tpu.all_reduce %and3A_775 {dim = 0 : i64, kind = #tpu.reduction_kind<sum>} : vector<16xi1> -> vector<16xi32>
        %add3A_776 = arith.addi %while3A_756, %all_reduce_population_count3A : vector<16xi32>
        scf.yield %add3A_776 : vector<16xi32>
      }
      %while3A_740 = arith.constant 1 : i32
      %while3A_741 = scf.for %while3A_755 = %while3A_737 to %while3A_733 step %while3A_740 iter_args(%while3A_756 = %while3A_739) -> (vector<16xi32>)  : i32 {
        %mul3A_757 = arith.constant 16 : i32
        %mul3A_758 = arith.muli %while3A_755, %mul3A_757 : i32
        %get3A_759 = arith.index_cast %mul3A_758 : i32 to index
        %get3A_760 = tpu.vector_load %arg12[%get3A_759] {strides = array<i32>} : memref<4112xf32, #tpu.memory_space<vmem>>, vector<16xf32>,
        %bitcast3A = vector.bitcast %get3A_760 : vector<16xf32> to vector<16xi32>
        %ge3A_761 = arith.constant -2147483648 : i32
        %ge3A_762 = vector.broadcast %ge3A_761 : i32 to vector<16xi32>
        %ge3A_763 = arith.cmpi uge, %bitcast3A, %ge3A_762 : vector<16xi32>
        %jit3A_764 = arith.constant -1 : i32
        %jit3A_765 = arith.constant -2147483648 : i32
        %broadcast_in_dim3A_766 = vector.broadcast %jit3A_764 : i32 to vector<16xi32>
        %broadcast_in_dim3A_767 = vector.broadcast %jit3A_765 : i32 to vector<16xi32>
        %select_n3A_768 = arith.select %ge3A_763, %broadcast_in_dim3A_766, %broadcast_in_dim3A_767 : vector<16xi1>, vector<16xi32>
        %xor3A = arith.xori %bitcast3A, %select_n3A_768 : vector<16xi32>
        %mul3A_769 = arith.constant 16 : i32
        %mul3A_770 = arith.muli %while3A_755, %mul3A_769 : i32
        %add3A_771 = vector.broadcast %mul3A_770 : i32 to vector<16xi32>
        %add3A_772 = arith.addi %add3A_771, %iota3A : vector<16xi32>
        %lt3A_773 = arith.cmpi slt, %add3A_772, %cond3A_105#0 : vector<16xi32>
        %gt3A_774 = arith.cmpi ugt, %xor3A, %broadcast_in_dim3A_728 : vector<16xi32>
        %and3A_775 = arith.andi %gt3A_774, %lt3A_773 : vector<16xi1>
        %all_reduce_population_count3A = tpu.all_reduce %and3A_775 {dim = 0 : i64, kind = #tpu.reduction_kind<sum>} : vector<16xi1> -> vector<16xi32>
        %add3A_776 = arith.addi %while3A_756, %all_reduce_population_count3A : vector<16xi32>
        scf.yield %add3A_776 : vector<16xi32>
      }
      %reduce_max3A_742 = arith.constant true
      %reduce_max3A_743 = vector.broadcast %reduce_max3A_742 : i1 to vector<16xi1>
      %reduce_max3A_744 = arith.constant -2147483648 : i32
      %reduce_max3A_745 = vector.broadcast %reduce_max3A_744 : i32 to vector<16xi32>
      %reduce_max3A_746 = arith.xori %while3A_741, %reduce_max3A_745 : vector<16xi32>
      %reduce_max3A_747 = tpu.scan <max>, %reduce_max3A_746 masked %reduce_max3A_743 : vector<16xi32>, vector<16xi1> -> vector<16xi32>
      %reduce_max3A_748 = arith.xori %reduce_max3A_747, %reduce_max3A_745 : vector<16xi32>
      %reduce_max3A_749 = vector.extract %reduce_max3A_748[15] : i32 from vector<16xi32>
      %ge3A_750 = arith.constant 100 : i32
      %ge3A_751 = arith.cmpi sge, %reduce_max3A_749, %ge3A_750 : i32
      %select_n3A_752 = arith.select %ge3A_751, %add3A_727, %while3A_723 : i32
      %select_n3A_753 = arith.select %ge3A_751, %while3A_724, %add3A_727 : i32
      %select_n3A_754 = arith.select %ge3A_751, %reduce_max3A_749, %while3A_725 : i32
      scf.yield %select_n3A_752, %select_n3A_753, %select_n3A_754 : i32, i32, i32
    }
    %broadcast_in_dim3A_436 = vector.broadcast %while3A_435#0 : i32 to vector<16xi32>
    %broadcast_in_dim3A_437 = arith.constant 0xFF800000 : f32
    %broadcast_in_dim3A_438 = vector.broadcast %broadcast_in_dim3A_437 : f32 to vector<16xf32>
    %swap3A_439 = arith.constant 0 : index
    %swap3A_440 = tpu.vector_load %arg14[%swap3A_439] {strides = array<i32>} : memref<128xf32, #tpu.memory_space<vmem>>, vector<16xf32>,
    tpu.vector_store %arg14[%swap3A_439], %broadcast_in_dim3A_438 {strides = array<i32>} : memref<128xf32, #tpu.memory_space<vmem>>, vector<16xf32>,
    %broadcast_in_dim3A_441 = arith.constant 0 : i32
    %broadcast_in_dim3A_442 = vector.broadcast %broadcast_in_dim3A_441 : i32 to vector<16xi32>
    %swap3A_443 = arith.constant 0 : index
    %swap3A_444 = tpu.vector_load %arg15[%swap3A_443] {strides = array<i32>} : memref<128xi32, #tpu.memory_space<vmem>>, vector<16xi32>,
    tpu.vector_store %arg15[%swap3A_443], %broadcast_in_dim3A_442 {strides = array<i32>} : memref<128xi32, #tpu.memory_space<vmem>>, vector<16xi32>,
    %broadcast_in_dim3A_445 = arith.constant 0xFF800000 : f32
    %broadcast_in_dim3A_446 = vector.broadcast %broadcast_in_dim3A_445 : f32 to vector<16xf32>
    %swap3A_447 = arith.constant 16 : index
    %swap3A_448 = tpu.vector_load %arg14[%swap3A_447] {strides = array<i32>} : memref<128xf32, #tpu.memory_space<vmem>>, vector<16xf32>,
    tpu.vector_store %arg14[%swap3A_447], %broadcast_in_dim3A_446 {strides = array<i32>} : memref<128xf32, #tpu.memory_space<vmem>>, vector<16xf32>,
    %broadcast_in_dim3A_449 = arith.constant 0 : i32
    %broadcast_in_dim3A_450 = vector.broadcast %broadcast_in_dim3A_449 : i32 to vector<16xi32>
    %swap3A_451 = arith.constant 16 : index
    %swap3A_452 = tpu.vector_load %arg15[%swap3A_451] {strides = array<i32>} : memref<128xi32, #tpu.memory_space<vmem>>, vector<16xi32>,
    tpu.vector_store %arg15[%swap3A_451], %broadcast_in_dim3A_450 {strides = array<i32>} : memref<128xi32, #tpu.memory_space<vmem>>, vector<16xi32>,
    %broadcast_in_dim3A_453 = arith.constant 0xFF800000 : f32
    %broadcast_in_dim3A_454 = vector.broadcast %broadcast_in_dim3A_453 : f32 to vector<16xf32>
    %swap3A_455 = arith.constant 32 : index
    %swap3A_456 = tpu.vector_load %arg14[%swap3A_455] {strides = array<i32>} : memref<128xf32, #tpu.memory_space<vmem>>, vector<16xf32>,
    tpu.vector_store %arg14[%swap3A_455], %broadcast_in_dim3A_454 {strides = array<i32>} : memref<128xf32, #tpu.memory_space<vmem>>, vector<16xf32>,
    %broadcast_in_dim3A_457 = arith.constant 0 : i32
    %broadcast_in_dim3A_458 = vector.broadcast %broadcast_in_dim3A_457 : i32 to vector<16xi32>
    %swap3A_459 = arith.constant 32 : index
    %swap3A_460 = tpu.vector_load %arg15[%swap3A_459] {strides = array<i32>} : memref<128xi32, #tpu.memory_space<vmem>>, vector<16xi32>,
    tpu.vector_store %arg15[%swap3A_459], %broadcast_in_dim3A_458 {strides = array<i32>} : memref<128xi32, #tpu.memory_space<vmem>>, vector<16xi32>,
    %broadcast_in_dim3A_461 = arith.constant 0xFF800000 : f32
    %broadcast_in_dim3A_462 = vector.broadcast %broadcast_in_dim3A_461 : f32 to vector<16xf32>
    %swap3A_463 = arith.constant 48 : index
    %swap3A_464 = tpu.vector_load %arg14[%swap3A_463] {strides = array<i32>} : memref<128xf32, #tpu.memory_space<vmem>>, vector<16xf32>,
    tpu.vector_store %arg14[%swap3A_463], %broadcast_in_dim3A_462 {strides = array<i32>} : memref<128xf32, #tpu.memory_space<vmem>>, vector<16xf32>,
    %broadcast_in_dim3A_465 = arith.constant 0 : i32
    %broadcast_in_dim3A_466 = vector.broadcast %broadcast_in_dim3A_465 : i32 to vector<16xi32>
    %swap3A_467 = arith.constant 48 : index
    %swap3A_468 = tpu.vector_load %arg15[%swap3A_467] {strides = array<i32>} : memref<128xi32, #tpu.memory_space<vmem>>, vector<16xi32>,
    tpu.vector_store %arg15[%swap3A_467], %broadcast_in_dim3A_466 {strides = array<i32>} : memref<128xi32, #tpu.memory_space<vmem>>, vector<16xi32>,
    %broadcast_in_dim3A_469 = arith.constant 0xFF800000 : f32
    %broadcast_in_dim3A_470 = vector.broadcast %broadcast_in_dim3A_469 : f32 to vector<16xf32>
    %swap3A_471 = arith.constant 64 : index
    %swap3A_472 = tpu.vector_load %arg14[%swap3A_471] {strides = array<i32>} : memref<128xf32, #tpu.memory_space<vmem>>, vector<16xf32>,
    tpu.vector_store %arg14[%swap3A_471], %broadcast_in_dim3A_470 {strides = array<i32>} : memref<128xf32, #tpu.memory_space<vmem>>, vector<16xf32>,
    %broadcast_in_dim3A_473 = arith.constant 0 : i32
    %broadcast_in_dim3A_474 = vector.broadcast %broadcast_in_dim3A_473 : i32 to vector<16xi32>
    %swap3A_475 = arith.constant 64 : index
    %swap3A_476 = tpu.vector_load %arg15[%swap3A_475] {strides = array<i32>} : memref<128xi32, #tpu.memory_space<vmem>>, vector<16xi32>,
    tpu.vector_store %arg15[%swap3A_475], %broadcast_in_dim3A_474 {strides = array<i32>} : memref<128xi32, #tpu.memory_space<vmem>>, vector<16xi32>,
    %broadcast_in_dim3A_477 = arith.constant 0xFF800000 : f32
    %broadcast_in_dim3A_478 = vector.broadcast %broadcast_in_dim3A_477 : f32 to vector<16xf32>
    %swap3A_479 = arith.constant 80 : index
    %swap3A_480 = tpu.vector_load %arg14[%swap3A_479] {strides = array<i32>} : memref<128xf32, #tpu.memory_space<vmem>>, vector<16xf32>,
    tpu.vector_store %arg14[%swap3A_479], %broadcast_in_dim3A_478 {strides = array<i32>} : memref<128xf32, #tpu.memory_space<vmem>>, vector<16xf32>,
    %broadcast_in_dim3A_481 = arith.constant 0 : i32
    %broadcast_in_dim3A_482 = vector.broadcast %broadcast_in_dim3A_481 : i32 to vector<16xi32>
    %swap3A_483 = arith.constant 80 : index
    %swap3A_484 = tpu.vector_load %arg15[%swap3A_483] {strides = array<i32>} : memref<128xi32, #tpu.memory_space<vmem>>, vector<16xi32>,
    tpu.vector_store %arg15[%swap3A_483], %broadcast_in_dim3A_482 {strides = array<i32>} : memref<128xi32, #tpu.memory_space<vmem>>, vector<16xi32>,
    %broadcast_in_dim3A_485 = arith.constant 0xFF800000 : f32
    %broadcast_in_dim3A_486 = vector.broadcast %broadcast_in_dim3A_485 : f32 to vector<16xf32>
    %swap3A_487 = arith.constant 96 : index
    %swap3A_488 = tpu.vector_load %arg14[%swap3A_487] {strides = array<i32>} : memref<128xf32, #tpu.memory_space<vmem>>, vector<16xf32>,
    tpu.vector_store %arg14[%swap3A_487], %broadcast_in_dim3A_486 {strides = array<i32>} : memref<128xf32, #tpu.memory_space<vmem>>, vector<16xf32>,
    %broadcast_in_dim3A_489 = arith.constant 0 : i32
    %broadcast_in_dim3A_490 = vector.broadcast %broadcast_in_dim3A_489 : i32 to vector<16xi32>
    %swap3A_491 = arith.constant 96 : index
    %swap3A_492 = tpu.vector_load %arg15[%swap3A_491] {strides = array<i32>} : memref<128xi32, #tpu.memory_space<vmem>>, vector<16xi32>,
    tpu.vector_store %arg15[%swap3A_491], %broadcast_in_dim3A_490 {strides = array<i32>} : memref<128xi32, #tpu.memory_space<vmem>>, vector<16xi32>,
    %broadcast_in_dim3A_493 = arith.constant 0xFF800000 : f32
    %broadcast_in_dim3A_494 = vector.broadcast %broadcast_in_dim3A_493 : f32 to vector<16xf32>
    %swap3A_495 = arith.constant 112 : index
    %swap3A_496 = tpu.vector_load %arg14[%swap3A_495] {strides = array<i32>} : memref<128xf32, #tpu.memory_space<vmem>>, vector<16xf32>,
    tpu.vector_store %arg14[%swap3A_495], %broadcast_in_dim3A_494 {strides = array<i32>} : memref<128xf32, #tpu.memory_space<vmem>>, vector<16xf32>,
    %broadcast_in_dim3A_497 = arith.constant 0 : i32
    %broadcast_in_dim3A_498 = vector.broadcast %broadcast_in_dim3A_497 : i32 to vector<16xi32>
    %swap3A_499 = arith.constant 112 : index
    %swap3A_500 = tpu.vector_load %arg15[%swap3A_499] {strides = array<i32>} : memref<128xi32, #tpu.memory_space<vmem>>, vector<16xi32>,
    tpu.vector_store %arg15[%swap3A_499], %broadcast_in_dim3A_498 {strides = array<i32>} : memref<128xi32, #tpu.memory_space<vmem>>, vector<16xi32>,
    %reduce_max3A_501 = arith.constant true
    %reduce_max3A_502 = vector.broadcast %reduce_max3A_501 : i1 to vector<16xi1>
    %reduce_max3A_503 = arith.constant -2147483648 : i32
    %reduce_max3A_504 = vector.broadcast %reduce_max3A_503 : i32 to vector<16xi32>
    %reduce_max3A_505 = arith.xori %cond3A_105#0, %reduce_max3A_504 : vector<16xi32>
    %reduce_max3A_506 = tpu.scan <max>, %reduce_max3A_505 masked %reduce_max3A_502 : vector<16xi32>, vector<16xi1> -> vector<16xi32>
    %reduce_max3A_507 = arith.xori %reduce_max3A_506, %reduce_max3A_504 : vector<16xi32>
    %reduce_max3A_508 = vector.extract %reduce_max3A_507[15] : i32 from vector<16xi32>
    %add3A_509 = arith.constant 15 : i32
    %add3A_510 = arith.addi %reduce_max3A_508, %add3A_509 : i32
    %shift_right_arithmetic3A_511 = arith.constant 4 : i32
    %shift_right_arithmetic3A_512 = arith.shrsi %add3A_510, %shift_right_arithmetic3A_511 : i32
    %broadcast_in_dim3A_513 = arith.constant 0 : i32
    %broadcast_in_dim3A_514 = vector.broadcast %broadcast_in_dim3A_513 : i32 to vector<16xi32>
    %while3A_515 = arith.constant 0 : i32
    %while3A_516 = arith.subi %shift_right_arithmetic3A_512, %while3A_515 : i32
    %while3A_517 = arith.addi %while3A_515, %while3A_516 : i32
    %while3A_518 = arith.constant 1 : i32
    %while3A_519 = arith.divsi %while3A_516, %while3A_518 : i32
    %while3A_520 = arith.muli %while3A_519, %while3A_518 : i32
    %while3A_521 = arith.addi %while3A_515, %while3A_520 : i32
    %while3A_522 = arith.constant 1 : i32
    %while3A_523 = scf.for %while3A_723 = %while3A_515 to %while3A_521 step %while3A_522 iter_args(%while3A_724 = %broadcast_in_dim3A_514) -> (vector<16xi32>)  : i32 {
      %mul3A_725 = arith.constant 16 : i32
      %mul3A_726 = arith.muli %while3A_723, %mul3A_725 : i32
      %get3A_727 = arith.index_cast %mul3A_726 : i32 to index
      %get3A_728 = tpu.vector_load %arg12[%get3A_727] {strides = array<i32>} : memref<4112xf32, #tpu.memory_space<vmem>>, vector<16xf32>,
      %mul3A_729 = arith.constant 16 : i32
      %mul3A_730 = arith.muli %while3A_723, %mul3A_729 : i32
      %get3A_731 = arith.index_cast %mul3A_730 : i32 to index
      %get3A_732 = tpu.vector_load %arg13[%get3A_731] {strides = array<i32>} : memref<4112xi32, #tpu.memory_space<vmem>>, vector<16xi32>,
      %mul3A_733 = arith.constant 16 : i32
      %mul3A_734 = arith.muli %while3A_723, %mul3A_733 : i32
      %add3A_735 = vector.broadcast %mul3A_734 : i32 to vector<16xi32>
      %add3A_736 = arith.addi %add3A_735, %iota3A : vector<16xi32>
      %lt3A_737 = arith.cmpi slt, %add3A_736, %cond3A_105#0 : vector<16xi32>
      %bitcast3A = vector.bitcast %get3A_728 : vector<16xf32> to vector<16xi32>
      %ge3A_738 = arith.constant -2147483648 : i32
      %ge3A_739 = vector.broadcast %ge3A_738 : i32 to vector<16xi32>
      %ge3A_740 = arith.cmpi uge, %bitcast3A, %ge3A_739 : vector<16xi32>
      %jit3A_741 = arith.constant -1 : i32
      %jit3A_742 = arith.constant -2147483648 : i32
      %broadcast_in_dim3A_743 = vector.broadcast %jit3A_741 : i32 to vector<16xi32>
      %broadcast_in_dim3A_744 = vector.broadcast %jit3A_742 : i32 to vector<16xi32>
      %select_n3A_745 = arith.select %ge3A_740, %broadcast_in_dim3A_743, %broadcast_in_dim3A_744 : vector<16xi1>, vector<16xi32>
      %xor3A = arith.xori %bitcast3A, %select_n3A_745 : vector<16xi32>
      %gt3A_746 = arith.cmpi ugt, %xor3A, %broadcast_in_dim3A_436 : vector<16xi32>
      %and3A_747 = arith.andi %gt3A_746, %lt3A_737 : vector<16xi1>
      %jit3A_748 = arith.constant 1 : i32
      %jit3A_749 = arith.constant 0 : i32
      %broadcast_in_dim3A_750 = vector.broadcast %jit3A_748 : i32 to vector<16xi32>
      %broadcast_in_dim3A_751 = vector.broadcast %jit3A_749 : i32 to vector<16xi32>
      %select_n3A_752 = arith.select %and3A_747, %broadcast_in_dim3A_750, %broadcast_in_dim3A_751 : vector<16xi1>, vector<16xi32>
      %broadcast_in_dim3A_753 = arith.constant true
      %broadcast_in_dim3A_754 = vector.broadcast %broadcast_in_dim3A_753 : i1 to vector<16xi1>
      %masked_cumsum3A = tpu.scan <sum>, %select_n3A_752 masked %broadcast_in_dim3A_754 : vector<16xi32>, vector<16xi1> -> vector<16xi32>
      %add3A_755 = arith.addi %while3A_724, %masked_cumsum3A : vector<16xi32>
      %sub3A = arith.constant 1 : i32
      %sub3A_756 = vector.broadcast %sub3A : i32 to vector<16xi32>
      %sub3A_757 = arith.subi %add3A_755, %sub3A_756 : vector<16xi32>
      %min3A_758 = arith.constant 127 : i32
      %min3A_759 = vector.broadcast %min3A_758 : i32 to vector<16xi32>
      %min3A_760 = arith.minsi %sub3A_757, %min3A_759 : vector<16xi32>
      tpu.vector_store_idx %arg14[%min3A_760], %get3A_728 masked %and3A_747 : memref<128xf32, #tpu.memory_space<vmem>>[vector<16xi32>], vector<16xf32>, vector<16xi1>
      tpu.vector_store_idx %arg15[%min3A_760], %get3A_732 masked %and3A_747 : memref<128xi32, #tpu.memory_space<vmem>>[vector<16xi32>], vector<16xi32>, vector<16xi1>
      %all_reduce_population_count3A = tpu.all_reduce %and3A_747 {dim = 0 : i64, kind = #tpu.reduction_kind<sum>} : vector<16xi1> -> vector<16xi32>
      %add3A_761 = arith.addi %while3A_724, %all_reduce_population_count3A : vector<16xi32>
      %broadcast_in_dim3A_762 = arith.constant 128 : i32
      %broadcast_in_dim3A_763 = vector.broadcast %broadcast_in_dim3A_762 : i32 to vector<16xi32>
      %min3A_764 = arith.minsi %add3A_761, %broadcast_in_dim3A_763 : vector<16xi32>
      scf.yield %min3A_764 : vector<16xi32>
    }
    %while3A_524 = arith.constant 1 : i32
    %while3A_525 = scf.for %while3A_723 = %while3A_521 to %while3A_517 step %while3A_524 iter_args(%while3A_724 = %while3A_523) -> (vector<16xi32>)  : i32 {
      %mul3A_725 = arith.constant 16 : i32
      %mul3A_726 = arith.muli %while3A_723, %mul3A_725 : i32
      %get3A_727 = arith.index_cast %mul3A_726 : i32 to index
      %get3A_728 = tpu.vector_load %arg12[%get3A_727] {strides = array<i32>} : memref<4112xf32, #tpu.memory_space<vmem>>, vector<16xf32>,
      %mul3A_729 = arith.constant 16 : i32
      %mul3A_730 = arith.muli %while3A_723, %mul3A_729 : i32
      %get3A_731 = arith.index_cast %mul3A_730 : i32 to index
      %get3A_732 = tpu.vector_load %arg13[%get3A_731] {strides = array<i32>} : memref<4112xi32, #tpu.memory_space<vmem>>, vector<16xi32>,
      %mul3A_733 = arith.constant 16 : i32
      %mul3A_734 = arith.muli %while3A_723, %mul3A_733 : i32
      %add3A_735 = vector.broadcast %mul3A_734 : i32 to vector<16xi32>
      %add3A_736 = arith.addi %add3A_735, %iota3A : vector<16xi32>
      %lt3A_737 = arith.cmpi slt, %add3A_736, %cond3A_105#0 : vector<16xi32>
      %bitcast3A = vector.bitcast %get3A_728 : vector<16xf32> to vector<16xi32>
      %ge3A_738 = arith.constant -2147483648 : i32
      %ge3A_739 = vector.broadcast %ge3A_738 : i32 to vector<16xi32>
      %ge3A_740 = arith.cmpi uge, %bitcast3A, %ge3A_739 : vector<16xi32>
      %jit3A_741 = arith.constant -1 : i32
      %jit3A_742 = arith.constant -2147483648 : i32
      %broadcast_in_dim3A_743 = vector.broadcast %jit3A_741 : i32 to vector<16xi32>
      %broadcast_in_dim3A_744 = vector.broadcast %jit3A_742 : i32 to vector<16xi32>
      %select_n3A_745 = arith.select %ge3A_740, %broadcast_in_dim3A_743, %broadcast_in_dim3A_744 : vector<16xi1>, vector<16xi32>
      %xor3A = arith.xori %bitcast3A, %select_n3A_745 : vector<16xi32>
      %gt3A_746 = arith.cmpi ugt, %xor3A, %broadcast_in_dim3A_436 : vector<16xi32>
      %and3A_747 = arith.andi %gt3A_746, %lt3A_737 : vector<16xi1>
      %jit3A_748 = arith.constant 1 : i32
      %jit3A_749 = arith.constant 0 : i32
      %broadcast_in_dim3A_750 = vector.broadcast %jit3A_748 : i32 to vector<16xi32>
      %broadcast_in_dim3A_751 = vector.broadcast %jit3A_749 : i32 to vector<16xi32>
      %select_n3A_752 = arith.select %and3A_747, %broadcast_in_dim3A_750, %broadcast_in_dim3A_751 : vector<16xi1>, vector<16xi32>
      %broadcast_in_dim3A_753 = arith.constant true
      %broadcast_in_dim3A_754 = vector.broadcast %broadcast_in_dim3A_753 : i1 to vector<16xi1>
      %masked_cumsum3A = tpu.scan <sum>, %select_n3A_752 masked %broadcast_in_dim3A_754 : vector<16xi32>, vector<16xi1> -> vector<16xi32>
      %add3A_755 = arith.addi %while3A_724, %masked_cumsum3A : vector<16xi32>
      %sub3A = arith.constant 1 : i32
      %sub3A_756 = vector.broadcast %sub3A : i32 to vector<16xi32>
      %sub3A_757 = arith.subi %add3A_755, %sub3A_756 : vector<16xi32>
      %min3A_758 = arith.constant 127 : i32
      %min3A_759 = vector.broadcast %min3A_758 : i32 to vector<16xi32>
      %min3A_760 = arith.minsi %sub3A_757, %min3A_759 : vector<16xi32>
      tpu.vector_store_idx %arg14[%min3A_760], %get3A_728 masked %and3A_747 : memref<128xf32, #tpu.memory_space<vmem>>[vector<16xi32>], vector<16xf32>, vector<16xi1>
      tpu.vector_store_idx %arg15[%min3A_760], %get3A_732 masked %and3A_747 : memref<128xi32, #tpu.memory_space<vmem>>[vector<16xi32>], vector<16xi32>, vector<16xi1>
      %all_reduce_population_count3A = tpu.all_reduce %and3A_747 {dim = 0 : i64, kind = #tpu.reduction_kind<sum>} : vector<16xi1> -> vector<16xi32>
      %add3A_761 = arith.addi %while3A_724, %all_reduce_population_count3A : vector<16xi32>
      %broadcast_in_dim3A_762 = arith.constant 128 : i32
      %broadcast_in_dim3A_763 = vector.broadcast %broadcast_in_dim3A_762 : i32 to vector<16xi32>
      %min3A_764 = arith.minsi %add3A_761, %broadcast_in_dim3A_763 : vector<16xi32>
      scf.yield %min3A_764 : vector<16xi32>
    }
    %broadcast_in_dim3A_526 = arith.constant 0xFF800000 : f32
    %broadcast_in_dim3A_527 = vector.broadcast %broadcast_in_dim3A_526 : f32 to vector<16xf32>
    %swap3A_528 = arith.constant 0 : index
    %swap3A_529 = tpu.vector_load %arg16[%swap3A_528] {strides = array<i32>} : memref<112xf32, #tpu.memory_space<vmem>>, vector<16xf32>,
    tpu.vector_store %arg16[%swap3A_528], %broadcast_in_dim3A_527 {strides = array<i32>} : memref<112xf32, #tpu.memory_space<vmem>>, vector<16xf32>,
    %broadcast_in_dim3A_530 = arith.constant 0 : i32
    %broadcast_in_dim3A_531 = vector.broadcast %broadcast_in_dim3A_530 : i32 to vector<16xi32>
    %swap3A_532 = arith.constant 0 : index
    %swap3A_533 = tpu.vector_load %arg17[%swap3A_532] {strides = array<i32>} : memref<112xi32, #tpu.memory_space<vmem>>, vector<16xi32>,
    tpu.vector_store %arg17[%swap3A_532], %broadcast_in_dim3A_531 {strides = array<i32>} : memref<112xi32, #tpu.memory_space<vmem>>, vector<16xi32>,
    %broadcast_in_dim3A_534 = arith.constant 0xFF800000 : f32
    %broadcast_in_dim3A_535 = vector.broadcast %broadcast_in_dim3A_534 : f32 to vector<16xf32>
    %swap3A_536 = arith.constant 16 : index
    %swap3A_537 = tpu.vector_load %arg16[%swap3A_536] {strides = array<i32>} : memref<112xf32, #tpu.memory_space<vmem>>, vector<16xf32>,
    tpu.vector_store %arg16[%swap3A_536], %broadcast_in_dim3A_535 {strides = array<i32>} : memref<112xf32, #tpu.memory_space<vmem>>, vector<16xf32>,
    %broadcast_in_dim3A_538 = arith.constant 0 : i32
    %broadcast_in_dim3A_539 = vector.broadcast %broadcast_in_dim3A_538 : i32 to vector<16xi32>
    %swap3A_540 = arith.constant 16 : index
    %swap3A_541 = tpu.vector_load %arg17[%swap3A_540] {strides = array<i32>} : memref<112xi32, #tpu.memory_space<vmem>>, vector<16xi32>,
    tpu.vector_store %arg17[%swap3A_540], %broadcast_in_dim3A_539 {strides = array<i32>} : memref<112xi32, #tpu.memory_space<vmem>>, vector<16xi32>,
    %broadcast_in_dim3A_542 = arith.constant 0xFF800000 : f32
    %broadcast_in_dim3A_543 = vector.broadcast %broadcast_in_dim3A_542 : f32 to vector<16xf32>
    %swap3A_544 = arith.constant 32 : index
    %swap3A_545 = tpu.vector_load %arg16[%swap3A_544] {strides = array<i32>} : memref<112xf32, #tpu.memory_space<vmem>>, vector<16xf32>,
    tpu.vector_store %arg16[%swap3A_544], %broadcast_in_dim3A_543 {strides = array<i32>} : memref<112xf32, #tpu.memory_space<vmem>>, vector<16xf32>,
    %broadcast_in_dim3A_546 = arith.constant 0 : i32
    %broadcast_in_dim3A_547 = vector.broadcast %broadcast_in_dim3A_546 : i32 to vector<16xi32>
    %swap3A_548 = arith.constant 32 : index
    %swap3A_549 = tpu.vector_load %arg17[%swap3A_548] {strides = array<i32>} : memref<112xi32, #tpu.memory_space<vmem>>, vector<16xi32>,
    tpu.vector_store %arg17[%swap3A_548], %broadcast_in_dim3A_547 {strides = array<i32>} : memref<112xi32, #tpu.memory_space<vmem>>, vector<16xi32>,
    %broadcast_in_dim3A_550 = arith.constant 0xFF800000 : f32
    %broadcast_in_dim3A_551 = vector.broadcast %broadcast_in_dim3A_550 : f32 to vector<16xf32>
    %swap3A_552 = arith.constant 48 : index
    %swap3A_553 = tpu.vector_load %arg16[%swap3A_552] {strides = array<i32>} : memref<112xf32, #tpu.memory_space<vmem>>, vector<16xf32>,
    tpu.vector_store %arg16[%swap3A_552], %broadcast_in_dim3A_551 {strides = array<i32>} : memref<112xf32, #tpu.memory_space<vmem>>, vector<16xf32>,
    %broadcast_in_dim3A_554 = arith.constant 0 : i32
    %broadcast_in_dim3A_555 = vector.broadcast %broadcast_in_dim3A_554 : i32 to vector<16xi32>
    %swap3A_556 = arith.constant 48 : index
    %swap3A_557 = tpu.vector_load %arg17[%swap3A_556] {strides = array<i32>} : memref<112xi32, #tpu.memory_space<vmem>>, vector<16xi32>,
    tpu.vector_store %arg17[%swap3A_556], %broadcast_in_dim3A_555 {strides = array<i32>} : memref<112xi32, #tpu.memory_space<vmem>>, vector<16xi32>,
    %broadcast_in_dim3A_558 = arith.constant 0xFF800000 : f32
    %broadcast_in_dim3A_559 = vector.broadcast %broadcast_in_dim3A_558 : f32 to vector<16xf32>
    %swap3A_560 = arith.constant 64 : index
    %swap3A_561 = tpu.vector_load %arg16[%swap3A_560] {strides = array<i32>} : memref<112xf32, #tpu.memory_space<vmem>>, vector<16xf32>,
    tpu.vector_store %arg16[%swap3A_560], %broadcast_in_dim3A_559 {strides = array<i32>} : memref<112xf32, #tpu.memory_space<vmem>>, vector<16xf32>,
    %broadcast_in_dim3A_562 = arith.constant 0 : i32
    %broadcast_in_dim3A_563 = vector.broadcast %broadcast_in_dim3A_562 : i32 to vector<16xi32>
    %swap3A_564 = arith.constant 64 : index
    %swap3A_565 = tpu.vector_load %arg17[%swap3A_564] {strides = array<i32>} : memref<112xi32, #tpu.memory_space<vmem>>, vector<16xi32>,
    tpu.vector_store %arg17[%swap3A_564], %broadcast_in_dim3A_563 {strides = array<i32>} : memref<112xi32, #tpu.memory_space<vmem>>, vector<16xi32>,
    %broadcast_in_dim3A_566 = arith.constant 0xFF800000 : f32
    %broadcast_in_dim3A_567 = vector.broadcast %broadcast_in_dim3A_566 : f32 to vector<16xf32>
    %swap3A_568 = arith.constant 80 : index
    %swap3A_569 = tpu.vector_load %arg16[%swap3A_568] {strides = array<i32>} : memref<112xf32, #tpu.memory_space<vmem>>, vector<16xf32>,
    tpu.vector_store %arg16[%swap3A_568], %broadcast_in_dim3A_567 {strides = array<i32>} : memref<112xf32, #tpu.memory_space<vmem>>, vector<16xf32>,
    %broadcast_in_dim3A_570 = arith.constant 0 : i32
    %broadcast_in_dim3A_571 = vector.broadcast %broadcast_in_dim3A_570 : i32 to vector<16xi32>
    %swap3A_572 = arith.constant 80 : index
    %swap3A_573 = tpu.vector_load %arg17[%swap3A_572] {strides = array<i32>} : memref<112xi32, #tpu.memory_space<vmem>>, vector<16xi32>,
    tpu.vector_store %arg17[%swap3A_572], %broadcast_in_dim3A_571 {strides = array<i32>} : memref<112xi32, #tpu.memory_space<vmem>>, vector<16xi32>,
    %broadcast_in_dim3A_574 = arith.constant 0xFF800000 : f32
    %broadcast_in_dim3A_575 = vector.broadcast %broadcast_in_dim3A_574 : f32 to vector<16xf32>
    %swap3A_576 = arith.constant 96 : index
    %swap3A_577 = tpu.vector_load %arg16[%swap3A_576] {strides = array<i32>} : memref<112xf32, #tpu.memory_space<vmem>>, vector<16xf32>,
    tpu.vector_store %arg16[%swap3A_576], %broadcast_in_dim3A_575 {strides = array<i32>} : memref<112xf32, #tpu.memory_space<vmem>>, vector<16xf32>,
    %broadcast_in_dim3A_578 = arith.constant 0 : i32
    %broadcast_in_dim3A_579 = vector.broadcast %broadcast_in_dim3A_578 : i32 to vector<16xi32>
    %swap3A_580 = arith.constant 96 : index
    %swap3A_581 = tpu.vector_load %arg17[%swap3A_580] {strides = array<i32>} : memref<112xi32, #tpu.memory_space<vmem>>, vector<16xi32>,
    tpu.vector_store %arg17[%swap3A_580], %broadcast_in_dim3A_579 {strides = array<i32>} : memref<112xi32, #tpu.memory_space<vmem>>, vector<16xi32>,
    %scan3A_582 = arith.constant 0 : i32
    %scan3A_583 = arith.constant 0 : i32
    %scan3A_584 = arith.constant 100 : i32
    %scan3A_585 = arith.addi %scan3A_583, %scan3A_584 : i32
    %scan3A_586 = arith.constant 1 : i32
    %scan3A_587 = scf.for %scan3A_723 = %scan3A_583 to %scan3A_585 step %scan3A_586 iter_args(%scan3A_724 = %scan3A_582) -> (i32)  : i32 {
      %get3A_725 = arith.constant 0 : index
      %get3A_726 = tpu.vector_load %arg14[%get3A_725] {strides = array<i32>} : memref<128xf32, #tpu.memory_space<vmem>>, vector<16xf32>,
      %get3A_727 = arith.constant 16 : index
      %get3A_728 = tpu.vector_load %arg14[%get3A_727] {strides = array<i32>} : memref<128xf32, #tpu.memory_space<vmem>>, vector<16xf32>,
      %max3A_729 = arith.maximumf %get3A_726, %get3A_728 : vector<16xf32>
      %get3A_730 = arith.constant 32 : index
      %get3A_731 = tpu.vector_load %arg14[%get3A_730] {strides = array<i32>} : memref<128xf32, #tpu.memory_space<vmem>>, vector<16xf32>,
      %max3A_732 = arith.maximumf %max3A_729, %get3A_731 : vector<16xf32>
      %get3A_733 = arith.constant 48 : index
      %get3A_734 = tpu.vector_load %arg14[%get3A_733] {strides = array<i32>} : memref<128xf32, #tpu.memory_space<vmem>>, vector<16xf32>,
      %max3A_735 = arith.maximumf %max3A_732, %get3A_734 : vector<16xf32>
      %get3A_736 = arith.constant 64 : index
      %get3A_737 = tpu.vector_load %arg14[%get3A_736] {strides = array<i32>} : memref<128xf32, #tpu.memory_space<vmem>>, vector<16xf32>,
      %max3A_738 = arith.maximumf %max3A_735, %get3A_737 : vector<16xf32>
      %get3A_739 = arith.constant 80 : index
      %get3A_740 = tpu.vector_load %arg14[%get3A_739] {strides = array<i32>} : memref<128xf32, #tpu.memory_space<vmem>>, vector<16xf32>,
      %max3A_741 = arith.maximumf %max3A_738, %get3A_740 : vector<16xf32>
      %get3A_742 = arith.constant 96 : index
      %get3A_743 = tpu.vector_load %arg14[%get3A_742] {strides = array<i32>} : memref<128xf32, #tpu.memory_space<vmem>>, vector<16xf32>,
      %max3A_744 = arith.maximumf %max3A_741, %get3A_743 : vector<16xf32>
      %get3A_745 = arith.constant 112 : index
      %get3A_746 = tpu.vector_load %arg14[%get3A_745] {strides = array<i32>} : memref<128xf32, #tpu.memory_space<vmem>>, vector<16xf32>,
      %max3A_747 = arith.maximumf %max3A_744, %get3A_746 : vector<16xf32>
      %broadcast_in_dim3A_748 = arith.constant 1.000000e+00 : f32
      %broadcast_in_dim3A_749 = vector.broadcast %broadcast_in_dim3A_748 : f32 to vector<16xf32>
      %reduce_max3A_750 = arith.constant true
      %reduce_max3A_751 = vector.broadcast %reduce_max3A_750 : i1 to vector<16xi1>
      %reduce_max3A_752 = tpu.scan <max>, %max3A_747 masked %reduce_max3A_751 : vector<16xf32>, vector<16xi1> -> vector<16xf32>
      %reduce_max3A_753 = vector.extract %reduce_max3A_752[15] : f32 from vector<16xf32>
      %mul3A_754 = vector.broadcast %reduce_max3A_753 : f32 to vector<16xf32>
      %mul3A_755 = arith.mulf %broadcast_in_dim3A_749, %mul3A_754 : vector<16xf32>
      %broadcast_in_dim3A_756 = arith.constant 128 : i32
      %broadcast_in_dim3A_757 = vector.broadcast %broadcast_in_dim3A_756 : i32 to vector<16xi32>
      %get3A_758 = arith.constant 0 : index
      %get3A_759 = tpu.vector_load %arg14[%get3A_758] {strides = array<i32>} : memref<128xf32, #tpu.memory_space<vmem>>, vector<16xf32>,
      %eq3A_760 = arith.cmpf oeq, %get3A_759, %mul3A_755 : vector<16xf32>
      %add3A_761 = arith.constant 0 : i32
      %add3A_762 = vector.broadcast %add3A_761 : i32 to vector<16xi32>
      %add3A_763 = arith.addi %add3A_762, %iota3A : vector<16xi32>
      %jit3A_764 = arith.constant 128 : i32
      %broadcast_in_dim3A_765 = vector.broadcast %jit3A_764 : i32 to vector<16xi32>
      %select_n3A_766 = arith.select %eq3A_760, %add3A_763, %broadcast_in_dim3A_765 : vector<16xi1>, vector<16xi32>
      %min3A_767 = arith.minsi %broadcast_in_dim3A_757, %select_n3A_766 : vector<16xi32>
      %get3A_768 = arith.constant 16 : index
      %get3A_769 = tpu.vector_load %arg14[%get3A_768] {strides = array<i32>} : memref<128xf32, #tpu.memory_space<vmem>>, vector<16xf32>,
      %eq3A_770 = arith.cmpf oeq, %get3A_769, %mul3A_755 : vector<16xf32>
      %add3A_771 = arith.constant 16 : i32
      %add3A_772 = vector.broadcast %add3A_771 : i32 to vector<16xi32>
      %add3A_773 = arith.addi %add3A_772, %iota3A : vector<16xi32>
      %jit3A_774 = arith.constant 128 : i32
      %broadcast_in_dim3A_775 = vector.broadcast %jit3A_774 : i32 to vector<16xi32>
      %select_n3A_776 = arith.select %eq3A_770, %add3A_773, %broadcast_in_dim3A_775 : vector<16xi1>, vector<16xi32>
      %min3A_777 = arith.minsi %min3A_767, %select_n3A_776 : vector<16xi32>
      %get3A_778 = arith.constant 32 : index
      %get3A_779 = tpu.vector_load %arg14[%get3A_778] {strides = array<i32>} : memref<128xf32, #tpu.memory_space<vmem>>, vector<16xf32>,
      %eq3A_780 = arith.cmpf oeq, %get3A_779, %mul3A_755 : vector<16xf32>
      %add3A_781 = arith.constant 32 : i32
      %add3A_782 = vector.broadcast %add3A_781 : i32 to vector<16xi32>
      %add3A_783 = arith.addi %add3A_782, %iota3A : vector<16xi32>
      %jit3A_784 = arith.constant 128 : i32
      %broadcast_in_dim3A_785 = vector.broadcast %jit3A_784 : i32 to vector<16xi32>
      %select_n3A_786 = arith.select %eq3A_780, %add3A_783, %broadcast_in_dim3A_785 : vector<16xi1>, vector<16xi32>
      %min3A_787 = arith.minsi %min3A_777, %select_n3A_786 : vector<16xi32>
      %get3A_788 = arith.constant 48 : index
      %get3A_789 = tpu.vector_load %arg14[%get3A_788] {strides = array<i32>} : memref<128xf32, #tpu.memory_space<vmem>>, vector<16xf32>,
      %eq3A_790 = arith.cmpf oeq, %get3A_789, %mul3A_755 : vector<16xf32>
      %add3A_791 = arith.constant 48 : i32
      %add3A_792 = vector.broadcast %add3A_791 : i32 to vector<16xi32>
      %add3A_793 = arith.addi %add3A_792, %iota3A : vector<16xi32>
      %jit3A_794 = arith.constant 128 : i32
      %broadcast_in_dim3A_795 = vector.broadcast %jit3A_794 : i32 to vector<16xi32>
      %select_n3A_796 = arith.select %eq3A_790, %add3A_793, %broadcast_in_dim3A_795 : vector<16xi1>, vector<16xi32>
      %min3A_797 = arith.minsi %min3A_787, %select_n3A_796 : vector<16xi32>
      %get3A_798 = arith.constant 64 : index
      %get3A_799 = tpu.vector_load %arg14[%get3A_798] {strides = array<i32>} : memref<128xf32, #tpu.memory_space<vmem>>, vector<16xf32>,
      %eq3A_800 = arith.cmpf oeq, %get3A_799, %mul3A_755 : vector<16xf32>
      %add3A_801 = arith.constant 64 : i32
      %add3A_802 = vector.broadcast %add3A_801 : i32 to vector<16xi32>
      %add3A_803 = arith.addi %add3A_802, %iota3A : vector<16xi32>
      %jit3A_804 = arith.constant 128 : i32
      %broadcast_in_dim3A_805 = vector.broadcast %jit3A_804 : i32 to vector<16xi32>
      %select_n3A_806 = arith.select %eq3A_800, %add3A_803, %broadcast_in_dim3A_805 : vector<16xi1>, vector<16xi32>
      %min3A_807 = arith.minsi %min3A_797, %select_n3A_806 : vector<16xi32>
      %get3A_808 = arith.constant 80 : index
      %get3A_809 = tpu.vector_load %arg14[%get3A_808] {strides = array<i32>} : memref<128xf32, #tpu.memory_space<vmem>>, vector<16xf32>,
      %eq3A_810 = arith.cmpf oeq, %get3A_809, %mul3A_755 : vector<16xf32>
      %add3A_811 = arith.constant 80 : i32
      %add3A_812 = vector.broadcast %add3A_811 : i32 to vector<16xi32>
      %add3A_813 = arith.addi %add3A_812, %iota3A : vector<16xi32>
      %jit3A_814 = arith.constant 128 : i32
      %broadcast_in_dim3A_815 = vector.broadcast %jit3A_814 : i32 to vector<16xi32>
      %select_n3A_816 = arith.select %eq3A_810, %add3A_813, %broadcast_in_dim3A_815 : vector<16xi1>, vector<16xi32>
      %min3A_817 = arith.minsi %min3A_807, %select_n3A_816 : vector<16xi32>
      %get3A_818 = arith.constant 96 : index
      %get3A_819 = tpu.vector_load %arg14[%get3A_818] {strides = array<i32>} : memref<128xf32, #tpu.memory_space<vmem>>, vector<16xf32>,
      %eq3A_820 = arith.cmpf oeq, %get3A_819, %mul3A_755 : vector<16xf32>
      %add3A_821 = arith.constant 96 : i32
      %add3A_822 = vector.broadcast %add3A_821 : i32 to vector<16xi32>
      %add3A_823 = arith.addi %add3A_822, %iota3A : vector<16xi32>
      %jit3A_824 = arith.constant 128 : i32
      %broadcast_in_dim3A_825 = vector.broadcast %jit3A_824 : i32 to vector<16xi32>
      %select_n3A_826 = arith.select %eq3A_820, %add3A_823, %broadcast_in_dim3A_825 : vector<16xi1>, vector<16xi32>
      %min3A_827 = arith.minsi %min3A_817, %select_n3A_826 : vector<16xi32>
      %get3A_828 = arith.constant 112 : index
      %get3A_829 = tpu.vector_load %arg14[%get3A_828] {strides = array<i32>} : memref<128xf32, #tpu.memory_space<vmem>>, vector<16xf32>,
      %eq3A_830 = arith.cmpf oeq, %get3A_829, %mul3A_755 : vector<16xf32>
      %add3A_831 = arith.constant 112 : i32
      %add3A_832 = vector.broadcast %add3A_831 : i32 to vector<16xi32>
      %add3A_833 = arith.addi %add3A_832, %iota3A : vector<16xi32>
      %jit3A_834 = arith.constant 128 : i32
      %broadcast_in_dim3A_835 = vector.broadcast %jit3A_834 : i32 to vector<16xi32>
      %select_n3A_836 = arith.select %eq3A_830, %add3A_833, %broadcast_in_dim3A_835 : vector<16xi1>, vector<16xi32>
      %min3A_837 = arith.minsi %min3A_827, %select_n3A_836 : vector<16xi32>
      %broadcast_in_dim3A_838 = arith.constant 1 : i32
      %broadcast_in_dim3A_839 = vector.broadcast %broadcast_in_dim3A_838 : i32 to vector<16xi32>
      %reduce_min3A_840 = arith.constant true
      %reduce_min3A_841 = vector.broadcast %reduce_min3A_840 : i1 to vector<16xi1>
      %reduce_min3A_842 = arith.constant -2147483648 : i32
      %reduce_min3A_843 = vector.broadcast %reduce_min3A_842 : i32 to vector<16xi32>
      %reduce_min3A_844 = arith.xori %min3A_837, %reduce_min3A_843 : vector<16xi32>
      %reduce_min3A_845 = tpu.scan <min>, %reduce_min3A_844 masked %reduce_min3A_841 : vector<16xi32>, vector<16xi1> -> vector<16xi32>
      %reduce_min3A_846 = arith.xori %reduce_min3A_845, %reduce_min3A_843 : vector<16xi32>
      %reduce_min3A_847 = vector.extract %reduce_min3A_846[15] : i32 from vector<16xi32>
      %mul3A_848 = vector.broadcast %reduce_min3A_847 : i32 to vector<16xi32>
      %mul3A_849 = arith.muli %broadcast_in_dim3A_839, %mul3A_848 : vector<16xi32>
      %broadcast_in_dim3A_850 = arith.constant 127 : i32
      %broadcast_in_dim3A_851 = vector.broadcast %broadcast_in_dim3A_850 : i32 to vector<16xi32>
      %min3A_852 = arith.minsi %mul3A_849, %broadcast_in_dim3A_851 : vector<16xi32>
      %gather3A_853 = tpu.vector_load_idx %arg15[%min3A_852] : memref<128xi32, #tpu.memory_space<vmem>>[vector<16xi32>], vector<16xi32>,
      %broadcast_in_dim3A_854 = arith.constant 1 : i32
      %broadcast_in_dim3A_855 = vector.broadcast %broadcast_in_dim3A_854 : i32 to vector<16xi32>
      %mul3A_856 = vector.broadcast %scan3A_723 : i32 to vector<16xi32>
      %mul3A_857 = arith.muli %broadcast_in_dim3A_855, %mul3A_856 : vector<16xi32>
      %eq3A_858 = arith.constant 0 : i32
      %eq3A_859 = vector.broadcast %eq3A_858 : i32 to vector<16xi32>
      %eq3A_860 = arith.cmpi eq, %iota3A, %eq3A_859 : vector<16xi32>
      tpu.vector_store_idx %arg16[%mul3A_857], %mul3A_755 masked %eq3A_860 : memref<112xf32, #tpu.memory_space<vmem>>[vector<16xi32>], vector<16xf32>, vector<16xi1>
      tpu.vector_store_idx %arg17[%mul3A_857], %gather3A_853 masked %eq3A_860 : memref<112xi32, #tpu.memory_space<vmem>>[vector<16xi32>], vector<16xi32>, vector<16xi1>
      %broadcast_in_dim3A_861 = arith.constant 0xFF800000 : f32
      %broadcast_in_dim3A_862 = vector.broadcast %broadcast_in_dim3A_861 : f32 to vector<16xf32>
      tpu.vector_store_idx %arg14[%min3A_852], %broadcast_in_dim3A_862 masked %eq3A_860 : memref<128xf32, #tpu.memory_space<vmem>>[vector<16xi32>], vector<16xf32>, vector<16xi1>
      %scan3A_863 = arith.constant 0 : i32
      scf.yield %scan3A_863 : i32
    }
    %scan3A_588 = arith.constant 100 : i32
    %mul3A_589 = arith.constant 112 : i32
    %mul3A_590 = arith.muli %add3A_412, %mul3A_589 : i32
    "tpu.region"() ({
      %run_scoped3A = tpu.sem_alloc : memref<!tpu.dma_semaphore, #tpu.memory_space<semaphore_mem>>
      %dma_start3A_723 = tpu.memref_slice %arg4[%mul3A_590] : memref<7168xf32, #tpu.memory_space<hbm>> -> memref<112xf32, #tpu.memory_space<hbm>>
      %dma_start3A_724 = tpu.memref_slice %arg4[%mul3A_590] : memref<7168xf32, #tpu.memory_space<hbm>> -> memref<112xf32, #tpu.memory_space<hbm>>
      tpu.enqueue_dma source(%dma_start3A_724 : memref<112xf32, #tpu.memory_space<hbm>>) target(%arg18 : memref<112xf32, #tpu.memory_space<vmem>>) target_semaphore(%run_scoped3A : memref<!tpu.dma_semaphore, #tpu.memory_space<semaphore_mem>>)
      %dma_wait3A = tpu.memref_slice %arg4[%mul3A_590] : memref<7168xf32, #tpu.memory_space<hbm>> -> memref<112xf32, #tpu.memory_space<hbm>>
      %dma_wait3A_725 = tpu.memref_slice %arg4[%mul3A_590] : memref<7168xf32, #tpu.memory_space<hbm>> -> memref<112xf32, #tpu.memory_space<hbm>>
      tpu.wait_dma2 semaphore(%run_scoped3A : memref<!tpu.dma_semaphore, #tpu.memory_space<semaphore_mem>>) src(%dma_wait3A_725 : memref<112xf32, #tpu.memory_space<hbm>>) dst(%arg18 : memref<112xf32, #tpu.memory_space<vmem>>)
      tpu.yield
    }) : () -> ()
    %broadcast_in_dim3A_591 = arith.constant 0xFF800000 : f32
    %broadcast_in_dim3A_592 = vector.broadcast %broadcast_in_dim3A_591 : f32 to vector<16xf32>
    %get3A_593 = arith.constant 0 : index
    %get3A_594 = tpu.vector_load %arg16[%get3A_593] {strides = array<i32>} : memref<112xf32, #tpu.memory_space<vmem>>, vector<16xf32>,
    %get3A_595 = arith.constant 0 : index
    %get3A_596 = tpu.vector_load %arg18[%get3A_595] {strides = array<i32>} : memref<112xf32, #tpu.memory_space<vmem>>, vector<16xf32>,
    %add3A_597 = arith.addf %get3A_594, %get3A_596 : vector<16xf32>
    %max3A_598 = arith.maximumf %broadcast_in_dim3A_592, %add3A_597 : vector<16xf32>
    %get3A_599 = arith.constant 16 : index
    %get3A_600 = tpu.vector_load %arg16[%get3A_599] {strides = array<i32>} : memref<112xf32, #tpu.memory_space<vmem>>, vector<16xf32>,
    %get3A_601 = arith.constant 16 : index
    %get3A_602 = tpu.vector_load %arg18[%get3A_601] {strides = array<i32>} : memref<112xf32, #tpu.memory_space<vmem>>, vector<16xf32>,
    %add3A_603 = arith.addf %get3A_600, %get3A_602 : vector<16xf32>
    %max3A_604 = arith.maximumf %max3A_598, %add3A_603 : vector<16xf32>
    %get3A_605 = arith.constant 32 : index
    %get3A_606 = tpu.vector_load %arg16[%get3A_605] {strides = array<i32>} : memref<112xf32, #tpu.memory_space<vmem>>, vector<16xf32>,
    %get3A_607 = arith.constant 32 : index
    %get3A_608 = tpu.vector_load %arg18[%get3A_607] {strides = array<i32>} : memref<112xf32, #tpu.memory_space<vmem>>, vector<16xf32>,
    %add3A_609 = arith.addf %get3A_606, %get3A_608 : vector<16xf32>
    %max3A_610 = arith.maximumf %max3A_604, %add3A_609 : vector<16xf32>
    %get3A_611 = arith.constant 48 : index
    %get3A_612 = tpu.vector_load %arg16[%get3A_611] {strides = array<i32>} : memref<112xf32, #tpu.memory_space<vmem>>, vector<16xf32>,
    %get3A_613 = arith.constant 48 : index
    %get3A_614 = tpu.vector_load %arg18[%get3A_613] {strides = array<i32>} : memref<112xf32, #tpu.memory_space<vmem>>, vector<16xf32>,
    %add3A_615 = arith.addf %get3A_612, %get3A_614 : vector<16xf32>
    %max3A_616 = arith.maximumf %max3A_610, %add3A_615 : vector<16xf32>
    %get3A_617 = arith.constant 64 : index
    %get3A_618 = tpu.vector_load %arg16[%get3A_617] {strides = array<i32>} : memref<112xf32, #tpu.memory_space<vmem>>, vector<16xf32>,
    %get3A_619 = arith.constant 64 : index
    %get3A_620 = tpu.vector_load %arg18[%get3A_619] {strides = array<i32>} : memref<112xf32, #tpu.memory_space<vmem>>, vector<16xf32>,
    %add3A_621 = arith.addf %get3A_618, %get3A_620 : vector<16xf32>
    %max3A_622 = arith.maximumf %max3A_616, %add3A_621 : vector<16xf32>
    %get3A_623 = arith.constant 80 : index
    %get3A_624 = tpu.vector_load %arg16[%get3A_623] {strides = array<i32>} : memref<112xf32, #tpu.memory_space<vmem>>, vector<16xf32>,
    %get3A_625 = arith.constant 80 : index
    %get3A_626 = tpu.vector_load %arg18[%get3A_625] {strides = array<i32>} : memref<112xf32, #tpu.memory_space<vmem>>, vector<16xf32>,
    %add3A_627 = arith.addf %get3A_624, %get3A_626 : vector<16xf32>
    %max3A_628 = arith.maximumf %max3A_622, %add3A_627 : vector<16xf32>
    %get3A_629 = arith.constant 96 : index
    %get3A_630 = tpu.vector_load %arg16[%get3A_629] {strides = array<i32>} : memref<112xf32, #tpu.memory_space<vmem>>, vector<16xf32>,
    %get3A_631 = arith.constant 96 : index
    %get3A_632 = tpu.vector_load %arg18[%get3A_631] {strides = array<i32>} : memref<112xf32, #tpu.memory_space<vmem>>, vector<16xf32>,
    %add3A_633 = arith.addf %get3A_630, %get3A_632 : vector<16xf32>
    %max3A_634 = arith.maximumf %max3A_628, %add3A_633 : vector<16xf32>
    %broadcast_in_dim3A_635 = arith.constant 1.000000e+00 : f32
    %broadcast_in_dim3A_636 = vector.broadcast %broadcast_in_dim3A_635 : f32 to vector<16xf32>
    %reduce_max3A_637 = arith.constant true
    %reduce_max3A_638 = vector.broadcast %reduce_max3A_637 : i1 to vector<16xi1>
    %reduce_max3A_639 = tpu.scan <max>, %max3A_634 masked %reduce_max3A_638 : vector<16xf32>, vector<16xi1> -> vector<16xf32>
    %reduce_max3A_640 = vector.extract %reduce_max3A_639[15] : f32 from vector<16xf32>
    %mul3A_641 = vector.broadcast %reduce_max3A_640 : f32 to vector<16xf32>
    %mul3A_642 = arith.mulf %broadcast_in_dim3A_636, %mul3A_641 : vector<16xf32>
    %broadcast_in_dim3A_643 = arith.constant 112 : i32
    %broadcast_in_dim3A_644 = vector.broadcast %broadcast_in_dim3A_643 : i32 to vector<16xi32>
    %eq3A_645 = arith.cmpf oeq, %add3A_597, %mul3A_642 : vector<16xf32>
    %add3A_646 = arith.constant 0 : i32
    %add3A_647 = vector.broadcast %add3A_646 : i32 to vector<16xi32>
    %add3A_648 = arith.addi %add3A_647, %iota3A : vector<16xi32>
    %jit3A_649 = arith.constant 112 : i32
    %broadcast_in_dim3A_650 = vector.broadcast %jit3A_649 : i32 to vector<16xi32>
    %select_n3A_651 = arith.select %eq3A_645, %add3A_648, %broadcast_in_dim3A_650 : vector<16xi1>, vector<16xi32>
    %min3A_652 = arith.minsi %broadcast_in_dim3A_644, %select_n3A_651 : vector<16xi32>
    %eq3A_653 = arith.cmpf oeq, %add3A_603, %mul3A_642 : vector<16xf32>
    %add3A_654 = arith.constant 16 : i32
    %add3A_655 = vector.broadcast %add3A_654 : i32 to vector<16xi32>
    %add3A_656 = arith.addi %add3A_655, %iota3A : vector<16xi32>
    %jit3A_657 = arith.constant 112 : i32
    %broadcast_in_dim3A_658 = vector.broadcast %jit3A_657 : i32 to vector<16xi32>
    %select_n3A_659 = arith.select %eq3A_653, %add3A_656, %broadcast_in_dim3A_658 : vector<16xi1>, vector<16xi32>
    %min3A_660 = arith.minsi %min3A_652, %select_n3A_659 : vector<16xi32>
    %eq3A_661 = arith.cmpf oeq, %add3A_609, %mul3A_642 : vector<16xf32>
    %add3A_662 = arith.constant 32 : i32
    %add3A_663 = vector.broadcast %add3A_662 : i32 to vector<16xi32>
    %add3A_664 = arith.addi %add3A_663, %iota3A : vector<16xi32>
    %jit3A_665 = arith.constant 112 : i32
    %broadcast_in_dim3A_666 = vector.broadcast %jit3A_665 : i32 to vector<16xi32>
    %select_n3A_667 = arith.select %eq3A_661, %add3A_664, %broadcast_in_dim3A_666 : vector<16xi1>, vector<16xi32>
    %min3A_668 = arith.minsi %min3A_660, %select_n3A_667 : vector<16xi32>
    %eq3A_669 = arith.cmpf oeq, %add3A_615, %mul3A_642 : vector<16xf32>
    %add3A_670 = arith.constant 48 : i32
    %add3A_671 = vector.broadcast %add3A_670 : i32 to vector<16xi32>
    %add3A_672 = arith.addi %add3A_671, %iota3A : vector<16xi32>
    %jit3A_673 = arith.constant 112 : i32
    %broadcast_in_dim3A_674 = vector.broadcast %jit3A_673 : i32 to vector<16xi32>
    %select_n3A_675 = arith.select %eq3A_669, %add3A_672, %broadcast_in_dim3A_674 : vector<16xi1>, vector<16xi32>
    %min3A_676 = arith.minsi %min3A_668, %select_n3A_675 : vector<16xi32>
    %eq3A_677 = arith.cmpf oeq, %add3A_621, %mul3A_642 : vector<16xf32>
    %add3A_678 = arith.constant 64 : i32
    %add3A_679 = vector.broadcast %add3A_678 : i32 to vector<16xi32>
    %add3A_680 = arith.addi %add3A_679, %iota3A : vector<16xi32>
    %jit3A_681 = arith.constant 112 : i32
    %broadcast_in_dim3A_682 = vector.broadcast %jit3A_681 : i32 to vector<16xi32>
    %select_n3A_683 = arith.select %eq3A_677, %add3A_680, %broadcast_in_dim3A_682 : vector<16xi1>, vector<16xi32>
    %min3A_684 = arith.minsi %min3A_676, %select_n3A_683 : vector<16xi32>
    %eq3A_685 = arith.cmpf oeq, %add3A_627, %mul3A_642 : vector<16xf32>
    %add3A_686 = arith.constant 80 : i32
    %add3A_687 = vector.broadcast %add3A_686 : i32 to vector<16xi32>
    %add3A_688 = arith.addi %add3A_687, %iota3A : vector<16xi32>
    %jit3A_689 = arith.constant 112 : i32
    %broadcast_in_dim3A_690 = vector.broadcast %jit3A_689 : i32 to vector<16xi32>
    %select_n3A_691 = arith.select %eq3A_685, %add3A_688, %broadcast_in_dim3A_690 : vector<16xi1>, vector<16xi32>
    %min3A_692 = arith.minsi %min3A_684, %select_n3A_691 : vector<16xi32>
    %eq3A_693 = arith.cmpf oeq, %add3A_633, %mul3A_642 : vector<16xf32>
    %add3A_694 = arith.constant 96 : i32
    %add3A_695 = vector.broadcast %add3A_694 : i32 to vector<16xi32>
    %add3A_696 = arith.addi %add3A_695, %iota3A : vector<16xi32>
    %jit3A_697 = arith.constant 112 : i32
    %broadcast_in_dim3A_698 = vector.broadcast %jit3A_697 : i32 to vector<16xi32>
    %select_n3A_699 = arith.select %eq3A_693, %add3A_696, %broadcast_in_dim3A_698 : vector<16xi1>, vector<16xi32>
    %min3A_700 = arith.minsi %min3A_692, %select_n3A_699 : vector<16xi32>
    %broadcast_in_dim3A_701 = arith.constant 1 : i32
    %broadcast_in_dim3A_702 = vector.broadcast %broadcast_in_dim3A_701 : i32 to vector<16xi32>
    %reduce_min3A_703 = arith.constant true
    %reduce_min3A_704 = vector.broadcast %reduce_min3A_703 : i1 to vector<16xi1>
    %reduce_min3A_705 = arith.constant -2147483648 : i32
    %reduce_min3A_706 = vector.broadcast %reduce_min3A_705 : i32 to vector<16xi32>
    %reduce_min3A_707 = arith.xori %min3A_700, %reduce_min3A_706 : vector<16xi32>
    %reduce_min3A_708 = tpu.scan <min>, %reduce_min3A_707 masked %reduce_min3A_704 : vector<16xi32>, vector<16xi1> -> vector<16xi32>
    %reduce_min3A_709 = arith.xori %reduce_min3A_708, %reduce_min3A_706 : vector<16xi32>
    %reduce_min3A_710 = vector.extract %reduce_min3A_709[15] : i32 from vector<16xi32>
    %mul3A_711 = vector.broadcast %reduce_min3A_710 : i32 to vector<16xi32>
    %mul3A_712 = arith.muli %broadcast_in_dim3A_702, %mul3A_711 : vector<16xi32>
    %broadcast_in_dim3A_713 = arith.constant 111 : i32
    %broadcast_in_dim3A_714 = vector.broadcast %broadcast_in_dim3A_713 : i32 to vector<16xi32>
    %min3A_715 = arith.minsi %mul3A_712, %broadcast_in_dim3A_714 : vector<16xi32>
    %gather3A_716 = tpu.vector_load_idx %arg17[%min3A_715] : memref<112xi32, #tpu.memory_space<vmem>>[vector<16xi32>], vector<16xi32>,
    %swap3A_717 = arith.constant 0 : index
    %swap3A_718 = tpu.vector_load %arg19[%swap3A_717] {strides = array<i32>} : memref<16xi32, #tpu.memory_space<vmem>>, vector<16xi32>,
    tpu.vector_store %arg19[%swap3A_717], %gather3A_716 {strides = array<i32>} : memref<16xi32, #tpu.memory_space<vmem>>, vector<16xi32>,
    %mul3A_719 = arith.constant 112 : i32
    %mul3A_720 = arith.muli %add3A_412, %mul3A_719 : i32
    "tpu.region"() ({
      %run_scoped3A = tpu.sem_alloc : memref<!tpu.dma_semaphore, #tpu.memory_space<semaphore_mem>>
      %dma_start3A_723 = tpu.memref_slice %arg5[%mul3A_720] : memref<7168xf32, #tpu.memory_space<hbm>> -> memref<112xf32, #tpu.memory_space<hbm>>
      %dma_start3A_724 = tpu.memref_slice %arg5[%mul3A_720] : memref<7168xf32, #tpu.memory_space<hbm>> -> memref<112xf32, #tpu.memory_space<hbm>>
      tpu.enqueue_dma source(%arg16 : memref<112xf32, #tpu.memory_space<vmem>>) target(%dma_start3A_724 : memref<112xf32, #tpu.memory_space<hbm>>) target_semaphore(%run_scoped3A : memref<!tpu.dma_semaphore, #tpu.memory_space<semaphore_mem>>)
      %dma_wait3A = tpu.memref_slice %arg5[%mul3A_720] : memref<7168xf32, #tpu.memory_space<hbm>> -> memref<112xf32, #tpu.memory_space<hbm>>
      %dma_wait3A_725 = tpu.memref_slice %arg5[%mul3A_720] : memref<7168xf32, #tpu.memory_space<hbm>> -> memref<112xf32, #tpu.memory_space<hbm>>
      tpu.wait_dma2 semaphore(%run_scoped3A : memref<!tpu.dma_semaphore, #tpu.memory_space<semaphore_mem>>) src(%arg16 : memref<112xf32, #tpu.memory_space<vmem>>) dst(%dma_wait3A_725 : memref<112xf32, #tpu.memory_space<hbm>>)
      tpu.yield
    }) : () -> ()
    %mul3A_721 = arith.constant 16 : i32
    %mul3A_722 = arith.muli %add3A_412, %mul3A_721 : i32
    "tpu.region"() ({
      %run_scoped3A = tpu.sem_alloc : memref<!tpu.dma_semaphore, #tpu.memory_space<semaphore_mem>>
      %dma_start3A_723 = tpu.memref_slice %arg6[%mul3A_722] : memref<1024xi32, #tpu.memory_space<hbm>> -> memref<16xi32, #tpu.memory_space<hbm>>
      %dma_start3A_724 = tpu.memref_slice %arg6[%mul3A_722] : memref<1024xi32, #tpu.memory_space<hbm>> -> memref<16xi32, #tpu.memory_space<hbm>>
      tpu.enqueue_dma source(%arg19 : memref<16xi32, #tpu.memory_space<vmem>>) target(%dma_start3A_724 : memref<16xi32, #tpu.memory_space<hbm>>) target_semaphore(%run_scoped3A : memref<!tpu.dma_semaphore, #tpu.memory_space<semaphore_mem>>)
      %dma_wait3A = tpu.memref_slice %arg6[%mul3A_722] : memref<1024xi32, #tpu.memory_space<hbm>> -> memref<16xi32, #tpu.memory_space<hbm>>
      %dma_wait3A_725 = tpu.memref_slice %arg6[%mul3A_722] : memref<1024xi32, #tpu.memory_space<hbm>> -> memref<16xi32, #tpu.memory_space<hbm>>
      tpu.wait_dma2 semaphore(%run_scoped3A : memref<!tpu.dma_semaphore, #tpu.memory_space<semaphore_mem>>) src(%arg19 : memref<16xi32, #tpu.memory_space<vmem>>) dst(%dma_wait3A_725 : memref<16xi32, #tpu.memory_space<hbm>>)
      tpu.yield
    }) : () -> ()
    return
  }
}

</mosaic_0001>

<sc_bundles>
// kernel: kernel.3.cloned.1.call-start
scs
__scs_entry_jumppad:
0x0: {  	(pc) =	sbr.rel $0x88, $3  }
0x1: {  	(tag) =	ssettag $0x0;
	lr =	simm.s32 $0x1  }
0x2: {  	[smem:$0x3FA0] =	sst lr;
	_ =	strace $0xD0000000  }
0x3: {  	_ = 	snop  }
0x4: {  	_ = 	snop  }
0x5: {  	_ = 	snop  }
0x6: {  	_ = 	snop  }
0x7: {  	_ = 	snop  }
__scs_overlays_trampoline_lowered:
0x8: {  	[smem:$0x3FAF] =	sst s0  }
0x9: {  	[smem:$0x3FB0] =	sst s1  }
0xa: {  	[smem:$0x3FB1] =	sst s2  }
0xb: {  	[smem:$0x3FB2] =	sst s3  }
0xc: {  	[smem:$0x3FB3] =	sst s4  }
0xd: {  	[smem:$0x3FB4] =	sst s5  }
0xe: {  	[smem:$0x3FB5] =	sst s6  }
0xf: {  	[smem:$0x3FB6] =	sst s7  }
0x10: {  	[smem:$0x3FB7] =	sst s8  }
0x11: {  	[smem:$0x3FB8] =	sst s9;
	s0 =	simm.s32 @!p0 $0x0  }
0x12: {  	s1 =	sld [smem:$0x3F9E];
	s0 =	simm.s32 @p0 $0x1  }
0x13: {  	[smem:$0x3FB9] =	sst s0;
	s0 =	simm.s32 @!p1 $0x0  }
0x14: {  	s2 =	sld [smem:$0x3F9D];
	s0 =	simm.s32 @p1 $0x1  }
0x15: {  	[smem:$0x3FBA] =	sst s0;
	s0 =	simm.s32 @!p2 $0x0  }
0x16: {  	s3 =	sld [smem:$0x3FDB];
	s0 =	simm.s32 @p2 $0x1  }
0x17: {  	s4 =	simm.s32 $0x1BF5;
	[smem:$0x3FBC] =	sst s0  }
0x18: {  	s0 =	sld [smem:$0x3F9F];
	_ =	swait.ge [sflag:s4], $0x0  }
0x19: {  	s7 =	sld [smem:$0x3FA0]  }
0x1a: {  	s8 =	sadd.s32 $0xFFFFE003, lr  }
0x1b: {  	s9 =	sadd.s32 $0xFFFFFEF7, lr;
	s5 =	simm.s32 $0xFFFFFFFF;
	p2 =	slt.u32 s8, $0xFFFFF086  }
0x1c: {  	p1 =	slt.u32 s9, $0xF7A;
	s5 =	simm.s32 @!p2 $0x0  }
0x1d: {  	s5 =	simm.s32 @p1 $0x1;
	p0 =	seq.s32 s7, s2  }
0x1e: {  	s7 =	smul.u32 @!p0 $0xF7A, s2;
	p2 =	seq.s32 @!p0 s5, $0x0  }
0x1f: {  	s9 =	smul.u32 $0xF7A, s1;
	s8 =	simm.s32 @!p0 $0x1BF5;
	p2 =	por !p2, p0  }
0x20: {  	[sflag:s8] =	ssyncset.s32 @!p0 $0xFFFFF086;
	s6 =	sadd.s32 @!p0 s3, s7;
	s7 =	simm.s32 @!p0 $0x108  }
0x21: {  	s3 =	sadd.s32 s3, s9;
	s6 =	sadd.s32 @!p0 $0x88, s6;
	s7 =	simm.s32 @p2 $0x1082  }
0x22: {  	[simem:s7], [sflag:s8] =	dma.local @!p0 [hbm:s6], $0xF7A  }
0x23: {  	s9 =	sor.u32 $0xD0000000, s2;
	s6 =	simm.s32 $0x108;
	_ =	swait.ge @!p0 [sflag:s8], $0x0  }
0x24: {  	s3 =	sadd.s32 $0x88, s3;
	s6 =	simm.s32 @!p1 $0x1082;
	[sflag:s4] =	ssyncset.s32 $0xFFFFF086  }
0x25: {  	[simem:s6], [sflag:s4] =	dma.local [hbm:s3], $0xF7A  }
0x26: {  	[smem:$0x3FA0] =	sst s1;
	(tag) =	ssettag s2;
	_ =	strace s9  }
0x27: {  	s1 =	sld [smem:$0x3FB0]  }
0x28: {  	s2 =	sld [smem:$0x3FB1]  }
0x29: {  	s4 =	sld [smem:$0x3FB3]  }
0x2a: {  	p0 =	seq.s32 s5, $0x0;
	s5 =	sld [smem:$0x3FB4]  }
0x2b: {  	s6 =	sld [smem:$0x3FB5]  }
0x2c: {  	s7 =	sld [smem:$0x3FB6]  }
0x2d: {  	s3 =	simm.s32 $0x108;
	s8 =	sld [smem:$0x3FB7]  }
0x2e: {  	s3 =	simm.s32 @!p0 $0x1082;
	s9 =	sld [smem:$0x3FB8]  }
0x2f: {  	lr =	sadd.s32 s0, s3;
	s0 =	sld [smem:$0x3FAF]  }
0x30: {  	s3 =	sld [smem:$0x3FB2]  }
0x31: {  	[smem:$0x3FBB] =	sst s10  }
0x32: {  	s10 =	sld [smem:$0x3FB9];
	_ =	sdelay $0x3  }
0x33: {  	p0 =	seq.s32 s10, $0x1;
	s10 =	sld [smem:$0x3FBB];
	_ =	sdelay $0x3  }
0x34: {  	[smem:$0x3FBB] =	sst s10  }
0x35: {  	s10 =	sld [smem:$0x3FBA];
	_ =	sdelay $0x3  }
0x36: {  	p1 =	seq.s32 s10, $0x1;
	s10 =	sld [smem:$0x3FBB];
	_ =	sdelay $0x3  }
0x37: {  	[smem:$0x3FBB] =	sst s10  }
0x38: {  	s10 =	sld [smem:$0x3FBC]  }
0x39: {  	_ = 	snop;
	(pc) =	sbr.ind lr, $3  }
0x3a: {  	_ = 	snop  }
0x3b: {  	_ = 	snop  }
0x3c: {  	p2 =	seq.s32 s10, $0x1;
	s10 =	sld [smem:$0x3FBB]  }
0x3d: {  	_ =	shalt  }
0x3e: {  	_ =	shalt  }
0x3f: {  	_ =	shalt  }
0x40: {  	_ =	shalt  }
0x41: {  	_ =	shalt  }
0x42: {  	_ =	shalt  }
0x43: {  	_ =	shalt  }
0x44: {  	_ =	shalt  }
0x45: {  	_ =	shalt  }
0x46: {  	_ =	shalt  }
0x47: {  	_ =	shalt  }
0x48: {  	_ =	shalt  }
0x49: {  	_ =	shalt  }
0x4a: {  	_ =	shalt  }
0x4b: {  	_ =	shalt  }
0x4c: {  	_ =	shalt  }
0x4d: {  	_ =	shalt  }
0x4e: {  	_ =	shalt  }
0x4f: {  	_ =	shalt  }
0x50: {  	_ =	shalt  }
0x51: {  	_ =	shalt  }
0x52: {  	_ =	shalt  }
0x53: {  	_ =	shalt  }
0x54: {  	_ =	shalt  }
0x55: {  	_ =	shalt  }
0x56: {  	_ =	shalt  }
0x57: {  	_ =	shalt  }
0x58: {  	_ =	shalt  }
0x59: {  	_ =	shalt  }
0x5a: {  	_ =	shalt  }
0x5b: {  	_ =	shalt  }
0x5c: {  	_ =	shalt  }
0x5d: {  	_ =	shalt  }
0x5e: {  	_ =	shalt  }
0x5f: {  	_ =	shalt  }
0x60: {  	_ =	shalt  }
0x61: {  	_ =	shalt  }
0x62: {  	_ =	shalt  }
0x63: {  	_ =	shalt  }
0x64: {  	_ =	shalt  }
0x65: {  	_ =	shalt  }
0x66: {  	_ =	shalt  }
0x67: {  	_ =	shalt  }
0x68: {  	_ =	shalt  }
0x69: {  	_ =	shalt  }
0x6a: {  	_ =	shalt  }
0x6b: {  	_ =	shalt  }
0x6c: {  	_ =	shalt  }
0x6d: {  	_ =	shalt  }
0x6e: {  	_ =	shalt  }
0x6f: {  	_ =	shalt  }
0x70: {  	_ =	shalt  }
0x71: {  	_ =	shalt  }
0x72: {  	_ =	shalt  }
0x73: {  	_ =	shalt  }
0x74: {  	_ =	shalt  }
0x75: {  	_ =	shalt  }
0x76: {  	_ =	shalt  }
0x77: {  	_ =	shalt  }
0x78: {  	_ =	shalt  }
0x79: {  	_ =	shalt  }
0x7a: {  	_ =	shalt  }
0x7b: {  	_ =	shalt  }
0x7c: {  	_ =	shalt  }
0x7d: {  	_ =	shalt  }
0x7e: {  	_ =	shalt  }
0x7f: {  	_ =	shalt  }
0x80: {  	_ =	shalt  }
0x81: {  	_ =	shalt  }
0x82: {  	_ =	shalt  }
0x83: {  	_ =	shalt  }
0x84: {  	_ =	shalt  }
0x85: {  	_ =	shalt  }
0x86: {  	_ =	shalt  }
0x87: {  	_ =	shalt  }
.Lfunc_end0:
.L_simem_size_0:
called_computation_lowered:
.L_overlay_start_0:
0x88: {  	s2 =	sld [smem:$0x3FD9]  }
0x89: {  	s3 =	sld [smem:$0x3FFE];
	_ =	sdelay $0x1  }
0x8a: {  	s1 =	srdreg.scid  }
0x8b: {  	s0 =	sand.u32 $0x1, s1  }
0x8c: {  	s14 =	sshll.u32 s0, $0xA;
	s2 =	sadd.s32 s3, s2  }
0x8d: {  	s2 =	sadd.s32 s2, s14  }
0x8e: {  	[smem:$0x3FC7] =	sst s2  }
0x8f: {  	_ = 	snop  }
0x90: {  	s2 =	sld [smem:$0x3FD0];
	_ =	sdelay $0x2  }
0x91: {  	s4 =	simm.s32 $0xA;
	s5 =	simm.s32 $0x10;
	s15 =	sld [smem:$0x3FC9]  }
0x92: {  	[smem:s5], [sflag:s4] =	dma.local [hbm:s2], $0x1  }
0x93: {  	_ =	swait.eq [sflag:s4], $0x1  }
0x94: {  	[sflag:s4] =	ssyncset.done $0x0  }
0x95: {  	[sflag:s4] =	ssyncadd.s32 $0xFFFFFFFF  }
0x96: {  	s16 =	sld [smem:$0x11];
	(tm) =	ssettm $0x1  }
0x97: {  	s17 =	sld [smem:$0x3FFB];
	_ =	sdelay $0x3  }
0x98: {  	_ =	strace s17  }
0x99: {  	s4 =	sld [smem:$0x3FFC];
	_ =	sdelay $0x3  }
0x9a: {  	_ =	strace s4  }
0x9b: {  	s4 =	sld [smem:$0x3FFD];
	_ =	sdelay $0x3  }
0x9c: {  	_ =	strace s4  }
0x9d: {  	_ =	strace $0x8FFFFFFF  }
0x9e: {  	s18 =	sld [smem:$0x3FDB];
	_ =	sdelay $0x1  }
0x9f: {  	s19 =	simm.s32 $_scs_section_size  }
0xa0: {  	s6 =	simm.s32 $_size__tile_overlayer_lowered;
	s7 =	simm.s32 $_tile_overlayer_lowered  }
0xa1: {  	s22 =	simm.s32 $0x1BFF;
	s21 =	sshll.u32 s7, $0x1;
	s4 =	sadd.s32 s19, s18  }
0xa2: {  	s8 =	simm.s32 $0x0;
	s20 =	sshll.u32 s6, $0x1;
	s6 =	sadd.s32 s21, s4  }
0xa3: {  	[timem:s8], [sflag:s22] =	dma.local [hbm:s6], s20  }
0xa4: {  	_ =	swait.ge [sflag:s22], s20  }
0xa5: {  	s5 =	ssub.s32 $0x0, s20;
	[sflag:s22] =	ssyncset.done $0x0  }
0xa6: {  	[sflag:s22] =	ssyncadd.s32 s5;
	_ =	sdelay $0x1  }
0xa7: {  	s23 =	simm.s32 $0x1B8B  }
0xa8: {  	_ =	swait.ge [sflag:s23], $0x1  }
0xa9: {  	[sflag:s23] =	ssyncset.done $0x0  }
0xaa: {  	s25 =	simm.s32 $0x1B8E;
	s24 =	sld [smem:$0x3FFE];
	[sflag:s23] =	ssyncadd.s32 $0xFFFFFFFF  }
0xab: {  	s26 =	simm.s32 $execute0_lowered;
	[smem:$0x3FD2] =	sst s25  }
0xac: {  	s6 =	sshll.u32 s26, $0x1;
	_ =	strace $0x80000046;
	[dreg:$0x1] =	wrdreg $0xFFFFFFFF  }
0xad: {  	s28 =	simm.s32 $_size_execute0_lowered;
	s4 =	sadd.s32 s4, s6;
	[dreg:$0x0] =	wrdreg $0x0  }
0xae: {  	s6 =	sshll.u32 s28, $0x1;
	[dreg:$0x2] =	wrdreg s4  }
0xaf: {  	[dreg:$0x3] =	wrdreg s6  }
0xb0: {  	[dreg:$0x4] =	wrdreg $0xC0  }
0xb1: {  	_ =	task [dreg:s8], $0x5FFFF  }
0xb2: {  	[dreg:$0x1] =	wrdreg $0xFFFFFFFF  }
0xb3: {  	[dreg:$0x0] =	wrdreg $0x60  }
0xb4: {  	[dreg:$0x2] =	wrdreg s15  }
0xb5: {  	[dreg:$0x3] =	wrdreg s24  }
0xb6: {  	[dreg:$0x4] =	wrdreg s16  }
0xb7: {  	[dreg:$0x5] =	wrdreg $0x9  }
0xb8: {  	_ =	task.clear_ibuf [dreg:s8], $0x6FFFF;
	_ =	strace $0x90000046  }
0xb9: {  	s29 =	simm.s32 $0x9;
	_ =	strace $0x80000048  }
0xba: {  	_ =	swait.ge [sflag:s29], $0x1  }
0xbb: {  	[sflag:s29] =	ssyncadd.s32 $0xFFFFFFFF  }
0xbc: {  	_ =	strace $0x90000048  }
0xbd: {  	_ =	sfence  }
0xbe: {  	s30 =	sld [smem:$0x0];
	_ =	sdelay $0x2  }
0xbf: {  	s31 =	sshll.u32 s1, $0xD;
	s1 =	sshrl.u32 s1, $0x2  }
0xc0: {  	s3 =	sand.u32 $0x4000, s31;
	s1 =	sadd.s32 s1, s30  }
0xc1: {  	s0 =	sor.u32 s3, s0;
	s1 =	sshll.u32 s1, $0x11  }
0xc2: {  	s0 =	sor.u32 s1, s0  }
0xc3: {  	s0 =	sadd.s32 $0x8F2B, s0  }
0xc4: {  	[sflag:s0] =	ssyncadd.remote.s32 $0x1  }
0xc5: {  	_ =	sfence.sel $0xFFFF  }
0xc6: {  	[dreg:$0x0] =	wrdreg $0xFFFFFFFF;
	(pc) =	sbr.abs _section_cstart, $3  }
0xc7: {  	[dreg:$0x1] =	wrdreg $0xFFFFFFFF  }
0xc8: {  	_ =	task.clear_ibuf [dreg:s8], $0x2FFFF;
	_ =	strace $0x9FFFFFFF  }
0xc9: {  	(tm) =	ssettm $0x7FFFFFFF  }
tec
execute0_lowered:
.L_overlay_start_1:
0x0: {  	(tag) =	ssettag $0x1  }
0x1: {  	s1 =	rddreg [dreg:$0x0]  }
0x2: {  	s0 =	rddreg [dreg:$0x1]  }
0x3: {  	s2 =	rddreg [dreg:$0x2];
	s15 =	simm.s32 $0x0  }
0x4: {  	s3 =	srdreg.scid;
	s6 =	stileid.u32;
	s28 =	simm.s32 $0x7300  }
0x5: {  	s29 =	simm.s32 $0x7380;
	s30 =	simm.s32 $0x7400;
	[smem:$0x7FF] =	sst s15  }
0x6: {  	s7 =	sadd.s32 $0x400, s0;
	s3 =	sand.u32 $0x1, s3;
	s4 =	sshrl.u32 s6, $0x1  }
0x7: {  	s6 =	sshll.u32 s6, $0x1;
	s9 =	sadd.s32 $0x200, s0;
	_ =	strace $0x80000047  }
0x8: {  	s5 =	ssub.s32 $0x2, s3;
	s8 =	smul.u32 $0x7A1400, s4;
	s3 =	sor.u32 s3, s6  }
0x9: {  	s17 =	sshrl.u32 s5, $0x1;
	s19 =	sshll.u32 s3, $0x8;
	s11 =	sshllo.u32 s3, $0x1  }
0xa: {  	s12 =	sshll.u32 s3, $0x4;
	s14 =	smul.u32 $0x1C, s3;
	s22 =	sshll.u32 s3, $0x2  }
0xb: {  	s10 =	ssub.s32 s5, s17;
	s18 =	sshrl.u32 s8, $0x3;
	s5 =	sand.u32 $0x300, s19  }
0xc: {  	s13 =	sshll.u32 s11, $0x3;
	s6 =	sadd.s32 $0x3000, s8;
	s20 =	sadd.s32 s0, s12  }
0xd: {  	s23 =	smul.u32 $0xE, s11;
	s25 =	sshll.u32 s11, $0x1;
	s17 =	simm.s32 $0x1800  }
0xe: {  	s19 =	simm.s32 $0x3080;
	[dreg:$0x4] =	wrdreg s20;
	s0 =	sadd.s32 s0, s13  }
0xf: {  	s4 =	sadd.s32 s1, s18;
	s21 =	sadd.s32 s2, s14;
	[dreg:$0x5] =	wrdreg s0  }
0x10: {  	s24 =	sadd.s32 s7, s14;
	s31 =	smax.u32 s10, $0x1;
	[dreg:$0x6] =	wrdreg s21  }
0x11: {  	s16 =	sor.u32 $0x1800, s5;
	s18 =	simm.s32 $0x1;
	[dreg:$0x7] =	wrdreg s24  }
0x12: {  	v0 =	vlaneseq.u32;
	s20 =	simm.s32 $0x4100;
	s0 =	sadd.s32 s9, s22;
	[dreg:$0xc] =	wrdreg s31  }
0x13: {  	v1 =	vimm.f32 $0.0e+00;
	v2 =	vimm.s32 $0x0;
	v10 =	vimm.s32 $0x80000000;
	s2 =	sadd.s32 s2, s23;
	s26 =	sadd.s32 s7, s23;
	[dreg:$0x8] =	wrdreg s0  }
0x14: {  	v11 =	vimm.f32 $-Inf;
	v3 =	vor.u32 $0x10, v0;
	v4 =	vor.u32 $0x20, v0;
	s21 =	simm.s32 $0x5180;
	s22 =	simm.s32 $0x6200;
	[dreg:$0x9] =	wrdreg s2  }
0x15: {  	v5 =	vor.u32 $0x30, v0;
	v6 =	vor.u32 $0x40, v0;
	v7 =	vor.u32 $0x50, v0;
	s23 =	simm.s32 $0x2;
	[dreg:$0xa] =	wrdreg s26;
	s0 =	sadd.s32 s9, s25  }
0x16: {  	v8 =	vor.u32 $0x60, v0;
	v9 =	vor.u32 $0x70, v0;
	v12 =	vmov s16;
	s26 =	simm.s32 $0x7280;
	s2 =	simm.s32 $0x0;
	[dreg:$0xb] =	wrdreg s0  }
.LBB2_1:
.Ltmp0:
0x17: {  	(pc) =	sbr.rel .LBB2_2-.Ltmp0, $3  }
0x18: {  	_ =	sdelay $0x1  }
0x19: {  	[tilespmem:s15], [sflag:$0x1] =	stream.linear.gather [hbm4b:s4+s15], $0x1800, $0x38;
	v15 =	vimm.f32 $-Inf;
	[tilespmem:$0x7580] =	vst v63  }
0x1a: {  	[dreg:$0xd] =	wrdreg s2;
	v13 =	vimm.s32 $0x0;
	v16 =	vimm.f32 $-Inf;
	v14 =	vimm.s32 $0x0;
	s24 =	simm.s32 $0x0  }
.LBB2_90:
0x1b: {  	s24 =	sadd.s32 $0x1, s24  }
0x1c: {  	p0 =	sne.s32 s24, $0x28B  }
.Ltmp1:
0x1d: {  	_ = 	snop;
	(pc) =	sbr.rel @!p0 .LBB2_91-.Ltmp1, $1  }
0x1e: {  	_ =	sdelay $0x3  }
.LBB2_2:
0x1f: {  	s0 =	smul.u32 $0x600, s24;
	_ =	sdelay $0x1  }
0x20: {  	s31 =	sadd.s32 $0x300, s0  }
.Ltmp2:
0x21: {  	s7 =	simm.s32 $0x0;
	s2 =	sadd.s32 s31, s4;
	(pc) =	sbr.rel .LBB2_3-.Ltmp2, $4  }
0x22: {  	[tilespmem:s17], [sflag:$0x2] =	stream.linear.gather [hbm4b:s2+s7], $0x1800, $0x38;
	[tilespmem:$0x7580] =	vst v63  }
0x23: {  	_ =	swait.ge [sflag:s18], $0x1800  }
0x24: {  	[sflag:s18] =	ssyncset.done $0x0  }
0x25: {  	[sflag:s18] =	ssyncadd.s32 $0xFFFFE800  }
.LBB2_43:
0x26: {  	_ =	sdelay $0x4  }
0x27: {  	[tilespmem:v18+s22+$0x0] =	vst.idx.msk vm0, v19  }
.LBB2_44:
0x28: {  	vm0 =	vgt.s32 v15, $0xFFFFFFFF  }
0x29: {  	v13 =	vsel vm0, $0xFFFFFFFF, v10;
	_ =	sdelay $0x2  }
0x2a: {  	v15 =	vxor.u32 v15, v13;
	v13 =	vmov v17  }
.LBB2_45:
0x2b: {  	s7 =	sadd.s32 $0x1, s7  }
0x2c: {  	p0 =	sne.s32 s7, $0x6  }
.Ltmp3:
0x2d: {  	_ = 	snop;
	(pc) =	sbr.rel @!p0 .LBB2_46-.Ltmp3, $1  }
0x2e: {  	_ =	sdelay $0x3  }
.LBB2_3:
0x2f: {  	s2 =	sshll.u32 s7, $0xA  }
0x30: {  	s2 =	sand.u32 $0x3FFFFC00, s2  }
0x31: {  	s8 =	sor.u32 s2, s5  }
0x32: {  	v17 =	vld [tilespmem:s8+$0x10]  }
0x33: {  	v18 =	vld [tilespmem:s8+$0x20]  }
0x34: {  	v19 =	vld [tilespmem:s8+$0x30]  }
0x35: {  	v20 =	vld [tilespmem:s8+$0x40]  }
0x36: {  	v21 =	vld [tilespmem:s8+$0x50]  }
0x37: {  	v22 =	vld [tilespmem:s8+$0x60]  }
0x38: {  	vm0 =	vgt.f32 v17, v16;
	vm1 =	vgt.f32 v18, v16;
	v17 =	vld [tilespmem:s8+$0x70]  }
0x39: {  	vm0 =	vmor vm0, vm1;
	vm1 =	vgt.f32 v19, v16;
	v19 =	vld [tilespmem:s8+$0x0]  }
0x3a: {  	vm2 =	vgt.f32 v20, v16;
	vm0 =	vmor vm0, vm1  }
0x3b: {  	vm1 =	vgt.f32 v21, v16;
	vm0 =	vmor vm0, vm2  }
0x3c: {  	vm0 =	vmor vm0, vm1;
	vm1 =	vgt.f32 v22, v16  }
0x3d: {  	vm1 =	vmor vm0, vm1;
	vm2 =	vgt.f32 v17, v16  }
0x3e: {  	vm0 =	vgt.f32 v19, v16;
	vm1 =	vmor vm1, vm2  }
0x3f: {  	vm1 =	vmor vm0, vm1  }
0x40: {  	v17 =	vsel vm1, $0x3F800000, v1  }
0x41: {  	(xrf0) =	vmax.scan.msk.f32 $0xffff, v17;
	_ =	sdelay $0x5  }
0x42: {  	v17, _, _ =	vpop (xrf0)  }
0x43: {  	(v2sf) =	vpush v17, $0xF;
	_ =	sdelay $0xe  }
0x44: {  	s15 =	spop (v2sf)  }
0x45: {  	p0 =	sgt.f32 s15, $0.0e+00  }
.Ltmp4:
0x46: {  	_ = 	snop;
	(pc) =	sbr.rel @!p0 .LBB2_5-.Ltmp4, $4  }
0x47: {  	_ = 	snop  }
0x48: {  	s25 =	sshll.u32 s7, $0x7  }
0x49: {  	s2 =	sadd.s32 s0, s25  }
0x4a: {  	v18 =	vor.u32 s2, v0;
	v17 =	vmov s2  }
0x4b: {  	v20 =	vsel vm0, $0x1, v2  }
0x4c: {  	(xrf0) =	vadd.scan.msk.s32 $0xffff, v20;
	_ =	sdelay $0x5  }
0x4d: {  	v20, _, _ =	vpop (xrf0)  }
0x4e: {  	v20 =	vadd.s32 v20, v14  }
0x4f: {  	v20 =	vadd.s32 $0xFFFFFFFF, v20  }
0x50: {  	vm1 =	vlt.s32 v20, $0x100F  }
0x51: {  	v20 =	vnsel vm1, $0x100F, v20;
	_ =	sdelay $0x4  }
0x52: {  	[tilespmem:v20+s19+$0x0] =	vst.idx.msk vm0, v19  }
0x53: {  	[tilespmem:v20+s20+$0x0] =	vst.idx.msk vm0, v18  }
0x54: {  	v19 =	vld [tilespmem:s8+$0x10];
	_ =	sdelay $0x4  }
0x55: {  	vm6 =	vgt.f32 v19, v16  }
0x56: {  	v20 =	vsel vm6, $0x1, v2  }
0x57: {  	(xrf0) =	vadd.scan.msk.s32 $0xffff, v20;
	_ =	sdelay $0x1  }
0x58: {  	v20 =	vmpcnt.ones.xlane vm0;
	_ =	sdelay $0x1  }
0x59: {  	v14 =	vadd.s32 v14, v20  }
0x5a: {  	vm7 =	vlt.s32 v14, $0x1000  }
0x5b: {  	v14 =	vnsel vm7, $0x1000, v14;
	v20, _, _ =	vpop (xrf0)  }
0x5c: {  	v20 =	vadd.s32 v20, v14  }
0x5d: {  	v20 =	vadd.s32 $0xFFFFFFFF, v20  }
0x5e: {  	vm8 =	vlt.s32 v20, $0x100F  }
0x5f: {  	v20 =	vnsel vm8, $0x100F, v20;
	_ =	sdelay $0x4  }
0x60: {  	[tilespmem:v20+s19+$0x0] =	vst.idx.msk vm6, v19;
	v19 =	vor.u32 v3, v17  }
0x61: {  	[tilespmem:v20+s20+$0x0] =	vst.idx.msk vm6, v19  }
0x62: {  	v19 =	vld [tilespmem:s8+$0x20];
	_ =	sdelay $0x4  }
0x63: {  	vm9 =	vgt.f32 v19, v16  }
0x64: {  	v20 =	vsel vm9, $0x1, v2  }
0x65: {  	(xrf0) =	vadd.scan.msk.s32 $0xffff, v20;
	_ =	sdelay $0x1  }
0x66: {  	v20 =	vmpcnt.ones.xlane vm6;
	_ =	sdelay $0x1  }
0x67: {  	v14 =	vadd.s32 v14, v20  }
0x68: {  	vm10 =	vlt.s32 v14, $0x1000  }
0x69: {  	v14 =	vnsel vm10, $0x1000, v14;
	v20, _, _ =	vpop (xrf0)  }
0x6a: {  	v20 =	vadd.s32 v20, v14  }
0x6b: {  	v20 =	vadd.s32 $0xFFFFFFFF, v20  }
0x6c: {  	vm11 =	vlt.s32 v20, $0x100F  }
0x6d: {  	v20 =	vnsel vm11, $0x100F, v20;
	_ =	sdelay $0x4  }
0x6e: {  	[tilespmem:v20+s19+$0x0] =	vst.idx.msk vm9, v19;
	v19 =	vor.u32 v4, v17  }
0x6f: {  	[tilespmem:v20+s20+$0x0] =	vst.idx.msk vm9, v19  }
0x70: {  	v19 =	vld [tilespmem:s8+$0x30];
	_ =	sdelay $0x4  }
0x71: {  	vm12 =	vgt.f32 v19, v16  }
0x72: {  	v20 =	vsel vm12, $0x1, v2  }
0x73: {  	(xrf0) =	vadd.scan.msk.s32 $0xffff, v20;
	_ =	sdelay $0x1  }
0x74: {  	v20 =	vmpcnt.ones.xlane vm9;
	_ =	sdelay $0x1  }
0x75: {  	v14 =	vadd.s32 v14, v20  }
0x76: {  	vm13 =	vlt.s32 v14, $0x1000  }
0x77: {  	v14 =	vnsel vm13, $0x1000, v14;
	v20, _, _ =	vpop (xrf0)  }
0x78: {  	v20 =	vadd.s32 v20, v14  }
0x79: {  	v20 =	vadd.s32 $0xFFFFFFFF, v20  }
0x7a: {  	vm14 =	vlt.s32 v20, $0x100F  }
0x7b: {  	v20 =	vnsel vm14, $0x100F, v20;
	_ =	sdelay $0x4  }
0x7c: {  	[tilespmem:v20+s19+$0x0] =	vst.idx.msk vm12, v19;
	v19 =	vor.u32 v5, v17  }
0x7d: {  	[tilespmem:v20+s20+$0x0] =	vst.idx.msk vm12, v19  }
0x7e: {  	v19 =	vld [tilespmem:s8+$0x40];
	_ =	sdelay $0x4  }
0x7f: {  	vm15 =	vgt.f32 v19, v16  }
0x80: {  	v20 =	vsel vm15, $0x1, v2  }
0x81: {  	(xrf0) =	vadd.scan.msk.s32 $0xffff, v20;
	_ =	sdelay $0x1  }
0x82: {  	v20 =	vmpcnt.ones.xlane vm12;
	_ =	sdelay $0x1  }
0x83: {  	v14 =	vadd.s32 v14, v20  }
0x84: {  	vm4 =	vlt.s32 v14, $0x1000  }
0x85: {  	v14 =	vnsel vm4, $0x1000, v14;
	v20, _, _ =	vpop (xrf0)  }
0x86: {  	v20 =	vadd.s32 v20, v14  }
0x87: {  	v20 =	vadd.s32 $0xFFFFFFFF, v20  }
0x88: {  	vm5 =	vlt.s32 v20, $0x100F  }
0x89: {  	v20 =	vnsel vm5, $0x100F, v20;
	_ =	sdelay $0x4  }
0x8a: {  	[tilespmem:v20+s19+$0x0] =	vst.idx.msk vm15, v19;
	v19 =	vor.u32 v6, v17  }
0x8b: {  	[tilespmem:v20+s20+$0x0] =	vst.idx.msk vm15, v19  }
0x8c: {  	v19 =	vld [tilespmem:s8+$0x50];
	_ =	sdelay $0x4  }
0x8d: {  	vm6 =	vgt.f32 v19, v16  }
0x8e: {  	v20 =	vsel vm6, $0x1, v2  }
0x8f: {  	(xrf0) =	vadd.scan.msk.s32 $0xffff, v20;
	_ =	sdelay $0x1  }
0x90: {  	v20 =	vmpcnt.ones.xlane vm15;
	_ =	sdelay $0x1  }
0x91: {  	v14 =	vadd.s32 v14, v20  }
0x92: {  	vm7 =	vlt.s32 v14, $0x1000  }
0x93: {  	v14 =	vnsel vm7, $0x1000, v14;
	v20, _, _ =	vpop (xrf0)  }
0x94: {  	v20 =	vadd.s32 v20, v14  }
0x95: {  	v20 =	vadd.s32 $0xFFFFFFFF, v20  }
0x96: {  	vm8 =	vlt.s32 v20, $0x100F  }
0x97: {  	v20 =	vnsel vm8, $0x100F, v20;
	_ =	sdelay $0x4  }
0x98: {  	[tilespmem:v20+s19+$0x0] =	vst.idx.msk vm6, v19;
	v19 =	vor.u32 v7, v17  }
0x99: {  	[tilespmem:v20+s20+$0x0] =	vst.idx.msk vm6, v19  }
0x9a: {  	v19 =	vld [tilespmem:s8+$0x60];
	_ =	sdelay $0x4  }
0x9b: {  	vm9 =	vgt.f32 v19, v16  }
0x9c: {  	v20 =	vsel vm9, $0x1, v2  }
0x9d: {  	(xrf0) =	vadd.scan.msk.s32 $0xffff, v20;
	_ =	sdelay $0x1  }
0x9e: {  	v20 =	vmpcnt.ones.xlane vm6;
	_ =	sdelay $0x1  }
0x9f: {  	v14 =	vadd.s32 v14, v20  }
0xa0: {  	vm10 =	vlt.s32 v14, $0x1000  }
0xa1: {  	v14 =	vnsel vm10, $0x1000, v14;
	v20, _, _ =	vpop (xrf0)  }
0xa2: {  	v20 =	vadd.s32 v20, v14  }
0xa3: {  	v20 =	vadd.s32 $0xFFFFFFFF, v20  }
0xa4: {  	vm11 =	vlt.s32 v20, $0x100F  }
0xa5: {  	v20 =	vnsel vm11, $0x100F, v20;
	_ =	sdelay $0x4  }
0xa6: {  	[tilespmem:v20+s19+$0x0] =	vst.idx.msk vm9, v19;
	v19 =	vor.u32 v8, v17  }
0xa7: {  	[tilespmem:v20+s20+$0x0] =	vst.idx.msk vm9, v19  }
0xa8: {  	v19 =	vld [tilespmem:s8+$0x70];
	_ =	sdelay $0x4  }
0xa9: {  	vm12 =	vgt.f32 v19, v16  }
0xaa: {  	v20 =	vsel vm12, $0x1, v2  }
0xab: {  	(xrf0) =	vadd.scan.msk.s32 $0xffff, v20;
	_ =	sdelay $0x1  }
0xac: {  	v20 =	vmpcnt.ones.xlane vm9;
	_ =	sdelay $0x1  }
0xad: {  	v14 =	vadd.s32 v14, v20  }
0xae: {  	vm13 =	vlt.s32 v14, $0x1000  }
0xaf: {  	v14 =	vnsel vm13, $0x1000, v14;
	v20, _, _ =	vpop (xrf0)  }
0xb0: {  	v20 =	vadd.s32 v20, v14  }
0xb1: {  	v20 =	vadd.s32 $0xFFFFFFFF, v20  }
0xb2: {  	vm14 =	vlt.s32 v20, $0x100F  }
0xb3: {  	v20 =	vnsel vm14, $0x100F, v20;
	_ =	sdelay $0x1  }
0xb4: {  	v21 =	vmpcnt.ones.xlane vm12;
	_ =	sdelay $0x1  }
0xb5: {  	v14 =	vadd.s32 v14, v21  }
0xb6: {  	vm15 =	vlt.s32 v14, $0x1000;
	[tilespmem:v20+s19+$0x0] =	vst.idx.msk vm12, v19;
	v19 =	vor.u32 v9, v17  }
0xb7: {  	v14 =	vnsel vm15, $0x1000, v14;
	[tilespmem:v20+s20+$0x0] =	vst.idx.msk vm12, v19  }
.LBB2_5:
0xb8: {  	(v2sf) =	vpush v14, $0x0;
	_ =	sdelay $0xe  }
0xb9: {  	s2 =	spop (v2sf)  }
0xba: {  	p0 =	slt.s32 s2, $0xF80  }
.Ltmp5:
0xbb: {  	_ = 	snop;
	(pc) =	sbr.rel @p0 .LBB2_24-.Ltmp5, $1  }
0xbc: {  	_ =	sdelay $0x3  }
0xbd: {  	v16 =	vxor.u32 $0x80000000, v14  }
0xbe: {  	(xrf0) =	vmax.scan.msk.u32 $0xffff, v16;
	_ =	sdelay $0x5  }
0xbf: {  	v16, _, _ =	vpop (xrf0)  }
0xc0: {  	(v2sf) =	vpush v16, $0xF;
	_ =	sdelay $0xe  }
0xc1: {  	s2 =	spop (v2sf)  }
0xc2: {  	s9 =	sadd.s32 $0x7FFFFF7F, s2  }
0xc3: {  	p1 =	sgt.u32 s9, $0xFFFFFFE2  }
.Ltmp6:
0xc4: {  	_ = 	snop;
	(pc) =	sbr.rel @p1 .LBB2_19-.Ltmp6, $4  }
0xc5: {  	_ = 	snop  }
0xc6: {  	s3 =	sadd.s32 $0x8000000F, s2  }
0xc7: {  	s10 =	sshra.s32 s3, $0x4  }
0xc8: {  	s11 =	simm.s32 $0x0;
	s9 =	simm.s32 $0x0;
	p0 =	slt.s32 s10, $0x1  }
.Ltmp7:
0xc9: {  	(pc) =	sbr.rel .LBB2_8-.Ltmp7, $3  }
0xca: {  	_ =	sdelay $0x1  }
0xcb: {  	s12 =	sxor.u32 $0x80000000, s2;
	s13 =	simm.s32 $0x0  }
0xcc: {  	s15 =	simm.s32 $0xFFFFFFFF;
	s2 =	simm.s32 $0xFFFFFFFF;
	s11 =	simm.s32 $0x0  }
.LBB2_9:
0xcd: {  	v16 =	vimm.s32 $0x80000000  }
.LBB2_17:
0xce: {  	(xrf0) =	vmax.scan.msk.u32 $0xffff, v16;
	_ =	sdelay $0x5  }
0xcf: {  	v16, _, _ =	vpop (xrf0)  }
0xd0: {  	(v2sf) =	vpush v16, $0xF;
	_ =	sdelay $0xe  }
0xd1: {  	s2 =	spop (v2sf)  }
0xd2: {  	s2 =	sxor.u32 $0x80000000, s2  }
0xd3: {  	p1 =	sgt.s32 s2, $0x63  }
0xd4: {  	s11 =	smov.u32 @p1 s14;
	s14 =	smov.u32 @p1 s15  }
0xd5: {  	s12 =	smov.u32 @p1 s2;
	s2 =	ssub.s32 s14, s11  }
0xd6: {  	s3 =	sadd.s32 $0xFFFFFF7F, s12;
	p1 =	slt.u32 s2, $0x2  }
0xd7: {  	p2 =	slt.u32 @!p1 s3, $0xFFFFFFE3  }
0xd8: {  	p2 =	por p1, !p2  }
.Ltmp8:
0xd9: {  	_ = 	snop;
	(pc) =	sbr.rel @p2 .LBB2_18-.Ltmp8, $2  }
0xda: {  	_ =	sdelay $0x2  }
0xdb: {  	s15 =	smov.u32 s14  }
.LBB2_8:
.Ltmp9:
0xdc: {  	(pc) =	sbr.rel @p0 .LBB2_9-.Ltmp9, $3  }
0xdd: {  	_ =	sdelay $0x1  }
0xde: {  	s2 =	sshrl.u32 s2, $0x1  }
0xdf: {  	s14 =	sadd.s32 s11, s2  }
0xe0: {  	s2 =	simm.s32 $0x3080  }
0xe1: {  	p2 =	sne.s32 s10, $0x1;
	v24 =	vld [tilespmem:s2+$0x0]  }
.Ltmp10:
0xe2: {  	_ = 	snop;
	(pc) =	sbr.rel @!p2 .LBB2_11-.Ltmp10, $2  }
0xe3: {  	_ =	sdelay $0x2  }
0xe4: {  	v19 =	vmov s14;
	v16 =	vimm.s32 $0x0;
	s3 =	simm.s32 $0x3090;
	p1 =	por $0x0, $0x0;
	s2 =	sadd.s32 $0xFFFFFFFF, s10;
	v22 =	vshra.s32 v24, $0x1F  }
0xe5: {  	v23 =	vld [tilespmem:s3+$0x0];
	v20 =	vor.u32 $0x80000000, v22;
	p2 =	sne.s32 s2, $0x1  }
.Ltmp11:
0xe6: {  	v21 =	vor.u32 s13, v0;
	v20 =	vxor.u32 v24, v20;
	(pc) =	sbr.rel @!p2 .LBB2_13-.Ltmp11, $4  }
0xe7: {  	vm0 =	vlt.s32 v21, v14;
	vm1 =	vgt.u32 v20, v19  }
0xe8: {  	vm0 =	vmand vm0, vm1  }
0xe9: {  	s2 =	sadd.s32 $0xFFFFFFFF, s2;
	v21 =	vmpcnt.ones.xlane vm0  }
0xea: {  	s25 =	simm.s32 $0x30A0;
	p1 =	por $0x1, $0x1;
	s3 =	simm.s32 $0x0;
	v20 =	vimm.s32 $0x0;
	v22 =	vshra.s32 v23, $0x1F  }
.LBB2_14:
0xeb: {  	v24 =	vld [tilespmem:s25+$0x0];
	p2 =	sne.s32 s2, $0x1;
	s2 =	sadd.s32 $0xFFFFFFFF, s2;
	v22 =	vor.u32 $0x80000000, v22;
	v20 =	vadd.s32 v20, v21;
	s3 =	sadd.s32 $0x10, s3  }
.Ltmp12:
0xec: {  	v21 =	vxor.u32 v23, v22;
	v22 =	vor.u32 s3, v0;
	(pc) =	sbr.rel @p2 .LBB2_14-.Ltmp12, $4  }
0xed: {  	vm0 =	vlt.s32 v22, v14;
	vm1 =	vgt.u32 v21, v19  }
0xee: {  	vm0 =	vmand vm0, vm1  }
0xef: {  	v21 =	vmpcnt.ones.xlane vm0  }
0xf0: {  	s25 =	sadd.s32 $0x10, s25;
	v22 =	vshra.s32 v24, $0x1F;
	v23 =	vmov v24  }
0xf1: {  	v24 =	vmov v23  }
.LBB2_16:
0xf2: {  	s2 =	sadd.s32 @p1 $0x10, s3;
	s3 =	simm.s32 $0x0  }
0xf3: {  	v22 =	vor.u32 $0x80000000, v22;
	s3 =	smov.u32 @p1 s2  }
0xf4: {  	v22 =	vxor.u32 v24, v22;
	v23 =	vor.u32 s3, v0  }
0xf5: {  	vm1 =	vgt.u32 v22, v19;
	vm0 =	vlt.s32 v23, v14  }
.Ltmp13:
0xf6: {  	vm0 =	vmand vm0, vm1;
	(pc) =	sbr.rel .LBB2_17-.Ltmp13, $4  }
0xf7: {  	v19 =	vadd.s32 @p1 v20, v21;
	v20 =	vmpcnt.ones.xlane vm0  }
0xf8: {  	v16 =	vpsel p1, v19, v16  }
0xf9: {  	v16 =	vadd.s32 v16, v20  }
0xfa: {  	v16 =	vxor.u32 $0x80000000, v16  }
.LBB2_11:
.Ltmp14:
0xfb: {  	(pc) =	sbr.rel .LBB2_16-.Ltmp14, $2  }
0xfc: {  	_ =	sdelay $0x2  }
0xfd: {  	v20 =	vimm.s32 $0x0;
	s3 =	simm.s32 $0x0  }
.LBB2_13:
.Ltmp15:
0xfe: {  	(pc) =	sbr.rel .LBB2_16-.Ltmp15, $2  }
0xff: {  	_ =	sdelay $0x2  }
0x100: {  	v20 =	vimm.s32 $0x0;
	s3 =	simm.s32 $0x0;
	v24 =	vmov v23  }
.LBB2_18:
0x101: {  	s11 =	smov.u32 @p1 s11  }
.LBB2_19:
.Ltmp16:
0x102: {  	(pc) =	sbr.rel @p0 .LBB2_23-.Ltmp16, $2  }
0x103: {  	_ =	sdelay $0x2  }
0x104: {  	v16 =	vmov s11;
	v19 =	vimm.s32 $0x0  }
0x105: {  	s11 =	simm.s32 $0x3080  }
0x106: {  	v22 =	vld [tilespmem:s11+$0x0];
	_ =	sdelay $0x4  }
0x107: {  	v20 =	vshra.s32 v22, $0x1F  }
0x108: {  	v20 =	vor.u32 $0x80000000, v20  }
0x109: {  	v21 =	vor.u32 s9, v0;
	v20 =	vxor.u32 v22, v20  }
0x10a: {  	vm0 =	vlt.s32 v21, v14;
	vm1 =	vgt.u32 v20, v16  }
0x10b: {  	vm0 =	vmand vm0, vm1  }
0x10c: {  	v20 =	vsel vm0, $0x1, v2  }
0x10d: {  	(xrf0) =	vadd.scan.msk.s32 $0xffff, v20;
	_ =	sdelay $0x5  }
0x10e: {  	v20, _, _ =	vpop (xrf0)  }
0x10f: {  	v20 =	vadd.s32 v20, v19  }
0x110: {  	v20 =	vadd.s32 $0xFFFFFFFF, v20  }
0x111: {  	v21 =	vmpcnt.ones.xlane vm0;
	vm1 =	vlt.s32 v20, $0xFFF  }
0x112: {  	s12 =	simm.s32 $0x4100;
	p0 =	sne.s32 s10, $0x1;
	v20 =	vnsel vm1, $0xFFF, v20  }
.Ltmp17:
0x113: {  	v19 =	vadd.s32 v19, v21;
	v21 =	vld [tilespmem:s12+$0x0];
	(pc) =	sbr.rel @!p0 .LBB2_22-.Ltmp17, $3  }
0x114: {  	_ =	sdelay $0x1  }
0x115: {  	vm1 =	vlt.s32 v19, $0x1000  }
0x116: {  	s10 =	sadd.s32 $0xFFFFFFFF, s10;
	v19 =	vnsel vm1, $0x1000, v19;
	[tilespmem:v20+s19+$0x0] =	vst.idx.msk vm0, v22  }
.LBB2_21:
0x117: {  	[tilespmem:v20+s20+$0x0] =	vst.idx.msk vm0, v21;
	s11 =	sadd.s32 $0x10, s11;
	s12 =	sadd.s32 $0x10, s12;
	s9 =	sadd.s32 $0x10, s9;
	v20 =	vmov v19  }
0x118: {  	p0 =	sne.s32 s10, $0x1;
	s10 =	sadd.s32 $0xFFFFFFFF, s10;
	v22 =	vld [tilespmem:s11+$0x0];
	_ =	sdelay $0x4  }
0x119: {  	v21 =	vshra.s32 v22, $0x1F  }
0x11a: {  	v21 =	vor.u32 $0x80000000, v21  }
0x11b: {  	v23 =	vor.u32 s9, v0;
	v21 =	vxor.u32 v22, v21  }
0x11c: {  	vm0 =	vlt.s32 v23, v14;
	vm1 =	vgt.u32 v21, v16  }
0x11d: {  	vm0 =	vmand vm0, vm1  }
0x11e: {  	v21 =	vsel vm0, $0x1, v2;
	v23 =	vmpcnt.ones.xlane vm0  }
0x11f: {  	(xrf0) =	vadd.scan.msk.s32 $0xffff, v21  }
0x120: {  	v19 =	vadd.s32 v19, v23  }
0x121: {  	vm1 =	vlt.s32 v19, $0x1000  }
0x122: {  	v19 =	vnsel vm1, $0x1000, v19;
	_ =	sdelay $0x2  }
0x123: {  	v21, _, _ =	vpop (xrf0)  }
0x124: {  	v20 =	vadd.s32 v21, v20  }
0x125: {  	v20 =	vadd.s32 $0xFFFFFFFF, v20  }
0x126: {  	vm1 =	vlt.s32 v20, $0xFFF  }
0x127: {  	v20 =	vnsel vm1, $0xFFF, v20  }
.Ltmp18:
0x128: {  	v21 =	vld [tilespmem:s12+$0x0];
	(pc) =	sbr.rel @p0 .LBB2_21-.Ltmp18, $2  }
0x129: {  	_ =	sdelay $0x2  }
0x12a: {  	[tilespmem:v20+s19+$0x0] =	vst.idx.msk vm0, v22  }
.LBB2_22:
0x12b: {  	_ =	sdelay $0x4  }
0x12c: {  	[tilespmem:v20+s20+$0x0] =	vst.idx.msk vm0, v21  }
.LBB2_23:
0x12d: {  	vm0 =	vgt.s32 v16, $0xFFFFFFFF  }
0x12e: {  	v14 =	vsel vm0, $0xFFFFFFFF, v10;
	_ =	sdelay $0x2  }
0x12f: {  	v16 =	vxor.u32 v16, v14;
	v14 =	vmov v19  }
.LBB2_24:
0x130: {  	v19 =	vld [tilespmem:s8+$0x90]  }
0x131: {  	v20 =	vld [tilespmem:s8+$0xA0]  }
0x132: {  	v21 =	vld [tilespmem:s8+$0xB0]  }
0x133: {  	v22 =	vld [tilespmem:s8+$0xC0]  }
0x134: {  	v23 =	vld [tilespmem:s8+$0xD0]  }
0x135: {  	v24 =	vld [tilespmem:s8+$0xE0]  }
0x136: {  	vm0 =	vgt.f32 v19, v15;
	vm1 =	vgt.f32 v20, v15;
	v20 =	vld [tilespmem:s8+$0xF0]  }
0x137: {  	v19 =	vld [tilespmem:s8+$0x80];
	vm0 =	vmor vm0, vm1;
	vm1 =	vgt.f32 v21, v15  }
0x138: {  	vm2 =	vgt.f32 v22, v15;
	vm0 =	vmor vm0, vm1  }
0x139: {  	vm1 =	vgt.f32 v23, v15;
	vm0 =	vmor vm0, vm2  }
0x13a: {  	vm2 =	vgt.f32 v24, v15;
	vm0 =	vmor vm0, vm1  }
0x13b: {  	vm1 =	vmor vm0, vm2;
	vm2 =	vgt.f32 v20, v15  }
0x13c: {  	vm0 =	vgt.f32 v19, v15;
	vm1 =	vmor vm1, vm2  }
0x13d: {  	vm1 =	vmor vm0, vm1  }
0x13e: {  	v20 =	vsel vm1, $0x3F800000, v1  }
0x13f: {  	(xrf0) =	vmax.scan.msk.f32 $0xffff, v20;
	_ =	sdelay $0x5  }
0x140: {  	v20, _, _ =	vpop (xrf0)  }
0x141: {  	(v2sf) =	vpush v20, $0xF;
	_ =	sdelay $0xe  }
0x142: {  	s2 =	spop (v2sf)  }
0x143: {  	p0 =	sgt.f32 s2, $0.0e+00  }
.Ltmp19:
0x144: {  	_ = 	snop;
	(pc) =	sbr.rel @!p0 .LBB2_26-.Ltmp19, $1  }
0x145: {  	_ =	sdelay $0x3  }
0x146: {  	v20 =	vsel vm0, $0x1, v2  }
0x147: {  	(xrf0) =	vadd.scan.msk.s32 $0xffff, v20;
	_ =	sdelay $0x5  }
0x148: {  	v20, _, _ =	vpop (xrf0)  }
0x149: {  	v20 =	vadd.s32 v20, v13  }
0x14a: {  	v20 =	vadd.s32 $0xFFFFFFFF, v20  }
0x14b: {  	vm1 =	vlt.s32 v20, $0x100F  }
0x14c: {  	v20 =	vnsel vm1, $0x100F, v20;
	_ =	sdelay $0x4  }
0x14d: {  	[tilespmem:v20+s21+$0x0] =	vst.idx.msk vm0, v19  }
0x14e: {  	[tilespmem:v20+s22+$0x0] =	vst.idx.msk vm0, v18  }
0x14f: {  	v18 =	vld [tilespmem:s8+$0x90];
	_ =	sdelay $0x4  }
0x150: {  	vm6 =	vgt.f32 v18, v15  }
0x151: {  	v19 =	vsel vm6, $0x1, v2  }
0x152: {  	(xrf0) =	vadd.scan.msk.s32 $0xffff, v19;
	_ =	sdelay $0x1  }
0x153: {  	v19 =	vmpcnt.ones.xlane vm0;
	_ =	sdelay $0x1  }
0x154: {  	v13 =	vadd.s32 v13, v19  }
0x155: {  	vm7 =	vlt.s32 v13, $0x1000  }
0x156: {  	v13 =	vnsel vm7, $0x1000, v13;
	v19, _, _ =	vpop (xrf0)  }
0x157: {  	v19 =	vadd.s32 v19, v13  }
0x158: {  	v19 =	vadd.s32 $0xFFFFFFFF, v19  }
0x159: {  	vm8 =	vlt.s32 v19, $0x100F  }
0x15a: {  	v19 =	vnsel vm8, $0x100F, v19;
	_ =	sdelay $0x4  }
0x15b: {  	[tilespmem:v19+s21+$0x0] =	vst.idx.msk vm6, v18;
	v18 =	vor.u32 v3, v17  }
0x15c: {  	[tilespmem:v19+s22+$0x0] =	vst.idx.msk vm6, v18  }
0x15d: {  	v18 =	vld [tilespmem:s8+$0xA0];
	_ =	sdelay $0x4  }
0x15e: {  	vm9 =	vgt.f32 v18, v15  }
0x15f: {  	v19 =	vsel vm9, $0x1, v2  }
0x160: {  	(xrf0) =	vadd.scan.msk.s32 $0xffff, v19;
	_ =	sdelay $0x1  }
0x161: {  	v19 =	vmpcnt.ones.xlane vm6;
	_ =	sdelay $0x1  }
0x162: {  	v13 =	vadd.s32 v13, v19  }
0x163: {  	vm10 =	vlt.s32 v13, $0x1000  }
0x164: {  	v13 =	vnsel vm10, $0x1000, v13;
	v19, _, _ =	vpop (xrf0)  }
0x165: {  	v19 =	vadd.s32 v19, v13  }
0x166: {  	v19 =	vadd.s32 $0xFFFFFFFF, v19  }
0x167: {  	vm11 =	vlt.s32 v19, $0x100F  }
0x168: {  	v19 =	vnsel vm11, $0x100F, v19;
	_ =	sdelay $0x4  }
0x169: {  	[tilespmem:v19+s21+$0x0] =	vst.idx.msk vm9, v18;
	v18 =	vor.u32 v4, v17  }
0x16a: {  	[tilespmem:v19+s22+$0x0] =	vst.idx.msk vm9, v18  }
0x16b: {  	v18 =	vld [tilespmem:s8+$0xB0];
	_ =	sdelay $0x4  }
0x16c: {  	vm12 =	vgt.f32 v18, v15  }
0x16d: {  	v19 =	vsel vm12, $0x1, v2  }
0x16e: {  	(xrf0) =	vadd.scan.msk.s32 $0xffff, v19;
	_ =	sdelay $0x1  }
0x16f: {  	v19 =	vmpcnt.ones.xlane vm9;
	_ =	sdelay $0x1  }
0x170: {  	v13 =	vadd.s32 v13, v19  }
0x171: {  	vm13 =	vlt.s32 v13, $0x1000  }
0x172: {  	v13 =	vnsel vm13, $0x1000, v13;
	v19, _, _ =	vpop (xrf0)  }
0x173: {  	v19 =	vadd.s32 v19, v13  }
0x174: {  	v19 =	vadd.s32 $0xFFFFFFFF, v19  }
0x175: {  	vm14 =	vlt.s32 v19, $0x100F  }
0x176: {  	v19 =	vnsel vm14, $0x100F, v19;
	_ =	sdelay $0x4  }
0x177: {  	[tilespmem:v19+s21+$0x0] =	vst.idx.msk vm12, v18;
	v18 =	vor.u32 v5, v17  }
0x178: {  	[tilespmem:v19+s22+$0x0] =	vst.idx.msk vm12, v18  }
0x179: {  	v18 =	vld [tilespmem:s8+$0xC0];
	_ =	sdelay $0x4  }
0x17a: {  	vm15 =	vgt.f32 v18, v15  }
0x17b: {  	v19 =	vsel vm15, $0x1, v2  }
0x17c: {  	(xrf0) =	vadd.scan.msk.s32 $0xffff, v19;
	_ =	sdelay $0x1  }
0x17d: {  	v19 =	vmpcnt.ones.xlane vm12;
	_ =	sdelay $0x1  }
0x17e: {  	v13 =	vadd.s32 v13, v19  }
0x17f: {  	vm4 =	vlt.s32 v13, $0x1000  }
0x180: {  	v13 =	vnsel vm4, $0x1000, v13;
	v19, _, _ =	vpop (xrf0)  }
0x181: {  	v19 =	vadd.s32 v19, v13  }
0x182: {  	v19 =	vadd.s32 $0xFFFFFFFF, v19  }
0x183: {  	vm5 =	vlt.s32 v19, $0x100F  }
0x184: {  	v19 =	vnsel vm5, $0x100F, v19;
	_ =	sdelay $0x4  }
0x185: {  	[tilespmem:v19+s21+$0x0] =	vst.idx.msk vm15, v18;
	v18 =	vor.u32 v6, v17  }
0x186: {  	[tilespmem:v19+s22+$0x0] =	vst.idx.msk vm15, v18  }
0x187: {  	v18 =	vld [tilespmem:s8+$0xD0];
	_ =	sdelay $0x4  }
0x188: {  	vm6 =	vgt.f32 v18, v15  }
0x189: {  	v19 =	vsel vm6, $0x1, v2  }
0x18a: {  	(xrf0) =	vadd.scan.msk.s32 $0xffff, v19;
	_ =	sdelay $0x1  }
0x18b: {  	v19 =	vmpcnt.ones.xlane vm15;
	_ =	sdelay $0x1  }
0x18c: {  	v13 =	vadd.s32 v13, v19  }
0x18d: {  	vm7 =	vlt.s32 v13, $0x1000  }
0x18e: {  	v13 =	vnsel vm7, $0x1000, v13;
	v19, _, _ =	vpop (xrf0)  }
0x18f: {  	v19 =	vadd.s32 v19, v13  }
0x190: {  	v19 =	vadd.s32 $0xFFFFFFFF, v19  }
0x191: {  	vm8 =	vlt.s32 v19, $0x100F  }
0x192: {  	v19 =	vnsel vm8, $0x100F, v19;
	_ =	sdelay $0x4  }
0x193: {  	[tilespmem:v19+s21+$0x0] =	vst.idx.msk vm6, v18;
	v18 =	vor.u32 v7, v17  }
0x194: {  	[tilespmem:v19+s22+$0x0] =	vst.idx.msk vm6, v18  }
0x195: {  	v18 =	vld [tilespmem:s8+$0xE0];
	_ =	sdelay $0x4  }
0x196: {  	vm9 =	vgt.f32 v18, v15  }
0x197: {  	v19 =	vsel vm9, $0x1, v2  }
0x198: {  	(xrf0) =	vadd.scan.msk.s32 $0xffff, v19;
	_ =	sdelay $0x1  }
0x199: {  	v19 =	vmpcnt.ones.xlane vm6;
	_ =	sdelay $0x1  }
0x19a: {  	v13 =	vadd.s32 v13, v19  }
0x19b: {  	vm10 =	vlt.s32 v13, $0x1000  }
0x19c: {  	v13 =	vnsel vm10, $0x1000, v13;
	v19, _, _ =	vpop (xrf0)  }
0x19d: {  	v19 =	vadd.s32 v19, v13  }
0x19e: {  	v19 =	vadd.s32 $0xFFFFFFFF, v19  }
0x19f: {  	vm11 =	vlt.s32 v19, $0x100F  }
0x1a0: {  	v19 =	vnsel vm11, $0x100F, v19;
	_ =	sdelay $0x4  }
0x1a1: {  	[tilespmem:v19+s21+$0x0] =	vst.idx.msk vm9, v18;
	v18 =	vor.u32 v8, v17  }
0x1a2: {  	[tilespmem:v19+s22+$0x0] =	vst.idx.msk vm9, v18  }
0x1a3: {  	v18 =	vld [tilespmem:s8+$0xF0];
	_ =	sdelay $0x4  }
0x1a4: {  	vm12 =	vgt.f32 v18, v15  }
0x1a5: {  	v19 =	vsel vm12, $0x1, v2  }
0x1a6: {  	(xrf0) =	vadd.scan.msk.s32 $0xffff, v19;
	_ =	sdelay $0x1  }
0x1a7: {  	v19 =	vmpcnt.ones.xlane vm9;
	_ =	sdelay $0x1  }
0x1a8: {  	v13 =	vadd.s32 v13, v19  }
0x1a9: {  	vm13 =	vlt.s32 v13, $0x1000  }
0x1aa: {  	v13 =	vnsel vm13, $0x1000, v13;
	v19, _, _ =	vpop (xrf0)  }
0x1ab: {  	v19 =	vadd.s32 v19, v13  }
0x1ac: {  	v19 =	vadd.s32 $0xFFFFFFFF, v19  }
0x1ad: {  	vm14 =	vlt.s32 v19, $0x100F  }
0x1ae: {  	v19 =	vnsel vm14, $0x100F, v19;
	_ =	sdelay $0x1  }
0x1af: {  	v63 =	vmpcnt.ones.xlane vm12;
	_ =	sdelay $0x1  }
0x1b0: {  	v13 =	vadd.s32 v13, v63  }
0x1b1: {  	v17 =	vor.u32 v9, v17;
	vm15 =	vlt.s32 v13, $0x1000;
	[tilespmem:v19+s21+$0x0] =	vst.idx.msk vm12, v18  }
0x1b2: {  	v13 =	vnsel vm15, $0x1000, v13;
	[tilespmem:v19+s22+$0x0] =	vst.idx.msk vm12, v17  }
.LBB2_26:
0x1b3: {  	(v2sf) =	vpush v13, $0x0;
	_ =	sdelay $0xe  }
0x1b4: {  	s2 =	spop (v2sf)  }
0x1b5: {  	p0 =	slt.s32 s2, $0xF80  }
.Ltmp20:
0x1b6: {  	_ = 	snop;
	(pc) =	sbr.rel @p0 .LBB2_45-.Ltmp20, $1  }
0x1b7: {  	_ =	sdelay $0x3  }
0x1b8: {  	v15 =	vxor.u32 $0x80000000, v13  }
0x1b9: {  	(xrf0) =	vmax.scan.msk.u32 $0xffff, v15;
	_ =	sdelay $0x5  }
0x1ba: {  	v15, _, _ =	vpop (xrf0)  }
0x1bb: {  	(v2sf) =	vpush v15, $0xF;
	_ =	sdelay $0xe  }
0x1bc: {  	s2 =	spop (v2sf)  }
0x1bd: {  	s8 =	sadd.s32 $0x7FFFFF7F, s2  }
0x1be: {  	p1 =	sgt.u32 s8, $0xFFFFFFE2  }
.Ltmp21:
0x1bf: {  	_ = 	snop;
	(pc) =	sbr.rel @p1 .LBB2_40-.Ltmp21, $4  }
0x1c0: {  	_ = 	snop  }
0x1c1: {  	s3 =	sadd.s32 $0x8000000F, s2  }
0x1c2: {  	s9 =	sshra.s32 s3, $0x4  }
0x1c3: {  	s10 =	simm.s32 $0x0;
	s8 =	simm.s32 $0x0;
	p0 =	slt.s32 s9, $0x1  }
.Ltmp22:
0x1c4: {  	(pc) =	sbr.rel .LBB2_29-.Ltmp22, $3  }
0x1c5: {  	_ =	sdelay $0x1  }
0x1c6: {  	s11 =	sxor.u32 $0x80000000, s2;
	s12 =	simm.s32 $0x0  }
0x1c7: {  	s14 =	simm.s32 $0xFFFFFFFF;
	s2 =	simm.s32 $0xFFFFFFFF;
	s10 =	simm.s32 $0x0  }
.LBB2_30:
0x1c8: {  	v15 =	vimm.s32 $0x80000000  }
.LBB2_38:
0x1c9: {  	(xrf0) =	vmax.scan.msk.u32 $0xffff, v15;
	_ =	sdelay $0x5  }
0x1ca: {  	v15, _, _ =	vpop (xrf0)  }
0x1cb: {  	(v2sf) =	vpush v15, $0xF;
	_ =	sdelay $0xe  }
0x1cc: {  	s2 =	spop (v2sf)  }
0x1cd: {  	s2 =	sxor.u32 $0x80000000, s2  }
0x1ce: {  	p1 =	sgt.s32 s2, $0x63  }
0x1cf: {  	s10 =	smov.u32 @p1 s13;
	s13 =	smov.u32 @p1 s14  }
0x1d0: {  	s11 =	smov.u32 @p1 s2;
	s2 =	ssub.s32 s13, s10  }
0x1d1: {  	s3 =	sadd.s32 $0xFFFFFF7F, s11;
	p1 =	slt.u32 s2, $0x2  }
0x1d2: {  	p2 =	slt.u32 @!p1 s3, $0xFFFFFFE3  }
0x1d3: {  	p2 =	por p1, !p2  }
.Ltmp23:
0x1d4: {  	_ = 	snop;
	(pc) =	sbr.rel @p2 .LBB2_39-.Ltmp23, $2  }
0x1d5: {  	_ =	sdelay $0x2  }
0x1d6: {  	s14 =	smov.u32 s13  }
.LBB2_29:
.Ltmp24:
0x1d7: {  	(pc) =	sbr.rel @p0 .LBB2_30-.Ltmp24, $3  }
0x1d8: {  	_ =	sdelay $0x1  }
0x1d9: {  	s2 =	sshrl.u32 s2, $0x1  }
0x1da: {  	s13 =	sadd.s32 s10, s2  }
0x1db: {  	s2 =	simm.s32 $0x5180  }
0x1dc: {  	p2 =	sne.s32 s9, $0x1;
	v22 =	vld [tilespmem:s2+$0x0]  }
.Ltmp25:
0x1dd: {  	_ = 	snop;
	(pc) =	sbr.rel @!p2 .LBB2_32-.Ltmp25, $2  }
0x1de: {  	_ =	sdelay $0x2  }
0x1df: {  	v17 =	vmov s13;
	v15 =	vimm.s32 $0x0;
	s3 =	simm.s32 $0x5190;
	p1 =	por $0x0, $0x0;
	s2 =	sadd.s32 $0xFFFFFFFF, s9;
	v20 =	vshra.s32 v22, $0x1F  }
0x1e0: {  	v21 =	vld [tilespmem:s3+$0x0];
	v18 =	vor.u32 $0x80000000, v20;
	p2 =	sne.s32 s2, $0x1  }
.Ltmp26:
0x1e1: {  	v19 =	vor.u32 s12, v0;
	v18 =	vxor.u32 v22, v18;
	(pc) =	sbr.rel @!p2 .LBB2_34-.Ltmp26, $4  }
0x1e2: {  	vm0 =	vlt.s32 v19, v13;
	vm1 =	vgt.u32 v18, v17  }
0x1e3: {  	vm0 =	vmand vm0, vm1  }
0x1e4: {  	s2 =	sadd.s32 $0xFFFFFFFF, s2;
	v19 =	vmpcnt.ones.xlane vm0  }
0x1e5: {  	s15 =	simm.s32 $0x51A0;
	p1 =	por $0x1, $0x1;
	s3 =	simm.s32 $0x0;
	v18 =	vimm.s32 $0x0;
	v20 =	vshra.s32 v21, $0x1F  }
.LBB2_35:
0x1e6: {  	v22 =	vld [tilespmem:s15+$0x0];
	p2 =	sne.s32 s2, $0x1;
	s2 =	sadd.s32 $0xFFFFFFFF, s2;
	v20 =	vor.u32 $0x80000000, v20;
	v18 =	vadd.s32 v18, v19;
	s3 =	sadd.s32 $0x10, s3  }
.Ltmp27:
0x1e7: {  	v19 =	vxor.u32 v21, v20;
	v20 =	vor.u32 s3, v0;
	(pc) =	sbr.rel @p2 .LBB2_35-.Ltmp27, $4  }
0x1e8: {  	vm0 =	vlt.s32 v20, v13;
	vm1 =	vgt.u32 v19, v17  }
0x1e9: {  	vm0 =	vmand vm0, vm1  }
0x1ea: {  	v19 =	vmpcnt.ones.xlane vm0  }
0x1eb: {  	s15 =	sadd.s32 $0x10, s15;
	v20 =	vshra.s32 v22, $0x1F;
	v21 =	vmov v22  }
0x1ec: {  	v22 =	vmov v21  }
.LBB2_37:
0x1ed: {  	s2 =	sadd.s32 @p1 $0x10, s3;
	s3 =	simm.s32 $0x0  }
0x1ee: {  	v20 =	vor.u32 $0x80000000, v20;
	s3 =	smov.u32 @p1 s2  }
0x1ef: {  	v20 =	vxor.u32 v22, v20;
	v21 =	vor.u32 s3, v0  }
0x1f0: {  	vm1 =	vgt.u32 v20, v17;
	vm0 =	vlt.s32 v21, v13  }
.Ltmp28:
0x1f1: {  	vm0 =	vmand vm0, vm1;
	(pc) =	sbr.rel .LBB2_38-.Ltmp28, $4  }
0x1f2: {  	v17 =	vadd.s32 @p1 v18, v19;
	v18 =	vmpcnt.ones.xlane vm0  }
0x1f3: {  	v15 =	vpsel p1, v17, v15  }
0x1f4: {  	v15 =	vadd.s32 v15, v18  }
0x1f5: {  	v15 =	vxor.u32 $0x80000000, v15  }
.LBB2_32:
.Ltmp29:
0x1f6: {  	(pc) =	sbr.rel .LBB2_37-.Ltmp29, $2  }
0x1f7: {  	_ =	sdelay $0x2  }
0x1f8: {  	v18 =	vimm.s32 $0x0;
	s3 =	simm.s32 $0x0  }
.LBB2_34:
.Ltmp30:
0x1f9: {  	(pc) =	sbr.rel .LBB2_37-.Ltmp30, $2  }
0x1fa: {  	_ =	sdelay $0x2  }
0x1fb: {  	v18 =	vimm.s32 $0x0;
	s3 =	simm.s32 $0x0;
	v22 =	vmov v21  }
.LBB2_39:
0x1fc: {  	s10 =	smov.u32 @p1 s10  }
.LBB2_40:
.Ltmp31:
0x1fd: {  	(pc) =	sbr.rel @p0 .LBB2_44-.Ltmp31, $2  }
0x1fe: {  	_ =	sdelay $0x2  }
0x1ff: {  	v15 =	vmov s10;
	v17 =	vimm.s32 $0x0  }
0x200: {  	s10 =	simm.s32 $0x5180  }
0x201: {  	v20 =	vld [tilespmem:s10+$0x0];
	_ =	sdelay $0x4  }
0x202: {  	v18 =	vshra.s32 v20, $0x1F  }
0x203: {  	v18 =	vor.u32 $0x80000000, v18  }
0x204: {  	v19 =	vor.u32 s8, v0;
	v18 =	vxor.u32 v20, v18  }
0x205: {  	vm0 =	vlt.s32 v19, v13;
	vm1 =	vgt.u32 v18, v15  }
0x206: {  	vm0 =	vmand vm0, vm1  }
0x207: {  	v18 =	vsel vm0, $0x1, v2  }
0x208: {  	(xrf0) =	vadd.scan.msk.s32 $0xffff, v18;
	_ =	sdelay $0x5  }
0x209: {  	v18, _, _ =	vpop (xrf0)  }
0x20a: {  	v18 =	vadd.s32 v18, v17  }
0x20b: {  	v18 =	vadd.s32 $0xFFFFFFFF, v18  }
0x20c: {  	v19 =	vmpcnt.ones.xlane vm0;
	vm1 =	vlt.s32 v18, $0xFFF  }
0x20d: {  	s11 =	simm.s32 $0x6200;
	p0 =	sne.s32 s9, $0x1;
	v18 =	vnsel vm1, $0xFFF, v18  }
.Ltmp32:
0x20e: {  	v17 =	vadd.s32 v17, v19;
	v19 =	vld [tilespmem:s11+$0x0];
	(pc) =	sbr.rel @!p0 .LBB2_43-.Ltmp32, $3  }
0x20f: {  	_ =	sdelay $0x1  }
0x210: {  	vm1 =	vlt.s32 v17, $0x1000  }
0x211: {  	s9 =	sadd.s32 $0xFFFFFFFF, s9;
	v17 =	vnsel vm1, $0x1000, v17;
	[tilespmem:v18+s21+$0x0] =	vst.idx.msk vm0, v20  }
.LBB2_42:
0x212: {  	[tilespmem:v18+s22+$0x0] =	vst.idx.msk vm0, v19;
	s10 =	sadd.s32 $0x10, s10;
	s11 =	sadd.s32 $0x10, s11;
	s8 =	sadd.s32 $0x10, s8;
	v18 =	vmov v17  }
0x213: {  	p0 =	sne.s32 s9, $0x1;
	s9 =	sadd.s32 $0xFFFFFFFF, s9;
	v20 =	vld [tilespmem:s10+$0x0];
	_ =	sdelay $0x4  }
0x214: {  	v19 =	vshra.s32 v20, $0x1F  }
0x215: {  	v19 =	vor.u32 $0x80000000, v19  }
0x216: {  	v21 =	vor.u32 s8, v0;
	v19 =	vxor.u32 v20, v19  }
0x217: {  	vm0 =	vlt.s32 v21, v13;
	vm1 =	vgt.u32 v19, v15  }
0x218: {  	vm0 =	vmand vm0, vm1  }
0x219: {  	v19 =	vsel vm0, $0x1, v2;
	v21 =	vmpcnt.ones.xlane vm0  }
0x21a: {  	(xrf0) =	vadd.scan.msk.s32 $0xffff, v19  }
0x21b: {  	v17 =	vadd.s32 v17, v21  }
0x21c: {  	vm1 =	vlt.s32 v17, $0x1000  }
0x21d: {  	v17 =	vnsel vm1, $0x1000, v17;
	_ =	sdelay $0x2  }
0x21e: {  	v19, _, _ =	vpop (xrf0)  }
0x21f: {  	v18 =	vadd.s32 v19, v18  }
0x220: {  	v18 =	vadd.s32 $0xFFFFFFFF, v18  }
0x221: {  	vm1 =	vlt.s32 v18, $0xFFF  }
0x222: {  	v18 =	vnsel vm1, $0xFFF, v18  }
.Ltmp33:
0x223: {  	v19 =	vld [tilespmem:s11+$0x0];
	(pc) =	sbr.rel @p0 .LBB2_42-.Ltmp33, $2  }
0x224: {  	_ =	sdelay $0x2  }
0x225: {  	[tilespmem:v18+s21+$0x0] =	vst.idx.msk vm0, v20  }
.Ltmp34:
0x226: {  	_ = 	snop;
	(pc) =	sbr.rel .LBB2_43-.Ltmp34, $1  }
0x227: {  	_ =	sdelay $0x3  }
.LBB2_46:
0x228: {  	p0 =	seq.s32 s24, $0x28A  }
0x229: {  	s0 =	smul.u32 @!p0 $0x3000, s24;
	_ =	sdelay $0x1  }
0x22a: {  	s0 =	sadd.s32 @!p0 s0, s6  }
0x22b: {  	s0 =	sshrl.u32 @!p0 s0, $0x3  }
.Ltmp35:
0x22c: {  	s2 =	simm.s32 @!p0 $0x0;
	s0 =	sadd.s32 @!p0 s1, s0;
	(pc) =	sbr.rel .LBB2_47-.Ltmp35, $4  }
0x22d: {  	[tilespmem:s2], [sflag:$0x1] =	stream.linear.gather @!p0 [hbm4b:s0+s2], $0x1800, $0x38;
	[tilespmem:$0x7580] =	vst v63  }
0x22e: {  	_ =	swait.ge [sflag:s23], $0x1800  }
0x22f: {  	[sflag:s23] =	ssyncset.done $0x0  }
0x230: {  	s0 =	simm.s32 $0x0;
	[sflag:s23] =	ssyncadd.s32 $0xFFFFE800  }
.LBB2_87:
0x231: {  	_ =	sdelay $0x4  }
0x232: {  	[tilespmem:v18+s22+$0x0] =	vst.idx.msk vm0, v19  }
.LBB2_88:
0x233: {  	vm0 =	vgt.s32 v15, $0xFFFFFFFF  }
0x234: {  	v13 =	vsel vm0, $0xFFFFFFFF, v10;
	_ =	sdelay $0x2  }
0x235: {  	v15 =	vxor.u32 v15, v13;
	v13 =	vmov v17  }
.LBB2_89:
0x236: {  	s0 =	sadd.s32 $0x1, s0  }
0x237: {  	p0 =	sne.s32 s0, $0x6  }
.Ltmp36:
0x238: {  	_ = 	snop;
	(pc) =	sbr.rel @!p0 .LBB2_90-.Ltmp36, $1  }
0x239: {  	_ =	sdelay $0x3  }
.LBB2_47:
0x23a: {  	_ =	sdelay $0x1  }
0x23b: {  	s2 =	sshll.u32 s0, $0xA  }
0x23c: {  	s2 =	sand.u32 $0x3FFFFC00, s2  }
0x23d: {  	v17 =	vld.idx.msk [tilespmem:v12+s2+$0x10 ss:$0x1], $0xffff  }
0x23e: {  	v18 =	vld.idx.msk [tilespmem:v12+s2+$0x20 ss:$0x1], $0xffff  }
0x23f: {  	v19 =	vld.idx.msk [tilespmem:v12+s2+$0x30 ss:$0x1], $0xffff  }
0x240: {  	v20 =	vld.idx.msk [tilespmem:v12+s2+$0x40 ss:$0x1], $0xffff  }
0x241: {  	v21 =	vld.idx.msk [tilespmem:v12+s2+$0x50 ss:$0x1], $0xffff  }
0x242: {  	v22 =	vld.idx.msk [tilespmem:v12+s2+$0x60 ss:$0x1], $0xffff  }
0x243: {  	vm0 =	vgt.f32 v17, v16;
	vm1 =	vgt.f32 v18, v16;
	v17 =	vld.idx.msk [tilespmem:v12+s2+$0x70 ss:$0x1], $0xffff  }
0x244: {  	vm0 =	vmor vm0, vm1;
	vm1 =	vgt.f32 v19, v16;
	v19 =	vld.idx.msk [tilespmem:v12+s2+$0x0 ss:$0x1], $0xffff  }
0x245: {  	vm2 =	vgt.f32 v20, v16;
	vm0 =	vmor vm0, vm1  }
0x246: {  	vm1 =	vgt.f32 v21, v16;
	vm0 =	vmor vm0, vm2  }
0x247: {  	vm0 =	vmor vm0, vm1;
	vm1 =	vgt.f32 v22, v16  }
0x248: {  	vm1 =	vmor vm0, vm1;
	vm2 =	vgt.f32 v17, v16  }
0x249: {  	vm0 =	vgt.f32 v19, v16;
	vm1 =	vmor vm1, vm2  }
0x24a: {  	vm1 =	vmor vm0, vm1  }
0x24b: {  	v17 =	vsel vm1, $0x3F800000, v1  }
0x24c: {  	(xrf0) =	vmax.scan.msk.f32 $0xffff, v17;
	_ =	sdelay $0x5  }
0x24d: {  	v17, _, _ =	vpop (xrf0)  }
0x24e: {  	(v2sf) =	vpush v17, $0xF;
	_ =	sdelay $0xe  }
0x24f: {  	s3 =	spop (v2sf)  }
0x250: {  	p0 =	sgt.f32 s3, $0.0e+00  }
.Ltmp37:
0x251: {  	_ = 	snop;
	(pc) =	sbr.rel @!p0 .LBB2_49-.Ltmp37, $4  }
0x252: {  	_ = 	snop  }
0x253: {  	s25 =	sshll.u32 s0, $0x7  }
0x254: {  	s3 =	sadd.s32 s31, s25  }
0x255: {  	s7 =	sadd.s32 s2, s16;
	v17 =	vmov s3;
	v18 =	vor.u32 s3, v0  }
0x256: {  	v20 =	vsel vm0, $0x1, v2  }
0x257: {  	(xrf0) =	vadd.scan.msk.s32 $0xffff, v20;
	_ =	sdelay $0x5  }
0x258: {  	v20, _, _ =	vpop (xrf0)  }
0x259: {  	v20 =	vadd.s32 v20, v14  }
0x25a: {  	v20 =	vadd.s32 $0xFFFFFFFF, v20  }
0x25b: {  	vm1 =	vlt.s32 v20, $0x100F  }
0x25c: {  	v20 =	vnsel vm1, $0x100F, v20;
	_ =	sdelay $0x4  }
0x25d: {  	[tilespmem:v20+s19+$0x0] =	vst.idx.msk vm0, v19  }
0x25e: {  	[tilespmem:v20+s20+$0x0] =	vst.idx.msk vm0, v18  }
0x25f: {  	v19 =	vld [tilespmem:s7+$0x10];
	_ =	sdelay $0x4  }
0x260: {  	vm6 =	vgt.f32 v19, v16  }
0x261: {  	v20 =	vsel vm6, $0x1, v2  }
0x262: {  	(xrf0) =	vadd.scan.msk.s32 $0xffff, v20;
	_ =	sdelay $0x1  }
0x263: {  	v20 =	vmpcnt.ones.xlane vm0;
	_ =	sdelay $0x1  }
0x264: {  	v14 =	vadd.s32 v14, v20  }
0x265: {  	vm7 =	vlt.s32 v14, $0x1000  }
0x266: {  	v14 =	vnsel vm7, $0x1000, v14;
	v20, _, _ =	vpop (xrf0)  }
0x267: {  	v20 =	vadd.s32 v20, v14  }
0x268: {  	v20 =	vadd.s32 $0xFFFFFFFF, v20  }
0x269: {  	vm8 =	vlt.s32 v20, $0x100F  }
0x26a: {  	v20 =	vnsel vm8, $0x100F, v20;
	_ =	sdelay $0x4  }
0x26b: {  	[tilespmem:v20+s19+$0x0] =	vst.idx.msk vm6, v19;
	v19 =	vor.u32 v3, v17  }
0x26c: {  	[tilespmem:v20+s20+$0x0] =	vst.idx.msk vm6, v19  }
0x26d: {  	v19 =	vld [tilespmem:s7+$0x20];
	_ =	sdelay $0x4  }
0x26e: {  	vm9 =	vgt.f32 v19, v16  }
0x26f: {  	v20 =	vsel vm9, $0x1, v2  }
0x270: {  	(xrf0) =	vadd.scan.msk.s32 $0xffff, v20;
	_ =	sdelay $0x1  }
0x271: {  	v20 =	vmpcnt.ones.xlane vm6;
	_ =	sdelay $0x1  }
0x272: {  	v14 =	vadd.s32 v14, v20  }
0x273: {  	vm10 =	vlt.s32 v14, $0x1000  }
0x274: {  	v14 =	vnsel vm10, $0x1000, v14;
	v20, _, _ =	vpop (xrf0)  }
0x275: {  	v20 =	vadd.s32 v20, v14  }
0x276: {  	v20 =	vadd.s32 $0xFFFFFFFF, v20  }
0x277: {  	vm11 =	vlt.s32 v20, $0x100F  }
0x278: {  	v20 =	vnsel vm11, $0x100F, v20;
	_ =	sdelay $0x4  }
0x279: {  	[tilespmem:v20+s19+$0x0] =	vst.idx.msk vm9, v19;
	v19 =	vor.u32 v4, v17  }
0x27a: {  	[tilespmem:v20+s20+$0x0] =	vst.idx.msk vm9, v19  }
0x27b: {  	v19 =	vld [tilespmem:s7+$0x30];
	_ =	sdelay $0x4  }
0x27c: {  	vm12 =	vgt.f32 v19, v16  }
0x27d: {  	v20 =	vsel vm12, $0x1, v2  }
0x27e: {  	(xrf0) =	vadd.scan.msk.s32 $0xffff, v20;
	_ =	sdelay $0x1  }
0x27f: {  	v20 =	vmpcnt.ones.xlane vm9;
	_ =	sdelay $0x1  }
0x280: {  	v14 =	vadd.s32 v14, v20  }
0x281: {  	vm13 =	vlt.s32 v14, $0x1000  }
0x282: {  	v14 =	vnsel vm13, $0x1000, v14;
	v20, _, _ =	vpop (xrf0)  }
0x283: {  	v20 =	vadd.s32 v20, v14  }
0x284: {  	v20 =	vadd.s32 $0xFFFFFFFF, v20  }
0x285: {  	vm14 =	vlt.s32 v20, $0x100F  }
0x286: {  	v20 =	vnsel vm14, $0x100F, v20;
	_ =	sdelay $0x4  }
0x287: {  	[tilespmem:v20+s19+$0x0] =	vst.idx.msk vm12, v19;
	v19 =	vor.u32 v5, v17  }
0x288: {  	[tilespmem:v20+s20+$0x0] =	vst.idx.msk vm12, v19  }
0x289: {  	v19 =	vld [tilespmem:s7+$0x40];
	_ =	sdelay $0x4  }
0x28a: {  	vm15 =	vgt.f32 v19, v16  }
0x28b: {  	v20 =	vsel vm15, $0x1, v2  }
0x28c: {  	(xrf0) =	vadd.scan.msk.s32 $0xffff, v20;
	_ =	sdelay $0x1  }
0x28d: {  	v20 =	vmpcnt.ones.xlane vm12;
	_ =	sdelay $0x1  }
0x28e: {  	v14 =	vadd.s32 v14, v20  }
0x28f: {  	vm4 =	vlt.s32 v14, $0x1000  }
0x290: {  	v14 =	vnsel vm4, $0x1000, v14;
	v20, _, _ =	vpop (xrf0)  }
0x291: {  	v20 =	vadd.s32 v20, v14  }
0x292: {  	v20 =	vadd.s32 $0xFFFFFFFF, v20  }
0x293: {  	vm5 =	vlt.s32 v20, $0x100F  }
0x294: {  	v20 =	vnsel vm5, $0x100F, v20;
	_ =	sdelay $0x4  }
0x295: {  	[tilespmem:v20+s19+$0x0] =	vst.idx.msk vm15, v19;
	v19 =	vor.u32 v6, v17  }
0x296: {  	[tilespmem:v20+s20+$0x0] =	vst.idx.msk vm15, v19  }
0x297: {  	v19 =	vld [tilespmem:s7+$0x50];
	_ =	sdelay $0x4  }
0x298: {  	vm6 =	vgt.f32 v19, v16  }
0x299: {  	v20 =	vsel vm6, $0x1, v2  }
0x29a: {  	(xrf0) =	vadd.scan.msk.s32 $0xffff, v20;
	_ =	sdelay $0x1  }
0x29b: {  	v20 =	vmpcnt.ones.xlane vm15;
	_ =	sdelay $0x1  }
0x29c: {  	v14 =	vadd.s32 v14, v20  }
0x29d: {  	vm7 =	vlt.s32 v14, $0x1000  }
0x29e: {  	v14 =	vnsel vm7, $0x1000, v14;
	v20, _, _ =	vpop (xrf0)  }
0x29f: {  	v20 =	vadd.s32 v20, v14  }
0x2a0: {  	v20 =	vadd.s32 $0xFFFFFFFF, v20  }
0x2a1: {  	vm8 =	vlt.s32 v20, $0x100F  }
0x2a2: {  	v20 =	vnsel vm8, $0x100F, v20;
	_ =	sdelay $0x4  }
0x2a3: {  	[tilespmem:v20+s19+$0x0] =	vst.idx.msk vm6, v19;
	v19 =	vor.u32 v7, v17  }
0x2a4: {  	[tilespmem:v20+s20+$0x0] =	vst.idx.msk vm6, v19  }
0x2a5: {  	v19 =	vld [tilespmem:s7+$0x60];
	_ =	sdelay $0x4  }
0x2a6: {  	vm9 =	vgt.f32 v19, v16  }
0x2a7: {  	v20 =	vsel vm9, $0x1, v2  }
0x2a8: {  	(xrf0) =	vadd.scan.msk.s32 $0xffff, v20;
	_ =	sdelay $0x1  }
0x2a9: {  	v20 =	vmpcnt.ones.xlane vm6;
	_ =	sdelay $0x1  }
0x2aa: {  	v14 =	vadd.s32 v14, v20  }
0x2ab: {  	vm10 =	vlt.s32 v14, $0x1000  }
0x2ac: {  	v14 =	vnsel vm10, $0x1000, v14;
	v20, _, _ =	vpop (xrf0)  }
0x2ad: {  	v20 =	vadd.s32 v20, v14  }
0x2ae: {  	v20 =	vadd.s32 $0xFFFFFFFF, v20  }
0x2af: {  	vm11 =	vlt.s32 v20, $0x100F  }
0x2b0: {  	v20 =	vnsel vm11, $0x100F, v20;
	_ =	sdelay $0x4  }
0x2b1: {  	[tilespmem:v20+s19+$0x0] =	vst.idx.msk vm9, v19;
	v19 =	vor.u32 v8, v17  }
0x2b2: {  	[tilespmem:v20+s20+$0x0] =	vst.idx.msk vm9, v19  }
0x2b3: {  	v19 =	vld [tilespmem:s7+$0x70];
	_ =	sdelay $0x4  }
0x2b4: {  	vm12 =	vgt.f32 v19, v16  }
0x2b5: {  	v20 =	vsel vm12, $0x1, v2  }
0x2b6: {  	(xrf0) =	vadd.scan.msk.s32 $0xffff, v20;
	_ =	sdelay $0x1  }
0x2b7: {  	v20 =	vmpcnt.ones.xlane vm9;
	_ =	sdelay $0x1  }
0x2b8: {  	v14 =	vadd.s32 v14, v20  }
0x2b9: {  	vm13 =	vlt.s32 v14, $0x1000  }
0x2ba: {  	v14 =	vnsel vm13, $0x1000, v14;
	v20, _, _ =	vpop (xrf0)  }
0x2bb: {  	v20 =	vadd.s32 v20, v14  }
0x2bc: {  	v20 =	vadd.s32 $0xFFFFFFFF, v20  }
0x2bd: {  	vm14 =	vlt.s32 v20, $0x100F  }
0x2be: {  	v20 =	vnsel vm14, $0x100F, v20;
	_ =	sdelay $0x1  }
0x2bf: {  	v21 =	vmpcnt.ones.xlane vm12;
	_ =	sdelay $0x1  }
0x2c0: {  	v14 =	vadd.s32 v14, v21  }
0x2c1: {  	vm15 =	vlt.s32 v14, $0x1000;
	[tilespmem:v20+s19+$0x0] =	vst.idx.msk vm12, v19;
	v19 =	vor.u32 v9, v17  }
0x2c2: {  	v14 =	vnsel vm15, $0x1000, v14;
	[tilespmem:v20+s20+$0x0] =	vst.idx.msk vm12, v19  }
.LBB2_49:
0x2c3: {  	(v2sf) =	vpush v14, $0x0;
	_ =	sdelay $0xe  }
0x2c4: {  	s2 =	spop (v2sf)  }
0x2c5: {  	p0 =	slt.s32 s2, $0xF80  }
.Ltmp38:
0x2c6: {  	_ = 	snop;
	(pc) =	sbr.rel @p0 .LBB2_68-.Ltmp38, $1  }
0x2c7: {  	_ =	sdelay $0x3  }
0x2c8: {  	v16 =	vxor.u32 $0x80000000, v14  }
0x2c9: {  	(xrf0) =	vmax.scan.msk.u32 $0xffff, v16;
	_ =	sdelay $0x5  }
0x2ca: {  	v16, _, _ =	vpop (xrf0)  }
0x2cb: {  	(v2sf) =	vpush v16, $0xF;
	_ =	sdelay $0xe  }
0x2cc: {  	s2 =	spop (v2sf)  }
0x2cd: {  	s8 =	sadd.s32 $0x7FFFFF7F, s2  }
0x2ce: {  	p1 =	sgt.u32 s8, $0xFFFFFFE2  }
.Ltmp39:
0x2cf: {  	_ = 	snop;
	(pc) =	sbr.rel @p1 .LBB2_63-.Ltmp39, $4  }
0x2d0: {  	_ = 	snop  }
0x2d1: {  	s3 =	sadd.s32 $0x8000000F, s2  }
0x2d2: {  	s9 =	sshra.s32 s3, $0x4  }
0x2d3: {  	s10 =	simm.s32 $0x0;
	s8 =	simm.s32 $0x0;
	p0 =	slt.s32 s9, $0x1  }
.Ltmp40:
0x2d4: {  	(pc) =	sbr.rel .LBB2_52-.Ltmp40, $3  }
0x2d5: {  	_ =	sdelay $0x1  }
0x2d6: {  	s11 =	sxor.u32 $0x80000000, s2;
	s12 =	simm.s32 $0x0  }
0x2d7: {  	s14 =	simm.s32 $0xFFFFFFFF;
	s2 =	simm.s32 $0xFFFFFFFF;
	s10 =	simm.s32 $0x0  }
.LBB2_53:
0x2d8: {  	v16 =	vimm.s32 $0x80000000  }
.LBB2_61:
0x2d9: {  	(xrf0) =	vmax.scan.msk.u32 $0xffff, v16;
	_ =	sdelay $0x5  }
0x2da: {  	v16, _, _ =	vpop (xrf0)  }
0x2db: {  	(v2sf) =	vpush v16, $0xF;
	_ =	sdelay $0xe  }
0x2dc: {  	s2 =	spop (v2sf)  }
0x2dd: {  	s2 =	sxor.u32 $0x80000000, s2  }
0x2de: {  	p1 =	sgt.s32 s2, $0x63  }
0x2df: {  	s10 =	smov.u32 @p1 s13;
	s13 =	smov.u32 @p1 s14  }
0x2e0: {  	s11 =	smov.u32 @p1 s2;
	s2 =	ssub.s32 s13, s10  }
0x2e1: {  	s3 =	sadd.s32 $0xFFFFFF7F, s11;
	p1 =	slt.u32 s2, $0x2  }
0x2e2: {  	p2 =	slt.u32 @!p1 s3, $0xFFFFFFE3  }
0x2e3: {  	p2 =	por p1, !p2  }
.Ltmp41:
0x2e4: {  	_ = 	snop;
	(pc) =	sbr.rel @p2 .LBB2_62-.Ltmp41, $2  }
0x2e5: {  	_ =	sdelay $0x2  }
0x2e6: {  	s14 =	smov.u32 s13  }
.LBB2_52:
.Ltmp42:
0x2e7: {  	(pc) =	sbr.rel @p0 .LBB2_53-.Ltmp42, $3  }
0x2e8: {  	_ =	sdelay $0x1  }
0x2e9: {  	s2 =	sshrl.u32 s2, $0x1  }
0x2ea: {  	s13 =	sadd.s32 s10, s2  }
0x2eb: {  	s2 =	simm.s32 $0x3080  }
0x2ec: {  	p2 =	sne.s32 s9, $0x1;
	v24 =	vld [tilespmem:s2+$0x0]  }
.Ltmp43:
0x2ed: {  	_ = 	snop;
	(pc) =	sbr.rel @!p2 .LBB2_55-.Ltmp43, $2  }
0x2ee: {  	_ =	sdelay $0x2  }
0x2ef: {  	v19 =	vmov s13;
	v16 =	vimm.s32 $0x0;
	s3 =	simm.s32 $0x3090;
	p1 =	por $0x0, $0x0;
	s2 =	sadd.s32 $0xFFFFFFFF, s9;
	v22 =	vshra.s32 v24, $0x1F  }
0x2f0: {  	v23 =	vld [tilespmem:s3+$0x0];
	v20 =	vor.u32 $0x80000000, v22;
	p2 =	sne.s32 s2, $0x1  }
.Ltmp44:
0x2f1: {  	v21 =	vor.u32 s12, v0;
	v20 =	vxor.u32 v24, v20;
	(pc) =	sbr.rel @!p2 .LBB2_57-.Ltmp44, $4  }
0x2f2: {  	vm0 =	vlt.s32 v21, v14;
	vm1 =	vgt.u32 v20, v19  }
0x2f3: {  	vm0 =	vmand vm0, vm1  }
0x2f4: {  	s2 =	sadd.s32 $0xFFFFFFFF, s2;
	v21 =	vmpcnt.ones.xlane vm0  }
0x2f5: {  	s15 =	simm.s32 $0x30A0;
	p1 =	por $0x1, $0x1;
	s3 =	simm.s32 $0x0;
	v20 =	vimm.s32 $0x0;
	v22 =	vshra.s32 v23, $0x1F  }
.LBB2_58:
0x2f6: {  	v24 =	vld [tilespmem:s15+$0x0];
	p2 =	sne.s32 s2, $0x1;
	s2 =	sadd.s32 $0xFFFFFFFF, s2;
	v22 =	vor.u32 $0x80000000, v22;
	v20 =	vadd.s32 v20, v21;
	s3 =	sadd.s32 $0x10, s3  }
.Ltmp45:
0x2f7: {  	v21 =	vxor.u32 v23, v22;
	v22 =	vor.u32 s3, v0;
	(pc) =	sbr.rel @p2 .LBB2_58-.Ltmp45, $4  }
0x2f8: {  	vm0 =	vlt.s32 v22, v14;
	vm1 =	vgt.u32 v21, v19  }
0x2f9: {  	vm0 =	vmand vm0, vm1  }
0x2fa: {  	v21 =	vmpcnt.ones.xlane vm0  }
0x2fb: {  	s15 =	sadd.s32 $0x10, s15;
	v22 =	vshra.s32 v24, $0x1F;
	v23 =	vmov v24  }
0x2fc: {  	v24 =	vmov v23  }
.LBB2_60:
0x2fd: {  	s2 =	sadd.s32 @p1 $0x10, s3;
	s3 =	simm.s32 $0x0  }
0x2fe: {  	v22 =	vor.u32 $0x80000000, v22;
	s3 =	smov.u32 @p1 s2  }
0x2ff: {  	v22 =	vxor.u32 v24, v22;
	v23 =	vor.u32 s3, v0  }
0x300: {  	vm1 =	vgt.u32 v22, v19;
	vm0 =	vlt.s32 v23, v14  }
.Ltmp46:
0x301: {  	vm0 =	vmand vm0, vm1;
	(pc) =	sbr.rel .LBB2_61-.Ltmp46, $4  }
0x302: {  	v19 =	vadd.s32 @p1 v20, v21;
	v20 =	vmpcnt.ones.xlane vm0  }
0x303: {  	v16 =	vpsel p1, v19, v16  }
0x304: {  	v16 =	vadd.s32 v16, v20  }
0x305: {  	v16 =	vxor.u32 $0x80000000, v16  }
.LBB2_55:
.Ltmp47:
0x306: {  	(pc) =	sbr.rel .LBB2_60-.Ltmp47, $2  }
0x307: {  	_ =	sdelay $0x2  }
0x308: {  	v20 =	vimm.s32 $0x0;
	s3 =	simm.s32 $0x0  }
.LBB2_57:
.Ltmp48:
0x309: {  	(pc) =	sbr.rel .LBB2_60-.Ltmp48, $2  }
0x30a: {  	_ =	sdelay $0x2  }
0x30b: {  	v20 =	vimm.s32 $0x0;
	s3 =	simm.s32 $0x0;
	v24 =	vmov v23  }
.LBB2_62:
0x30c: {  	s10 =	smov.u32 @p1 s10  }
.LBB2_63:
.Ltmp49:
0x30d: {  	(pc) =	sbr.rel @p0 .LBB2_67-.Ltmp49, $2  }
0x30e: {  	_ =	sdelay $0x2  }
0x30f: {  	v16 =	vmov s10;
	v19 =	vimm.s32 $0x0  }
0x310: {  	s10 =	simm.s32 $0x3080  }
0x311: {  	v22 =	vld [tilespmem:s10+$0x0];
	_ =	sdelay $0x4  }
0x312: {  	v20 =	vshra.s32 v22, $0x1F  }
0x313: {  	v20 =	vor.u32 $0x80000000, v20  }
0x314: {  	v21 =	vor.u32 s8, v0;
	v20 =	vxor.u32 v22, v20  }
0x315: {  	vm0 =	vlt.s32 v21, v14;
	vm1 =	vgt.u32 v20, v16  }
0x316: {  	vm0 =	vmand vm0, vm1  }
0x317: {  	v20 =	vsel vm0, $0x1, v2  }
0x318: {  	(xrf0) =	vadd.scan.msk.s32 $0xffff, v20;
	_ =	sdelay $0x5  }
0x319: {  	v20, _, _ =	vpop (xrf0)  }
0x31a: {  	v20 =	vadd.s32 v20, v19  }
0x31b: {  	v20 =	vadd.s32 $0xFFFFFFFF, v20  }
0x31c: {  	v21 =	vmpcnt.ones.xlane vm0;
	vm1 =	vlt.s32 v20, $0xFFF  }
0x31d: {  	s11 =	simm.s32 $0x4100;
	p0 =	sne.s32 s9, $0x1;
	v20 =	vnsel vm1, $0xFFF, v20  }
.Ltmp50:
0x31e: {  	v19 =	vadd.s32 v19, v21;
	v21 =	vld [tilespmem:s11+$0x0];
	(pc) =	sbr.rel @!p0 .LBB2_66-.Ltmp50, $3  }
0x31f: {  	_ =	sdelay $0x1  }
0x320: {  	vm1 =	vlt.s32 v19, $0x1000  }
0x321: {  	s9 =	sadd.s32 $0xFFFFFFFF, s9;
	v19 =	vnsel vm1, $0x1000, v19;
	[tilespmem:v20+s19+$0x0] =	vst.idx.msk vm0, v22  }
.LBB2_65:
0x322: {  	[tilespmem:v20+s20+$0x0] =	vst.idx.msk vm0, v21;
	s10 =	sadd.s32 $0x10, s10;
	s11 =	sadd.s32 $0x10, s11;
	s8 =	sadd.s32 $0x10, s8;
	v20 =	vmov v19  }
0x323: {  	p0 =	sne.s32 s9, $0x1;
	s9 =	sadd.s32 $0xFFFFFFFF, s9;
	v22 =	vld [tilespmem:s10+$0x0];
	_ =	sdelay $0x4  }
0x324: {  	v21 =	vshra.s32 v22, $0x1F  }
0x325: {  	v21 =	vor.u32 $0x80000000, v21  }
0x326: {  	v23 =	vor.u32 s8, v0;
	v21 =	vxor.u32 v22, v21  }
0x327: {  	vm0 =	vlt.s32 v23, v14;
	vm1 =	vgt.u32 v21, v16  }
0x328: {  	vm0 =	vmand vm0, vm1  }
0x329: {  	v21 =	vsel vm0, $0x1, v2;
	v23 =	vmpcnt.ones.xlane vm0  }
0x32a: {  	(xrf0) =	vadd.scan.msk.s32 $0xffff, v21  }
0x32b: {  	v19 =	vadd.s32 v19, v23  }
0x32c: {  	vm1 =	vlt.s32 v19, $0x1000  }
0x32d: {  	v19 =	vnsel vm1, $0x1000, v19;
	_ =	sdelay $0x2  }
0x32e: {  	v21, _, _ =	vpop (xrf0)  }
0x32f: {  	v20 =	vadd.s32 v21, v20  }
0x330: {  	v20 =	vadd.s32 $0xFFFFFFFF, v20  }
0x331: {  	vm1 =	vlt.s32 v20, $0xFFF  }
0x332: {  	v20 =	vnsel vm1, $0xFFF, v20  }
.Ltmp51:
0x333: {  	v21 =	vld [tilespmem:s11+$0x0];
	(pc) =	sbr.rel @p0 .LBB2_65-.Ltmp51, $2  }
0x334: {  	_ =	sdelay $0x2  }
0x335: {  	[tilespmem:v20+s19+$0x0] =	vst.idx.msk vm0, v22  }
.LBB2_66:
0x336: {  	_ =	sdelay $0x4  }
0x337: {  	[tilespmem:v20+s20+$0x0] =	vst.idx.msk vm0, v21  }
.LBB2_67:
0x338: {  	vm0 =	vgt.s32 v16, $0xFFFFFFFF  }
0x339: {  	v14 =	vsel vm0, $0xFFFFFFFF, v10;
	_ =	sdelay $0x2  }
0x33a: {  	v16 =	vxor.u32 v16, v14;
	v14 =	vmov v19  }
.LBB2_68:
0x33b: {  	v19 =	vld [tilespmem:s7+$0x90]  }
0x33c: {  	v20 =	vld [tilespmem:s7+$0xA0]  }
0x33d: {  	v21 =	vld [tilespmem:s7+$0xB0]  }
0x33e: {  	v22 =	vld [tilespmem:s7+$0xC0]  }
0x33f: {  	v23 =	vld [tilespmem:s7+$0xD0]  }
0x340: {  	v24 =	vld [tilespmem:s7+$0xE0]  }
0x341: {  	vm0 =	vgt.f32 v19, v15;
	vm1 =	vgt.f32 v20, v15;
	v20 =	vld [tilespmem:s7+$0xF0]  }
0x342: {  	v19 =	vld [tilespmem:s7+$0x80];
	vm0 =	vmor vm0, vm1;
	vm1 =	vgt.f32 v21, v15  }
0x343: {  	vm2 =	vgt.f32 v22, v15;
	vm0 =	vmor vm0, vm1  }
0x344: {  	vm1 =	vgt.f32 v23, v15;
	vm0 =	vmor vm0, vm2  }
0x345: {  	vm2 =	vgt.f32 v24, v15;
	vm0 =	vmor vm0, vm1  }
0x346: {  	vm1 =	vmor vm0, vm2;
	vm2 =	vgt.f32 v20, v15  }
0x347: {  	vm0 =	vgt.f32 v19, v15;
	vm1 =	vmor vm1, vm2  }
0x348: {  	vm1 =	vmor vm0, vm1  }
0x349: {  	v20 =	vsel vm1, $0x3F800000, v1  }
0x34a: {  	(xrf0) =	vmax.scan.msk.f32 $0xffff, v20;
	_ =	sdelay $0x5  }
0x34b: {  	v20, _, _ =	vpop (xrf0)  }
0x34c: {  	(v2sf) =	vpush v20, $0xF;
	_ =	sdelay $0xe  }
0x34d: {  	s2 =	spop (v2sf)  }
0x34e: {  	p0 =	sgt.f32 s2, $0.0e+00  }
.Ltmp52:
0x34f: {  	_ = 	snop;
	(pc) =	sbr.rel @!p0 .LBB2_70-.Ltmp52, $1  }
0x350: {  	_ =	sdelay $0x3  }
0x351: {  	v20 =	vsel vm0, $0x1, v2  }
0x352: {  	(xrf0) =	vadd.scan.msk.s32 $0xffff, v20;
	_ =	sdelay $0x5  }
0x353: {  	v20, _, _ =	vpop (xrf0)  }
0x354: {  	v20 =	vadd.s32 v20, v13  }
0x355: {  	v20 =	vadd.s32 $0xFFFFFFFF, v20  }
0x356: {  	vm1 =	vlt.s32 v20, $0x100F  }
0x357: {  	v20 =	vnsel vm1, $0x100F, v20;
	_ =	sdelay $0x4  }
0x358: {  	[tilespmem:v20+s21+$0x0] =	vst.idx.msk vm0, v19  }
0x359: {  	[tilespmem:v20+s22+$0x0] =	vst.idx.msk vm0, v18  }
0x35a: {  	v18 =	vld [tilespmem:s7+$0x90];
	_ =	sdelay $0x4  }
0x35b: {  	vm6 =	vgt.f32 v18, v15  }
0x35c: {  	v19 =	vsel vm6, $0x1, v2  }
0x35d: {  	(xrf0) =	vadd.scan.msk.s32 $0xffff, v19;
	_ =	sdelay $0x1  }
0x35e: {  	v19 =	vmpcnt.ones.xlane vm0;
	_ =	sdelay $0x1  }
0x35f: {  	v13 =	vadd.s32 v13, v19  }
0x360: {  	vm7 =	vlt.s32 v13, $0x1000  }
0x361: {  	v13 =	vnsel vm7, $0x1000, v13;
	v19, _, _ =	vpop (xrf0)  }
0x362: {  	v19 =	vadd.s32 v19, v13  }
0x363: {  	v19 =	vadd.s32 $0xFFFFFFFF, v19  }
0x364: {  	vm8 =	vlt.s32 v19, $0x100F  }
0x365: {  	v19 =	vnsel vm8, $0x100F, v19;
	_ =	sdelay $0x4  }
0x366: {  	[tilespmem:v19+s21+$0x0] =	vst.idx.msk vm6, v18;
	v18 =	vor.u32 v3, v17  }
0x367: {  	[tilespmem:v19+s22+$0x0] =	vst.idx.msk vm6, v18  }
0x368: {  	v18 =	vld [tilespmem:s7+$0xA0];
	_ =	sdelay $0x4  }
0x369: {  	vm9 =	vgt.f32 v18, v15  }
0x36a: {  	v19 =	vsel vm9, $0x1, v2  }
0x36b: {  	(xrf0) =	vadd.scan.msk.s32 $0xffff, v19;
	_ =	sdelay $0x1  }
0x36c: {  	v19 =	vmpcnt.ones.xlane vm6;
	_ =	sdelay $0x1  }
0x36d: {  	v13 =	vadd.s32 v13, v19  }
0x36e: {  	vm10 =	vlt.s32 v13, $0x1000  }
0x36f: {  	v13 =	vnsel vm10, $0x1000, v13;
	v19, _, _ =	vpop (xrf0)  }
0x370: {  	v19 =	vadd.s32 v19, v13  }
0x371: {  	v19 =	vadd.s32 $0xFFFFFFFF, v19  }
0x372: {  	vm11 =	vlt.s32 v19, $0x100F  }
0x373: {  	v19 =	vnsel vm11, $0x100F, v19;
	_ =	sdelay $0x4  }
0x374: {  	[tilespmem:v19+s21+$0x0] =	vst.idx.msk vm9, v18;
	v18 =	vor.u32 v4, v17  }
0x375: {  	[tilespmem:v19+s22+$0x0] =	vst.idx.msk vm9, v18  }
0x376: {  	v18 =	vld [tilespmem:s7+$0xB0];
	_ =	sdelay $0x4  }
0x377: {  	vm12 =	vgt.f32 v18, v15  }
0x378: {  	v19 =	vsel vm12, $0x1, v2  }
0x379: {  	(xrf0) =	vadd.scan.msk.s32 $0xffff, v19;
	_ =	sdelay $0x1  }
0x37a: {  	v19 =	vmpcnt.ones.xlane vm9;
	_ =	sdelay $0x1  }
0x37b: {  	v13 =	vadd.s32 v13, v19  }
0x37c: {  	vm13 =	vlt.s32 v13, $0x1000  }
0x37d: {  	v13 =	vnsel vm13, $0x1000, v13;
	v19, _, _ =	vpop (xrf0)  }
0x37e: {  	v19 =	vadd.s32 v19, v13  }
0x37f: {  	v19 =	vadd.s32 $0xFFFFFFFF, v19  }
0x380: {  	vm14 =	vlt.s32 v19, $0x100F  }
0x381: {  	v19 =	vnsel vm14, $0x100F, v19;
	_ =	sdelay $0x4  }
0x382: {  	[tilespmem:v19+s21+$0x0] =	vst.idx.msk vm12, v18;
	v18 =	vor.u32 v5, v17  }
0x383: {  	[tilespmem:v19+s22+$0x0] =	vst.idx.msk vm12, v18  }
0x384: {  	v18 =	vld [tilespmem:s7+$0xC0];
	_ =	sdelay $0x4  }
0x385: {  	vm15 =	vgt.f32 v18, v15  }
0x386: {  	v19 =	vsel vm15, $0x1, v2  }
0x387: {  	(xrf0) =	vadd.scan.msk.s32 $0xffff, v19;
	_ =	sdelay $0x1  }
0x388: {  	v19 =	vmpcnt.ones.xlane vm12;
	_ =	sdelay $0x1  }
0x389: {  	v13 =	vadd.s32 v13, v19  }
0x38a: {  	vm4 =	vlt.s32 v13, $0x1000  }
0x38b: {  	v13 =	vnsel vm4, $0x1000, v13;
	v19, _, _ =	vpop (xrf0)  }
0x38c: {  	v19 =	vadd.s32 v19, v13  }
0x38d: {  	v19 =	vadd.s32 $0xFFFFFFFF, v19  }
0x38e: {  	vm5 =	vlt.s32 v19, $0x100F  }
0x38f: {  	v19 =	vnsel vm5, $0x100F, v19;
	_ =	sdelay $0x4  }
0x390: {  	[tilespmem:v19+s21+$0x0] =	vst.idx.msk vm15, v18;
	v18 =	vor.u32 v6, v17  }
0x391: {  	[tilespmem:v19+s22+$0x0] =	vst.idx.msk vm15, v18  }
0x392: {  	v18 =	vld [tilespmem:s7+$0xD0];
	_ =	sdelay $0x4  }
0x393: {  	vm6 =	vgt.f32 v18, v15  }
0x394: {  	v19 =	vsel vm6, $0x1, v2  }
0x395: {  	(xrf0) =	vadd.scan.msk.s32 $0xffff, v19;
	_ =	sdelay $0x1  }
0x396: {  	v19 =	vmpcnt.ones.xlane vm15;
	_ =	sdelay $0x1  }
0x397: {  	v13 =	vadd.s32 v13, v19  }
0x398: {  	vm7 =	vlt.s32 v13, $0x1000  }
0x399: {  	v13 =	vnsel vm7, $0x1000, v13;
	v19, _, _ =	vpop (xrf0)  }
0x39a: {  	v19 =	vadd.s32 v19, v13  }
0x39b: {  	v19 =	vadd.s32 $0xFFFFFFFF, v19  }
0x39c: {  	vm8 =	vlt.s32 v19, $0x100F  }
0x39d: {  	v19 =	vnsel vm8, $0x100F, v19;
	_ =	sdelay $0x4  }
0x39e: {  	[tilespmem:v19+s21+$0x0] =	vst.idx.msk vm6, v18;
	v18 =	vor.u32 v7, v17  }
0x39f: {  	[tilespmem:v19+s22+$0x0] =	vst.idx.msk vm6, v18  }
0x3a0: {  	v18 =	vld [tilespmem:s7+$0xE0];
	_ =	sdelay $0x4  }
0x3a1: {  	vm9 =	vgt.f32 v18, v15  }
0x3a2: {  	v19 =	vsel vm9, $0x1, v2  }
0x3a3: {  	(xrf0) =	vadd.scan.msk.s32 $0xffff, v19;
	_ =	sdelay $0x1  }
0x3a4: {  	v19 =	vmpcnt.ones.xlane vm6;
	_ =	sdelay $0x1  }
0x3a5: {  	v13 =	vadd.s32 v13, v19  }
0x3a6: {  	vm10 =	vlt.s32 v13, $0x1000  }
0x3a7: {  	v13 =	vnsel vm10, $0x1000, v13;
	v19, _, _ =	vpop (xrf0)  }
0x3a8: {  	v19 =	vadd.s32 v19, v13  }
0x3a9: {  	v19 =	vadd.s32 $0xFFFFFFFF, v19  }
0x3aa: {  	vm11 =	vlt.s32 v19, $0x100F  }
0x3ab: {  	v19 =	vnsel vm11, $0x100F, v19;
	_ =	sdelay $0x4  }
0x3ac: {  	[tilespmem:v19+s21+$0x0] =	vst.idx.msk vm9, v18;
	v18 =	vor.u32 v8, v17  }
0x3ad: {  	[tilespmem:v19+s22+$0x0] =	vst.idx.msk vm9, v18  }
0x3ae: {  	v18 =	vld [tilespmem:s7+$0xF0];
	_ =	sdelay $0x4  }
0x3af: {  	vm12 =	vgt.f32 v18, v15  }
0x3b0: {  	v19 =	vsel vm12, $0x1, v2  }
0x3b1: {  	(xrf0) =	vadd.scan.msk.s32 $0xffff, v19;
	_ =	sdelay $0x1  }
0x3b2: {  	v19 =	vmpcnt.ones.xlane vm9;
	_ =	sdelay $0x1  }
0x3b3: {  	v13 =	vadd.s32 v13, v19  }
0x3b4: {  	vm13 =	vlt.s32 v13, $0x1000  }
0x3b5: {  	v13 =	vnsel vm13, $0x1000, v13;
	v19, _, _ =	vpop (xrf0)  }
0x3b6: {  	v19 =	vadd.s32 v19, v13  }
0x3b7: {  	v19 =	vadd.s32 $0xFFFFFFFF, v19  }
0x3b8: {  	vm14 =	vlt.s32 v19, $0x100F  }
0x3b9: {  	v19 =	vnsel vm14, $0x100F, v19;
	_ =	sdelay $0x1  }
0x3ba: {  	v63 =	vmpcnt.ones.xlane vm12;
	_ =	sdelay $0x1  }
0x3bb: {  	v13 =	vadd.s32 v13, v63  }
0x3bc: {  	v17 =	vor.u32 v9, v17;
	vm15 =	vlt.s32 v13, $0x1000;
	[tilespmem:v19+s21+$0x0] =	vst.idx.msk vm12, v18  }
0x3bd: {  	v13 =	vnsel vm15, $0x1000, v13;
	[tilespmem:v19+s22+$0x0] =	vst.idx.msk vm12, v17  }
.LBB2_70:
0x3be: {  	(v2sf) =	vpush v13, $0x0;
	_ =	sdelay $0xe  }
0x3bf: {  	s2 =	spop (v2sf)  }
0x3c0: {  	p0 =	slt.s32 s2, $0xF80  }
.Ltmp53:
0x3c1: {  	_ = 	snop;
	(pc) =	sbr.rel @p0 .LBB2_89-.Ltmp53, $1  }
0x3c2: {  	_ =	sdelay $0x3  }
0x3c3: {  	v15 =	vxor.u32 $0x80000000, v13  }
0x3c4: {  	(xrf0) =	vmax.scan.msk.u32 $0xffff, v15;
	_ =	sdelay $0x5  }
0x3c5: {  	v15, _, _ =	vpop (xrf0)  }
0x3c6: {  	(v2sf) =	vpush v15, $0xF;
	_ =	sdelay $0xe  }
0x3c7: {  	s2 =	spop (v2sf)  }
0x3c8: {  	s7 =	sadd.s32 $0x7FFFFF7F, s2  }
0x3c9: {  	p1 =	sgt.u32 s7, $0xFFFFFFE2  }
.Ltmp54:
0x3ca: {  	_ = 	snop;
	(pc) =	sbr.rel @p1 .LBB2_84-.Ltmp54, $4  }
0x3cb: {  	_ = 	snop  }
0x3cc: {  	s3 =	sadd.s32 $0x8000000F, s2  }
0x3cd: {  	s8 =	sshra.s32 s3, $0x4  }
0x3ce: {  	s9 =	simm.s32 $0x0;
	s7 =	simm.s32 $0x0;
	p0 =	slt.s32 s8, $0x1  }
.Ltmp55:
0x3cf: {  	(pc) =	sbr.rel .LBB2_73-.Ltmp55, $3  }
0x3d0: {  	_ =	sdelay $0x1  }
0x3d1: {  	s10 =	sxor.u32 $0x80000000, s2;
	s11 =	simm.s32 $0x0  }
0x3d2: {  	s13 =	simm.s32 $0xFFFFFFFF;
	s2 =	simm.s32 $0xFFFFFFFF;
	s9 =	simm.s32 $0x0  }
.LBB2_74:
0x3d3: {  	v15 =	vimm.s32 $0x80000000  }
.LBB2_82:
0x3d4: {  	(xrf0) =	vmax.scan.msk.u32 $0xffff, v15;
	_ =	sdelay $0x5  }
0x3d5: {  	v15, _, _ =	vpop (xrf0)  }
0x3d6: {  	(v2sf) =	vpush v15, $0xF;
	_ =	sdelay $0xe  }
0x3d7: {  	s2 =	spop (v2sf)  }
0x3d8: {  	s2 =	sxor.u32 $0x80000000, s2  }
0x3d9: {  	p1 =	sgt.s32 s2, $0x63  }
0x3da: {  	s9 =	smov.u32 @p1 s12;
	s12 =	smov.u32 @p1 s13  }
0x3db: {  	s10 =	smov.u32 @p1 s2;
	s2 =	ssub.s32 s12, s9  }
0x3dc: {  	s3 =	sadd.s32 $0xFFFFFF7F, s10;
	p1 =	slt.u32 s2, $0x2  }
0x3dd: {  	p2 =	slt.u32 @!p1 s3, $0xFFFFFFE3  }
0x3de: {  	p2 =	por p1, !p2  }
.Ltmp56:
0x3df: {  	_ = 	snop;
	(pc) =	sbr.rel @p2 .LBB2_83-.Ltmp56, $2  }
0x3e0: {  	_ =	sdelay $0x2  }
0x3e1: {  	s13 =	smov.u32 s12  }
.LBB2_73:
.Ltmp57:
0x3e2: {  	(pc) =	sbr.rel @p0 .LBB2_74-.Ltmp57, $3  }
0x3e3: {  	_ =	sdelay $0x1  }
0x3e4: {  	s2 =	sshrl.u32 s2, $0x1  }
0x3e5: {  	s12 =	sadd.s32 s9, s2  }
0x3e6: {  	s2 =	simm.s32 $0x5180  }
0x3e7: {  	p2 =	sne.s32 s8, $0x1;
	v22 =	vld [tilespmem:s2+$0x0]  }
.Ltmp58:
0x3e8: {  	_ = 	snop;
	(pc) =	sbr.rel @!p2 .LBB2_76-.Ltmp58, $2  }
0x3e9: {  	_ =	sdelay $0x2  }
0x3ea: {  	v17 =	vmov s12;
	v15 =	vimm.s32 $0x0;
	s3 =	simm.s32 $0x5190;
	p1 =	por $0x0, $0x0;
	s2 =	sadd.s32 $0xFFFFFFFF, s8;
	v20 =	vshra.s32 v22, $0x1F  }
0x3eb: {  	v21 =	vld [tilespmem:s3+$0x0];
	v18 =	vor.u32 $0x80000000, v20;
	p2 =	sne.s32 s2, $0x1  }
.Ltmp59:
0x3ec: {  	v19 =	vor.u32 s11, v0;
	v18 =	vxor.u32 v22, v18;
	(pc) =	sbr.rel @!p2 .LBB2_78-.Ltmp59, $4  }
0x3ed: {  	vm0 =	vlt.s32 v19, v13;
	vm1 =	vgt.u32 v18, v17  }
0x3ee: {  	vm0 =	vmand vm0, vm1  }
0x3ef: {  	s2 =	sadd.s32 $0xFFFFFFFF, s2;
	v19 =	vmpcnt.ones.xlane vm0  }
0x3f0: {  	s14 =	simm.s32 $0x51A0;
	p1 =	por $0x1, $0x1;
	s3 =	simm.s32 $0x0;
	v18 =	vimm.s32 $0x0;
	v20 =	vshra.s32 v21, $0x1F  }
.LBB2_79:
0x3f1: {  	v22 =	vld [tilespmem:s14+$0x0];
	p2 =	sne.s32 s2, $0x1;
	s2 =	sadd.s32 $0xFFFFFFFF, s2;
	v20 =	vor.u32 $0x80000000, v20;
	v18 =	vadd.s32 v18, v19;
	s3 =	sadd.s32 $0x10, s3  }
.Ltmp60:
0x3f2: {  	v19 =	vxor.u32 v21, v20;
	v20 =	vor.u32 s3, v0;
	(pc) =	sbr.rel @p2 .LBB2_79-.Ltmp60, $4  }
0x3f3: {  	vm0 =	vlt.s32 v20, v13;
	vm1 =	vgt.u32 v19, v17  }
0x3f4: {  	vm0 =	vmand vm0, vm1  }
0x3f5: {  	v19 =	vmpcnt.ones.xlane vm0  }
0x3f6: {  	s14 =	sadd.s32 $0x10, s14;
	v20 =	vshra.s32 v22, $0x1F;
	v21 =	vmov v22  }
0x3f7: {  	v22 =	vmov v21  }
.LBB2_81:
0x3f8: {  	s2 =	sadd.s32 @p1 $0x10, s3;
	s3 =	simm.s32 $0x0  }
0x3f9: {  	v20 =	vor.u32 $0x80000000, v20;
	s3 =	smov.u32 @p1 s2  }
0x3fa: {  	v20 =	vxor.u32 v22, v20;
	v21 =	vor.u32 s3, v0  }
0x3fb: {  	vm1 =	vgt.u32 v20, v17;
	vm0 =	vlt.s32 v21, v13  }
.Ltmp61:
0x3fc: {  	vm0 =	vmand vm0, vm1;
	(pc) =	sbr.rel .LBB2_82-.Ltmp61, $4  }
0x3fd: {  	v17 =	vadd.s32 @p1 v18, v19;
	v18 =	vmpcnt.ones.xlane vm0  }
0x3fe: {  	v15 =	vpsel p1, v17, v15  }
0x3ff: {  	v15 =	vadd.s32 v15, v18  }
0x400: {  	v15 =	vxor.u32 $0x80000000, v15  }
.LBB2_76:
.Ltmp62:
0x401: {  	(pc) =	sbr.rel .LBB2_81-.Ltmp62, $2  }
0x402: {  	_ =	sdelay $0x2  }
0x403: {  	v18 =	vimm.s32 $0x0;
	s3 =	simm.s32 $0x0  }
.LBB2_78:
.Ltmp63:
0x404: {  	(pc) =	sbr.rel .LBB2_81-.Ltmp63, $2  }
0x405: {  	_ =	sdelay $0x2  }
0x406: {  	v18 =	vimm.s32 $0x0;
	s3 =	simm.s32 $0x0;
	v22 =	vmov v21  }
.LBB2_83:
0x407: {  	s9 =	smov.u32 @p1 s9  }
.LBB2_84:
.Ltmp64:
0x408: {  	(pc) =	sbr.rel @p0 .LBB2_88-.Ltmp64, $2  }
0x409: {  	_ =	sdelay $0x2  }
0x40a: {  	v15 =	vmov s9;
	v17 =	vimm.s32 $0x0  }
0x40b: {  	s9 =	simm.s32 $0x5180  }
0x40c: {  	v20 =	vld [tilespmem:s9+$0x0];
	_ =	sdelay $0x4  }
0x40d: {  	v18 =	vshra.s32 v20, $0x1F  }
0x40e: {  	v18 =	vor.u32 $0x80000000, v18  }
0x40f: {  	v19 =	vor.u32 s7, v0;
	v18 =	vxor.u32 v20, v18  }
0x410: {  	vm0 =	vlt.s32 v19, v13;
	vm1 =	vgt.u32 v18, v15  }
0x411: {  	vm0 =	vmand vm0, vm1  }
0x412: {  	v18 =	vsel vm0, $0x1, v2  }
0x413: {  	(xrf0) =	vadd.scan.msk.s32 $0xffff, v18;
	_ =	sdelay $0x5  }
0x414: {  	v18, _, _ =	vpop (xrf0)  }
0x415: {  	v18 =	vadd.s32 v18, v17  }
0x416: {  	v18 =	vadd.s32 $0xFFFFFFFF, v18  }
0x417: {  	v19 =	vmpcnt.ones.xlane vm0;
	vm1 =	vlt.s32 v18, $0xFFF  }
0x418: {  	s10 =	simm.s32 $0x6200;
	p0 =	sne.s32 s8, $0x1;
	v18 =	vnsel vm1, $0xFFF, v18  }
.Ltmp65:
0x419: {  	v17 =	vadd.s32 v17, v19;
	v19 =	vld [tilespmem:s10+$0x0];
	(pc) =	sbr.rel @!p0 .LBB2_87-.Ltmp65, $3  }
0x41a: {  	_ =	sdelay $0x1  }
0x41b: {  	vm1 =	vlt.s32 v17, $0x1000  }
0x41c: {  	s8 =	sadd.s32 $0xFFFFFFFF, s8;
	v17 =	vnsel vm1, $0x1000, v17;
	[tilespmem:v18+s21+$0x0] =	vst.idx.msk vm0, v20  }
.LBB2_86:
0x41d: {  	[tilespmem:v18+s22+$0x0] =	vst.idx.msk vm0, v19;
	s9 =	sadd.s32 $0x10, s9;
	s10 =	sadd.s32 $0x10, s10;
	s7 =	sadd.s32 $0x10, s7;
	v18 =	vmov v17  }
0x41e: {  	p0 =	sne.s32 s8, $0x1;
	s8 =	sadd.s32 $0xFFFFFFFF, s8;
	v20 =	vld [tilespmem:s9+$0x0];
	_ =	sdelay $0x4  }
0x41f: {  	v19 =	vshra.s32 v20, $0x1F  }
0x420: {  	v19 =	vor.u32 $0x80000000, v19  }
0x421: {  	v21 =	vor.u32 s7, v0;
	v19 =	vxor.u32 v20, v19  }
0x422: {  	vm0 =	vlt.s32 v21, v13;
	vm1 =	vgt.u32 v19, v15  }
0x423: {  	vm0 =	vmand vm0, vm1  }
0x424: {  	v19 =	vsel vm0, $0x1, v2;
	v21 =	vmpcnt.ones.xlane vm0  }
0x425: {  	(xrf0) =	vadd.scan.msk.s32 $0xffff, v19  }
0x426: {  	v17 =	vadd.s32 v17, v21  }
0x427: {  	vm1 =	vlt.s32 v17, $0x1000  }
0x428: {  	v17 =	vnsel vm1, $0x1000, v17;
	_ =	sdelay $0x2  }
0x429: {  	v19, _, _ =	vpop (xrf0)  }
0x42a: {  	v18 =	vadd.s32 v19, v18  }
0x42b: {  	v18 =	vadd.s32 $0xFFFFFFFF, v18  }
0x42c: {  	vm1 =	vlt.s32 v18, $0xFFF  }
0x42d: {  	v18 =	vnsel vm1, $0xFFF, v18  }
.Ltmp66:
0x42e: {  	v19 =	vld [tilespmem:s10+$0x0];
	(pc) =	sbr.rel @p0 .LBB2_86-.Ltmp66, $2  }
0x42f: {  	_ =	sdelay $0x2  }
0x430: {  	[tilespmem:v18+s21+$0x0] =	vst.idx.msk vm0, v20  }
.Ltmp67:
0x431: {  	_ = 	snop;
	(pc) =	sbr.rel .LBB2_87-.Ltmp67, $1  }
0x432: {  	_ =	sdelay $0x3  }
.LBB2_91:
0x433: {  	s15 =	simm.s32 $0x0  }
0x434: {  	s0 =	rddreg [dreg:$0x4];
	s14 =	simm.s32 $0x3000;
	s24 =	simm.s32 $0x3  }
0x435: {  	[tilespmem:s14], [sflag:$0x3] =	stream.linear.gather [hbm4b:s0+s15], $0x40, $0x38;
	[tilespmem:$0x7580] =	vst v63  }
0x436: {  	_ =	swait.ge [sflag:s24], $0x40  }
0x437: {  	[sflag:s24] =	ssyncset.done $0x0  }
0x438: {  	[sflag:s24] =	ssyncadd.s32 $0xFFFFFFC0  }
0x439: {  	v18 =	vld [tilespmem:$0x3010]  }
0x43a: {  	v19 =	vld [tilespmem:$0x3020]  }
0x43b: {  	v20 =	vld [tilespmem:$0x3030]  }
0x43c: {  	v17 =	vld [tilespmem:$0x3000];
	_ =	sdelay $0x2  }
0x43d: {  	vm0 =	vgt.f32 v18, v16;
	vm1 =	vgt.f32 v19, v16  }
0x43e: {  	vm2 =	vgt.f32 v20, v16;
	vm1 =	vmor vm0, vm1  }
0x43f: {  	vm0 =	vgt.f32 v17, v16;
	vm1 =	vmor vm1, vm2  }
0x440: {  	vm1 =	vmor vm0, vm1  }
0x441: {  	v63 =	vsel vm1, $0x3F800000, v1  }
0x442: {  	(xrf0) =	vmax.scan.msk.f32 $0xffff, v63;
	_ =	sdelay $0x5  }
0x443: {  	v18, _, _ =	vpop (xrf0)  }
0x444: {  	(v2sf) =	vpush v18, $0xF;
	_ =	sdelay $0xe  }
0x445: {  	s25 =	spop (v2sf)  }
0x446: {  	p0 =	sgt.f32 s25, $0.0e+00;
	_ =	sdelay $0x1  }
0x447: {  	v18 =	vsel @p0 vm0, $0x1, v2  }
0x448: {  	(xrf0) =	vadd.scan.msk.s32 @p0 $0xffff, v18;
	_ =	sdelay $0x5  }
0x449: {  	v18, _, _ =	vpop @p0 (xrf0)  }
0x44a: {  	v18 =	vadd.s32 @p0 v18, v14  }
0x44b: {  	v18 =	vadd.s32 @p0 $0xFFFFFFFF, v18  }
0x44c: {  	vm1 =	vlt.s32 @p0 v18, $0x100F  }
0x44d: {  	v18 =	vnsel @p0 vm1, $0x100F, v18;
	_ =	sdelay $0x4  }
0x44e: {  	[tilespmem:v18+s19+$0x0] =	vst.idx.msk @p0 vm0, v17;
	v17 =	vor.u32 @p0 $0xF4200, v0  }
0x44f: {  	[tilespmem:v18+s20+$0x0] =	vst.idx.msk @p0 vm0, v17  }
0x450: {  	v17 =	vld @p0 [tilespmem:$0x3010];
	_ =	sdelay $0x4  }
0x451: {  	vm1 =	vgt.f32 @p0 v17, v16  }
0x452: {  	v18 =	vsel @p0 vm1, $0x1, v2  }
0x453: {  	(xrf0) =	vadd.scan.msk.s32 @p0 $0xffff, v18;
	_ =	sdelay $0x1  }
0x454: {  	v18 =	vmpcnt.ones.xlane @p0 vm0;
	_ =	sdelay $0x1  }
0x455: {  	v14 =	vadd.s32 @p0 v14, v18  }
0x456: {  	vm0 =	vlt.s32 @p0 v14, $0x1000  }
0x457: {  	v14 =	vnsel @p0 vm0, $0x1000, v14;
	v18, _, _ =	vpop @p0 (xrf0)  }
0x458: {  	v18 =	vadd.s32 @p0 v18, v14  }
0x459: {  	v18 =	vadd.s32 @p0 $0xFFFFFFFF, v18  }
0x45a: {  	vm0 =	vlt.s32 @p0 v18, $0x100F  }
0x45b: {  	v18 =	vnsel @p0 vm0, $0x100F, v18;
	_ =	sdelay $0x4  }
0x45c: {  	[tilespmem:v18+s19+$0x0] =	vst.idx.msk @p0 vm1, v17;
	v17 =	vor.u32 @p0 $0xF4210, v0  }
0x45d: {  	[tilespmem:v18+s20+$0x0] =	vst.idx.msk @p0 vm1, v17  }
0x45e: {  	v17 =	vld @p0 [tilespmem:$0x3020];
	_ =	sdelay $0x4  }
0x45f: {  	vm0 =	vgt.f32 @p0 v17, v16  }
0x460: {  	v18 =	vsel @p0 vm0, $0x1, v2  }
0x461: {  	(xrf0) =	vadd.scan.msk.s32 @p0 $0xffff, v18;
	_ =	sdelay $0x1  }
0x462: {  	v18 =	vmpcnt.ones.xlane @p0 vm1;
	_ =	sdelay $0x1  }
0x463: {  	v14 =	vadd.s32 @p0 v14, v18  }
0x464: {  	vm1 =	vlt.s32 @p0 v14, $0x1000  }
0x465: {  	v14 =	vnsel @p0 vm1, $0x1000, v14;
	v18, _, _ =	vpop @p0 (xrf0)  }
0x466: {  	v18 =	vadd.s32 @p0 v18, v14  }
0x467: {  	v18 =	vadd.s32 @p0 $0xFFFFFFFF, v18  }
0x468: {  	vm1 =	vlt.s32 @p0 v18, $0x100F  }
0x469: {  	v18 =	vnsel @p0 vm1, $0x100F, v18;
	_ =	sdelay $0x4  }
0x46a: {  	[tilespmem:v18+s19+$0x0] =	vst.idx.msk @p0 vm0, v17;
	v17 =	vor.u32 @p0 $0xF4220, v0  }
0x46b: {  	[tilespmem:v18+s20+$0x0] =	vst.idx.msk @p0 vm0, v17  }
0x46c: {  	v17 =	vld @p0 [tilespmem:$0x3030];
	_ =	sdelay $0x4  }
0x46d: {  	vm1 =	vgt.f32 @p0 v17, v16  }
0x46e: {  	v16 =	vsel @p0 vm1, $0x1, v2  }
0x46f: {  	(xrf0) =	vadd.scan.msk.s32 @p0 $0xffff, v16;
	_ =	sdelay $0x1  }
0x470: {  	v16 =	vmpcnt.ones.xlane @p0 vm0;
	_ =	sdelay $0x1  }
0x471: {  	v14 =	vadd.s32 @p0 v14, v16  }
0x472: {  	vm0 =	vlt.s32 @p0 v14, $0x1000  }
0x473: {  	v14 =	vnsel @p0 vm0, $0x1000, v14;
	v16, _, _ =	vpop @p0 (xrf0)  }
0x474: {  	v18 =	vmpcnt.ones.xlane @p0 vm1;
	v16 =	vadd.s32 @p0 v16, v14  }
0x475: {  	v16 =	vadd.s32 @p0 $0xFFFFFFFF, v16  }
0x476: {  	v14 =	vadd.s32 @p0 v14, v18;
	vm0 =	vlt.s32 @p0 v16, $0x100F  }
0x477: {  	v16 =	vnsel @p0 vm0, $0x100F, v16;
	vm0 =	vlt.s32 @p0 v14, $0x1000  }
0x478: {  	v14 =	vnsel @p0 vm0, $0x1000, v14  }
0x479: {  	(v2sf) =	vpush v14, $0x0;
	_ =	sdelay $0xe  }
0x47a: {  	[tilespmem:v16+s19+$0x0] =	vst.idx.msk @p0 vm1, v17;
	v17 =	vor.u32 @p0 $0xF4230, v0;
	s31 =	spop (v2sf)  }
0x47b: {  	[tilespmem:v16+s20+$0x0] =	vst.idx.msk @p0 vm1, v17;
	p0 =	slt.s32 s31, $0xFC0  }
.Ltmp68:
0x47c: {  	_ = 	snop;
	(pc) =	sbr.rel @p0 .LBB2_92-.Ltmp68, $1  }
0x47d: {  	_ =	sdelay $0x3  }
0x47e: {  	v16 =	vxor.u32 $0x80000000, v14  }
0x47f: {  	(xrf0) =	vmax.scan.msk.u32 $0xffff, v16;
	_ =	sdelay $0x5  }
0x480: {  	v16, _, _ =	vpop (xrf0)  }
0x481: {  	(v2sf) =	vpush v16, $0xF;
	_ =	sdelay $0xe  }
0x482: {  	s2 =	spop (v2sf)  }
0x483: {  	s3 =	sadd.s32 $0x7FFFFF7F, s2  }
0x484: {  	p1 =	sgt.u32 s3, $0xFFFFFFE2  }
.Ltmp69:
0x485: {  	_ = 	snop;
	(pc) =	sbr.rel @p1 .LBB2_106-.Ltmp69, $4  }
0x486: {  	_ = 	snop  }
0x487: {  	s0 =	sadd.s32 $0x8000000F, s2  }
0x488: {  	s7 =	sshra.s32 s0, $0x4  }
0x489: {  	s8 =	simm.s32 $0x0;
	s0 =	simm.s32 $0x0;
	p0 =	slt.s32 s7, $0x1  }
.Ltmp70:
0x48a: {  	(pc) =	sbr.rel .LBB2_95-.Ltmp70, $3  }
0x48b: {  	_ =	sdelay $0x1  }
0x48c: {  	s9 =	sxor.u32 $0x80000000, s2;
	s10 =	simm.s32 $0x0  }
0x48d: {  	s12 =	simm.s32 $0xFFFFFFFF;
	s2 =	simm.s32 $0xFFFFFFFF;
	s8 =	simm.s32 $0x0  }
.LBB2_96:
0x48e: {  	v16 =	vimm.s32 $0x80000000  }
.LBB2_104:
0x48f: {  	(xrf0) =	vmax.scan.msk.u32 $0xffff, v16;
	_ =	sdelay $0x5  }
0x490: {  	v16, _, _ =	vpop (xrf0)  }
0x491: {  	(v2sf) =	vpush v16, $0xF;
	_ =	sdelay $0xe  }
0x492: {  	s2 =	spop (v2sf)  }
0x493: {  	s2 =	sxor.u32 $0x80000000, s2  }
0x494: {  	p1 =	sgt.s32 s2, $0x63  }
0x495: {  	s8 =	smov.u32 @p1 s11;
	s11 =	smov.u32 @p1 s12  }
0x496: {  	s9 =	smov.u32 @p1 s2;
	s2 =	ssub.s32 s11, s8  }
0x497: {  	s3 =	sadd.s32 $0xFFFFFF7F, s9;
	p1 =	slt.u32 s2, $0x2  }
0x498: {  	p2 =	slt.u32 @!p1 s3, $0xFFFFFFE3  }
0x499: {  	p2 =	por p1, !p2  }
.Ltmp71:
0x49a: {  	_ = 	snop;
	(pc) =	sbr.rel @p2 .LBB2_105-.Ltmp71, $2  }
0x49b: {  	_ =	sdelay $0x2  }
0x49c: {  	s12 =	smov.u32 s11  }
.LBB2_95:
.Ltmp72:
0x49d: {  	(pc) =	sbr.rel @p0 .LBB2_96-.Ltmp72, $3  }
0x49e: {  	_ =	sdelay $0x1  }
0x49f: {  	s2 =	sshrl.u32 s2, $0x1  }
0x4a0: {  	s11 =	sadd.s32 s8, s2  }
0x4a1: {  	s2 =	simm.s32 $0x3080  }
0x4a2: {  	p2 =	sne.s32 s7, $0x1;
	v22 =	vld [tilespmem:s2+$0x0]  }
.Ltmp73:
0x4a3: {  	_ = 	snop;
	(pc) =	sbr.rel @!p2 .LBB2_98-.Ltmp73, $2  }
0x4a4: {  	_ =	sdelay $0x2  }
0x4a5: {  	v17 =	vmov s11;
	v16 =	vimm.s32 $0x0;
	s3 =	simm.s32 $0x3090;
	p1 =	por $0x0, $0x0;
	s2 =	sadd.s32 $0xFFFFFFFF, s7;
	v20 =	vshra.s32 v22, $0x1F  }
0x4a6: {  	v21 =	vld [tilespmem:s3+$0x0];
	v18 =	vor.u32 $0x80000000, v20;
	p2 =	sne.s32 s2, $0x1  }
.Ltmp74:
0x4a7: {  	v19 =	vor.u32 s10, v0;
	v18 =	vxor.u32 v22, v18;
	(pc) =	sbr.rel @!p2 .LBB2_100-.Ltmp74, $4  }
0x4a8: {  	vm0 =	vlt.s32 v19, v14;
	vm1 =	vgt.u32 v18, v17  }
0x4a9: {  	vm0 =	vmand vm0, vm1  }
0x4aa: {  	s2 =	sadd.s32 $0xFFFFFFFF, s2;
	v19 =	vmpcnt.ones.xlane vm0  }
0x4ab: {  	s13 =	simm.s32 $0x30A0;
	p1 =	por $0x1, $0x1;
	s3 =	simm.s32 $0x0;
	v18 =	vimm.s32 $0x0;
	v20 =	vshra.s32 v21, $0x1F  }
.LBB2_101:
0x4ac: {  	v22 =	vld [tilespmem:s13+$0x0];
	p2 =	sne.s32 s2, $0x1;
	s2 =	sadd.s32 $0xFFFFFFFF, s2;
	v20 =	vor.u32 $0x80000000, v20;
	v18 =	vadd.s32 v18, v19;
	s3 =	sadd.s32 $0x10, s3  }
.Ltmp75:
0x4ad: {  	v19 =	vxor.u32 v21, v20;
	v20 =	vor.u32 s3, v0;
	(pc) =	sbr.rel @p2 .LBB2_101-.Ltmp75, $4  }
0x4ae: {  	vm0 =	vlt.s32 v20, v14;
	vm1 =	vgt.u32 v19, v17  }
0x4af: {  	vm0 =	vmand vm0, vm1  }
0x4b0: {  	v19 =	vmpcnt.ones.xlane vm0  }
0x4b1: {  	s13 =	sadd.s32 $0x10, s13;
	v20 =	vshra.s32 v22, $0x1F;
	v21 =	vmov v22  }
0x4b2: {  	v22 =	vmov v21  }
.LBB2_103:
0x4b3: {  	s2 =	sadd.s32 @p1 $0x10, s3;
	s3 =	simm.s32 $0x0  }
0x4b4: {  	v20 =	vor.u32 $0x80000000, v20;
	s3 =	smov.u32 @p1 s2  }
0x4b5: {  	v20 =	vxor.u32 v22, v20;
	v21 =	vor.u32 s3, v0  }
0x4b6: {  	vm1 =	vgt.u32 v20, v17;
	vm0 =	vlt.s32 v21, v14  }
.Ltmp76:
0x4b7: {  	vm0 =	vmand vm0, vm1;
	(pc) =	sbr.rel .LBB2_104-.Ltmp76, $4  }
0x4b8: {  	v17 =	vadd.s32 @p1 v18, v19;
	v18 =	vmpcnt.ones.xlane vm0  }
0x4b9: {  	v16 =	vpsel p1, v17, v16  }
0x4ba: {  	v16 =	vadd.s32 v16, v18  }
0x4bb: {  	v16 =	vxor.u32 $0x80000000, v16  }
.LBB2_98:
.Ltmp77:
0x4bc: {  	(pc) =	sbr.rel .LBB2_103-.Ltmp77, $2  }
0x4bd: {  	_ =	sdelay $0x2  }
0x4be: {  	v18 =	vimm.s32 $0x0;
	s3 =	simm.s32 $0x0  }
.LBB2_100:
.Ltmp78:
0x4bf: {  	(pc) =	sbr.rel .LBB2_103-.Ltmp78, $2  }
0x4c0: {  	_ =	sdelay $0x2  }
0x4c1: {  	v18 =	vimm.s32 $0x0;
	s3 =	simm.s32 $0x0;
	v22 =	vmov v21  }
.LBB2_92:
.Ltmp79:
0x4c2: {  	(pc) =	sbr.rel .LBB2_111-.Ltmp79, $2  }
0x4c3: {  	_ =	sdelay $0x2  }
0x4c4: {  	s25 =	simm.s32 $0x7480;
	s31 =	simm.s32 $0x7500  }
.LBB2_105:
0x4c5: {  	s8 =	smov.u32 @p1 s8  }
.LBB2_106:
.Ltmp80:
0x4c6: {  	(pc) =	sbr.rel @p0 .LBB2_107-.Ltmp80, $2  }
0x4c7: {  	_ =	sdelay $0x2  }
0x4c8: {  	v17 =	vimm.s32 $0x0;
	s25 =	simm.s32 $0x7480;
	s31 =	simm.s32 $0x7500  }
0x4c9: {  	s9 =	simm.s32 $0x3080  }
0x4ca: {  	v20 =	vld [tilespmem:s9+$0x0];
	_ =	sdelay $0x4  }
0x4cb: {  	v16 =	vshra.s32 v20, $0x1F  }
0x4cc: {  	v18 =	vor.u32 $0x80000000, v16  }
0x4cd: {  	v19 =	vor.u32 s0, v0;
	v16 =	vmov s8;
	v18 =	vxor.u32 v20, v18  }
0x4ce: {  	vm0 =	vlt.s32 v19, v14;
	vm1 =	vgt.u32 v18, v16  }
0x4cf: {  	vm0 =	vmand vm0, vm1  }
0x4d0: {  	v18 =	vsel vm0, $0x1, v2  }
0x4d1: {  	(xrf0) =	vadd.scan.msk.s32 $0xffff, v18;
	_ =	sdelay $0x5  }
0x4d2: {  	v18, _, _ =	vpop (xrf0)  }
0x4d3: {  	v18 =	vadd.s32 v18, v17  }
0x4d4: {  	v18 =	vadd.s32 $0xFFFFFFFF, v18  }
0x4d5: {  	v19 =	vmpcnt.ones.xlane vm0;
	vm1 =	vlt.s32 v18, $0xFFF  }
0x4d6: {  	p0 =	sne.s32 s7, $0x1;
	s8 =	simm.s32 $0x4100;
	v18 =	vnsel vm1, $0xFFF, v18  }
.Ltmp81:
0x4d7: {  	v17 =	vadd.s32 v17, v19;
	v19 =	vld [tilespmem:s8+$0x0];
	(pc) =	sbr.rel @!p0 .LBB2_110-.Ltmp81, $3  }
0x4d8: {  	_ =	sdelay $0x1  }
0x4d9: {  	vm1 =	vlt.s32 v17, $0x1000  }
0x4da: {  	s7 =	sadd.s32 $0xFFFFFFFF, s7;
	v17 =	vnsel vm1, $0x1000, v17;
	[tilespmem:v18+s19+$0x0] =	vst.idx.msk vm0, v20  }
.LBB2_109:
0x4db: {  	[tilespmem:v18+s20+$0x0] =	vst.idx.msk vm0, v19;
	s9 =	sadd.s32 $0x10, s9;
	s8 =	sadd.s32 $0x10, s8;
	s0 =	sadd.s32 $0x10, s0;
	v18 =	vmov v17  }
0x4dc: {  	p0 =	sne.s32 s7, $0x1;
	s7 =	sadd.s32 $0xFFFFFFFF, s7;
	v20 =	vld [tilespmem:s9+$0x0];
	_ =	sdelay $0x4  }
0x4dd: {  	v19 =	vshra.s32 v20, $0x1F  }
0x4de: {  	v19 =	vor.u32 $0x80000000, v19  }
0x4df: {  	v21 =	vor.u32 s0, v0;
	v19 =	vxor.u32 v20, v19  }
0x4e0: {  	vm0 =	vlt.s32 v21, v14;
	vm1 =	vgt.u32 v19, v16  }
0x4e1: {  	vm0 =	vmand vm0, vm1  }
0x4e2: {  	v19 =	vsel vm0, $0x1, v2;
	v21 =	vmpcnt.ones.xlane vm0  }
0x4e3: {  	(xrf0) =	vadd.scan.msk.s32 $0xffff, v19  }
0x4e4: {  	v17 =	vadd.s32 v17, v21  }
0x4e5: {  	vm1 =	vlt.s32 v17, $0x1000  }
0x4e6: {  	v17 =	vnsel vm1, $0x1000, v17;
	_ =	sdelay $0x2  }
0x4e7: {  	v19, _, _ =	vpop (xrf0)  }
0x4e8: {  	v18 =	vadd.s32 v19, v18  }
0x4e9: {  	v18 =	vadd.s32 $0xFFFFFFFF, v18  }
0x4ea: {  	vm1 =	vlt.s32 v18, $0xFFF  }
0x4eb: {  	v18 =	vnsel vm1, $0xFFF, v18  }
.Ltmp82:
0x4ec: {  	v19 =	vld [tilespmem:s8+$0x0];
	(pc) =	sbr.rel @p0 .LBB2_109-.Ltmp82, $2  }
0x4ed: {  	_ =	sdelay $0x2  }
0x4ee: {  	[tilespmem:v18+s19+$0x0] =	vst.idx.msk vm0, v20  }
.LBB2_110:
0x4ef: {  	_ = 	snop  }
.Ltmp83:
0x4f0: {  	_ = 	snop;
	(pc) =	sbr.rel .LBB2_111-.Ltmp83, $2  }
0x4f1: {  	_ =	sdelay $0x2  }
0x4f2: {  	[tilespmem:v18+s20+$0x0] =	vst.idx.msk vm0, v19;
	v14 =	vmov v17  }
.LBB2_107:
0x4f3: {  	v14 =	vimm.s32 $0x0  }
.LBB2_111:
0x4f4: {  	s0 =	rddreg [dreg:$0x5]  }
0x4f5: {  	[tilespmem:s14], [sflag:$0x3] =	stream.linear.gather [hbm4b:s0+s15], $0x40, $0x38;
	[tilespmem:$0x7580] =	vst v63  }
0x4f6: {  	_ =	swait.ge [sflag:s24], $0x40  }
0x4f7: {  	[sflag:s24] =	ssyncset.done $0x0  }
0x4f8: {  	[sflag:s24] =	ssyncadd.s32 $0xFFFFFFC0  }
0x4f9: {  	v17 =	vld [tilespmem:$0x3010]  }
0x4fa: {  	v18 =	vld [tilespmem:$0x3020]  }
0x4fb: {  	v19 =	vld [tilespmem:$0x3030]  }
0x4fc: {  	v16 =	vld [tilespmem:$0x3000];
	_ =	sdelay $0x2  }
0x4fd: {  	vm0 =	vgt.f32 v17, v15;
	vm1 =	vgt.f32 v18, v15  }
0x4fe: {  	vm2 =	vgt.f32 v19, v15;
	vm1 =	vmor vm0, vm1  }
0x4ff: {  	vm0 =	vgt.f32 v16, v15;
	vm1 =	vmor vm1, vm2  }
0x500: {  	vm1 =	vmor vm0, vm1  }
0x501: {  	v63 =	vsel vm1, $0x3F800000, v1  }
0x502: {  	(xrf0) =	vmax.scan.msk.f32 $0xffff, v63;
	_ =	sdelay $0x5  }
0x503: {  	v17, _, _ =	vpop (xrf0)  }
0x504: {  	(v2sf) =	vpush v17, $0xF;
	_ =	sdelay $0xe  }
0x505: {  	s13 =	spop (v2sf)  }
0x506: {  	p0 =	sgt.f32 s13, $0.0e+00;
	_ =	sdelay $0x1  }
0x507: {  	v17 =	vsel @p0 vm0, $0x1, v2  }
0x508: {  	(xrf0) =	vadd.scan.msk.s32 @p0 $0xffff, v17;
	_ =	sdelay $0x5  }
0x509: {  	v17, _, _ =	vpop @p0 (xrf0)  }
0x50a: {  	v17 =	vadd.s32 @p0 v17, v13  }
0x50b: {  	v17 =	vadd.s32 @p0 $0xFFFFFFFF, v17  }
0x50c: {  	vm1 =	vlt.s32 @p0 v17, $0x100F  }
0x50d: {  	v17 =	vnsel @p0 vm1, $0x100F, v17;
	_ =	sdelay $0x4  }
0x50e: {  	[tilespmem:v17+s21+$0x0] =	vst.idx.msk @p0 vm0, v16;
	v16 =	vor.u32 @p0 $0xF4200, v0  }
0x50f: {  	[tilespmem:v17+s22+$0x0] =	vst.idx.msk @p0 vm0, v16  }
0x510: {  	v16 =	vld @p0 [tilespmem:$0x3010];
	_ =	sdelay $0x4  }
0x511: {  	vm1 =	vgt.f32 @p0 v16, v15  }
0x512: {  	v17 =	vsel @p0 vm1, $0x1, v2  }
0x513: {  	(xrf0) =	vadd.scan.msk.s32 @p0 $0xffff, v17;
	_ =	sdelay $0x1  }
0x514: {  	v17 =	vmpcnt.ones.xlane @p0 vm0;
	_ =	sdelay $0x1  }
0x515: {  	v13 =	vadd.s32 @p0 v13, v17  }
0x516: {  	vm0 =	vlt.s32 @p0 v13, $0x1000  }
0x517: {  	v13 =	vnsel @p0 vm0, $0x1000, v13;
	v17, _, _ =	vpop @p0 (xrf0)  }
0x518: {  	v17 =	vadd.s32 @p0 v17, v13  }
0x519: {  	v17 =	vadd.s32 @p0 $0xFFFFFFFF, v17  }
0x51a: {  	vm0 =	vlt.s32 @p0 v17, $0x100F  }
0x51b: {  	v17 =	vnsel @p0 vm0, $0x100F, v17;
	_ =	sdelay $0x4  }
0x51c: {  	[tilespmem:v17+s21+$0x0] =	vst.idx.msk @p0 vm1, v16;
	v16 =	vor.u32 @p0 $0xF4210, v0  }
0x51d: {  	[tilespmem:v17+s22+$0x0] =	vst.idx.msk @p0 vm1, v16  }
0x51e: {  	v16 =	vld @p0 [tilespmem:$0x3020];
	_ =	sdelay $0x4  }
0x51f: {  	vm0 =	vgt.f32 @p0 v16, v15  }
0x520: {  	v17 =	vsel @p0 vm0, $0x1, v2  }
0x521: {  	(xrf0) =	vadd.scan.msk.s32 @p0 $0xffff, v17;
	_ =	sdelay $0x1  }
0x522: {  	v17 =	vmpcnt.ones.xlane @p0 vm1;
	_ =	sdelay $0x1  }
0x523: {  	v13 =	vadd.s32 @p0 v13, v17  }
0x524: {  	vm1 =	vlt.s32 @p0 v13, $0x1000  }
0x525: {  	v13 =	vnsel @p0 vm1, $0x1000, v13;
	v17, _, _ =	vpop @p0 (xrf0)  }
0x526: {  	v17 =	vadd.s32 @p0 v17, v13  }
0x527: {  	v17 =	vadd.s32 @p0 $0xFFFFFFFF, v17  }
0x528: {  	vm1 =	vlt.s32 @p0 v17, $0x100F  }
0x529: {  	v17 =	vnsel @p0 vm1, $0x100F, v17;
	_ =	sdelay $0x4  }
0x52a: {  	[tilespmem:v17+s21+$0x0] =	vst.idx.msk @p0 vm0, v16;
	v16 =	vor.u32 @p0 $0xF4220, v0  }
0x52b: {  	[tilespmem:v17+s22+$0x0] =	vst.idx.msk @p0 vm0, v16  }
0x52c: {  	v16 =	vld @p0 [tilespmem:$0x3030];
	_ =	sdelay $0x4  }
0x52d: {  	vm1 =	vgt.f32 @p0 v16, v15  }
0x52e: {  	v15 =	vsel @p0 vm1, $0x1, v2  }
0x52f: {  	(xrf0) =	vadd.scan.msk.s32 @p0 $0xffff, v15;
	_ =	sdelay $0x1  }
0x530: {  	v15 =	vmpcnt.ones.xlane @p0 vm0;
	_ =	sdelay $0x1  }
0x531: {  	v13 =	vadd.s32 @p0 v13, v15  }
0x532: {  	vm0 =	vlt.s32 @p0 v13, $0x1000  }
0x533: {  	v13 =	vnsel @p0 vm0, $0x1000, v13;
	v15, _, _ =	vpop @p0 (xrf0)  }
0x534: {  	v17 =	vmpcnt.ones.xlane @p0 vm1;
	v15 =	vadd.s32 @p0 v15, v13  }
0x535: {  	v15 =	vadd.s32 @p0 $0xFFFFFFFF, v15  }
0x536: {  	v13 =	vadd.s32 @p0 v13, v17;
	vm0 =	vlt.s32 @p0 v15, $0x100F  }
0x537: {  	v15 =	vnsel @p0 vm0, $0x100F, v15;
	vm0 =	vlt.s32 @p0 v13, $0x1000  }
0x538: {  	v13 =	vnsel @p0 vm0, $0x1000, v13  }
0x539: {  	(v2sf) =	vpush v13, $0x0;
	_ =	sdelay $0xe  }
0x53a: {  	[tilespmem:v15+s21+$0x0] =	vst.idx.msk @p0 vm1, v16;
	v16 =	vor.u32 @p0 $0xF4230, v0;
	s14 =	spop (v2sf)  }
0x53b: {  	[tilespmem:v15+s22+$0x0] =	vst.idx.msk @p0 vm1, v16;
	p0 =	slt.s32 s14, $0xFC0  }
.Ltmp84:
0x53c: {  	_ = 	snop;
	(pc) =	sbr.rel @p0 .LBB2_130-.Ltmp84, $1  }
0x53d: {  	_ =	sdelay $0x3  }
0x53e: {  	v15 =	vxor.u32 $0x80000000, v13  }
0x53f: {  	(xrf0) =	vmax.scan.msk.u32 $0xffff, v15;
	_ =	sdelay $0x5  }
0x540: {  	v15, _, _ =	vpop (xrf0)  }
0x541: {  	(v2sf) =	vpush v15, $0xF;
	_ =	sdelay $0xe  }
0x542: {  	s2 =	spop (v2sf)  }
0x543: {  	s3 =	sadd.s32 $0x7FFFFF7F, s2  }
0x544: {  	p1 =	sgt.u32 s3, $0xFFFFFFE2  }
.Ltmp85:
0x545: {  	_ = 	snop;
	(pc) =	sbr.rel @p1 .LBB2_125-.Ltmp85, $4  }
0x546: {  	_ = 	snop  }
0x547: {  	s0 =	sadd.s32 $0x8000000F, s2  }
0x548: {  	s7 =	sshra.s32 s0, $0x4  }
0x549: {  	s8 =	simm.s32 $0x0;
	s0 =	simm.s32 $0x0;
	p0 =	slt.s32 s7, $0x1  }
.Ltmp86:
0x54a: {  	(pc) =	sbr.rel .LBB2_114-.Ltmp86, $3  }
0x54b: {  	_ =	sdelay $0x1  }
0x54c: {  	s9 =	sxor.u32 $0x80000000, s2;
	s10 =	simm.s32 $0x0  }
0x54d: {  	s12 =	simm.s32 $0xFFFFFFFF;
	s2 =	simm.s32 $0xFFFFFFFF;
	s8 =	simm.s32 $0x0  }
.LBB2_115:
0x54e: {  	v15 =	vimm.s32 $0x80000000  }
.LBB2_123:
0x54f: {  	(xrf0) =	vmax.scan.msk.u32 $0xffff, v15;
	_ =	sdelay $0x5  }
0x550: {  	v15, _, _ =	vpop (xrf0)  }
0x551: {  	(v2sf) =	vpush v15, $0xF;
	_ =	sdelay $0xe  }
0x552: {  	s2 =	spop (v2sf)  }
0x553: {  	s2 =	sxor.u32 $0x80000000, s2  }
0x554: {  	p1 =	sgt.s32 s2, $0x63  }
0x555: {  	s8 =	smov.u32 @p1 s11;
	s11 =	smov.u32 @p1 s12  }
0x556: {  	s9 =	smov.u32 @p1 s2;
	s2 =	ssub.s32 s11, s8  }
0x557: {  	s3 =	sadd.s32 $0xFFFFFF7F, s9;
	p1 =	slt.u32 s2, $0x2  }
0x558: {  	p2 =	slt.u32 @!p1 s3, $0xFFFFFFE3  }
0x559: {  	p2 =	por p1, !p2  }
.Ltmp87:
0x55a: {  	_ = 	snop;
	(pc) =	sbr.rel @p2 .LBB2_124-.Ltmp87, $2  }
0x55b: {  	_ =	sdelay $0x2  }
0x55c: {  	s12 =	smov.u32 s11  }
.LBB2_114:
.Ltmp88:
0x55d: {  	(pc) =	sbr.rel @p0 .LBB2_115-.Ltmp88, $3  }
0x55e: {  	_ =	sdelay $0x1  }
0x55f: {  	s2 =	sshrl.u32 s2, $0x1  }
0x560: {  	s11 =	sadd.s32 s8, s2  }
0x561: {  	s2 =	simm.s32 $0x5180  }
0x562: {  	p2 =	sne.s32 s7, $0x1;
	v21 =	vld [tilespmem:s2+$0x0]  }
.Ltmp89:
0x563: {  	_ = 	snop;
	(pc) =	sbr.rel @!p2 .LBB2_117-.Ltmp89, $2  }
0x564: {  	_ =	sdelay $0x2  }
0x565: {  	v16 =	vmov s11;
	v15 =	vimm.s32 $0x0;
	s3 =	simm.s32 $0x5190;
	p1 =	por $0x0, $0x0;
	s2 =	sadd.s32 $0xFFFFFFFF, s7;
	v19 =	vshra.s32 v21, $0x1F  }
0x566: {  	v20 =	vld [tilespmem:s3+$0x0];
	v17 =	vor.u32 $0x80000000, v19;
	p2 =	sne.s32 s2, $0x1  }
.Ltmp90:
0x567: {  	v18 =	vor.u32 s10, v0;
	v17 =	vxor.u32 v21, v17;
	(pc) =	sbr.rel @!p2 .LBB2_119-.Ltmp90, $4  }
0x568: {  	vm0 =	vlt.s32 v18, v13;
	vm1 =	vgt.u32 v17, v16  }
0x569: {  	vm0 =	vmand vm0, vm1  }
0x56a: {  	s2 =	sadd.s32 $0xFFFFFFFF, s2;
	v18 =	vmpcnt.ones.xlane vm0  }
0x56b: {  	s13 =	simm.s32 $0x51A0;
	p1 =	por $0x1, $0x1;
	s3 =	simm.s32 $0x0;
	v17 =	vimm.s32 $0x0;
	v19 =	vshra.s32 v20, $0x1F  }
.LBB2_120:
0x56c: {  	v21 =	vld [tilespmem:s13+$0x0];
	p2 =	sne.s32 s2, $0x1;
	s2 =	sadd.s32 $0xFFFFFFFF, s2;
	v19 =	vor.u32 $0x80000000, v19;
	v17 =	vadd.s32 v17, v18;
	s3 =	sadd.s32 $0x10, s3  }
.Ltmp91:
0x56d: {  	v18 =	vxor.u32 v20, v19;
	v19 =	vor.u32 s3, v0;
	(pc) =	sbr.rel @p2 .LBB2_120-.Ltmp91, $4  }
0x56e: {  	vm0 =	vlt.s32 v19, v13;
	vm1 =	vgt.u32 v18, v16  }
0x56f: {  	vm0 =	vmand vm0, vm1  }
0x570: {  	v18 =	vmpcnt.ones.xlane vm0  }
0x571: {  	s13 =	sadd.s32 $0x10, s13;
	v19 =	vshra.s32 v21, $0x1F;
	v20 =	vmov v21  }
0x572: {  	v21 =	vmov v20  }
.LBB2_122:
0x573: {  	s2 =	sadd.s32 @p1 $0x10, s3;
	s3 =	simm.s32 $0x0  }
0x574: {  	v19 =	vor.u32 $0x80000000, v19;
	s3 =	smov.u32 @p1 s2  }
0x575: {  	v19 =	vxor.u32 v21, v19;
	v20 =	vor.u32 s3, v0  }
0x576: {  	vm1 =	vgt.u32 v19, v16;
	vm0 =	vlt.s32 v20, v13  }
.Ltmp92:
0x577: {  	vm0 =	vmand vm0, vm1;
	(pc) =	sbr.rel .LBB2_123-.Ltmp92, $4  }
0x578: {  	v16 =	vadd.s32 @p1 v17, v18;
	v17 =	vmpcnt.ones.xlane vm0  }
0x579: {  	v15 =	vpsel p1, v16, v15  }
0x57a: {  	v15 =	vadd.s32 v15, v17  }
0x57b: {  	v15 =	vxor.u32 $0x80000000, v15  }
.LBB2_117:
.Ltmp93:
0x57c: {  	(pc) =	sbr.rel .LBB2_122-.Ltmp93, $2  }
0x57d: {  	_ =	sdelay $0x2  }
0x57e: {  	v17 =	vimm.s32 $0x0;
	s3 =	simm.s32 $0x0  }
.LBB2_119:
.Ltmp94:
0x57f: {  	(pc) =	sbr.rel .LBB2_122-.Ltmp94, $2  }
0x580: {  	_ =	sdelay $0x2  }
0x581: {  	v17 =	vimm.s32 $0x0;
	s3 =	simm.s32 $0x0;
	v21 =	vmov v20  }
.LBB2_124:
0x582: {  	s8 =	smov.u32 @p1 s8  }
.LBB2_125:
.Ltmp95:
0x583: {  	(pc) =	sbr.rel @p0 .LBB2_126-.Ltmp95, $2  }
0x584: {  	_ =	sdelay $0x2  }
0x585: {  	v16 =	vimm.s32 $0x0  }
0x586: {  	s9 =	simm.s32 $0x5180  }
0x587: {  	v19 =	vld [tilespmem:s9+$0x0];
	_ =	sdelay $0x4  }
0x588: {  	v15 =	vshra.s32 v19, $0x1F  }
0x589: {  	v17 =	vor.u32 $0x80000000, v15  }
0x58a: {  	v18 =	vor.u32 s0, v0;
	v15 =	vmov s8;
	v17 =	vxor.u32 v19, v17  }
0x58b: {  	vm0 =	vlt.s32 v18, v13;
	vm1 =	vgt.u32 v17, v15  }
0x58c: {  	vm0 =	vmand vm0, vm1  }
0x58d: {  	v17 =	vsel vm0, $0x1, v2  }
0x58e: {  	(xrf0) =	vadd.scan.msk.s32 $0xffff, v17;
	_ =	sdelay $0x5  }
0x58f: {  	v17, _, _ =	vpop (xrf0)  }
0x590: {  	v17 =	vadd.s32 v17, v16  }
0x591: {  	v17 =	vadd.s32 $0xFFFFFFFF, v17  }
0x592: {  	v18 =	vmpcnt.ones.xlane vm0;
	vm1 =	vlt.s32 v17, $0xFFF  }
0x593: {  	p0 =	sne.s32 s7, $0x1;
	s8 =	simm.s32 $0x6200;
	v17 =	vnsel vm1, $0xFFF, v17  }
.Ltmp96:
0x594: {  	v16 =	vadd.s32 v16, v18;
	v18 =	vld [tilespmem:s8+$0x0];
	(pc) =	sbr.rel @!p0 .LBB2_129-.Ltmp96, $3  }
0x595: {  	_ =	sdelay $0x1  }
0x596: {  	vm1 =	vlt.s32 v16, $0x1000  }
0x597: {  	s7 =	sadd.s32 $0xFFFFFFFF, s7;
	v16 =	vnsel vm1, $0x1000, v16;
	[tilespmem:v17+s21+$0x0] =	vst.idx.msk vm0, v19  }
.LBB2_128:
0x598: {  	[tilespmem:v17+s22+$0x0] =	vst.idx.msk vm0, v18;
	s9 =	sadd.s32 $0x10, s9;
	s8 =	sadd.s32 $0x10, s8;
	s0 =	sadd.s32 $0x10, s0;
	v17 =	vmov v16  }
0x599: {  	p0 =	sne.s32 s7, $0x1;
	s7 =	sadd.s32 $0xFFFFFFFF, s7;
	v19 =	vld [tilespmem:s9+$0x0];
	_ =	sdelay $0x4  }
0x59a: {  	v18 =	vshra.s32 v19, $0x1F  }
0x59b: {  	v18 =	vor.u32 $0x80000000, v18  }
0x59c: {  	v20 =	vor.u32 s0, v0;
	v18 =	vxor.u32 v19, v18  }
0x59d: {  	vm0 =	vlt.s32 v20, v13;
	vm1 =	vgt.u32 v18, v15  }
0x59e: {  	vm0 =	vmand vm0, vm1  }
0x59f: {  	v18 =	vsel vm0, $0x1, v2;
	v20 =	vmpcnt.ones.xlane vm0  }
0x5a0: {  	(xrf0) =	vadd.scan.msk.s32 $0xffff, v18  }
0x5a1: {  	v16 =	vadd.s32 v16, v20  }
0x5a2: {  	vm1 =	vlt.s32 v16, $0x1000  }
0x5a3: {  	v16 =	vnsel vm1, $0x1000, v16;
	_ =	sdelay $0x2  }
0x5a4: {  	v18, _, _ =	vpop (xrf0)  }
0x5a5: {  	v17 =	vadd.s32 v18, v17  }
0x5a6: {  	v17 =	vadd.s32 $0xFFFFFFFF, v17  }
0x5a7: {  	vm1 =	vlt.s32 v17, $0xFFF  }
0x5a8: {  	v17 =	vnsel vm1, $0xFFF, v17  }
.Ltmp97:
0x5a9: {  	v18 =	vld [tilespmem:s8+$0x0];
	(pc) =	sbr.rel @p0 .LBB2_128-.Ltmp97, $2  }
0x5aa: {  	_ =	sdelay $0x2  }
0x5ab: {  	[tilespmem:v17+s21+$0x0] =	vst.idx.msk vm0, v19  }
.LBB2_129:
0x5ac: {  	_ = 	snop  }
.Ltmp98:
0x5ad: {  	_ = 	snop;
	(pc) =	sbr.rel .LBB2_130-.Ltmp98, $2  }
0x5ae: {  	_ =	sdelay $0x2  }
0x5af: {  	[tilespmem:v17+s22+$0x0] =	vst.idx.msk vm0, v18;
	v13 =	vmov v16  }
.LBB2_126:
0x5b0: {  	v13 =	vimm.s32 $0x0  }
.LBB2_130:
0x5b1: {  	v15 =	vxor.u32 $0x80000000, v14  }
0x5b2: {  	(xrf0) =	vmax.scan.msk.u32 $0xffff, v15;
	_ =	sdelay $0x5  }
0x5b3: {  	v15, _, _ =	vpop (xrf0)  }
0x5b4: {  	(v2sf) =	vpush v15, $0xF;
	_ =	sdelay $0xe  }
0x5b5: {  	s2 =	spop (v2sf)  }
0x5b6: {  	s3 =	sadd.s32 $0x7FFFFF87, s2  }
0x5b7: {  	p1 =	sgt.u32 s3, $0xFFFFFFEA  }
.Ltmp99:
0x5b8: {  	_ = 	snop;
	(pc) =	sbr.rel @p1 .LBB2_143-.Ltmp99, $4  }
0x5b9: {  	_ = 	snop  }
0x5ba: {  	s0 =	sadd.s32 $0x8000000F, s2  }
0x5bb: {  	s7 =	sshra.s32 s0, $0x4  }
0x5bc: {  	s8 =	simm.s32 $0x0;
	s0 =	simm.s32 $0x0;
	p0 =	slt.s32 s7, $0x1  }
.Ltmp100:
0x5bd: {  	(pc) =	sbr.rel .LBB2_132-.Ltmp100, $3  }
0x5be: {  	_ =	sdelay $0x1  }
0x5bf: {  	s9 =	sxor.u32 $0x80000000, s2;
	s10 =	simm.s32 $0x0  }
0x5c0: {  	s12 =	simm.s32 $0xFFFFFFFF;
	s2 =	simm.s32 $0xFFFFFFFF;
	s8 =	simm.s32 $0x0  }
.LBB2_133:
0x5c1: {  	v15 =	vimm.s32 $0x80000000  }
.LBB2_141:
0x5c2: {  	(xrf0) =	vmax.scan.msk.u32 $0xffff, v15;
	_ =	sdelay $0x5  }
0x5c3: {  	v15, _, _ =	vpop (xrf0)  }
0x5c4: {  	(v2sf) =	vpush v15, $0xF;
	_ =	sdelay $0xe  }
0x5c5: {  	s2 =	spop (v2sf)  }
0x5c6: {  	s2 =	sxor.u32 $0x80000000, s2  }
0x5c7: {  	p1 =	sgt.s32 s2, $0x63  }
0x5c8: {  	s8 =	smov.u32 @p1 s11;
	s11 =	smov.u32 @p1 s12  }
0x5c9: {  	s9 =	smov.u32 @p1 s2;
	s2 =	ssub.s32 s11, s8  }
0x5ca: {  	s3 =	sadd.s32 $0xFFFFFF87, s9;
	p1 =	slt.u32 s2, $0x2  }
0x5cb: {  	p2 =	slt.u32 @!p1 s3, $0xFFFFFFEB  }
0x5cc: {  	p2 =	por p1, !p2  }
.Ltmp101:
0x5cd: {  	_ = 	snop;
	(pc) =	sbr.rel @p2 .LBB2_142-.Ltmp101, $2  }
0x5ce: {  	_ =	sdelay $0x2  }
0x5cf: {  	s12 =	smov.u32 s11  }
.LBB2_132:
.Ltmp102:
0x5d0: {  	(pc) =	sbr.rel @p0 .LBB2_133-.Ltmp102, $3  }
0x5d1: {  	_ =	sdelay $0x1  }
0x5d2: {  	s2 =	sshrl.u32 s2, $0x1  }
0x5d3: {  	s11 =	sadd.s32 s8, s2  }
0x5d4: {  	s2 =	simm.s32 $0x3080  }
0x5d5: {  	p2 =	sne.s32 s7, $0x1;
	v21 =	vld [tilespmem:s2+$0x0]  }
.Ltmp103:
0x5d6: {  	_ = 	snop;
	(pc) =	sbr.rel @!p2 .LBB2_135-.Ltmp103, $2  }
0x5d7: {  	_ =	sdelay $0x2  }
0x5d8: {  	v16 =	vmov s11;
	v15 =	vimm.s32 $0x0;
	s3 =	simm.s32 $0x3090;
	p1 =	por $0x0, $0x0;
	s2 =	sadd.s32 $0xFFFFFFFF, s7;
	v19 =	vshra.s32 v21, $0x1F  }
0x5d9: {  	v20 =	vld [tilespmem:s3+$0x0];
	v17 =	vor.u32 $0x80000000, v19;
	p2 =	sne.s32 s2, $0x1  }
.Ltmp104:
0x5da: {  	v18 =	vor.u32 s10, v0;
	v17 =	vxor.u32 v21, v17;
	(pc) =	sbr.rel @!p2 .LBB2_137-.Ltmp104, $4  }
0x5db: {  	vm0 =	vlt.s32 v18, v14;
	vm1 =	vgt.u32 v17, v16  }
0x5dc: {  	vm0 =	vmand vm0, vm1  }
0x5dd: {  	s2 =	sadd.s32 $0xFFFFFFFF, s2;
	v18 =	vmpcnt.ones.xlane vm0  }
0x5de: {  	s13 =	simm.s32 $0x30A0;
	p1 =	por $0x1, $0x1;
	s3 =	simm.s32 $0x0;
	v17 =	vimm.s32 $0x0;
	v19 =	vshra.s32 v20, $0x1F  }
.LBB2_138:
0x5df: {  	v21 =	vld [tilespmem:s13+$0x0];
	p2 =	sne.s32 s2, $0x1;
	s2 =	sadd.s32 $0xFFFFFFFF, s2;
	v19 =	vor.u32 $0x80000000, v19;
	v17 =	vadd.s32 v17, v18;
	s3 =	sadd.s32 $0x10, s3  }
.Ltmp105:
0x5e0: {  	v18 =	vxor.u32 v20, v19;
	v19 =	vor.u32 s3, v0;
	(pc) =	sbr.rel @p2 .LBB2_138-.Ltmp105, $4  }
0x5e1: {  	vm0 =	vlt.s32 v19, v14;
	vm1 =	vgt.u32 v18, v16  }
0x5e2: {  	vm0 =	vmand vm0, vm1  }
0x5e3: {  	v18 =	vmpcnt.ones.xlane vm0  }
0x5e4: {  	s13 =	sadd.s32 $0x10, s13;
	v19 =	vshra.s32 v21, $0x1F;
	v20 =	vmov v21  }
0x5e5: {  	v21 =	vmov v20  }
.LBB2_140:
0x5e6: {  	s2 =	sadd.s32 @p1 $0x10, s3;
	s3 =	simm.s32 $0x0  }
0x5e7: {  	v19 =	vor.u32 $0x80000000, v19;
	s3 =	smov.u32 @p1 s2  }
0x5e8: {  	v19 =	vxor.u32 v21, v19;
	v20 =	vor.u32 s3, v0  }
0x5e9: {  	vm1 =	vgt.u32 v19, v16;
	vm0 =	vlt.s32 v20, v14  }
.Ltmp106:
0x5ea: {  	vm0 =	vmand vm0, vm1;
	(pc) =	sbr.rel .LBB2_141-.Ltmp106, $4  }
0x5eb: {  	v16 =	vadd.s32 @p1 v17, v18;
	v17 =	vmpcnt.ones.xlane vm0  }
0x5ec: {  	v15 =	vpsel p1, v16, v15  }
0x5ed: {  	v15 =	vadd.s32 v15, v17  }
0x5ee: {  	v15 =	vxor.u32 $0x80000000, v15  }
.LBB2_135:
.Ltmp107:
0x5ef: {  	(pc) =	sbr.rel .LBB2_140-.Ltmp107, $2  }
0x5f0: {  	_ =	sdelay $0x2  }
0x5f1: {  	v17 =	vimm.s32 $0x0;
	s3 =	simm.s32 $0x0  }
.LBB2_137:
.Ltmp108:
0x5f2: {  	(pc) =	sbr.rel .LBB2_140-.Ltmp108, $2  }
0x5f3: {  	_ =	sdelay $0x2  }
0x5f4: {  	v17 =	vimm.s32 $0x0;
	s3 =	simm.s32 $0x0;
	v21 =	vmov v20  }
.LBB2_142:
0x5f5: {  	s8 =	smov.u32 @p1 s8  }
.LBB2_143:
0x5f6: {  	[tilespmem:$0x7280] =	vst v11  }
0x5f7: {  	[tilespmem:$0x7290] =	vst v11  }
0x5f8: {  	[tilespmem:$0x72A0] =	vst v11  }
0x5f9: {  	[tilespmem:$0x72B0] =	vst v11  }
0x5fa: {  	[tilespmem:$0x72C0] =	vst v11  }
0x5fb: {  	[tilespmem:$0x72D0] =	vst v11  }
0x5fc: {  	[tilespmem:$0x72E0] =	vst v11  }
0x5fd: {  	v16 =	vimm.s32 $0x0;
	[tilespmem:$0x72F0] =	vst v11  }
0x5fe: {  	[tilespmem:$0x7300] =	vst v16  }
0x5ff: {  	[tilespmem:$0x7310] =	vst v16  }
0x600: {  	[tilespmem:$0x7320] =	vst v16  }
.Ltmp109:
0x601: {  	[tilespmem:$0x7330] =	vst v16;
	(pc) =	sbr.rel @p0 .LBB2_147-.Ltmp109, $4  }
0x602: {  	[tilespmem:$0x7340] =	vst v16  }
0x603: {  	[tilespmem:$0x7350] =	vst v16  }
0x604: {  	[tilespmem:$0x7360] =	vst v16  }
0x605: {  	[tilespmem:$0x7370] =	vst v16  }
0x606: {  	s9 =	simm.s32 $0x3080  }
0x607: {  	v19 =	vld [tilespmem:s9+$0x0];
	_ =	sdelay $0x4  }
0x608: {  	v15 =	vshra.s32 v19, $0x1F  }
0x609: {  	v17 =	vor.u32 $0x80000000, v15  }
0x60a: {  	v18 =	vor.u32 s0, v0;
	v15 =	vmov s8;
	v17 =	vxor.u32 v19, v17  }
0x60b: {  	vm0 =	vlt.s32 v18, v14;
	vm1 =	vgt.u32 v17, v15  }
0x60c: {  	vm0 =	vmand vm0, vm1  }
0x60d: {  	v17 =	vsel vm0, $0x1, v2  }
0x60e: {  	(xrf0) =	vadd.scan.msk.s32 $0xffff, v17;
	_ =	sdelay $0x5  }
0x60f: {  	v17, _, _ =	vpop (xrf0)  }
0x610: {  	v17 =	vadd.s32 v17, v16  }
0x611: {  	v17 =	vadd.s32 $0xFFFFFFFF, v17  }
0x612: {  	v18 =	vmpcnt.ones.xlane vm0;
	vm1 =	vlt.s32 v17, $0x7F  }
0x613: {  	p0 =	sne.s32 s7, $0x1;
	s8 =	simm.s32 $0x4100;
	v17 =	vnsel vm1, $0x7F, v17  }
.Ltmp110:
0x614: {  	v16 =	vadd.s32 v16, v18;
	v18 =	vld [tilespmem:s8+$0x0];
	(pc) =	sbr.rel @!p0 .LBB2_146-.Ltmp110, $3  }
0x615: {  	_ =	sdelay $0x1  }
0x616: {  	vm1 =	vlt.s32 v16, $0x80  }
0x617: {  	s7 =	sadd.s32 $0xFFFFFFFF, s7;
	v16 =	vnsel vm1, $0x80, v16;
	[tilespmem:v17+s26+$0x0] =	vst.idx.msk vm0, v19  }
.LBB2_145:
0x618: {  	[tilespmem:v17+s28+$0x0] =	vst.idx.msk vm0, v18;
	s9 =	sadd.s32 $0x10, s9;
	s8 =	sadd.s32 $0x10, s8;
	s0 =	sadd.s32 $0x10, s0;
	v17 =	vmov v16  }
0x619: {  	p0 =	sne.s32 s7, $0x1;
	s7 =	sadd.s32 $0xFFFFFFFF, s7;
	v19 =	vld [tilespmem:s9+$0x0];
	_ =	sdelay $0x4  }
0x61a: {  	v18 =	vshra.s32 v19, $0x1F  }
0x61b: {  	v18 =	vor.u32 $0x80000000, v18  }
0x61c: {  	v20 =	vor.u32 s0, v0;
	v18 =	vxor.u32 v19, v18  }
0x61d: {  	vm0 =	vlt.s32 v20, v14;
	vm1 =	vgt.u32 v18, v15  }
0x61e: {  	vm0 =	vmand vm0, vm1  }
0x61f: {  	v18 =	vsel vm0, $0x1, v2;
	v20 =	vmpcnt.ones.xlane vm0  }
0x620: {  	(xrf0) =	vadd.scan.msk.s32 $0xffff, v18  }
0x621: {  	v16 =	vadd.s32 v16, v20  }
0x622: {  	vm1 =	vlt.s32 v16, $0x80  }
0x623: {  	v16 =	vnsel vm1, $0x80, v16;
	_ =	sdelay $0x2  }
0x624: {  	v18, _, _ =	vpop (xrf0)  }
0x625: {  	v17 =	vadd.s32 v18, v17  }
0x626: {  	v17 =	vadd.s32 $0xFFFFFFFF, v17  }
0x627: {  	vm1 =	vlt.s32 v17, $0x7F  }
0x628: {  	v17 =	vnsel vm1, $0x7F, v17  }
.Ltmp111:
0x629: {  	v18 =	vld [tilespmem:s8+$0x0];
	(pc) =	sbr.rel @p0 .LBB2_145-.Ltmp111, $2  }
0x62a: {  	_ =	sdelay $0x2  }
0x62b: {  	[tilespmem:v17+s26+$0x0] =	vst.idx.msk vm0, v19  }
.LBB2_146:
0x62c: {  	_ =	sdelay $0x4  }
0x62d: {  	[tilespmem:v17+s28+$0x0] =	vst.idx.msk vm0, v18  }
.LBB2_147:
0x62e: {  	[tilespmem:$0x7380] =	vst v11  }
0x62f: {  	[tilespmem:$0x7400] =	vst v2  }
0x630: {  	[tilespmem:$0x7390] =	vst v11  }
0x631: {  	[tilespmem:$0x7410] =	vst v2  }
0x632: {  	[tilespmem:$0x73A0] =	vst v11  }
0x633: {  	[tilespmem:$0x7420] =	vst v2  }
0x634: {  	[tilespmem:$0x73B0] =	vst v11  }
0x635: {  	[tilespmem:$0x7430] =	vst v2  }
0x636: {  	[tilespmem:$0x73C0] =	vst v11  }
0x637: {  	[tilespmem:$0x7440] =	vst v2  }
0x638: {  	[tilespmem:$0x73D0] =	vst v11  }
0x639: {  	[tilespmem:$0x7450] =	vst v2;
	v22 =	vld [tilespmem:$0x7280]  }
0x63a: {  	[tilespmem:$0x73E0] =	vst v11;
	v23 =	vld [tilespmem:$0x7290]  }
0x63b: {  	[tilespmem:$0x7460] =	vst v2;
	s0 =	simm.s32 $0x0;
	v24 =	vld [tilespmem:$0x72A0];
	s7 =	simm.s32 $0x1  }
.LBB2_148:
0x63c: {  	p0 =	sne.s32 s7, $0x63;
	v17 =	vld [tilespmem:$0x72B0]  }
0x63d: {  	v16 =	vld [tilespmem:$0x72C0]  }
0x63e: {  	v15 =	vld [tilespmem:$0x72D0]  }
0x63f: {  	v14 =	vmax.f32 v22, v23;
	v18 =	vld [tilespmem:$0x72E0]  }
0x640: {  	v14 =	vmax.f32 v14, v24;
	v19 =	vld [tilespmem:$0x72F0]  }
0x641: {  	v14 =	vmax.f32 v14, v17  }
0x642: {  	v14 =	vmax.f32 v14, v16  }
0x643: {  	v14 =	vmax.f32 v14, v15  }
0x644: {  	v14 =	vmax.f32 v14, v18  }
0x645: {  	v14 =	vmax.f32 v14, v19  }
0x646: {  	(xrf0) =	vmax.scan.msk.f32 $0xffff, v14;
	_ =	sdelay $0x5  }
0x647: {  	v14, _, _ =	vpop (xrf0)  }
0x648: {  	v25 =	vbroadcast v14, $0xF;
	_ =	sdelay $0x1  }
0x649: {  	v21 =	vor.u32 $0x80000070, v0;
	vm0 =	veq.f32 v19, v25  }
0x64a: {  	v14 =	vor.u32 $0x80000060, v0;
	vm1 =	veq.f32 v18, v25;
	v18 =	vnsel vm0, $0x80000080, v21  }
0x64b: {  	vm0 =	veq.f32 v15, v25;
	v15 =	vor.u32 $0x80000050, v0;
	v18 =	vsel vm1, v14, v18  }
0x64c: {  	vm1 =	veq.f32 v16, v25;
	v16 =	vor.u32 $0x80000040, v0;
	v18 =	vsel vm0, v15, v18  }
0x64d: {  	vm0 =	veq.f32 v17, v25;
	v17 =	vor.u32 $0x80000030, v0;
	v18 =	vsel vm1, v16, v18  }
0x64e: {  	vm1 =	veq.f32 v24, v25;
	v19 =	vsel vm0, v17, v18;
	v18 =	vor.u32 $0x80000020, v0  }
0x64f: {  	vm0 =	veq.f32 v23, v25;
	v20 =	vsel vm1, v18, v19;
	v19 =	vor.u32 $0x80000010, v0  }
0x650: {  	vm1 =	veq.f32 v22, v25;
	v22 =	vsel vm0, v19, v20;
	v20 =	vor.u32 $0x80000000, v0  }
0x651: {  	v22 =	vsel vm1, v20, v22  }
0x652: {  	(xrf0) =	vmin.scan.msk.u32 $0xffff, v22;
	_ =	sdelay $0x5  }
0x653: {  	v22, _, _ =	vpop (xrf0)  }
0x654: {  	(v2sf) =	vpush v22, $0xF;
	_ =	sdelay $0xe  }
0x655: {  	s2 =	spop (v2sf)  }
0x656: {  	s2 =	sxor.u32 $0x80000000, s2  }
0x657: {  	v22 =	vmov s2  }
0x658: {  	vm0 =	vlt.s32 v22, $0x7F  }
0x659: {  	v22 =	vnsel vm0, $0x7F, v22  }
0x65a: {  	v22 =	vbroadcast v22, $0x0;
	_ =	sdelay $0x5  }
0x65b: {  	v24 =	vmov s0;
	s0 =	smov.u32 s7;
	v23 =	vld.idx.msk [tilespmem:v22+s28+$0x0], $0xffff;
	_ =	sdelay $0x4  }
0x65c: {  	[tilespmem:v24+s29+$0x0] =	vst.idx.msk $0x1, v25  }
.Ltmp112:
0x65d: {  	[tilespmem:v24+s30+$0x0] =	vst.idx.msk $0x1, v23;
	(pc) =	sbr.rel @p0 .LBB2_148-.Ltmp112, $4  }
0x65e: {  	[tilespmem:v22+s26+$0x0] =	vst.idx.msk $0x1, v11  }
0x65f: {  	v22 =	vld [tilespmem:$0x7280]  }
0x660: {  	v23 =	vld [tilespmem:$0x7290]  }
0x661: {  	s7 =	sadd.s32 $0x1, s7;
	v24 =	vld [tilespmem:$0x72A0]  }
0x662: {  	v25 =	vld [tilespmem:$0x72B0]  }
0x663: {  	v26 =	vld [tilespmem:$0x72C0]  }
0x664: {  	v27 =	vld [tilespmem:$0x72D0]  }
0x665: {  	v29 =	vld [tilespmem:$0x72E0];
	v28 =	vmax.f32 v22, v23  }
0x666: {  	v30 =	vld [tilespmem:$0x72F0];
	v28 =	vmax.f32 v28, v24  }
0x667: {  	v28 =	vmax.f32 v28, v25  }
0x668: {  	v28 =	vmax.f32 v28, v26  }
0x669: {  	v28 =	vmax.f32 v28, v27  }
0x66a: {  	v28 =	vmax.f32 v28, v29  }
0x66b: {  	v28 =	vmax.f32 v28, v30  }
0x66c: {  	(xrf0) =	vmax.scan.msk.f32 $0xffff, v28;
	_ =	sdelay $0x5  }
0x66d: {  	v28, _, _ =	vpop (xrf0)  }
0x66e: {  	v28 =	vbroadcast v28, $0xF;
	_ =	sdelay $0x1  }
0x66f: {  	vm0 =	veq.f32 v30, v28  }
0x670: {  	vm1 =	veq.f32 v29, v28;
	v45 =	vnsel vm0, $0x80000080, v21  }
0x671: {  	vm13 =	veq.f32 v27, v28;
	v46 =	vsel vm1, v14, v45  }
0x672: {  	vm14 =	veq.f32 v26, v28;
	v47 =	vsel vm13, v15, v46  }
0x673: {  	vm15 =	veq.f32 v25, v28;
	v48 =	vsel vm14, v16, v47  }
0x674: {  	vm4 =	veq.f32 v24, v28;
	v49 =	vsel vm15, v17, v48  }
0x675: {  	vm5 =	veq.f32 v23, v28;
	v23 =	vsel vm4, v18, v49  }
0x676: {  	vm6 =	veq.f32 v22, v28;
	v22 =	vsel vm5, v19, v23  }
0x677: {  	v22 =	vsel vm6, v20, v22  }
0x678: {  	(xrf0) =	vmin.scan.msk.u32 $0xffff, v22;
	_ =	sdelay $0x5  }
0x679: {  	v22, _, _ =	vpop (xrf0)  }
0x67a: {  	(v2sf) =	vpush v22, $0xF;
	_ =	sdelay $0xe  }
0x67b: {  	s2 =	spop (v2sf)  }
0x67c: {  	s2 =	sxor.u32 $0x80000000, s2  }
0x67d: {  	v22 =	vmov s2  }
0x67e: {  	vm7 =	vlt.s32 v22, $0x7F  }
0x67f: {  	v22 =	vnsel vm7, $0x7F, v22  }
0x680: {  	v22 =	vbroadcast v22, $0x0;
	_ =	sdelay $0x4  }
0x681: {  	v23 =	vmov s0  }
0x682: {  	v50 =	vld.idx.msk [tilespmem:v22+s28+$0x0], $0xffff;
	_ =	sdelay $0x3  }
0x683: {  	[tilespmem:v23+s29+$0x0] =	vst.idx.msk $0x1, v28  }
0x684: {  	[tilespmem:v23+s30+$0x0] =	vst.idx.msk $0x1, v50  }
0x685: {  	s11 =	rddreg [dreg:$0x6];
	s0 =	simm.s32 $0x0;
	[tilespmem:v22+s26+$0x0] =	vst.idx.msk $0x1, v11  }
0x686: {  	[tilespmem:s25], [sflag:$0x3] =	stream.linear.gather [hbm4b:s11+s0], $0x70, $0x38;
	[tilespmem:$0x7580] =	vst v63  }
0x687: {  	_ =	swait.ge [sflag:s24], $0x70  }
0x688: {  	[sflag:s24] =	ssyncset.done $0x0  }
0x689: {  	[sflag:s24] =	ssyncadd.s32 $0xFFFFFF90  }
0x68a: {  	v22 =	vld [tilespmem:$0x7380]  }
0x68b: {  	v23 =	vld [tilespmem:$0x7480]  }
0x68c: {  	v51 =	vld [tilespmem:$0x7390]  }
0x68d: {  	v52 =	vld [tilespmem:$0x7490]  }
0x68e: {  	v53 =	vld [tilespmem:$0x73A0]  }
0x68f: {  	v54 =	vld [tilespmem:$0x74A0]  }
0x690: {  	v55 =	vld [tilespmem:$0x73B0]  }
0x691: {  	v56 =	vld [tilespmem:$0x74B0]  }
0x692: {  	v57 =	vld [tilespmem:$0x73C0]  }
0x693: {  	v31 =	vld [tilespmem:$0x74C0]  }
0x694: {  	v32 =	vld [tilespmem:$0x73D0]  }
0x695: {  	v33 =	vld [tilespmem:$0x74D0]  }
0x696: {  	v34 =	vld [tilespmem:$0x73E0]  }
0x697: {  	v58 =	vld [tilespmem:$0x74E0];
	v22 =	vadd.f32 v23, v22;
	v23 =	vadd.f32 v52, v51  }
0x698: {  	v59 =	vadd.f32 v54, v53  }
0x699: {  	v60 =	vadd.f32 v56, v55;
	v61 =	vmax.f32 v22, v23  }
0x69a: {  	v62 =	vadd.f32 v31, v57;
	v27 =	vmax.f32 v61, v59  }
0x69b: {  	v63 =	vadd.f32 v33, v32;
	v27 =	vmax.f32 v27, v60  }
0x69c: {  	v24 =	vadd.f32 v58, v34;
	v27 =	vmax.f32 v27, v62  }
0x69d: {  	v27 =	vmax.f32 v27, v63  }
0x69e: {  	v27 =	vmax.f32 v27, v24  }
0x69f: {  	(xrf0) =	vmax.scan.msk.f32 $0xffff, v27;
	_ =	sdelay $0x5  }
0x6a0: {  	v27, _, _ =	vpop (xrf0)  }
0x6a1: {  	v27 =	vbroadcast v27, $0xF;
	_ =	sdelay $0x1  }
0x6a2: {  	vm8 =	veq.f32 v24, v27  }
0x6a3: {  	vm9 =	veq.f32 v63, v27;
	v24 =	vnsel vm8, $0x80000070, v14  }
0x6a4: {  	vm10 =	veq.f32 v62, v27;
	v24 =	vsel vm9, v15, v24  }
0x6a5: {  	vm11 =	veq.f32 v60, v27;
	v24 =	vsel vm10, v16, v24  }
0x6a6: {  	vm12 =	veq.f32 v59, v27;
	v24 =	vsel vm11, v17, v24  }
0x6a7: {  	vm13 =	veq.f32 v23, v27;
	v23 =	vsel vm12, v18, v24  }
0x6a8: {  	vm14 =	veq.f32 v22, v27;
	v22 =	vsel vm13, v19, v23  }
0x6a9: {  	v22 =	vsel vm14, v20, v22  }
0x6aa: {  	(xrf0) =	vmin.scan.msk.u32 $0xffff, v22;
	_ =	sdelay $0x5  }
0x6ab: {  	v22, _, _ =	vpop (xrf0)  }
0x6ac: {  	(v2sf) =	vpush v22, $0xF;
	_ =	sdelay $0xe  }
0x6ad: {  	s12 =	spop (v2sf)  }
0x6ae: {  	s2 =	sxor.u32 $0x80000000, s12  }
0x6af: {  	v22 =	vmov s2  }
0x6b0: {  	vm15 =	vlt.s32 v22, $0x6F  }
0x6b1: {  	v22 =	vnsel vm15, $0x6F, v22  }
0x6b2: {  	v22 =	vbroadcast v22, $0x0;
	_ =	sdelay $0x5  }
0x6b3: {  	v22 =	vld.idx.msk [tilespmem:v22+s30+$0x0], $0xffff;
	_ =	sdelay $0x4  }
0x6b4: {  	s13 =	rddreg [dreg:$0x7];
	[tilespmem:$0x7500] =	vst v22  }
0x6b5: {  	[hbm4b:s13+s0] =	stream.linear.scatter [tilespmem:s29], [sflag:$0x3], $0x70, $0x38;
	[tilespmem:$0x7580] =	vst v63  }
0x6b6: {  	_ =	swait.ge [sflag:s24], $0x70  }
0x6b7: {  	[sflag:s24] =	ssyncset.done $0x0  }
0x6b8: {  	s14 =	rddreg [dreg:$0x8];
	[sflag:s24] =	ssyncadd.s32 $0xFFFFFF90  }
0x6b9: {  	[hbm4b:s14+s0] =	stream.linear.scatter [tilespmem:s31], [sflag:$0x3], $0x10, $0x38;
	[tilespmem:$0x7580] =	vst v63  }
0x6ba: {  	v22 =	vxor.u32 $0x80000000, v13;
	_ =	swait.ge [sflag:s24], $0x10  }
0x6bb: {  	(xrf0) =	vmax.scan.msk.u32 $0xffff, v22;
	_ =	sdelay $0x5  }
0x6bc: {  	v22, _, _ =	vpop (xrf0)  }
0x6bd: {  	(v2sf) =	vpush v22, $0xF;
	_ =	sdelay $0xe  }
0x6be: {  	s2 =	spop (v2sf)  }
0x6bf: {  	s8 =	sadd.s32 $0x7FFFFF87, s2  }
0x6c0: {  	p1 =	sgt.u32 s8, $0xFFFFFFEA  }
.Ltmp113:
0x6c1: {  	_ = 	snop;
	(pc) =	sbr.rel @p1 .LBB2_162-.Ltmp113, $4  }
0x6c2: {  	_ = 	snop  }
0x6c3: {  	s3 =	sadd.s32 $0x8000000F, s2  }
0x6c4: {  	[sflag:s24] =	ssyncset.done $0x0;
	s7 =	sshra.s32 s3, $0x4  }
0x6c5: {  	[sflag:s24] =	ssyncadd.s32 $0xFFFFFFF0;
	s8 =	simm.s32 $0x0;
	p0 =	slt.s32 s7, $0x1  }
.Ltmp114:
0x6c6: {  	(pc) =	sbr.rel .LBB2_151-.Ltmp114, $3  }
0x6c7: {  	_ =	sdelay $0x1  }
0x6c8: {  	s9 =	sxor.u32 $0x80000000, s2;
	s10 =	simm.s32 $0x0  }
0x6c9: {  	s12 =	simm.s32 $0xFFFFFFFF;
	s2 =	simm.s32 $0xFFFFFFFF;
	s8 =	simm.s32 $0x0  }
.LBB2_152:
0x6ca: {  	v22 =	vimm.s32 $0x80000000  }
.LBB2_160:
0x6cb: {  	(xrf0) =	vmax.scan.msk.u32 $0xffff, v22;
	_ =	sdelay $0x5  }
0x6cc: {  	v22, _, _ =	vpop (xrf0)  }
0x6cd: {  	(v2sf) =	vpush v22, $0xF;
	_ =	sdelay $0xe  }
0x6ce: {  	s2 =	spop (v2sf)  }
0x6cf: {  	s2 =	sxor.u32 $0x80000000, s2  }
0x6d0: {  	p1 =	sgt.s32 s2, $0x63  }
0x6d1: {  	s8 =	smov.u32 @p1 s11;
	s11 =	smov.u32 @p1 s12  }
0x6d2: {  	s9 =	smov.u32 @p1 s2;
	s2 =	ssub.s32 s11, s8  }
0x6d3: {  	s3 =	sadd.s32 $0xFFFFFF87, s9;
	p1 =	slt.u32 s2, $0x2  }
0x6d4: {  	p2 =	slt.u32 @!p1 s3, $0xFFFFFFEB  }
0x6d5: {  	p2 =	por p1, !p2  }
.Ltmp115:
0x6d6: {  	_ = 	snop;
	(pc) =	sbr.rel @p2 .LBB2_161-.Ltmp115, $2  }
0x6d7: {  	_ =	sdelay $0x2  }
0x6d8: {  	s12 =	smov.u32 s11  }
.LBB2_151:
.Ltmp116:
0x6d9: {  	(pc) =	sbr.rel @p0 .LBB2_152-.Ltmp116, $3  }
0x6da: {  	_ =	sdelay $0x1  }
0x6db: {  	s2 =	sshrl.u32 s2, $0x1  }
0x6dc: {  	s11 =	sadd.s32 s8, s2  }
0x6dd: {  	s2 =	simm.s32 $0x5180  }
0x6de: {  	p2 =	sne.s32 s7, $0x1;
	v28 =	vld [tilespmem:s2+$0x0]  }
.Ltmp117:
0x6df: {  	_ = 	snop;
	(pc) =	sbr.rel @!p2 .LBB2_154-.Ltmp117, $2  }
0x6e0: {  	_ =	sdelay $0x2  }
0x6e1: {  	v23 =	vmov s11;
	v22 =	vimm.s32 $0x0;
	s3 =	simm.s32 $0x5190;
	p1 =	por $0x0, $0x0;
	s2 =	sadd.s32 $0xFFFFFFFF, s7;
	v26 =	vshra.s32 v28, $0x1F  }
0x6e2: {  	v27 =	vld [tilespmem:s3+$0x0];
	v24 =	vor.u32 $0x80000000, v26;
	p2 =	sne.s32 s2, $0x1  }
.Ltmp118:
0x6e3: {  	v25 =	vor.u32 s10, v0;
	v24 =	vxor.u32 v28, v24;
	(pc) =	sbr.rel @!p2 .LBB2_156-.Ltmp118, $4  }
0x6e4: {  	vm0 =	vlt.s32 v25, v13;
	vm1 =	vgt.u32 v24, v23  }
0x6e5: {  	vm0 =	vmand vm0, vm1  }
0x6e6: {  	s2 =	sadd.s32 $0xFFFFFFFF, s2;
	v25 =	vmpcnt.ones.xlane vm0  }
0x6e7: {  	s13 =	simm.s32 $0x51A0;
	p1 =	por $0x1, $0x1;
	s3 =	simm.s32 $0x0;
	v24 =	vimm.s32 $0x0;
	v26 =	vshra.s32 v27, $0x1F  }
.LBB2_157:
0x6e8: {  	v28 =	vld [tilespmem:s13+$0x0];
	p2 =	sne.s32 s2, $0x1;
	s2 =	sadd.s32 $0xFFFFFFFF, s2;
	v26 =	vor.u32 $0x80000000, v26;
	v24 =	vadd.s32 v24, v25;
	s3 =	sadd.s32 $0x10, s3  }
.Ltmp119:
0x6e9: {  	v25 =	vxor.u32 v27, v26;
	v26 =	vor.u32 s3, v0;
	(pc) =	sbr.rel @p2 .LBB2_157-.Ltmp119, $4  }
0x6ea: {  	vm0 =	vlt.s32 v26, v13;
	vm1 =	vgt.u32 v25, v23  }
0x6eb: {  	vm0 =	vmand vm0, vm1  }
0x6ec: {  	v25 =	vmpcnt.ones.xlane vm0  }
0x6ed: {  	s13 =	sadd.s32 $0x10, s13;
	v26 =	vshra.s32 v28, $0x1F;
	v27 =	vmov v28  }
0x6ee: {  	v28 =	vmov v27  }
.LBB2_159:
0x6ef: {  	s2 =	sadd.s32 @p1 $0x10, s3;
	s3 =	simm.s32 $0x0  }
0x6f0: {  	v26 =	vor.u32 $0x80000000, v26;
	s3 =	smov.u32 @p1 s2  }
0x6f1: {  	v26 =	vxor.u32 v28, v26;
	v27 =	vor.u32 s3, v0  }
0x6f2: {  	vm1 =	vgt.u32 v26, v23;
	vm0 =	vlt.s32 v27, v13  }
.Ltmp120:
0x6f3: {  	vm0 =	vmand vm0, vm1;
	(pc) =	sbr.rel .LBB2_160-.Ltmp120, $4  }
0x6f4: {  	v23 =	vadd.s32 @p1 v24, v25;
	v63 =	vmpcnt.ones.xlane vm0  }
0x6f5: {  	v22 =	vpsel p1, v23, v22  }
0x6f6: {  	v22 =	vadd.s32 v22, v63  }
0x6f7: {  	v22 =	vxor.u32 $0x80000000, v22  }
.LBB2_154:
.Ltmp121:
0x6f8: {  	(pc) =	sbr.rel .LBB2_159-.Ltmp121, $2  }
0x6f9: {  	_ =	sdelay $0x2  }
0x6fa: {  	v24 =	vimm.s32 $0x0;
	s3 =	simm.s32 $0x0  }
.LBB2_156:
.Ltmp122:
0x6fb: {  	(pc) =	sbr.rel .LBB2_159-.Ltmp122, $2  }
0x6fc: {  	_ =	sdelay $0x2  }
0x6fd: {  	v24 =	vimm.s32 $0x0;
	s3 =	simm.s32 $0x0;
	v28 =	vmov v27  }
.LBB2_161:
0x6fe: {  	s8 =	smov.u32 @p1 s8  }
.LBB2_162:
0x6ff: {  	[tilespmem:$0x7280] =	vst v11  }
0x700: {  	[tilespmem:$0x7290] =	vst v11  }
0x701: {  	[tilespmem:$0x72A0] =	vst v11  }
0x702: {  	[tilespmem:$0x72B0] =	vst v11  }
0x703: {  	[tilespmem:$0x72C0] =	vst v11  }
0x704: {  	[tilespmem:$0x72D0] =	vst v11  }
0x705: {  	[tilespmem:$0x72E0] =	vst v11  }
0x706: {  	v23 =	vimm.s32 $0x0;
	[tilespmem:$0x72F0] =	vst v11  }
0x707: {  	[tilespmem:$0x7300] =	vst v23  }
0x708: {  	[tilespmem:$0x7310] =	vst v23  }
0x709: {  	[tilespmem:$0x7320] =	vst v23  }
.Ltmp123:
0x70a: {  	[tilespmem:$0x7330] =	vst v23;
	(pc) =	sbr.rel @p0 .LBB2_166-.Ltmp123, $4  }
0x70b: {  	[tilespmem:$0x7340] =	vst v23  }
0x70c: {  	[tilespmem:$0x7350] =	vst v23  }
0x70d: {  	[tilespmem:$0x7360] =	vst v23  }
0x70e: {  	[tilespmem:$0x7370] =	vst v23  }
0x70f: {  	s9 =	simm.s32 $0x5180  }
0x710: {  	v26 =	vld [tilespmem:s9+$0x0];
	_ =	sdelay $0x4  }
0x711: {  	v22 =	vshra.s32 v26, $0x1F  }
0x712: {  	v24 =	vor.u32 $0x80000000, v22  }
0x713: {  	v25 =	vor.u32 s0, v0;
	v22 =	vmov s8;
	v24 =	vxor.u32 v26, v24  }
0x714: {  	vm0 =	vlt.s32 v25, v13;
	vm1 =	vgt.u32 v24, v22  }
0x715: {  	vm0 =	vmand vm0, vm1  }
0x716: {  	v24 =	vsel vm0, $0x1, v2  }
0x717: {  	(xrf0) =	vadd.scan.msk.s32 $0xffff, v24;
	_ =	sdelay $0x5  }
0x718: {  	v24, _, _ =	vpop (xrf0)  }
0x719: {  	v24 =	vadd.s32 v24, v23  }
0x71a: {  	v24 =	vadd.s32 $0xFFFFFFFF, v24  }
0x71b: {  	v25 =	vmpcnt.ones.xlane vm0;
	vm1 =	vlt.s32 v24, $0x7F  }
0x71c: {  	p0 =	sne.s32 s7, $0x1;
	s8 =	simm.s32 $0x6200;
	v24 =	vnsel vm1, $0x7F, v24  }
.Ltmp124:
0x71d: {  	v23 =	vadd.s32 v23, v25;
	v25 =	vld [tilespmem:s8+$0x0];
	(pc) =	sbr.rel @!p0 .LBB2_165-.Ltmp124, $3  }
0x71e: {  	_ =	sdelay $0x1  }
0x71f: {  	vm1 =	vlt.s32 v23, $0x80  }
0x720: {  	s7 =	sadd.s32 $0xFFFFFFFF, s7;
	v23 =	vnsel vm1, $0x80, v23;
	[tilespmem:v24+s26+$0x0] =	vst.idx.msk vm0, v26  }
.LBB2_164:
0x721: {  	[tilespmem:v24+s28+$0x0] =	vst.idx.msk vm0, v25;
	s9 =	sadd.s32 $0x10, s9;
	s8 =	sadd.s32 $0x10, s8;
	s0 =	sadd.s32 $0x10, s0;
	v24 =	vmov v23  }
0x722: {  	p0 =	sne.s32 s7, $0x1;
	s7 =	sadd.s32 $0xFFFFFFFF, s7;
	v26 =	vld [tilespmem:s9+$0x0];
	_ =	sdelay $0x4  }
0x723: {  	v25 =	vshra.s32 v26, $0x1F  }
0x724: {  	v25 =	vor.u32 $0x80000000, v25  }
0x725: {  	v27 =	vor.u32 s0, v0;
	v25 =	vxor.u32 v26, v25  }
0x726: {  	vm0 =	vlt.s32 v27, v13;
	vm1 =	vgt.u32 v25, v22  }
0x727: {  	vm0 =	vmand vm0, vm1  }
0x728: {  	v25 =	vsel vm0, $0x1, v2;
	v27 =	vmpcnt.ones.xlane vm0  }
0x729: {  	(xrf0) =	vadd.scan.msk.s32 $0xffff, v25  }
0x72a: {  	v23 =	vadd.s32 v23, v27  }
0x72b: {  	vm1 =	vlt.s32 v23, $0x80  }
0x72c: {  	v23 =	vnsel vm1, $0x80, v23;
	_ =	sdelay $0x2  }
0x72d: {  	v25, _, _ =	vpop (xrf0)  }
0x72e: {  	v24 =	vadd.s32 v25, v24  }
0x72f: {  	v24 =	vadd.s32 $0xFFFFFFFF, v24  }
0x730: {  	vm1 =	vlt.s32 v24, $0x7F  }
0x731: {  	v24 =	vnsel vm1, $0x7F, v24  }
.Ltmp125:
0x732: {  	v25 =	vld [tilespmem:s8+$0x0];
	(pc) =	sbr.rel @p0 .LBB2_164-.Ltmp125, $2  }
0x733: {  	_ =	sdelay $0x2  }
0x734: {  	[tilespmem:v24+s26+$0x0] =	vst.idx.msk vm0, v26  }
.LBB2_165:
0x735: {  	_ =	sdelay $0x4  }
0x736: {  	[tilespmem:v24+s28+$0x0] =	vst.idx.msk vm0, v25  }
.LBB2_166:
0x737: {  	[tilespmem:$0x7380] =	vst v11  }
0x738: {  	[tilespmem:$0x7400] =	vst v2  }
0x739: {  	[tilespmem:$0x7390] =	vst v11  }
0x73a: {  	[tilespmem:$0x7410] =	vst v2  }
0x73b: {  	[tilespmem:$0x73A0] =	vst v11  }
0x73c: {  	[tilespmem:$0x7420] =	vst v2  }
0x73d: {  	[tilespmem:$0x73B0] =	vst v11  }
0x73e: {  	[tilespmem:$0x7430] =	vst v2  }
0x73f: {  	[tilespmem:$0x73C0] =	vst v11  }
0x740: {  	[tilespmem:$0x7440] =	vst v2  }
0x741: {  	[tilespmem:$0x73D0] =	vst v11  }
0x742: {  	[tilespmem:$0x7450] =	vst v2;
	v13 =	vld [tilespmem:$0x7280]  }
0x743: {  	[tilespmem:$0x73E0] =	vst v11;
	v22 =	vld [tilespmem:$0x7290]  }
0x744: {  	[tilespmem:$0x7460] =	vst v2;
	s0 =	simm.s32 $0x0;
	v23 =	vld [tilespmem:$0x72A0];
	s7 =	simm.s32 $0x1  }
.LBB2_167:
0x745: {  	p0 =	sne.s32 s7, $0x63;
	v24 =	vld [tilespmem:$0x72B0]  }
0x746: {  	v25 =	vld [tilespmem:$0x72C0]  }
0x747: {  	v26 =	vld [tilespmem:$0x72D0]  }
0x748: {  	v27 =	vmax.f32 v13, v22;
	v28 =	vld [tilespmem:$0x72E0]  }
0x749: {  	v27 =	vmax.f32 v27, v23;
	v29 =	vld [tilespmem:$0x72F0]  }
0x74a: {  	v27 =	vmax.f32 v27, v24  }
0x74b: {  	v27 =	vmax.f32 v27, v25  }
0x74c: {  	v27 =	vmax.f32 v27, v26  }
0x74d: {  	v27 =	vmax.f32 v27, v28  }
0x74e: {  	v27 =	vmax.f32 v27, v29  }
0x74f: {  	(xrf0) =	vmax.scan.msk.f32 $0xffff, v27;
	_ =	sdelay $0x5  }
0x750: {  	v27, _, _ =	vpop (xrf0)  }
0x751: {  	v27 =	vbroadcast v27, $0xF;
	_ =	sdelay $0x1  }
0x752: {  	vm0 =	veq.f32 v29, v27  }
0x753: {  	vm1 =	veq.f32 v28, v27;
	v28 =	vnsel vm0, $0x80000080, v21  }
0x754: {  	vm0 =	veq.f32 v26, v27;
	v26 =	vsel vm1, v14, v28  }
0x755: {  	vm1 =	veq.f32 v25, v27;
	v25 =	vsel vm0, v15, v26  }
0x756: {  	vm0 =	veq.f32 v24, v27;
	v24 =	vsel vm1, v16, v25  }
0x757: {  	vm1 =	veq.f32 v23, v27;
	v23 =	vsel vm0, v17, v24  }
0x758: {  	vm0 =	veq.f32 v22, v27;
	v22 =	vsel vm1, v18, v23  }
0x759: {  	vm1 =	veq.f32 v13, v27;
	v13 =	vsel vm0, v19, v22  }
0x75a: {  	v13 =	vsel vm1, v20, v13  }
0x75b: {  	(xrf0) =	vmin.scan.msk.u32 $0xffff, v13;
	_ =	sdelay $0x5  }
0x75c: {  	v13, _, _ =	vpop (xrf0)  }
0x75d: {  	(v2sf) =	vpush v13, $0xF;
	_ =	sdelay $0xe  }
0x75e: {  	s2 =	spop (v2sf)  }
0x75f: {  	s2 =	sxor.u32 $0x80000000, s2  }
0x760: {  	v13 =	vmov s2  }
0x761: {  	vm0 =	vlt.s32 v13, $0x7F  }
0x762: {  	v13 =	vnsel vm0, $0x7F, v13  }
0x763: {  	v13 =	vbroadcast v13, $0x0;
	_ =	sdelay $0x5  }
0x764: {  	v23 =	vmov s0;
	s0 =	smov.u32 s7;
	v22 =	vld.idx.msk [tilespmem:v13+s28+$0x0], $0xffff;
	_ =	sdelay $0x4  }
0x765: {  	[tilespmem:v23+s29+$0x0] =	vst.idx.msk $0x1, v27  }
.Ltmp126:
0x766: {  	[tilespmem:v23+s30+$0x0] =	vst.idx.msk $0x1, v22;
	(pc) =	sbr.rel @p0 .LBB2_167-.Ltmp126, $4  }
0x767: {  	[tilespmem:v13+s26+$0x0] =	vst.idx.msk $0x1, v11  }
0x768: {  	v13 =	vld [tilespmem:$0x7280]  }
0x769: {  	v22 =	vld [tilespmem:$0x7290]  }
0x76a: {  	s7 =	sadd.s32 $0x1, s7;
	v23 =	vld [tilespmem:$0x72A0]  }
0x76b: {  	v24 =	vld [tilespmem:$0x72B0]  }
0x76c: {  	v25 =	vld [tilespmem:$0x72C0]  }
0x76d: {  	v26 =	vld [tilespmem:$0x72D0]  }
0x76e: {  	v28 =	vld [tilespmem:$0x72E0];
	v27 =	vmax.f32 v13, v22  }
0x76f: {  	v29 =	vld [tilespmem:$0x72F0];
	v27 =	vmax.f32 v27, v23  }
0x770: {  	v27 =	vmax.f32 v27, v24  }
0x771: {  	v27 =	vmax.f32 v27, v25  }
0x772: {  	v27 =	vmax.f32 v27, v26  }
0x773: {  	v27 =	vmax.f32 v27, v28  }
0x774: {  	v27 =	vmax.f32 v27, v29  }
0x775: {  	(xrf0) =	vmax.scan.msk.f32 $0xffff, v27;
	_ =	sdelay $0x5  }
0x776: {  	v27, _, _ =	vpop (xrf0)  }
0x777: {  	v27 =	vbroadcast v27, $0xF;
	_ =	sdelay $0x1  }
0x778: {  	vm0 =	veq.f32 v29, v27  }
0x779: {  	vm1 =	veq.f32 v28, v27;
	v21 =	vnsel vm0, $0x80000080, v21  }
0x77a: {  	vm13 =	veq.f32 v26, v27;
	v21 =	vsel vm1, v14, v21  }
0x77b: {  	vm14 =	veq.f32 v25, v27;
	v21 =	vsel vm13, v15, v21  }
0x77c: {  	vm15 =	veq.f32 v24, v27;
	v21 =	vsel vm14, v16, v21  }
0x77d: {  	vm4 =	veq.f32 v23, v27;
	v21 =	vsel vm15, v17, v21  }
0x77e: {  	vm5 =	veq.f32 v22, v27;
	v21 =	vsel vm4, v18, v21  }
0x77f: {  	vm6 =	veq.f32 v13, v27;
	v13 =	vsel vm5, v19, v21  }
0x780: {  	v13 =	vsel vm6, v20, v13  }
0x781: {  	(xrf0) =	vmin.scan.msk.u32 $0xffff, v13;
	_ =	sdelay $0x5  }
0x782: {  	v13, _, _ =	vpop (xrf0)  }
0x783: {  	(v2sf) =	vpush v13, $0xF;
	_ =	sdelay $0xe  }
0x784: {  	s2 =	spop (v2sf)  }
0x785: {  	s2 =	sxor.u32 $0x80000000, s2  }
0x786: {  	v13 =	vmov s2  }
0x787: {  	vm7 =	vlt.s32 v13, $0x7F  }
0x788: {  	v13 =	vnsel vm7, $0x7F, v13  }
0x789: {  	v13 =	vbroadcast v13, $0x0;
	_ =	sdelay $0x4  }
0x78a: {  	v46 =	vmov s0  }
0x78b: {  	v47 =	vld.idx.msk [tilespmem:v13+s28+$0x0], $0xffff;
	_ =	sdelay $0x3  }
0x78c: {  	[tilespmem:v46+s29+$0x0] =	vst.idx.msk $0x1, v27  }
0x78d: {  	[tilespmem:v46+s30+$0x0] =	vst.idx.msk $0x1, v47  }
0x78e: {  	s11 =	rddreg [dreg:$0x9];
	[tilespmem:v13+s26+$0x0] =	vst.idx.msk $0x1, v11  }
0x78f: {  	[tilespmem:s25], [sflag:$0x3] =	stream.linear.gather [hbm4b:s11+s15], $0x70, $0x38;
	[tilespmem:$0x7580] =	vst v63  }
0x790: {  	_ =	swait.ge [sflag:s24], $0x70  }
0x791: {  	[sflag:s24] =	ssyncset.done $0x0  }
0x792: {  	[sflag:s24] =	ssyncadd.s32 $0xFFFFFF90  }
0x793: {  	v13 =	vld [tilespmem:$0x7380]  }
0x794: {  	v48 =	vld [tilespmem:$0x7480]  }
0x795: {  	v49 =	vld [tilespmem:$0x7390]  }
0x796: {  	v50 =	vld [tilespmem:$0x7490]  }
0x797: {  	v51 =	vld [tilespmem:$0x73A0]  }
0x798: {  	v52 =	vld [tilespmem:$0x74A0]  }
0x799: {  	v53 =	vld [tilespmem:$0x73B0]  }
0x79a: {  	v54 =	vld [tilespmem:$0x74B0]  }
0x79b: {  	v55 =	vld [tilespmem:$0x73C0]  }
0x79c: {  	v56 =	vld [tilespmem:$0x74C0]  }
0x79d: {  	v30 =	vld [tilespmem:$0x73D0]  }
0x79e: {  	v31 =	vld [tilespmem:$0x74D0]  }
0x79f: {  	v32 =	vld [tilespmem:$0x73E0]  }
0x7a0: {  	v58 =	vld [tilespmem:$0x74E0];
	v13 =	vadd.f32 v48, v13;
	v57 =	vadd.f32 v50, v49  }
0x7a1: {  	v59 =	vadd.f32 v52, v51  }
0x7a2: {  	v60 =	vadd.f32 v54, v53;
	v61 =	vmax.f32 v13, v57  }
0x7a3: {  	v62 =	vadd.f32 v56, v55;
	v25 =	vmax.f32 v61, v59  }
0x7a4: {  	v63 =	vadd.f32 v31, v30;
	v25 =	vmax.f32 v25, v60  }
0x7a5: {  	v22 =	vadd.f32 v58, v32;
	v25 =	vmax.f32 v25, v62  }
0x7a6: {  	v25 =	vmax.f32 v25, v63  }
0x7a7: {  	v25 =	vmax.f32 v25, v22  }
0x7a8: {  	(xrf0) =	vmax.scan.msk.f32 $0xffff, v25;
	_ =	sdelay $0x5  }
0x7a9: {  	v25, _, _ =	vpop (xrf0)  }
0x7aa: {  	v25 =	vbroadcast v25, $0xF;
	_ =	sdelay $0x1  }
0x7ab: {  	vm8 =	veq.f32 v22, v25  }
0x7ac: {  	vm9 =	veq.f32 v63, v25;
	v14 =	vnsel vm8, $0x80000070, v14  }
0x7ad: {  	vm10 =	veq.f32 v62, v25;
	v14 =	vsel vm9, v15, v14  }
0x7ae: {  	vm11 =	veq.f32 v60, v25;
	v14 =	vsel vm10, v16, v14  }
0x7af: {  	vm12 =	veq.f32 v59, v25;
	v14 =	vsel vm11, v17, v14  }
0x7b0: {  	vm13 =	veq.f32 v57, v25;
	v14 =	vsel vm12, v18, v14  }
0x7b1: {  	vm14 =	veq.f32 v13, v25;
	v13 =	vsel vm13, v19, v14  }
0x7b2: {  	v13 =	vsel vm14, v20, v13  }
0x7b3: {  	(xrf0) =	vmin.scan.msk.u32 $0xffff, v13;
	_ =	sdelay $0x5  }
0x7b4: {  	v13, _, _ =	vpop (xrf0)  }
0x7b5: {  	(v2sf) =	vpush v13, $0xF;
	_ =	sdelay $0xe  }
0x7b6: {  	s12 =	spop (v2sf)  }
0x7b7: {  	s0 =	sxor.u32 $0x80000000, s12  }
0x7b8: {  	v13 =	vmov s0  }
0x7b9: {  	vm15 =	vlt.s32 v13, $0x6F  }
0x7ba: {  	v13 =	vnsel vm15, $0x6F, v13  }
0x7bb: {  	v13 =	vbroadcast v13, $0x0;
	_ =	sdelay $0x5  }
0x7bc: {  	v13 =	vld.idx.msk [tilespmem:v13+s30+$0x0], $0xffff;
	_ =	sdelay $0x4  }
0x7bd: {  	s13 =	rddreg [dreg:$0xa];
	[tilespmem:$0x7500] =	vst v13  }
0x7be: {  	[hbm4b:s13+s15] =	stream.linear.scatter [tilespmem:s29], [sflag:$0x3], $0x70, $0x38;
	[tilespmem:$0x7580] =	vst v63  }
0x7bf: {  	_ =	swait.ge [sflag:s24], $0x70  }
0x7c0: {  	[sflag:s24] =	ssyncset.done $0x0  }
0x7c1: {  	s14 =	rddreg [dreg:$0xb];
	[sflag:s24] =	ssyncadd.s32 $0xFFFFFF90  }
0x7c2: {  	[hbm4b:s14+s15] =	stream.linear.scatter [tilespmem:s31], [sflag:$0x3], $0x10, $0x38;
	[tilespmem:$0x7580] =	vst v63  }
0x7c3: {  	_ =	swait.ge [sflag:s24], $0x10  }
0x7c4: {  	s25 =	rddreg [dreg:$0xd]  }
0x7c5: {  	s31 =	rddreg [dreg:$0xc];
	s2 =	sadd.s32 $0x1, s25  }
0x7c6: {  	p0 =	sne.s32 s2, s31  }
.Ltmp127:
0x7c7: {  	_ = 	snop;
	(pc) =	sbr.rel @p0 .LBB2_1-.Ltmp127, $3  }
0x7c8: {  	_ =	sdelay $0x1  }
0x7c9: {  	[sflag:s24] =	ssyncset.done $0x0  }
0x7ca: {  	[sflag:s24] =	ssyncadd.s32 $0xFFFFFFF0  }
0x7cb: {  	_ =	sfence.sel $0x180000  }
0x7cc: {  	[bflag:$0x0] =	sbarrier.arrive $0xFFFF  }
0x7cd: {  	_ =	strace $0x90000047  }
0x7ce: {  	s0 =	stileid.u32;
	[bflag:$0x2] =	sbarrier.arrive $0xFFFF  }
0x7cf: {  	p0 =	sne.s32 s0, $0x0;
	s0 =	rddreg [dreg:$0x3]  }
0x7d0: {  	s0 =	sadd.s32 @!p0 $0x100000, s0  }
0x7d1: {  	[sflag:s0] =	ssyncadd.tile.s32 @!p0 $0x1;
	_ =	shalt  }
.Lfunc_end2:
_tile_overlayer_lowered:
.L_overlay_start_2:
0x7d2: {  	(tag) =	ssettag $0x2  }
0x7d3: {  	s0 =	rddreg [dreg:$0x0];
	s2 =	stileid.u32  }
0x7d4: {  	s1 =	rddreg [dreg:$0x1];
	p0 =	sne.s32 s2, $0x0  }
0x7d5: {  	s3 =	rddreg [dreg:$0x2];
	[bflag:$0x3] =	sbarrier.arrive $0xFFFF;
	s2 =	simm.s32 @!p0 $0x1C03  }
0x7d6: {  	[timem:s3], [sflag:s2] =	dma.local @!p0 [hbm:s0], s1  }
0x7d7: {  	s0 =	simm.s32 @!p0 $0x3  }
0x7d8: {  	_ =	swait.ge @!p0 [sflag:s0], s1  }
0x7d9: {  	s1 =	ssub.s32 @!p0 $0x0, s1;
	[sflag:s0] =	ssyncset.done @!p0 $0x0  }
0x7da: {  	[sflag:s0] =	ssyncadd.s32 @!p0 s1  }
0x7db: {  	[bflag:$0x3] =	sbarrier.arrive $0xFFFF  }
0x7dc: {  	_ =	shalt  }

</sc_bundles>
